<compile_context>
chip_gen: v7x
topology: tpu7x:2x2x1
jax: 0.10.2.dev20260603
libtpu: 0.0.44.dev20260713+nightly
codegen_flags: <defaults>
</compile_context>

<pallas_src>
import functools

import jax
import jax.numpy as jnp
from jax import lax
from jax.experimental import pallas as pl
from jax.experimental.pallas import tpu as pltpu
from jax.experimental.pallas import tpu_sc as plsc

VOCAB = 1000000
EMBED = 64
BATCH = 16384

NBLK = (VOCAB + 127) // 128
_info = plsc.get_sparse_core_info()
_NC, _NS = _info.num_cores, _info.num_subcores
NW = _NC * _NS
BLK_PER_W = NBLK // NW
EXTRA = NBLK % NW

_mesh = plsc.VectorSubcoreMesh(core_axis_name="c", subcore_axis_name="s")


@functools.partial(
    pl.kernel,
    mesh=_mesh,
    out_type=jax.ShapeDtypeStruct((BATCH * EMBED,), jnp.float32),
    scratch_types=[
        pltpu.VMEM((BATCH + 16,), jnp.int32),
        pltpu.VMEM((BATCH + 16,), jnp.int32),
        pltpu.VMEM((BATCH + 16,), jnp.int32),
        pltpu.VMEM((BATCH + 16,), jnp.int32),
        [pltpu.VMEM((EMBED, 128), jnp.float32) for _ in range(7)],
        pltpu.VMEM((32 * EMBED,), jnp.float32),
        [pltpu.SemaphoreType.DMA for _ in range(7)],
        pltpu.SemaphoreType.DMA,
    ],
    compiler_params=pltpu.CompilerParams(needs_layout_passes=False),
)
def _gather_kernel(idx_hbm, table_hbm, tail_hbm, out_hbm, idx_v, wl_v, wl_b,
                   w2_b, slabs, ring_v, sems, sem_o):
    w2_v = idx_v
    wid = lax.axis_index("s") * _NC + lax.axis_index("c")
    jstart = BLK_PER_W * wid + jnp.minimum(wid, EXTRA)
    jcount = jnp.where(wid < EXTRA, BLK_PER_W + 1, BLK_PER_W)
    jend = jstart + jcount
    iota = lax.iota(jnp.int32, 16)

    pltpu.sync_copy(idx_hbm, idx_v.at[pl.ds(0, BATCH)])

    def sel_body(g, num):
        vv = idx_v[pl.ds(g * 16, 16)]
        blk = lax.shift_right_logical(vv, 7)
        m = (blk >= jstart) & (blk < jend)
        mi = m.astype(jnp.int32)
        incl = plsc.cumsum(mi)
        pos = jnp.where(m, num + incl - mi, BATCH + 8)
        plsc.store_scatter(wl_v, [pos], vv)
        plsc.store_scatter(wl_b, [pos], g * 16 + iota)
        return num + incl[15]

    n = lax.fori_loop(0, BATCH // 16, sel_body, jnp.int32(0))
    ngrp = lax.shift_right_logical(n + 15, 4)

    bufs = [(wl_v, wl_b, w2_v, w2_b), (w2_v, w2_b, wl_v, wl_b)]
    for bit in range(8):
        sv, sb, dv, db = bufs[bit % 2]

        def mk_scan(want_one):
            def scan(g, pos):
                vv = sv[pl.ds(g * 16, 16)]
                bb = sb[pl.ds(g * 16, 16)]
                key = lax.shift_right_logical(
                    lax.shift_right_logical(vv, 7) - jstart, bit) & 1
                m = (key == want_one) & ((g * 16 + iota) < n)
                mi = m.astype(jnp.int32)
                incl = plsc.cumsum(mi)
                dst = jnp.where(m, pos + incl - mi, BATCH + 8)
                plsc.store_scatter(dv, [dst], vv)
                plsc.store_scatter(db, [dst], bb)
                return pos + incl[15]
            return scan

        z = lax.fori_loop(0, ngrp, mk_scan(0), jnp.int32(0))
        lax.fori_loop(0, ngrp, mk_scan(1), z)

    def start_fetch(j, slab, sem):
        def full(_):
            base = jnp.minimum(j, NBLK - 2) * 128
            pltpu.async_copy(table_hbm.at[:, pl.ds(base, 128)], slab, sem)
            return 0

        def tail(_):
            pltpu.async_copy(tail_hbm, slab, sem)
            return 0

        lax.cond(j >= NBLK - 1, tail, full, 0)

    def wait_fetch(j, slab, sem):
        base = jnp.minimum(j, NBLK - 2) * 128
        pltpu.make_async_copy(
            table_hbm.at[:, pl.ds(base, 128)], slab, sem).wait()

    def process_block(j, p0, slab):
        base = j * 128

        def wcond(p):
            vv = wl_v[pl.ds(p, 16)]
            return (p < n) & (lax.shift_right_logical(vv[0], 7) == j)

        def wbody(p):
            vv = wl_v[pl.ds(p, 16)]
            bb = wl_b[pl.ds(p, 16)]
            c = vv[0] - base
            b0 = bb[0]
            cvec = jnp.full((16,), 0, jnp.int32) + c
            slot = p & 31

            @pl.when(p >= 32)
            def _():
                pltpu.make_async_copy(
                    ring_v.at[pl.ds(slot * EMBED, EMBED)],
                    out_hbm.at[pl.ds(b0 * EMBED, EMBED)], sem_o).wait()

            for g2 in range(EMBED // 16):
                vals = plsc.load_gather(slab, [iota + g2 * 16, cvec])
                ring_v[pl.ds(slot * EMBED + g2 * 16, 16)] = vals
            pltpu.async_copy(
                ring_v.at[pl.ds(slot * EMBED, EMBED)],
                out_hbm.at[pl.ds(b0 * EMBED, EMBED)], sem_o)
            return p + 1

        return lax.while_loop(wcond, wbody, p0)

    NSLAB = len(slabs)
    for s in range(NSLAB):
        start_fetch(jstart + s, slabs[s], sems[s])

    def round_body(r, p):
        for s in range(NSLAB):
            j = jstart + r * NSLAB + s
            wait_fetch(j, slabs[s], sems[s])
            p = process_block(j, p, slabs[s])
            start_fetch(j + NSLAB, slabs[s], sems[s])
        return p

    nrounds = (jcount + NSLAB - 1) // NSLAB
    p_end = lax.fori_loop(0, nrounds, round_body, jnp.int32(0))
    for s in range(NSLAB):
        wait_fetch(jstart + nrounds * NSLAB + s, slabs[s], sems[s])

    def drain(r):
        pltpu.make_async_copy(
            ring_v.at[pl.ds(0, EMBED)],
            out_hbm.at[pl.ds(0, EMBED)], sem_o).wait()
        return r + 1

    lax.while_loop(lambda r: r < jnp.minimum(p_end, 32), drain, jnp.int32(0))


def kernel(centre_words, input_table):
    idx = centre_words.astype(jnp.int32)
    tail = jnp.pad(input_table[VOCAB - 64:].T, ((0, 0), (0, 64)))
    flat = _gather_kernel(idx, input_table.T, tail)
    return flat.reshape(BATCH, EMBED)

# --- scband reference (transcript-rebuilt; emitter-appended) ---
"""Pipeline reference for scband-skip-gram-model-2989297238683 (READ-ONLY COPY).

The authoritative reference and input builder live on the scoring server;
editing this copy changes nothing except your own understanding.
"""

import jax, jax.numpy as jnp
import numpy as np

VOCAB = 1000000
EMBED = 64
BATCH = 16384

def setup_inputs(seed: int = 0) -> dict:
    key = jax.random.key(seed)
    k_idx, k_in = jax.random.split(key, 2)
    centre_words = jax.random.randint(k_idx, (BATCH,), 0, VOCAB, dtype=jnp.int64 if jax.config.jax_enable_x64 else jnp.int32)
    input_table = jax.random.normal(k_in, (VOCAB, EMBED), dtype=jnp.float32)
    return {"centre_words": centre_words, "input_table": input_table}

def reference(centre_words, input_table):
    # SkipGramModel.forward: embed = self.input_embeddings(centre_words)
    embed = jnp.take(input_table, centre_words, axis=0)
    return embed

if __name__ == "__main__":
    import jax
    _d = setup_inputs()
    print(jax.jit(kernel)(*tuple(_d.values())))

</pallas_src>

<mosaic_0001>
#map = affine_map<(d0, d1) -> (0)>
#map1 = affine_map<(d0, d1) -> (0, 0)>
module attributes {stable_mosaic.version = 14 : i64} {
  func.func @_gather_kernel(%arg0: i32, %arg1: i32, %arg2: memref<16384xi32, #tpu.memory_space<hbm>>, %arg3: memref<64x1000000xf32, #tpu.memory_space<hbm>>, %arg4: memref<64x128xf32, #tpu.memory_space<hbm>>, %arg5: memref<1048576xf32, #tpu.memory_space<hbm>>, %arg6: memref<16400xi32, #tpu.memory_space<vmem>>, %arg7: memref<16400xi32, #tpu.memory_space<vmem>>, %arg8: memref<16400xi32, #tpu.memory_space<vmem>>, %arg9: memref<16400xi32, #tpu.memory_space<vmem>>, %arg10: memref<64x128xf32, #tpu.memory_space<vmem>>, %arg11: memref<64x128xf32, #tpu.memory_space<vmem>>, %arg12: memref<64x128xf32, #tpu.memory_space<vmem>>, %arg13: memref<64x128xf32, #tpu.memory_space<vmem>>, %arg14: memref<64x128xf32, #tpu.memory_space<vmem>>, %arg15: memref<64x128xf32, #tpu.memory_space<vmem>>, %arg16: memref<64x128xf32, #tpu.memory_space<vmem>>, %arg17: memref<2048xf32, #tpu.memory_space<vmem>>, %arg18: memref<!tpu.dma_semaphore, #tpu.memory_space<semaphore_mem>>, %arg19: memref<!tpu.dma_semaphore, #tpu.memory_space<semaphore_mem>>, %arg20: memref<!tpu.dma_semaphore, #tpu.memory_space<semaphore_mem>>, %arg21: memref<!tpu.dma_semaphore, #tpu.memory_space<semaphore_mem>>, %arg22: memref<!tpu.dma_semaphore, #tpu.memory_space<semaphore_mem>>, %arg23: memref<!tpu.dma_semaphore, #tpu.memory_space<semaphore_mem>>, %arg24: memref<!tpu.dma_semaphore, #tpu.memory_space<semaphore_mem>>, %arg25: memref<!tpu.dma_semaphore, #tpu.memory_space<semaphore_mem>>) attributes {dimension_semantics = [#tpu.dimension_semantics<core_parallel>, #tpu.dimension_semantics<subcore_parallel>], iteration_bounds = array<i64: 2, 16>, scalar_prefetch = 0 : i64, scratch_operands = 20 : i64, tpu.core_type = #tpu.core_type<sc_vector_subcore>, window_params = [{transform_indices = #map}, {transform_indices = #map1}, {transform_indices = #map1}, {transform_indices = #map}]} {
    %mul3A = arith.constant 2 : i32
    %mul3A_0 = arith.muli %arg1, %mul3A : i32
    %add3A = arith.addi %mul3A_0, %arg0 : i32
    %mul3A_1 = arith.constant 244 : i32
    %mul3A_2 = arith.muli %mul3A_1, %add3A : i32
    %min3A = arith.constant 5 : i32
    %min3A_3 = arith.minsi %add3A, %min3A : i32
    %add3A_4 = arith.addi %mul3A_2, %min3A_3 : i32
    %lt3A = arith.constant 5 : i32
    %lt3A_5 = arith.cmpi slt, %add3A, %lt3A : i32
    %jit3A = arith.constant 245 : i32
    %jit3A_6 = arith.constant 244 : i32
    %select_n3A = arith.select %lt3A_5, %jit3A, %jit3A_6 : i32
    %add3A_7 = arith.addi %add3A_4, %select_n3A : i32
    %iota3A = tpu.iota {dimensions = array<i32: 0>} : vector<16xi32>
    "tpu.region"() ({
      %run_scoped3A = tpu.sem_alloc : memref<!tpu.dma_semaphore, #tpu.memory_space<semaphore_mem>>
      %dma_start3A = arith.constant 0 : i32
      %dma_start3A_386 = tpu.memref_slice %arg6[%dma_start3A] : memref<16400xi32, #tpu.memory_space<vmem>> -> memref<16384xi32, #tpu.memory_space<vmem>>
      %dma_start3A_387 = arith.constant 0 : i32
      %dma_start3A_388 = tpu.memref_slice %arg6[%dma_start3A_387] : memref<16400xi32, #tpu.memory_space<vmem>> -> memref<16384xi32, #tpu.memory_space<vmem>>
      tpu.enqueue_dma source(%arg2 : memref<16384xi32, #tpu.memory_space<hbm>>) target(%dma_start3A_388 : memref<16384xi32, #tpu.memory_space<vmem>>) target_semaphore(%run_scoped3A : memref<!tpu.dma_semaphore, #tpu.memory_space<semaphore_mem>>)
      %dma_wait3A_389 = arith.constant 0 : i32
      %dma_wait3A_390 = tpu.memref_slice %arg6[%dma_wait3A_389] : memref<16400xi32, #tpu.memory_space<vmem>> -> memref<16384xi32, #tpu.memory_space<vmem>>
      %dma_wait3A_391 = arith.constant 0 : i32
      %dma_wait3A_392 = tpu.memref_slice %arg6[%dma_wait3A_391] : memref<16400xi32, #tpu.memory_space<vmem>> -> memref<16384xi32, #tpu.memory_space<vmem>>
      tpu.wait_dma2 semaphore(%run_scoped3A : memref<!tpu.dma_semaphore, #tpu.memory_space<semaphore_mem>>) src(%arg2 : memref<16384xi32, #tpu.memory_space<hbm>>) dst(%dma_wait3A_392 : memref<16384xi32, #tpu.memory_space<vmem>>)
      tpu.yield
    }) : () -> ()
    %scan3A = arith.constant 0 : i32
    %scan3A_8 = arith.constant 0 : i32
    %scan3A_9 = arith.constant 1024 : i32
    %scan3A_10 = arith.addi %scan3A_8, %scan3A_9 : i32
    %scan3A_11 = arith.constant 1 : i32
    %scan3A_12 = scf.for %scan3A_386 = %scan3A_8 to %scan3A_10 step %scan3A_11 iter_args(%scan3A_387 = %scan3A) -> (i32)  : i32 {
      %mul3A_388 = arith.constant 16 : i32
      %mul3A_389 = arith.muli %scan3A_386, %mul3A_388 : i32
      %get3A = arith.index_cast %mul3A_389 : i32 to index
      %get3A_390 = tpu.vector_load %arg6[%get3A] {strides = array<i32>} : memref<16400xi32, #tpu.memory_space<vmem>>, vector<16xi32>,
      %shift_right_logical3A_391 = arith.constant 7 : i32
      %shift_right_logical3A_392 = vector.broadcast %shift_right_logical3A_391 : i32 to vector<16xi32>
      %shift_right_logical3A_393 = arith.shrui %get3A_390, %shift_right_logical3A_392 : vector<16xi32>
      %ge3A_394 = vector.broadcast %add3A_4 : i32 to vector<16xi32>
      %ge3A_395 = arith.cmpi sge, %shift_right_logical3A_393, %ge3A_394 : vector<16xi32>
      %lt3A_396 = vector.broadcast %add3A_7 : i32 to vector<16xi32>
      %lt3A_397 = arith.cmpi slt, %shift_right_logical3A_393, %lt3A_396 : vector<16xi32>
      %and3A_398 = arith.andi %ge3A_395, %lt3A_397 : vector<16xi1>
      %convert_element_type3A_399 = arith.extui %and3A_398 : vector<16xi1> to vector<16xi32>
      %broadcast_in_dim3A = arith.constant true
      %broadcast_in_dim3A_400 = vector.broadcast %broadcast_in_dim3A : i1 to vector<16xi1>
      %masked_cumsum3A = tpu.scan <sum>, %convert_element_type3A_399 masked %broadcast_in_dim3A_400 : vector<16xi32>, vector<16xi1> -> vector<16xi32>
      %add3A_401 = vector.broadcast %scan3A_387 : i32 to vector<16xi32>
      %add3A_402 = arith.addi %add3A_401, %masked_cumsum3A : vector<16xi32>
      %sub3A_403 = arith.subi %add3A_402, %convert_element_type3A_399 : vector<16xi32>
      %jit3A_404 = arith.constant 16392 : i32
      %broadcast_in_dim3A_405 = vector.broadcast %jit3A_404 : i32 to vector<16xi32>
      %select_n3A_406 = arith.select %and3A_398, %sub3A_403, %broadcast_in_dim3A_405 : vector<16xi1>, vector<16xi32>
      tpu.vector_store_idx %arg7[%select_n3A_406], %get3A_390 : memref<16400xi32, #tpu.memory_space<vmem>>[vector<16xi32>], vector<16xi32>,
      %mul3A_407 = arith.constant 16 : i32
      %mul3A_408 = arith.muli %scan3A_386, %mul3A_407 : i32
      %add3A_409 = vector.broadcast %mul3A_408 : i32 to vector<16xi32>
      %add3A_410 = arith.addi %add3A_409, %iota3A : vector<16xi32>
      tpu.vector_store_idx %arg8[%select_n3A_406], %add3A_410 : memref<16400xi32, #tpu.memory_space<vmem>>[vector<16xi32>], vector<16xi32>,
      %slice3A = vector.extract_strided_slice %masked_cumsum3A {offsets = [15], sizes = [1], strides = [1]} : vector<16xi32> to vector<1xi32>
      %squeeze3A = vector.extract %slice3A[0] : i32 from vector<1xi32>
      %add3A_411 = arith.addi %scan3A_387, %squeeze3A : i32
      scf.yield %add3A_411 : i32
    }
    %scan3A_13 = arith.constant 1024 : i32
    %add3A_14 = arith.constant 15 : i32
    %add3A_15 = arith.addi %scan3A_12, %add3A_14 : i32
    %shift_right_logical3A = arith.constant 4 : i32
    %shift_right_logical3A_16 = arith.shrui %add3A_15, %shift_right_logical3A : i32
    %while3A = arith.constant 0 : i32
    %while3A_17 = arith.constant 0 : i32
    %while3A_18 = arith.subi %shift_right_logical3A_16, %while3A : i32
    %while3A_19 = arith.addi %while3A, %while3A_18 : i32
    %while3A_20 = arith.constant 1 : i32
    %while3A_21 = arith.divsi %while3A_18, %while3A_20 : i32
    %while3A_22 = arith.muli %while3A_21, %while3A_20 : i32
    %while3A_23 = arith.addi %while3A, %while3A_22 : i32
    %while3A_24 = arith.constant 1 : i32
    %while3A_25 = scf.for %while3A_386 = %while3A to %while3A_23 step %while3A_24 iter_args(%while3A_387 = %while3A_17) -> (i32)  : i32 {
      %mul3A_388 = arith.constant 16 : i32
      %mul3A_389 = arith.muli %while3A_386, %mul3A_388 : i32
      %get3A = arith.index_cast %mul3A_389 : i32 to index
      %get3A_390 = tpu.vector_load %arg7[%get3A] {strides = array<i32>} : memref<16400xi32, #tpu.memory_space<vmem>>, vector<16xi32>,
      %mul3A_391 = arith.constant 16 : i32
      %mul3A_392 = arith.muli %while3A_386, %mul3A_391 : i32
      %get3A_393 = arith.index_cast %mul3A_392 : i32 to index
      %get3A_394 = tpu.vector_load %arg8[%get3A_393] {strides = array<i32>} : memref<16400xi32, #tpu.memory_space<vmem>>, vector<16xi32>,
      %shift_right_logical3A_395 = arith.constant 7 : i32
      %shift_right_logical3A_396 = vector.broadcast %shift_right_logical3A_395 : i32 to vector<16xi32>
      %shift_right_logical3A_397 = arith.shrui %get3A_390, %shift_right_logical3A_396 : vector<16xi32>
      %sub3A_398 = vector.broadcast %add3A_4 : i32 to vector<16xi32>
      %sub3A_399 = arith.subi %shift_right_logical3A_397, %sub3A_398 : vector<16xi32>
      %shift_right_logical3A_400 = arith.constant 0 : i32
      %shift_right_logical3A_401 = vector.broadcast %shift_right_logical3A_400 : i32 to vector<16xi32>
      %shift_right_logical3A_402 = arith.shrui %sub3A_399, %shift_right_logical3A_401 : vector<16xi32>
      %and3A_403 = arith.constant 1 : i32
      %and3A_404 = vector.broadcast %and3A_403 : i32 to vector<16xi32>
      %and3A_405 = arith.andi %shift_right_logical3A_402, %and3A_404 : vector<16xi32>
      %eq3A = arith.constant 0 : i32
      %eq3A_406 = vector.broadcast %eq3A : i32 to vector<16xi32>
      %eq3A_407 = arith.cmpi eq, %and3A_405, %eq3A_406 : vector<16xi32>
      %mul3A_408 = arith.constant 16 : i32
      %mul3A_409 = arith.muli %while3A_386, %mul3A_408 : i32
      %add3A_410 = vector.broadcast %mul3A_409 : i32 to vector<16xi32>
      %add3A_411 = arith.addi %add3A_410, %iota3A : vector<16xi32>
      %lt3A_412 = vector.broadcast %scan3A_12 : i32 to vector<16xi32>
      %lt3A_413 = arith.cmpi slt, %add3A_411, %lt3A_412 : vector<16xi32>
      %and3A_414 = arith.andi %eq3A_407, %lt3A_413 : vector<16xi1>
      %convert_element_type3A_415 = arith.extui %and3A_414 : vector<16xi1> to vector<16xi32>
      %broadcast_in_dim3A = arith.constant true
      %broadcast_in_dim3A_416 = vector.broadcast %broadcast_in_dim3A : i1 to vector<16xi1>
      %masked_cumsum3A = tpu.scan <sum>, %convert_element_type3A_415 masked %broadcast_in_dim3A_416 : vector<16xi32>, vector<16xi1> -> vector<16xi32>
      %add3A_417 = vector.broadcast %while3A_387 : i32 to vector<16xi32>
      %add3A_418 = arith.addi %add3A_417, %masked_cumsum3A : vector<16xi32>
      %sub3A_419 = arith.subi %add3A_418, %convert_element_type3A_415 : vector<16xi32>
      %jit3A_420 = arith.constant 16392 : i32
      %broadcast_in_dim3A_421 = vector.broadcast %jit3A_420 : i32 to vector<16xi32>
      %select_n3A_422 = arith.select %and3A_414, %sub3A_419, %broadcast_in_dim3A_421 : vector<16xi1>, vector<16xi32>
      tpu.vector_store_idx %arg6[%select_n3A_422], %get3A_390 : memref<16400xi32, #tpu.memory_space<vmem>>[vector<16xi32>], vector<16xi32>,
      tpu.vector_store_idx %arg9[%select_n3A_422], %get3A_394 : memref<16400xi32, #tpu.memory_space<vmem>>[vector<16xi32>], vector<16xi32>,
      %slice3A = vector.extract_strided_slice %masked_cumsum3A {offsets = [15], sizes = [1], strides = [1]} : vector<16xi32> to vector<1xi32>
      %squeeze3A = vector.extract %slice3A[0] : i32 from vector<1xi32>
      %add3A_423 = arith.addi %while3A_387, %squeeze3A : i32
      scf.yield %add3A_423 : i32
    }
    %while3A_26 = arith.constant 1 : i32
    %while3A_27 = scf.for %while3A_386 = %while3A_23 to %while3A_19 step %while3A_26 iter_args(%while3A_387 = %while3A_25) -> (i32)  : i32 {
      %mul3A_388 = arith.constant 16 : i32
      %mul3A_389 = arith.muli %while3A_386, %mul3A_388 : i32
      %get3A = arith.index_cast %mul3A_389 : i32 to index
      %get3A_390 = tpu.vector_load %arg7[%get3A] {strides = array<i32>} : memref<16400xi32, #tpu.memory_space<vmem>>, vector<16xi32>,
      %mul3A_391 = arith.constant 16 : i32
      %mul3A_392 = arith.muli %while3A_386, %mul3A_391 : i32
      %get3A_393 = arith.index_cast %mul3A_392 : i32 to index
      %get3A_394 = tpu.vector_load %arg8[%get3A_393] {strides = array<i32>} : memref<16400xi32, #tpu.memory_space<vmem>>, vector<16xi32>,
      %shift_right_logical3A_395 = arith.constant 7 : i32
      %shift_right_logical3A_396 = vector.broadcast %shift_right_logical3A_395 : i32 to vector<16xi32>
      %shift_right_logical3A_397 = arith.shrui %get3A_390, %shift_right_logical3A_396 : vector<16xi32>
      %sub3A_398 = vector.broadcast %add3A_4 : i32 to vector<16xi32>
      %sub3A_399 = arith.subi %shift_right_logical3A_397, %sub3A_398 : vector<16xi32>
      %shift_right_logical3A_400 = arith.constant 0 : i32
      %shift_right_logical3A_401 = vector.broadcast %shift_right_logical3A_400 : i32 to vector<16xi32>
      %shift_right_logical3A_402 = arith.shrui %sub3A_399, %shift_right_logical3A_401 : vector<16xi32>
      %and3A_403 = arith.constant 1 : i32
      %and3A_404 = vector.broadcast %and3A_403 : i32 to vector<16xi32>
      %and3A_405 = arith.andi %shift_right_logical3A_402, %and3A_404 : vector<16xi32>
      %eq3A = arith.constant 0 : i32
      %eq3A_406 = vector.broadcast %eq3A : i32 to vector<16xi32>
      %eq3A_407 = arith.cmpi eq, %and3A_405, %eq3A_406 : vector<16xi32>
      %mul3A_408 = arith.constant 16 : i32
      %mul3A_409 = arith.muli %while3A_386, %mul3A_408 : i32
      %add3A_410 = vector.broadcast %mul3A_409 : i32 to vector<16xi32>
      %add3A_411 = arith.addi %add3A_410, %iota3A : vector<16xi32>
      %lt3A_412 = vector.broadcast %scan3A_12 : i32 to vector<16xi32>
      %lt3A_413 = arith.cmpi slt, %add3A_411, %lt3A_412 : vector<16xi32>
      %and3A_414 = arith.andi %eq3A_407, %lt3A_413 : vector<16xi1>
      %convert_element_type3A_415 = arith.extui %and3A_414 : vector<16xi1> to vector<16xi32>
      %broadcast_in_dim3A = arith.constant true
      %broadcast_in_dim3A_416 = vector.broadcast %broadcast_in_dim3A : i1 to vector<16xi1>
      %masked_cumsum3A = tpu.scan <sum>, %convert_element_type3A_415 masked %broadcast_in_dim3A_416 : vector<16xi32>, vector<16xi1> -> vector<16xi32>
      %add3A_417 = vector.broadcast %while3A_387 : i32 to vector<16xi32>
      %add3A_418 = arith.addi %add3A_417, %masked_cumsum3A : vector<16xi32>
      %sub3A_419 = arith.subi %add3A_418, %convert_element_type3A_415 : vector<16xi32>
      %jit3A_420 = arith.constant 16392 : i32
      %broadcast_in_dim3A_421 = vector.broadcast %jit3A_420 : i32 to vector<16xi32>
      %select_n3A_422 = arith.select %and3A_414, %sub3A_419, %broadcast_in_dim3A_421 : vector<16xi1>, vector<16xi32>
      tpu.vector_store_idx %arg6[%select_n3A_422], %get3A_390 : memref<16400xi32, #tpu.memory_space<vmem>>[vector<16xi32>], vector<16xi32>,
      tpu.vector_store_idx %arg9[%select_n3A_422], %get3A_394 : memref<16400xi32, #tpu.memory_space<vmem>>[vector<16xi32>], vector<16xi32>,
      %slice3A = vector.extract_strided_slice %masked_cumsum3A {offsets = [15], sizes = [1], strides = [1]} : vector<16xi32> to vector<1xi32>
      %squeeze3A = vector.extract %slice3A[0] : i32 from vector<1xi32>
      %add3A_423 = arith.addi %while3A_387, %squeeze3A : i32
      scf.yield %add3A_423 : i32
    }
    %while3A_28 = arith.constant 0 : i32
    %while3A_29 = arith.subi %shift_right_logical3A_16, %while3A_28 : i32
    %while3A_30 = arith.addi %while3A_28, %while3A_29 : i32
    %while3A_31 = arith.constant 1 : i32
    %while3A_32 = arith.divsi %while3A_29, %while3A_31 : i32
    %while3A_33 = arith.muli %while3A_32, %while3A_31 : i32
    %while3A_34 = arith.addi %while3A_28, %while3A_33 : i32
    %while3A_35 = arith.constant 1 : i32
    %while3A_36 = scf.for %while3A_386 = %while3A_28 to %while3A_34 step %while3A_35 iter_args(%while3A_387 = %while3A_27) -> (i32)  : i32 {
      %mul3A_388 = arith.constant 16 : i32
      %mul3A_389 = arith.muli %while3A_386, %mul3A_388 : i32
      %get3A = arith.index_cast %mul3A_389 : i32 to index
      %get3A_390 = tpu.vector_load %arg7[%get3A] {strides = array<i32>} : memref<16400xi32, #tpu.memory_space<vmem>>, vector<16xi32>,
      %mul3A_391 = arith.constant 16 : i32
      %mul3A_392 = arith.muli %while3A_386, %mul3A_391 : i32
      %get3A_393 = arith.index_cast %mul3A_392 : i32 to index
      %get3A_394 = tpu.vector_load %arg8[%get3A_393] {strides = array<i32>} : memref<16400xi32, #tpu.memory_space<vmem>>, vector<16xi32>,
      %shift_right_logical3A_395 = arith.constant 7 : i32
      %shift_right_logical3A_396 = vector.broadcast %shift_right_logical3A_395 : i32 to vector<16xi32>
      %shift_right_logical3A_397 = arith.shrui %get3A_390, %shift_right_logical3A_396 : vector<16xi32>
      %sub3A_398 = vector.broadcast %add3A_4 : i32 to vector<16xi32>
      %sub3A_399 = arith.subi %shift_right_logical3A_397, %sub3A_398 : vector<16xi32>
      %shift_right_logical3A_400 = arith.constant 0 : i32
      %shift_right_logical3A_401 = vector.broadcast %shift_right_logical3A_400 : i32 to vector<16xi32>
      %shift_right_logical3A_402 = arith.shrui %sub3A_399, %shift_right_logical3A_401 : vector<16xi32>
      %and3A_403 = arith.constant 1 : i32
      %and3A_404 = vector.broadcast %and3A_403 : i32 to vector<16xi32>
      %and3A_405 = arith.andi %shift_right_logical3A_402, %and3A_404 : vector<16xi32>
      %eq3A = arith.constant 1 : i32
      %eq3A_406 = vector.broadcast %eq3A : i32 to vector<16xi32>
      %eq3A_407 = arith.cmpi eq, %and3A_405, %eq3A_406 : vector<16xi32>
      %mul3A_408 = arith.constant 16 : i32
      %mul3A_409 = arith.muli %while3A_386, %mul3A_408 : i32
      %add3A_410 = vector.broadcast %mul3A_409 : i32 to vector<16xi32>
      %add3A_411 = arith.addi %add3A_410, %iota3A : vector<16xi32>
      %lt3A_412 = vector.broadcast %scan3A_12 : i32 to vector<16xi32>
      %lt3A_413 = arith.cmpi slt, %add3A_411, %lt3A_412 : vector<16xi32>
      %and3A_414 = arith.andi %eq3A_407, %lt3A_413 : vector<16xi1>
      %convert_element_type3A_415 = arith.extui %and3A_414 : vector<16xi1> to vector<16xi32>
      %broadcast_in_dim3A = arith.constant true
      %broadcast_in_dim3A_416 = vector.broadcast %broadcast_in_dim3A : i1 to vector<16xi1>
      %masked_cumsum3A = tpu.scan <sum>, %convert_element_type3A_415 masked %broadcast_in_dim3A_416 : vector<16xi32>, vector<16xi1> -> vector<16xi32>
      %add3A_417 = vector.broadcast %while3A_387 : i32 to vector<16xi32>
      %add3A_418 = arith.addi %add3A_417, %masked_cumsum3A : vector<16xi32>
      %sub3A_419 = arith.subi %add3A_418, %convert_element_type3A_415 : vector<16xi32>
      %jit3A_420 = arith.constant 16392 : i32
      %broadcast_in_dim3A_421 = vector.broadcast %jit3A_420 : i32 to vector<16xi32>
      %select_n3A_422 = arith.select %and3A_414, %sub3A_419, %broadcast_in_dim3A_421 : vector<16xi1>, vector<16xi32>
      tpu.vector_store_idx %arg6[%select_n3A_422], %get3A_390 : memref<16400xi32, #tpu.memory_space<vmem>>[vector<16xi32>], vector<16xi32>,
      tpu.vector_store_idx %arg9[%select_n3A_422], %get3A_394 : memref<16400xi32, #tpu.memory_space<vmem>>[vector<16xi32>], vector<16xi32>,
      %slice3A = vector.extract_strided_slice %masked_cumsum3A {offsets = [15], sizes = [1], strides = [1]} : vector<16xi32> to vector<1xi32>
      %squeeze3A = vector.extract %slice3A[0] : i32 from vector<1xi32>
      %add3A_423 = arith.addi %while3A_387, %squeeze3A : i32
      scf.yield %add3A_423 : i32
    }
    %while3A_37 = arith.constant 1 : i32
    %while3A_38 = scf.for %while3A_386 = %while3A_34 to %while3A_30 step %while3A_37 iter_args(%while3A_387 = %while3A_36) -> (i32)  : i32 {
      %mul3A_388 = arith.constant 16 : i32
      %mul3A_389 = arith.muli %while3A_386, %mul3A_388 : i32
      %get3A = arith.index_cast %mul3A_389 : i32 to index
      %get3A_390 = tpu.vector_load %arg7[%get3A] {strides = array<i32>} : memref<16400xi32, #tpu.memory_space<vmem>>, vector<16xi32>,
      %mul3A_391 = arith.constant 16 : i32
      %mul3A_392 = arith.muli %while3A_386, %mul3A_391 : i32
      %get3A_393 = arith.index_cast %mul3A_392 : i32 to index
      %get3A_394 = tpu.vector_load %arg8[%get3A_393] {strides = array<i32>} : memref<16400xi32, #tpu.memory_space<vmem>>, vector<16xi32>,
      %shift_right_logical3A_395 = arith.constant 7 : i32
      %shift_right_logical3A_396 = vector.broadcast %shift_right_logical3A_395 : i32 to vector<16xi32>
      %shift_right_logical3A_397 = arith.shrui %get3A_390, %shift_right_logical3A_396 : vector<16xi32>
      %sub3A_398 = vector.broadcast %add3A_4 : i32 to vector<16xi32>
      %sub3A_399 = arith.subi %shift_right_logical3A_397, %sub3A_398 : vector<16xi32>
      %shift_right_logical3A_400 = arith.constant 0 : i32
      %shift_right_logical3A_401 = vector.broadcast %shift_right_logical3A_400 : i32 to vector<16xi32>
      %shift_right_logical3A_402 = arith.shrui %sub3A_399, %shift_right_logical3A_401 : vector<16xi32>
      %and3A_403 = arith.constant 1 : i32
      %and3A_404 = vector.broadcast %and3A_403 : i32 to vector<16xi32>
      %and3A_405 = arith.andi %shift_right_logical3A_402, %and3A_404 : vector<16xi32>
      %eq3A = arith.constant 1 : i32
      %eq3A_406 = vector.broadcast %eq3A : i32 to vector<16xi32>
      %eq3A_407 = arith.cmpi eq, %and3A_405, %eq3A_406 : vector<16xi32>
      %mul3A_408 = arith.constant 16 : i32
      %mul3A_409 = arith.muli %while3A_386, %mul3A_408 : i32
      %add3A_410 = vector.broadcast %mul3A_409 : i32 to vector<16xi32>
      %add3A_411 = arith.addi %add3A_410, %iota3A : vector<16xi32>
      %lt3A_412 = vector.broadcast %scan3A_12 : i32 to vector<16xi32>
      %lt3A_413 = arith.cmpi slt, %add3A_411, %lt3A_412 : vector<16xi32>
      %and3A_414 = arith.andi %eq3A_407, %lt3A_413 : vector<16xi1>
      %convert_element_type3A_415 = arith.extui %and3A_414 : vector<16xi1> to vector<16xi32>
      %broadcast_in_dim3A = arith.constant true
      %broadcast_in_dim3A_416 = vector.broadcast %broadcast_in_dim3A : i1 to vector<16xi1>
      %masked_cumsum3A = tpu.scan <sum>, %convert_element_type3A_415 masked %broadcast_in_dim3A_416 : vector<16xi32>, vector<16xi1> -> vector<16xi32>
      %add3A_417 = vector.broadcast %while3A_387 : i32 to vector<16xi32>
      %add3A_418 = arith.addi %add3A_417, %masked_cumsum3A : vector<16xi32>
      %sub3A_419 = arith.subi %add3A_418, %convert_element_type3A_415 : vector<16xi32>
      %jit3A_420 = arith.constant 16392 : i32
      %broadcast_in_dim3A_421 = vector.broadcast %jit3A_420 : i32 to vector<16xi32>
      %select_n3A_422 = arith.select %and3A_414, %sub3A_419, %broadcast_in_dim3A_421 : vector<16xi1>, vector<16xi32>
      tpu.vector_store_idx %arg6[%select_n3A_422], %get3A_390 : memref<16400xi32, #tpu.memory_space<vmem>>[vector<16xi32>], vector<16xi32>,
      tpu.vector_store_idx %arg9[%select_n3A_422], %get3A_394 : memref<16400xi32, #tpu.memory_space<vmem>>[vector<16xi32>], vector<16xi32>,
      %slice3A = vector.extract_strided_slice %masked_cumsum3A {offsets = [15], sizes = [1], strides = [1]} : vector<16xi32> to vector<1xi32>
      %squeeze3A = vector.extract %slice3A[0] : i32 from vector<1xi32>
      %add3A_423 = arith.addi %while3A_387, %squeeze3A : i32
      scf.yield %add3A_423 : i32
    }
    %while3A_39 = arith.constant 0 : i32
    %while3A_40 = arith.constant 0 : i32
    %while3A_41 = arith.subi %shift_right_logical3A_16, %while3A_39 : i32
    %while3A_42 = arith.addi %while3A_39, %while3A_41 : i32
    %while3A_43 = arith.constant 1 : i32
    %while3A_44 = arith.divsi %while3A_41, %while3A_43 : i32
    %while3A_45 = arith.muli %while3A_44, %while3A_43 : i32
    %while3A_46 = arith.addi %while3A_39, %while3A_45 : i32
    %while3A_47 = arith.constant 1 : i32
    %while3A_48 = scf.for %while3A_386 = %while3A_39 to %while3A_46 step %while3A_47 iter_args(%while3A_387 = %while3A_40) -> (i32)  : i32 {
      %mul3A_388 = arith.constant 16 : i32
      %mul3A_389 = arith.muli %while3A_386, %mul3A_388 : i32
      %get3A = arith.index_cast %mul3A_389 : i32 to index
      %get3A_390 = tpu.vector_load %arg6[%get3A] {strides = array<i32>} : memref<16400xi32, #tpu.memory_space<vmem>>, vector<16xi32>,
      %mul3A_391 = arith.constant 16 : i32
      %mul3A_392 = arith.muli %while3A_386, %mul3A_391 : i32
      %get3A_393 = arith.index_cast %mul3A_392 : i32 to index
      %get3A_394 = tpu.vector_load %arg9[%get3A_393] {strides = array<i32>} : memref<16400xi32, #tpu.memory_space<vmem>>, vector<16xi32>,
      %shift_right_logical3A_395 = arith.constant 7 : i32
      %shift_right_logical3A_396 = vector.broadcast %shift_right_logical3A_395 : i32 to vector<16xi32>
      %shift_right_logical3A_397 = arith.shrui %get3A_390, %shift_right_logical3A_396 : vector<16xi32>
      %sub3A_398 = vector.broadcast %add3A_4 : i32 to vector<16xi32>
      %sub3A_399 = arith.subi %shift_right_logical3A_397, %sub3A_398 : vector<16xi32>
      %shift_right_logical3A_400 = arith.constant 1 : i32
      %shift_right_logical3A_401 = vector.broadcast %shift_right_logical3A_400 : i32 to vector<16xi32>
      %shift_right_logical3A_402 = arith.shrui %sub3A_399, %shift_right_logical3A_401 : vector<16xi32>
      %and3A_403 = arith.constant 1 : i32
      %and3A_404 = vector.broadcast %and3A_403 : i32 to vector<16xi32>
      %and3A_405 = arith.andi %shift_right_logical3A_402, %and3A_404 : vector<16xi32>
      %eq3A = arith.constant 0 : i32
      %eq3A_406 = vector.broadcast %eq3A : i32 to vector<16xi32>
      %eq3A_407 = arith.cmpi eq, %and3A_405, %eq3A_406 : vector<16xi32>
      %mul3A_408 = arith.constant 16 : i32
      %mul3A_409 = arith.muli %while3A_386, %mul3A_408 : i32
      %add3A_410 = vector.broadcast %mul3A_409 : i32 to vector<16xi32>
      %add3A_411 = arith.addi %add3A_410, %iota3A : vector<16xi32>
      %lt3A_412 = vector.broadcast %scan3A_12 : i32 to vector<16xi32>
      %lt3A_413 = arith.cmpi slt, %add3A_411, %lt3A_412 : vector<16xi32>
      %and3A_414 = arith.andi %eq3A_407, %lt3A_413 : vector<16xi1>
      %convert_element_type3A_415 = arith.extui %and3A_414 : vector<16xi1> to vector<16xi32>
      %broadcast_in_dim3A = arith.constant true
      %broadcast_in_dim3A_416 = vector.broadcast %broadcast_in_dim3A : i1 to vector<16xi1>
      %masked_cumsum3A = tpu.scan <sum>, %convert_element_type3A_415 masked %broadcast_in_dim3A_416 : vector<16xi32>, vector<16xi1> -> vector<16xi32>
      %add3A_417 = vector.broadcast %while3A_387 : i32 to vector<16xi32>
      %add3A_418 = arith.addi %add3A_417, %masked_cumsum3A : vector<16xi32>
      %sub3A_419 = arith.subi %add3A_418, %convert_element_type3A_415 : vector<16xi32>
      %jit3A_420 = arith.constant 16392 : i32
      %broadcast_in_dim3A_421 = vector.broadcast %jit3A_420 : i32 to vector<16xi32>
      %select_n3A_422 = arith.select %and3A_414, %sub3A_419, %broadcast_in_dim3A_421 : vector<16xi1>, vector<16xi32>
      tpu.vector_store_idx %arg7[%select_n3A_422], %get3A_390 : memref<16400xi32, #tpu.memory_space<vmem>>[vector<16xi32>], vector<16xi32>,
      tpu.vector_store_idx %arg8[%select_n3A_422], %get3A_394 : memref<16400xi32, #tpu.memory_space<vmem>>[vector<16xi32>], vector<16xi32>,
      %slice3A = vector.extract_strided_slice %masked_cumsum3A {offsets = [15], sizes = [1], strides = [1]} : vector<16xi32> to vector<1xi32>
      %squeeze3A = vector.extract %slice3A[0] : i32 from vector<1xi32>
      %add3A_423 = arith.addi %while3A_387, %squeeze3A : i32
      scf.yield %add3A_423 : i32
    }
    %while3A_49 = arith.constant 1 : i32
    %while3A_50 = scf.for %while3A_386 = %while3A_46 to %while3A_42 step %while3A_49 iter_args(%while3A_387 = %while3A_48) -> (i32)  : i32 {
      %mul3A_388 = arith.constant 16 : i32
      %mul3A_389 = arith.muli %while3A_386, %mul3A_388 : i32
      %get3A = arith.index_cast %mul3A_389 : i32 to index
      %get3A_390 = tpu.vector_load %arg6[%get3A] {strides = array<i32>} : memref<16400xi32, #tpu.memory_space<vmem>>, vector<16xi32>,
      %mul3A_391 = arith.constant 16 : i32
      %mul3A_392 = arith.muli %while3A_386, %mul3A_391 : i32
      %get3A_393 = arith.index_cast %mul3A_392 : i32 to index
      %get3A_394 = tpu.vector_load %arg9[%get3A_393] {strides = array<i32>} : memref<16400xi32, #tpu.memory_space<vmem>>, vector<16xi32>,
      %shift_right_logical3A_395 = arith.constant 7 : i32
      %shift_right_logical3A_396 = vector.broadcast %shift_right_logical3A_395 : i32 to vector<16xi32>
      %shift_right_logical3A_397 = arith.shrui %get3A_390, %shift_right_logical3A_396 : vector<16xi32>
      %sub3A_398 = vector.broadcast %add3A_4 : i32 to vector<16xi32>
      %sub3A_399 = arith.subi %shift_right_logical3A_397, %sub3A_398 : vector<16xi32>
      %shift_right_logical3A_400 = arith.constant 1 : i32
      %shift_right_logical3A_401 = vector.broadcast %shift_right_logical3A_400 : i32 to vector<16xi32>
      %shift_right_logical3A_402 = arith.shrui %sub3A_399, %shift_right_logical3A_401 : vector<16xi32>
      %and3A_403 = arith.constant 1 : i32
      %and3A_404 = vector.broadcast %and3A_403 : i32 to vector<16xi32>
      %and3A_405 = arith.andi %shift_right_logical3A_402, %and3A_404 : vector<16xi32>
      %eq3A = arith.constant 0 : i32
      %eq3A_406 = vector.broadcast %eq3A : i32 to vector<16xi32>
      %eq3A_407 = arith.cmpi eq, %and3A_405, %eq3A_406 : vector<16xi32>
      %mul3A_408 = arith.constant 16 : i32
      %mul3A_409 = arith.muli %while3A_386, %mul3A_408 : i32
      %add3A_410 = vector.broadcast %mul3A_409 : i32 to vector<16xi32>
      %add3A_411 = arith.addi %add3A_410, %iota3A : vector<16xi32>
      %lt3A_412 = vector.broadcast %scan3A_12 : i32 to vector<16xi32>
      %lt3A_413 = arith.cmpi slt, %add3A_411, %lt3A_412 : vector<16xi32>
      %and3A_414 = arith.andi %eq3A_407, %lt3A_413 : vector<16xi1>
      %convert_element_type3A_415 = arith.extui %and3A_414 : vector<16xi1> to vector<16xi32>
      %broadcast_in_dim3A = arith.constant true
      %broadcast_in_dim3A_416 = vector.broadcast %broadcast_in_dim3A : i1 to vector<16xi1>
      %masked_cumsum3A = tpu.scan <sum>, %convert_element_type3A_415 masked %broadcast_in_dim3A_416 : vector<16xi32>, vector<16xi1> -> vector<16xi32>
      %add3A_417 = vector.broadcast %while3A_387 : i32 to vector<16xi32>
      %add3A_418 = arith.addi %add3A_417, %masked_cumsum3A : vector<16xi32>
      %sub3A_419 = arith.subi %add3A_418, %convert_element_type3A_415 : vector<16xi32>
      %jit3A_420 = arith.constant 16392 : i32
      %broadcast_in_dim3A_421 = vector.broadcast %jit3A_420 : i32 to vector<16xi32>
      %select_n3A_422 = arith.select %and3A_414, %sub3A_419, %broadcast_in_dim3A_421 : vector<16xi1>, vector<16xi32>
      tpu.vector_store_idx %arg7[%select_n3A_422], %get3A_390 : memref<16400xi32, #tpu.memory_space<vmem>>[vector<16xi32>], vector<16xi32>,
      tpu.vector_store_idx %arg8[%select_n3A_422], %get3A_394 : memref<16400xi32, #tpu.memory_space<vmem>>[vector<16xi32>], vector<16xi32>,
      %slice3A = vector.extract_strided_slice %masked_cumsum3A {offsets = [15], sizes = [1], strides = [1]} : vector<16xi32> to vector<1xi32>
      %squeeze3A = vector.extract %slice3A[0] : i32 from vector<1xi32>
      %add3A_423 = arith.addi %while3A_387, %squeeze3A : i32
      scf.yield %add3A_423 : i32
    }
    %while3A_51 = arith.constant 0 : i32
    %while3A_52 = arith.subi %shift_right_logical3A_16, %while3A_51 : i32
    %while3A_53 = arith.addi %while3A_51, %while3A_52 : i32
    %while3A_54 = arith.constant 1 : i32
    %while3A_55 = arith.divsi %while3A_52, %while3A_54 : i32
    %while3A_56 = arith.muli %while3A_55, %while3A_54 : i32
    %while3A_57 = arith.addi %while3A_51, %while3A_56 : i32
    %while3A_58 = arith.constant 1 : i32
    %while3A_59 = scf.for %while3A_386 = %while3A_51 to %while3A_57 step %while3A_58 iter_args(%while3A_387 = %while3A_50) -> (i32)  : i32 {
      %mul3A_388 = arith.constant 16 : i32
      %mul3A_389 = arith.muli %while3A_386, %mul3A_388 : i32
      %get3A = arith.index_cast %mul3A_389 : i32 to index
      %get3A_390 = tpu.vector_load %arg6[%get3A] {strides = array<i32>} : memref<16400xi32, #tpu.memory_space<vmem>>, vector<16xi32>,
      %mul3A_391 = arith.constant 16 : i32
      %mul3A_392 = arith.muli %while3A_386, %mul3A_391 : i32
      %get3A_393 = arith.index_cast %mul3A_392 : i32 to index
      %get3A_394 = tpu.vector_load %arg9[%get3A_393] {strides = array<i32>} : memref<16400xi32, #tpu.memory_space<vmem>>, vector<16xi32>,
      %shift_right_logical3A_395 = arith.constant 7 : i32
      %shift_right_logical3A_396 = vector.broadcast %shift_right_logical3A_395 : i32 to vector<16xi32>
      %shift_right_logical3A_397 = arith.shrui %get3A_390, %shift_right_logical3A_396 : vector<16xi32>
      %sub3A_398 = vector.broadcast %add3A_4 : i32 to vector<16xi32>
      %sub3A_399 = arith.subi %shift_right_logical3A_397, %sub3A_398 : vector<16xi32>
      %shift_right_logical3A_400 = arith.constant 1 : i32
      %shift_right_logical3A_401 = vector.broadcast %shift_right_logical3A_400 : i32 to vector<16xi32>
      %shift_right_logical3A_402 = arith.shrui %sub3A_399, %shift_right_logical3A_401 : vector<16xi32>
      %and3A_403 = arith.constant 1 : i32
      %and3A_404 = vector.broadcast %and3A_403 : i32 to vector<16xi32>
      %and3A_405 = arith.andi %shift_right_logical3A_402, %and3A_404 : vector<16xi32>
      %eq3A = arith.constant 1 : i32
      %eq3A_406 = vector.broadcast %eq3A : i32 to vector<16xi32>
      %eq3A_407 = arith.cmpi eq, %and3A_405, %eq3A_406 : vector<16xi32>
      %mul3A_408 = arith.constant 16 : i32
      %mul3A_409 = arith.muli %while3A_386, %mul3A_408 : i32
      %add3A_410 = vector.broadcast %mul3A_409 : i32 to vector<16xi32>
      %add3A_411 = arith.addi %add3A_410, %iota3A : vector<16xi32>
      %lt3A_412 = vector.broadcast %scan3A_12 : i32 to vector<16xi32>
      %lt3A_413 = arith.cmpi slt, %add3A_411, %lt3A_412 : vector<16xi32>
      %and3A_414 = arith.andi %eq3A_407, %lt3A_413 : vector<16xi1>
      %convert_element_type3A_415 = arith.extui %and3A_414 : vector<16xi1> to vector<16xi32>
      %broadcast_in_dim3A = arith.constant true
      %broadcast_in_dim3A_416 = vector.broadcast %broadcast_in_dim3A : i1 to vector<16xi1>
      %masked_cumsum3A = tpu.scan <sum>, %convert_element_type3A_415 masked %broadcast_in_dim3A_416 : vector<16xi32>, vector<16xi1> -> vector<16xi32>
      %add3A_417 = vector.broadcast %while3A_387 : i32 to vector<16xi32>
      %add3A_418 = arith.addi %add3A_417, %masked_cumsum3A : vector<16xi32>
      %sub3A_419 = arith.subi %add3A_418, %convert_element_type3A_415 : vector<16xi32>
      %jit3A_420 = arith.constant 16392 : i32
      %broadcast_in_dim3A_421 = vector.broadcast %jit3A_420 : i32 to vector<16xi32>
      %select_n3A_422 = arith.select %and3A_414, %sub3A_419, %broadcast_in_dim3A_421 : vector<16xi1>, vector<16xi32>
      tpu.vector_store_idx %arg7[%select_n3A_422], %get3A_390 : memref<16400xi32, #tpu.memory_space<vmem>>[vector<16xi32>], vector<16xi32>,
      tpu.vector_store_idx %arg8[%select_n3A_422], %get3A_394 : memref<16400xi32, #tpu.memory_space<vmem>>[vector<16xi32>], vector<16xi32>,
      %slice3A = vector.extract_strided_slice %masked_cumsum3A {offsets = [15], sizes = [1], strides = [1]} : vector<16xi32> to vector<1xi32>
      %squeeze3A = vector.extract %slice3A[0] : i32 from vector<1xi32>
      %add3A_423 = arith.addi %while3A_387, %squeeze3A : i32
      scf.yield %add3A_423 : i32
    }
    %while3A_60 = arith.constant 1 : i32
    %while3A_61 = scf.for %while3A_386 = %while3A_57 to %while3A_53 step %while3A_60 iter_args(%while3A_387 = %while3A_59) -> (i32)  : i32 {
      %mul3A_388 = arith.constant 16 : i32
      %mul3A_389 = arith.muli %while3A_386, %mul3A_388 : i32
      %get3A = arith.index_cast %mul3A_389 : i32 to index
      %get3A_390 = tpu.vector_load %arg6[%get3A] {strides = array<i32>} : memref<16400xi32, #tpu.memory_space<vmem>>, vector<16xi32>,
      %mul3A_391 = arith.constant 16 : i32
      %mul3A_392 = arith.muli %while3A_386, %mul3A_391 : i32
      %get3A_393 = arith.index_cast %mul3A_392 : i32 to index
      %get3A_394 = tpu.vector_load %arg9[%get3A_393] {strides = array<i32>} : memref<16400xi32, #tpu.memory_space<vmem>>, vector<16xi32>,
      %shift_right_logical3A_395 = arith.constant 7 : i32
      %shift_right_logical3A_396 = vector.broadcast %shift_right_logical3A_395 : i32 to vector<16xi32>
      %shift_right_logical3A_397 = arith.shrui %get3A_390, %shift_right_logical3A_396 : vector<16xi32>
      %sub3A_398 = vector.broadcast %add3A_4 : i32 to vector<16xi32>
      %sub3A_399 = arith.subi %shift_right_logical3A_397, %sub3A_398 : vector<16xi32>
      %shift_right_logical3A_400 = arith.constant 1 : i32
      %shift_right_logical3A_401 = vector.broadcast %shift_right_logical3A_400 : i32 to vector<16xi32>
      %shift_right_logical3A_402 = arith.shrui %sub3A_399, %shift_right_logical3A_401 : vector<16xi32>
      %and3A_403 = arith.constant 1 : i32
      %and3A_404 = vector.broadcast %and3A_403 : i32 to vector<16xi32>
      %and3A_405 = arith.andi %shift_right_logical3A_402, %and3A_404 : vector<16xi32>
      %eq3A = arith.constant 1 : i32
      %eq3A_406 = vector.broadcast %eq3A : i32 to vector<16xi32>
      %eq3A_407 = arith.cmpi eq, %and3A_405, %eq3A_406 : vector<16xi32>
      %mul3A_408 = arith.constant 16 : i32
      %mul3A_409 = arith.muli %while3A_386, %mul3A_408 : i32
      %add3A_410 = vector.broadcast %mul3A_409 : i32 to vector<16xi32>
      %add3A_411 = arith.addi %add3A_410, %iota3A : vector<16xi32>
      %lt3A_412 = vector.broadcast %scan3A_12 : i32 to vector<16xi32>
      %lt3A_413 = arith.cmpi slt, %add3A_411, %lt3A_412 : vector<16xi32>
      %and3A_414 = arith.andi %eq3A_407, %lt3A_413 : vector<16xi1>
      %convert_element_type3A_415 = arith.extui %and3A_414 : vector<16xi1> to vector<16xi32>
      %broadcast_in_dim3A = arith.constant true
      %broadcast_in_dim3A_416 = vector.broadcast %broadcast_in_dim3A : i1 to vector<16xi1>
      %masked_cumsum3A = tpu.scan <sum>, %convert_element_type3A_415 masked %broadcast_in_dim3A_416 : vector<16xi32>, vector<16xi1> -> vector<16xi32>
      %add3A_417 = vector.broadcast %while3A_387 : i32 to vector<16xi32>
      %add3A_418 = arith.addi %add3A_417, %masked_cumsum3A : vector<16xi32>
      %sub3A_419 = arith.subi %add3A_418, %convert_element_type3A_415 : vector<16xi32>
      %jit3A_420 = arith.constant 16392 : i32
      %broadcast_in_dim3A_421 = vector.broadcast %jit3A_420 : i32 to vector<16xi32>
      %select_n3A_422 = arith.select %and3A_414, %sub3A_419, %broadcast_in_dim3A_421 : vector<16xi1>, vector<16xi32>
      tpu.vector_store_idx %arg7[%select_n3A_422], %get3A_390 : memref<16400xi32, #tpu.memory_space<vmem>>[vector<16xi32>], vector<16xi32>,
      tpu.vector_store_idx %arg8[%select_n3A_422], %get3A_394 : memref<16400xi32, #tpu.memory_space<vmem>>[vector<16xi32>], vector<16xi32>,
      %slice3A = vector.extract_strided_slice %masked_cumsum3A {offsets = [15], sizes = [1], strides = [1]} : vector<16xi32> to vector<1xi32>
      %squeeze3A = vector.extract %slice3A[0] : i32 from vector<1xi32>
      %add3A_423 = arith.addi %while3A_387, %squeeze3A : i32
      scf.yield %add3A_423 : i32
    }
    %while3A_62 = arith.constant 0 : i32
    %while3A_63 = arith.constant 0 : i32
    %while3A_64 = arith.subi %shift_right_logical3A_16, %while3A_62 : i32
    %while3A_65 = arith.addi %while3A_62, %while3A_64 : i32
    %while3A_66 = arith.constant 1 : i32
    %while3A_67 = arith.divsi %while3A_64, %while3A_66 : i32
    %while3A_68 = arith.muli %while3A_67, %while3A_66 : i32
    %while3A_69 = arith.addi %while3A_62, %while3A_68 : i32
    %while3A_70 = arith.constant 1 : i32
    %while3A_71 = scf.for %while3A_386 = %while3A_62 to %while3A_69 step %while3A_70 iter_args(%while3A_387 = %while3A_63) -> (i32)  : i32 {
      %mul3A_388 = arith.constant 16 : i32
      %mul3A_389 = arith.muli %while3A_386, %mul3A_388 : i32
      %get3A = arith.index_cast %mul3A_389 : i32 to index
      %get3A_390 = tpu.vector_load %arg7[%get3A] {strides = array<i32>} : memref<16400xi32, #tpu.memory_space<vmem>>, vector<16xi32>,
      %mul3A_391 = arith.constant 16 : i32
      %mul3A_392 = arith.muli %while3A_386, %mul3A_391 : i32
      %get3A_393 = arith.index_cast %mul3A_392 : i32 to index
      %get3A_394 = tpu.vector_load %arg8[%get3A_393] {strides = array<i32>} : memref<16400xi32, #tpu.memory_space<vmem>>, vector<16xi32>,
      %shift_right_logical3A_395 = arith.constant 7 : i32
      %shift_right_logical3A_396 = vector.broadcast %shift_right_logical3A_395 : i32 to vector<16xi32>
      %shift_right_logical3A_397 = arith.shrui %get3A_390, %shift_right_logical3A_396 : vector<16xi32>
      %sub3A_398 = vector.broadcast %add3A_4 : i32 to vector<16xi32>
      %sub3A_399 = arith.subi %shift_right_logical3A_397, %sub3A_398 : vector<16xi32>
      %shift_right_logical3A_400 = arith.constant 2 : i32
      %shift_right_logical3A_401 = vector.broadcast %shift_right_logical3A_400 : i32 to vector<16xi32>
      %shift_right_logical3A_402 = arith.shrui %sub3A_399, %shift_right_logical3A_401 : vector<16xi32>
      %and3A_403 = arith.constant 1 : i32
      %and3A_404 = vector.broadcast %and3A_403 : i32 to vector<16xi32>
      %and3A_405 = arith.andi %shift_right_logical3A_402, %and3A_404 : vector<16xi32>
      %eq3A = arith.constant 0 : i32
      %eq3A_406 = vector.broadcast %eq3A : i32 to vector<16xi32>
      %eq3A_407 = arith.cmpi eq, %and3A_405, %eq3A_406 : vector<16xi32>
      %mul3A_408 = arith.constant 16 : i32
      %mul3A_409 = arith.muli %while3A_386, %mul3A_408 : i32
      %add3A_410 = vector.broadcast %mul3A_409 : i32 to vector<16xi32>
      %add3A_411 = arith.addi %add3A_410, %iota3A : vector<16xi32>
      %lt3A_412 = vector.broadcast %scan3A_12 : i32 to vector<16xi32>
      %lt3A_413 = arith.cmpi slt, %add3A_411, %lt3A_412 : vector<16xi32>
      %and3A_414 = arith.andi %eq3A_407, %lt3A_413 : vector<16xi1>
      %convert_element_type3A_415 = arith.extui %and3A_414 : vector<16xi1> to vector<16xi32>
      %broadcast_in_dim3A = arith.constant true
      %broadcast_in_dim3A_416 = vector.broadcast %broadcast_in_dim3A : i1 to vector<16xi1>
      %masked_cumsum3A = tpu.scan <sum>, %convert_element_type3A_415 masked %broadcast_in_dim3A_416 : vector<16xi32>, vector<16xi1> -> vector<16xi32>
      %add3A_417 = vector.broadcast %while3A_387 : i32 to vector<16xi32>
      %add3A_418 = arith.addi %add3A_417, %masked_cumsum3A : vector<16xi32>
      %sub3A_419 = arith.subi %add3A_418, %convert_element_type3A_415 : vector<16xi32>
      %jit3A_420 = arith.constant 16392 : i32
      %broadcast_in_dim3A_421 = vector.broadcast %jit3A_420 : i32 to vector<16xi32>
      %select_n3A_422 = arith.select %and3A_414, %sub3A_419, %broadcast_in_dim3A_421 : vector<16xi1>, vector<16xi32>
      tpu.vector_store_idx %arg6[%select_n3A_422], %get3A_390 : memref<16400xi32, #tpu.memory_space<vmem>>[vector<16xi32>], vector<16xi32>,
      tpu.vector_store_idx %arg9[%select_n3A_422], %get3A_394 : memref<16400xi32, #tpu.memory_space<vmem>>[vector<16xi32>], vector<16xi32>,
      %slice3A = vector.extract_strided_slice %masked_cumsum3A {offsets = [15], sizes = [1], strides = [1]} : vector<16xi32> to vector<1xi32>
      %squeeze3A = vector.extract %slice3A[0] : i32 from vector<1xi32>
      %add3A_423 = arith.addi %while3A_387, %squeeze3A : i32
      scf.yield %add3A_423 : i32
    }
    %while3A_72 = arith.constant 1 : i32
    %while3A_73 = scf.for %while3A_386 = %while3A_69 to %while3A_65 step %while3A_72 iter_args(%while3A_387 = %while3A_71) -> (i32)  : i32 {
      %mul3A_388 = arith.constant 16 : i32
      %mul3A_389 = arith.muli %while3A_386, %mul3A_388 : i32
      %get3A = arith.index_cast %mul3A_389 : i32 to index
      %get3A_390 = tpu.vector_load %arg7[%get3A] {strides = array<i32>} : memref<16400xi32, #tpu.memory_space<vmem>>, vector<16xi32>,
      %mul3A_391 = arith.constant 16 : i32
      %mul3A_392 = arith.muli %while3A_386, %mul3A_391 : i32
      %get3A_393 = arith.index_cast %mul3A_392 : i32 to index
      %get3A_394 = tpu.vector_load %arg8[%get3A_393] {strides = array<i32>} : memref<16400xi32, #tpu.memory_space<vmem>>, vector<16xi32>,
      %shift_right_logical3A_395 = arith.constant 7 : i32
      %shift_right_logical3A_396 = vector.broadcast %shift_right_logical3A_395 : i32 to vector<16xi32>
      %shift_right_logical3A_397 = arith.shrui %get3A_390, %shift_right_logical3A_396 : vector<16xi32>
      %sub3A_398 = vector.broadcast %add3A_4 : i32 to vector<16xi32>
      %sub3A_399 = arith.subi %shift_right_logical3A_397, %sub3A_398 : vector<16xi32>
      %shift_right_logical3A_400 = arith.constant 2 : i32
      %shift_right_logical3A_401 = vector.broadcast %shift_right_logical3A_400 : i32 to vector<16xi32>
      %shift_right_logical3A_402 = arith.shrui %sub3A_399, %shift_right_logical3A_401 : vector<16xi32>
      %and3A_403 = arith.constant 1 : i32
      %and3A_404 = vector.broadcast %and3A_403 : i32 to vector<16xi32>
      %and3A_405 = arith.andi %shift_right_logical3A_402, %and3A_404 : vector<16xi32>
      %eq3A = arith.constant 0 : i32
      %eq3A_406 = vector.broadcast %eq3A : i32 to vector<16xi32>
      %eq3A_407 = arith.cmpi eq, %and3A_405, %eq3A_406 : vector<16xi32>
      %mul3A_408 = arith.constant 16 : i32
      %mul3A_409 = arith.muli %while3A_386, %mul3A_408 : i32
      %add3A_410 = vector.broadcast %mul3A_409 : i32 to vector<16xi32>
      %add3A_411 = arith.addi %add3A_410, %iota3A : vector<16xi32>
      %lt3A_412 = vector.broadcast %scan3A_12 : i32 to vector<16xi32>
      %lt3A_413 = arith.cmpi slt, %add3A_411, %lt3A_412 : vector<16xi32>
      %and3A_414 = arith.andi %eq3A_407, %lt3A_413 : vector<16xi1>
      %convert_element_type3A_415 = arith.extui %and3A_414 : vector<16xi1> to vector<16xi32>
      %broadcast_in_dim3A = arith.constant true
      %broadcast_in_dim3A_416 = vector.broadcast %broadcast_in_dim3A : i1 to vector<16xi1>
      %masked_cumsum3A = tpu.scan <sum>, %convert_element_type3A_415 masked %broadcast_in_dim3A_416 : vector<16xi32>, vector<16xi1> -> vector<16xi32>
      %add3A_417 = vector.broadcast %while3A_387 : i32 to vector<16xi32>
      %add3A_418 = arith.addi %add3A_417, %masked_cumsum3A : vector<16xi32>
      %sub3A_419 = arith.subi %add3A_418, %convert_element_type3A_415 : vector<16xi32>
      %jit3A_420 = arith.constant 16392 : i32
      %broadcast_in_dim3A_421 = vector.broadcast %jit3A_420 : i32 to vector<16xi32>
      %select_n3A_422 = arith.select %and3A_414, %sub3A_419, %broadcast_in_dim3A_421 : vector<16xi1>, vector<16xi32>
      tpu.vector_store_idx %arg6[%select_n3A_422], %get3A_390 : memref<16400xi32, #tpu.memory_space<vmem>>[vector<16xi32>], vector<16xi32>,
      tpu.vector_store_idx %arg9[%select_n3A_422], %get3A_394 : memref<16400xi32, #tpu.memory_space<vmem>>[vector<16xi32>], vector<16xi32>,
      %slice3A = vector.extract_strided_slice %masked_cumsum3A {offsets = [15], sizes = [1], strides = [1]} : vector<16xi32> to vector<1xi32>
      %squeeze3A = vector.extract %slice3A[0] : i32 from vector<1xi32>
      %add3A_423 = arith.addi %while3A_387, %squeeze3A : i32
      scf.yield %add3A_423 : i32
    }
    %while3A_74 = arith.constant 0 : i32
    %while3A_75 = arith.subi %shift_right_logical3A_16, %while3A_74 : i32
    %while3A_76 = arith.addi %while3A_74, %while3A_75 : i32
    %while3A_77 = arith.constant 1 : i32
    %while3A_78 = arith.divsi %while3A_75, %while3A_77 : i32
    %while3A_79 = arith.muli %while3A_78, %while3A_77 : i32
    %while3A_80 = arith.addi %while3A_74, %while3A_79 : i32
    %while3A_81 = arith.constant 1 : i32
    %while3A_82 = scf.for %while3A_386 = %while3A_74 to %while3A_80 step %while3A_81 iter_args(%while3A_387 = %while3A_73) -> (i32)  : i32 {
      %mul3A_388 = arith.constant 16 : i32
      %mul3A_389 = arith.muli %while3A_386, %mul3A_388 : i32
      %get3A = arith.index_cast %mul3A_389 : i32 to index
      %get3A_390 = tpu.vector_load %arg7[%get3A] {strides = array<i32>} : memref<16400xi32, #tpu.memory_space<vmem>>, vector<16xi32>,
      %mul3A_391 = arith.constant 16 : i32
      %mul3A_392 = arith.muli %while3A_386, %mul3A_391 : i32
      %get3A_393 = arith.index_cast %mul3A_392 : i32 to index
      %get3A_394 = tpu.vector_load %arg8[%get3A_393] {strides = array<i32>} : memref<16400xi32, #tpu.memory_space<vmem>>, vector<16xi32>,
      %shift_right_logical3A_395 = arith.constant 7 : i32
      %shift_right_logical3A_396 = vector.broadcast %shift_right_logical3A_395 : i32 to vector<16xi32>
      %shift_right_logical3A_397 = arith.shrui %get3A_390, %shift_right_logical3A_396 : vector<16xi32>
      %sub3A_398 = vector.broadcast %add3A_4 : i32 to vector<16xi32>
      %sub3A_399 = arith.subi %shift_right_logical3A_397, %sub3A_398 : vector<16xi32>
      %shift_right_logical3A_400 = arith.constant 2 : i32
      %shift_right_logical3A_401 = vector.broadcast %shift_right_logical3A_400 : i32 to vector<16xi32>
      %shift_right_logical3A_402 = arith.shrui %sub3A_399, %shift_right_logical3A_401 : vector<16xi32>
      %and3A_403 = arith.constant 1 : i32
      %and3A_404 = vector.broadcast %and3A_403 : i32 to vector<16xi32>
      %and3A_405 = arith.andi %shift_right_logical3A_402, %and3A_404 : vector<16xi32>
      %eq3A = arith.constant 1 : i32
      %eq3A_406 = vector.broadcast %eq3A : i32 to vector<16xi32>
      %eq3A_407 = arith.cmpi eq, %and3A_405, %eq3A_406 : vector<16xi32>
      %mul3A_408 = arith.constant 16 : i32
      %mul3A_409 = arith.muli %while3A_386, %mul3A_408 : i32
      %add3A_410 = vector.broadcast %mul3A_409 : i32 to vector<16xi32>
      %add3A_411 = arith.addi %add3A_410, %iota3A : vector<16xi32>
      %lt3A_412 = vector.broadcast %scan3A_12 : i32 to vector<16xi32>
      %lt3A_413 = arith.cmpi slt, %add3A_411, %lt3A_412 : vector<16xi32>
      %and3A_414 = arith.andi %eq3A_407, %lt3A_413 : vector<16xi1>
      %convert_element_type3A_415 = arith.extui %and3A_414 : vector<16xi1> to vector<16xi32>
      %broadcast_in_dim3A = arith.constant true
      %broadcast_in_dim3A_416 = vector.broadcast %broadcast_in_dim3A : i1 to vector<16xi1>
      %masked_cumsum3A = tpu.scan <sum>, %convert_element_type3A_415 masked %broadcast_in_dim3A_416 : vector<16xi32>, vector<16xi1> -> vector<16xi32>
      %add3A_417 = vector.broadcast %while3A_387 : i32 to vector<16xi32>
      %add3A_418 = arith.addi %add3A_417, %masked_cumsum3A : vector<16xi32>
      %sub3A_419 = arith.subi %add3A_418, %convert_element_type3A_415 : vector<16xi32>
      %jit3A_420 = arith.constant 16392 : i32
      %broadcast_in_dim3A_421 = vector.broadcast %jit3A_420 : i32 to vector<16xi32>
      %select_n3A_422 = arith.select %and3A_414, %sub3A_419, %broadcast_in_dim3A_421 : vector<16xi1>, vector<16xi32>
      tpu.vector_store_idx %arg6[%select_n3A_422], %get3A_390 : memref<16400xi32, #tpu.memory_space<vmem>>[vector<16xi32>], vector<16xi32>,
      tpu.vector_store_idx %arg9[%select_n3A_422], %get3A_394 : memref<16400xi32, #tpu.memory_space<vmem>>[vector<16xi32>], vector<16xi32>,
      %slice3A = vector.extract_strided_slice %masked_cumsum3A {offsets = [15], sizes = [1], strides = [1]} : vector<16xi32> to vector<1xi32>
      %squeeze3A = vector.extract %slice3A[0] : i32 from vector<1xi32>
      %add3A_423 = arith.addi %while3A_387, %squeeze3A : i32
      scf.yield %add3A_423 : i32
    }
    %while3A_83 = arith.constant 1 : i32
    %while3A_84 = scf.for %while3A_386 = %while3A_80 to %while3A_76 step %while3A_83 iter_args(%while3A_387 = %while3A_82) -> (i32)  : i32 {
      %mul3A_388 = arith.constant 16 : i32
      %mul3A_389 = arith.muli %while3A_386, %mul3A_388 : i32
      %get3A = arith.index_cast %mul3A_389 : i32 to index
      %get3A_390 = tpu.vector_load %arg7[%get3A] {strides = array<i32>} : memref<16400xi32, #tpu.memory_space<vmem>>, vector<16xi32>,
      %mul3A_391 = arith.constant 16 : i32
      %mul3A_392 = arith.muli %while3A_386, %mul3A_391 : i32
      %get3A_393 = arith.index_cast %mul3A_392 : i32 to index
      %get3A_394 = tpu.vector_load %arg8[%get3A_393] {strides = array<i32>} : memref<16400xi32, #tpu.memory_space<vmem>>, vector<16xi32>,
      %shift_right_logical3A_395 = arith.constant 7 : i32
      %shift_right_logical3A_396 = vector.broadcast %shift_right_logical3A_395 : i32 to vector<16xi32>
      %shift_right_logical3A_397 = arith.shrui %get3A_390, %shift_right_logical3A_396 : vector<16xi32>
      %sub3A_398 = vector.broadcast %add3A_4 : i32 to vector<16xi32>
      %sub3A_399 = arith.subi %shift_right_logical3A_397, %sub3A_398 : vector<16xi32>
      %shift_right_logical3A_400 = arith.constant 2 : i32
      %shift_right_logical3A_401 = vector.broadcast %shift_right_logical3A_400 : i32 to vector<16xi32>
      %shift_right_logical3A_402 = arith.shrui %sub3A_399, %shift_right_logical3A_401 : vector<16xi32>
      %and3A_403 = arith.constant 1 : i32
      %and3A_404 = vector.broadcast %and3A_403 : i32 to vector<16xi32>
      %and3A_405 = arith.andi %shift_right_logical3A_402, %and3A_404 : vector<16xi32>
      %eq3A = arith.constant 1 : i32
      %eq3A_406 = vector.broadcast %eq3A : i32 to vector<16xi32>
      %eq3A_407 = arith.cmpi eq, %and3A_405, %eq3A_406 : vector<16xi32>
      %mul3A_408 = arith.constant 16 : i32
      %mul3A_409 = arith.muli %while3A_386, %mul3A_408 : i32
      %add3A_410 = vector.broadcast %mul3A_409 : i32 to vector<16xi32>
      %add3A_411 = arith.addi %add3A_410, %iota3A : vector<16xi32>
      %lt3A_412 = vector.broadcast %scan3A_12 : i32 to vector<16xi32>
      %lt3A_413 = arith.cmpi slt, %add3A_411, %lt3A_412 : vector<16xi32>
      %and3A_414 = arith.andi %eq3A_407, %lt3A_413 : vector<16xi1>
      %convert_element_type3A_415 = arith.extui %and3A_414 : vector<16xi1> to vector<16xi32>
      %broadcast_in_dim3A = arith.constant true
      %broadcast_in_dim3A_416 = vector.broadcast %broadcast_in_dim3A : i1 to vector<16xi1>
      %masked_cumsum3A = tpu.scan <sum>, %convert_element_type3A_415 masked %broadcast_in_dim3A_416 : vector<16xi32>, vector<16xi1> -> vector<16xi32>
      %add3A_417 = vector.broadcast %while3A_387 : i32 to vector<16xi32>
      %add3A_418 = arith.addi %add3A_417, %masked_cumsum3A : vector<16xi32>
      %sub3A_419 = arith.subi %add3A_418, %convert_element_type3A_415 : vector<16xi32>
      %jit3A_420 = arith.constant 16392 : i32
      %broadcast_in_dim3A_421 = vector.broadcast %jit3A_420 : i32 to vector<16xi32>
      %select_n3A_422 = arith.select %and3A_414, %sub3A_419, %broadcast_in_dim3A_421 : vector<16xi1>, vector<16xi32>
      tpu.vector_store_idx %arg6[%select_n3A_422], %get3A_390 : memref<16400xi32, #tpu.memory_space<vmem>>[vector<16xi32>], vector<16xi32>,
      tpu.vector_store_idx %arg9[%select_n3A_422], %get3A_394 : memref<16400xi32, #tpu.memory_space<vmem>>[vector<16xi32>], vector<16xi32>,
      %slice3A = vector.extract_strided_slice %masked_cumsum3A {offsets = [15], sizes = [1], strides = [1]} : vector<16xi32> to vector<1xi32>
      %squeeze3A = vector.extract %slice3A[0] : i32 from vector<1xi32>
      %add3A_423 = arith.addi %while3A_387, %squeeze3A : i32
      scf.yield %add3A_423 : i32
    }
    %while3A_85 = arith.constant 0 : i32
    %while3A_86 = arith.constant 0 : i32
    %while3A_87 = arith.subi %shift_right_logical3A_16, %while3A_85 : i32
    %while3A_88 = arith.addi %while3A_85, %while3A_87 : i32
    %while3A_89 = arith.constant 1 : i32
    %while3A_90 = arith.divsi %while3A_87, %while3A_89 : i32
    %while3A_91 = arith.muli %while3A_90, %while3A_89 : i32
    %while3A_92 = arith.addi %while3A_85, %while3A_91 : i32
    %while3A_93 = arith.constant 1 : i32
    %while3A_94 = scf.for %while3A_386 = %while3A_85 to %while3A_92 step %while3A_93 iter_args(%while3A_387 = %while3A_86) -> (i32)  : i32 {
      %mul3A_388 = arith.constant 16 : i32
      %mul3A_389 = arith.muli %while3A_386, %mul3A_388 : i32
      %get3A = arith.index_cast %mul3A_389 : i32 to index
      %get3A_390 = tpu.vector_load %arg6[%get3A] {strides = array<i32>} : memref<16400xi32, #tpu.memory_space<vmem>>, vector<16xi32>,
      %mul3A_391 = arith.constant 16 : i32
      %mul3A_392 = arith.muli %while3A_386, %mul3A_391 : i32
      %get3A_393 = arith.index_cast %mul3A_392 : i32 to index
      %get3A_394 = tpu.vector_load %arg9[%get3A_393] {strides = array<i32>} : memref<16400xi32, #tpu.memory_space<vmem>>, vector<16xi32>,
      %shift_right_logical3A_395 = arith.constant 7 : i32
      %shift_right_logical3A_396 = vector.broadcast %shift_right_logical3A_395 : i32 to vector<16xi32>
      %shift_right_logical3A_397 = arith.shrui %get3A_390, %shift_right_logical3A_396 : vector<16xi32>
      %sub3A_398 = vector.broadcast %add3A_4 : i32 to vector<16xi32>
      %sub3A_399 = arith.subi %shift_right_logical3A_397, %sub3A_398 : vector<16xi32>
      %shift_right_logical3A_400 = arith.constant 3 : i32
      %shift_right_logical3A_401 = vector.broadcast %shift_right_logical3A_400 : i32 to vector<16xi32>
      %shift_right_logical3A_402 = arith.shrui %sub3A_399, %shift_right_logical3A_401 : vector<16xi32>
      %and3A_403 = arith.constant 1 : i32
      %and3A_404 = vector.broadcast %and3A_403 : i32 to vector<16xi32>
      %and3A_405 = arith.andi %shift_right_logical3A_402, %and3A_404 : vector<16xi32>
      %eq3A = arith.constant 0 : i32
      %eq3A_406 = vector.broadcast %eq3A : i32 to vector<16xi32>
      %eq3A_407 = arith.cmpi eq, %and3A_405, %eq3A_406 : vector<16xi32>
      %mul3A_408 = arith.constant 16 : i32
      %mul3A_409 = arith.muli %while3A_386, %mul3A_408 : i32
      %add3A_410 = vector.broadcast %mul3A_409 : i32 to vector<16xi32>
      %add3A_411 = arith.addi %add3A_410, %iota3A : vector<16xi32>
      %lt3A_412 = vector.broadcast %scan3A_12 : i32 to vector<16xi32>
      %lt3A_413 = arith.cmpi slt, %add3A_411, %lt3A_412 : vector<16xi32>
      %and3A_414 = arith.andi %eq3A_407, %lt3A_413 : vector<16xi1>
      %convert_element_type3A_415 = arith.extui %and3A_414 : vector<16xi1> to vector<16xi32>
      %broadcast_in_dim3A = arith.constant true
      %broadcast_in_dim3A_416 = vector.broadcast %broadcast_in_dim3A : i1 to vector<16xi1>
      %masked_cumsum3A = tpu.scan <sum>, %convert_element_type3A_415 masked %broadcast_in_dim3A_416 : vector<16xi32>, vector<16xi1> -> vector<16xi32>
      %add3A_417 = vector.broadcast %while3A_387 : i32 to vector<16xi32>
      %add3A_418 = arith.addi %add3A_417, %masked_cumsum3A : vector<16xi32>
      %sub3A_419 = arith.subi %add3A_418, %convert_element_type3A_415 : vector<16xi32>
      %jit3A_420 = arith.constant 16392 : i32
      %broadcast_in_dim3A_421 = vector.broadcast %jit3A_420 : i32 to vector<16xi32>
      %select_n3A_422 = arith.select %and3A_414, %sub3A_419, %broadcast_in_dim3A_421 : vector<16xi1>, vector<16xi32>
      tpu.vector_store_idx %arg7[%select_n3A_422], %get3A_390 : memref<16400xi32, #tpu.memory_space<vmem>>[vector<16xi32>], vector<16xi32>,
      tpu.vector_store_idx %arg8[%select_n3A_422], %get3A_394 : memref<16400xi32, #tpu.memory_space<vmem>>[vector<16xi32>], vector<16xi32>,
      %slice3A = vector.extract_strided_slice %masked_cumsum3A {offsets = [15], sizes = [1], strides = [1]} : vector<16xi32> to vector<1xi32>
      %squeeze3A = vector.extract %slice3A[0] : i32 from vector<1xi32>
      %add3A_423 = arith.addi %while3A_387, %squeeze3A : i32
      scf.yield %add3A_423 : i32
    }
    %while3A_95 = arith.constant 1 : i32
    %while3A_96 = scf.for %while3A_386 = %while3A_92 to %while3A_88 step %while3A_95 iter_args(%while3A_387 = %while3A_94) -> (i32)  : i32 {
      %mul3A_388 = arith.constant 16 : i32
      %mul3A_389 = arith.muli %while3A_386, %mul3A_388 : i32
      %get3A = arith.index_cast %mul3A_389 : i32 to index
      %get3A_390 = tpu.vector_load %arg6[%get3A] {strides = array<i32>} : memref<16400xi32, #tpu.memory_space<vmem>>, vector<16xi32>,
      %mul3A_391 = arith.constant 16 : i32
      %mul3A_392 = arith.muli %while3A_386, %mul3A_391 : i32
      %get3A_393 = arith.index_cast %mul3A_392 : i32 to index
      %get3A_394 = tpu.vector_load %arg9[%get3A_393] {strides = array<i32>} : memref<16400xi32, #tpu.memory_space<vmem>>, vector<16xi32>,
      %shift_right_logical3A_395 = arith.constant 7 : i32
      %shift_right_logical3A_396 = vector.broadcast %shift_right_logical3A_395 : i32 to vector<16xi32>
      %shift_right_logical3A_397 = arith.shrui %get3A_390, %shift_right_logical3A_396 : vector<16xi32>
      %sub3A_398 = vector.broadcast %add3A_4 : i32 to vector<16xi32>
      %sub3A_399 = arith.subi %shift_right_logical3A_397, %sub3A_398 : vector<16xi32>
      %shift_right_logical3A_400 = arith.constant 3 : i32
      %shift_right_logical3A_401 = vector.broadcast %shift_right_logical3A_400 : i32 to vector<16xi32>
      %shift_right_logical3A_402 = arith.shrui %sub3A_399, %shift_right_logical3A_401 : vector<16xi32>
      %and3A_403 = arith.constant 1 : i32
      %and3A_404 = vector.broadcast %and3A_403 : i32 to vector<16xi32>
      %and3A_405 = arith.andi %shift_right_logical3A_402, %and3A_404 : vector<16xi32>
      %eq3A = arith.constant 0 : i32
      %eq3A_406 = vector.broadcast %eq3A : i32 to vector<16xi32>
      %eq3A_407 = arith.cmpi eq, %and3A_405, %eq3A_406 : vector<16xi32>
      %mul3A_408 = arith.constant 16 : i32
      %mul3A_409 = arith.muli %while3A_386, %mul3A_408 : i32
      %add3A_410 = vector.broadcast %mul3A_409 : i32 to vector<16xi32>
      %add3A_411 = arith.addi %add3A_410, %iota3A : vector<16xi32>
      %lt3A_412 = vector.broadcast %scan3A_12 : i32 to vector<16xi32>
      %lt3A_413 = arith.cmpi slt, %add3A_411, %lt3A_412 : vector<16xi32>
      %and3A_414 = arith.andi %eq3A_407, %lt3A_413 : vector<16xi1>
      %convert_element_type3A_415 = arith.extui %and3A_414 : vector<16xi1> to vector<16xi32>
      %broadcast_in_dim3A = arith.constant true
      %broadcast_in_dim3A_416 = vector.broadcast %broadcast_in_dim3A : i1 to vector<16xi1>
      %masked_cumsum3A = tpu.scan <sum>, %convert_element_type3A_415 masked %broadcast_in_dim3A_416 : vector<16xi32>, vector<16xi1> -> vector<16xi32>
      %add3A_417 = vector.broadcast %while3A_387 : i32 to vector<16xi32>
      %add3A_418 = arith.addi %add3A_417, %masked_cumsum3A : vector<16xi32>
      %sub3A_419 = arith.subi %add3A_418, %convert_element_type3A_415 : vector<16xi32>
      %jit3A_420 = arith.constant 16392 : i32
      %broadcast_in_dim3A_421 = vector.broadcast %jit3A_420 : i32 to vector<16xi32>
      %select_n3A_422 = arith.select %and3A_414, %sub3A_419, %broadcast_in_dim3A_421 : vector<16xi1>, vector<16xi32>
      tpu.vector_store_idx %arg7[%select_n3A_422], %get3A_390 : memref<16400xi32, #tpu.memory_space<vmem>>[vector<16xi32>], vector<16xi32>,
      tpu.vector_store_idx %arg8[%select_n3A_422], %get3A_394 : memref<16400xi32, #tpu.memory_space<vmem>>[vector<16xi32>], vector<16xi32>,
      %slice3A = vector.extract_strided_slice %masked_cumsum3A {offsets = [15], sizes = [1], strides = [1]} : vector<16xi32> to vector<1xi32>
      %squeeze3A = vector.extract %slice3A[0] : i32 from vector<1xi32>
      %add3A_423 = arith.addi %while3A_387, %squeeze3A : i32
      scf.yield %add3A_423 : i32
    }
    %while3A_97 = arith.constant 0 : i32
    %while3A_98 = arith.subi %shift_right_logical3A_16, %while3A_97 : i32
    %while3A_99 = arith.addi %while3A_97, %while3A_98 : i32
    %while3A_100 = arith.constant 1 : i32
    %while3A_101 = arith.divsi %while3A_98, %while3A_100 : i32
    %while3A_102 = arith.muli %while3A_101, %while3A_100 : i32
    %while3A_103 = arith.addi %while3A_97, %while3A_102 : i32
    %while3A_104 = arith.constant 1 : i32
    %while3A_105 = scf.for %while3A_386 = %while3A_97 to %while3A_103 step %while3A_104 iter_args(%while3A_387 = %while3A_96) -> (i32)  : i32 {
      %mul3A_388 = arith.constant 16 : i32
      %mul3A_389 = arith.muli %while3A_386, %mul3A_388 : i32
      %get3A = arith.index_cast %mul3A_389 : i32 to index
      %get3A_390 = tpu.vector_load %arg6[%get3A] {strides = array<i32>} : memref<16400xi32, #tpu.memory_space<vmem>>, vector<16xi32>,
      %mul3A_391 = arith.constant 16 : i32
      %mul3A_392 = arith.muli %while3A_386, %mul3A_391 : i32
      %get3A_393 = arith.index_cast %mul3A_392 : i32 to index
      %get3A_394 = tpu.vector_load %arg9[%get3A_393] {strides = array<i32>} : memref<16400xi32, #tpu.memory_space<vmem>>, vector<16xi32>,
      %shift_right_logical3A_395 = arith.constant 7 : i32
      %shift_right_logical3A_396 = vector.broadcast %shift_right_logical3A_395 : i32 to vector<16xi32>
      %shift_right_logical3A_397 = arith.shrui %get3A_390, %shift_right_logical3A_396 : vector<16xi32>
      %sub3A_398 = vector.broadcast %add3A_4 : i32 to vector<16xi32>
      %sub3A_399 = arith.subi %shift_right_logical3A_397, %sub3A_398 : vector<16xi32>
      %shift_right_logical3A_400 = arith.constant 3 : i32
      %shift_right_logical3A_401 = vector.broadcast %shift_right_logical3A_400 : i32 to vector<16xi32>
      %shift_right_logical3A_402 = arith.shrui %sub3A_399, %shift_right_logical3A_401 : vector<16xi32>
      %and3A_403 = arith.constant 1 : i32
      %and3A_404 = vector.broadcast %and3A_403 : i32 to vector<16xi32>
      %and3A_405 = arith.andi %shift_right_logical3A_402, %and3A_404 : vector<16xi32>
      %eq3A = arith.constant 1 : i32
      %eq3A_406 = vector.broadcast %eq3A : i32 to vector<16xi32>
      %eq3A_407 = arith.cmpi eq, %and3A_405, %eq3A_406 : vector<16xi32>
      %mul3A_408 = arith.constant 16 : i32
      %mul3A_409 = arith.muli %while3A_386, %mul3A_408 : i32
      %add3A_410 = vector.broadcast %mul3A_409 : i32 to vector<16xi32>
      %add3A_411 = arith.addi %add3A_410, %iota3A : vector<16xi32>
      %lt3A_412 = vector.broadcast %scan3A_12 : i32 to vector<16xi32>
      %lt3A_413 = arith.cmpi slt, %add3A_411, %lt3A_412 : vector<16xi32>
      %and3A_414 = arith.andi %eq3A_407, %lt3A_413 : vector<16xi1>
      %convert_element_type3A_415 = arith.extui %and3A_414 : vector<16xi1> to vector<16xi32>
      %broadcast_in_dim3A = arith.constant true
      %broadcast_in_dim3A_416 = vector.broadcast %broadcast_in_dim3A : i1 to vector<16xi1>
      %masked_cumsum3A = tpu.scan <sum>, %convert_element_type3A_415 masked %broadcast_in_dim3A_416 : vector<16xi32>, vector<16xi1> -> vector<16xi32>
      %add3A_417 = vector.broadcast %while3A_387 : i32 to vector<16xi32>
      %add3A_418 = arith.addi %add3A_417, %masked_cumsum3A : vector<16xi32>
      %sub3A_419 = arith.subi %add3A_418, %convert_element_type3A_415 : vector<16xi32>
      %jit3A_420 = arith.constant 16392 : i32
      %broadcast_in_dim3A_421 = vector.broadcast %jit3A_420 : i32 to vector<16xi32>
      %select_n3A_422 = arith.select %and3A_414, %sub3A_419, %broadcast_in_dim3A_421 : vector<16xi1>, vector<16xi32>
      tpu.vector_store_idx %arg7[%select_n3A_422], %get3A_390 : memref<16400xi32, #tpu.memory_space<vmem>>[vector<16xi32>], vector<16xi32>,
      tpu.vector_store_idx %arg8[%select_n3A_422], %get3A_394 : memref<16400xi32, #tpu.memory_space<vmem>>[vector<16xi32>], vector<16xi32>,
      %slice3A = vector.extract_strided_slice %masked_cumsum3A {offsets = [15], sizes = [1], strides = [1]} : vector<16xi32> to vector<1xi32>
      %squeeze3A = vector.extract %slice3A[0] : i32 from vector<1xi32>
      %add3A_423 = arith.addi %while3A_387, %squeeze3A : i32
      scf.yield %add3A_423 : i32
    }
    %while3A_106 = arith.constant 1 : i32
    %while3A_107 = scf.for %while3A_386 = %while3A_103 to %while3A_99 step %while3A_106 iter_args(%while3A_387 = %while3A_105) -> (i32)  : i32 {
      %mul3A_388 = arith.constant 16 : i32
      %mul3A_389 = arith.muli %while3A_386, %mul3A_388 : i32
      %get3A = arith.index_cast %mul3A_389 : i32 to index
      %get3A_390 = tpu.vector_load %arg6[%get3A] {strides = array<i32>} : memref<16400xi32, #tpu.memory_space<vmem>>, vector<16xi32>,
      %mul3A_391 = arith.constant 16 : i32
      %mul3A_392 = arith.muli %while3A_386, %mul3A_391 : i32
      %get3A_393 = arith.index_cast %mul3A_392 : i32 to index
      %get3A_394 = tpu.vector_load %arg9[%get3A_393] {strides = array<i32>} : memref<16400xi32, #tpu.memory_space<vmem>>, vector<16xi32>,
      %shift_right_logical3A_395 = arith.constant 7 : i32
      %shift_right_logical3A_396 = vector.broadcast %shift_right_logical3A_395 : i32 to vector<16xi32>
      %shift_right_logical3A_397 = arith.shrui %get3A_390, %shift_right_logical3A_396 : vector<16xi32>
      %sub3A_398 = vector.broadcast %add3A_4 : i32 to vector<16xi32>
      %sub3A_399 = arith.subi %shift_right_logical3A_397, %sub3A_398 : vector<16xi32>
      %shift_right_logical3A_400 = arith.constant 3 : i32
      %shift_right_logical3A_401 = vector.broadcast %shift_right_logical3A_400 : i32 to vector<16xi32>
      %shift_right_logical3A_402 = arith.shrui %sub3A_399, %shift_right_logical3A_401 : vector<16xi32>
      %and3A_403 = arith.constant 1 : i32
      %and3A_404 = vector.broadcast %and3A_403 : i32 to vector<16xi32>
      %and3A_405 = arith.andi %shift_right_logical3A_402, %and3A_404 : vector<16xi32>
      %eq3A = arith.constant 1 : i32
      %eq3A_406 = vector.broadcast %eq3A : i32 to vector<16xi32>
      %eq3A_407 = arith.cmpi eq, %and3A_405, %eq3A_406 : vector<16xi32>
      %mul3A_408 = arith.constant 16 : i32
      %mul3A_409 = arith.muli %while3A_386, %mul3A_408 : i32
      %add3A_410 = vector.broadcast %mul3A_409 : i32 to vector<16xi32>
      %add3A_411 = arith.addi %add3A_410, %iota3A : vector<16xi32>
      %lt3A_412 = vector.broadcast %scan3A_12 : i32 to vector<16xi32>
      %lt3A_413 = arith.cmpi slt, %add3A_411, %lt3A_412 : vector<16xi32>
      %and3A_414 = arith.andi %eq3A_407, %lt3A_413 : vector<16xi1>
      %convert_element_type3A_415 = arith.extui %and3A_414 : vector<16xi1> to vector<16xi32>
      %broadcast_in_dim3A = arith.constant true
      %broadcast_in_dim3A_416 = vector.broadcast %broadcast_in_dim3A : i1 to vector<16xi1>
      %masked_cumsum3A = tpu.scan <sum>, %convert_element_type3A_415 masked %broadcast_in_dim3A_416 : vector<16xi32>, vector<16xi1> -> vector<16xi32>
      %add3A_417 = vector.broadcast %while3A_387 : i32 to vector<16xi32>
      %add3A_418 = arith.addi %add3A_417, %masked_cumsum3A : vector<16xi32>
      %sub3A_419 = arith.subi %add3A_418, %convert_element_type3A_415 : vector<16xi32>
      %jit3A_420 = arith.constant 16392 : i32
      %broadcast_in_dim3A_421 = vector.broadcast %jit3A_420 : i32 to vector<16xi32>
      %select_n3A_422 = arith.select %and3A_414, %sub3A_419, %broadcast_in_dim3A_421 : vector<16xi1>, vector<16xi32>
      tpu.vector_store_idx %arg7[%select_n3A_422], %get3A_390 : memref<16400xi32, #tpu.memory_space<vmem>>[vector<16xi32>], vector<16xi32>,
      tpu.vector_store_idx %arg8[%select_n3A_422], %get3A_394 : memref<16400xi32, #tpu.memory_space<vmem>>[vector<16xi32>], vector<16xi32>,
      %slice3A = vector.extract_strided_slice %masked_cumsum3A {offsets = [15], sizes = [1], strides = [1]} : vector<16xi32> to vector<1xi32>
      %squeeze3A = vector.extract %slice3A[0] : i32 from vector<1xi32>
      %add3A_423 = arith.addi %while3A_387, %squeeze3A : i32
      scf.yield %add3A_423 : i32
    }
    %while3A_108 = arith.constant 0 : i32
    %while3A_109 = arith.constant 0 : i32
    %while3A_110 = arith.subi %shift_right_logical3A_16, %while3A_108 : i32
    %while3A_111 = arith.addi %while3A_108, %while3A_110 : i32
    %while3A_112 = arith.constant 1 : i32
    %while3A_113 = arith.divsi %while3A_110, %while3A_112 : i32
    %while3A_114 = arith.muli %while3A_113, %while3A_112 : i32
    %while3A_115 = arith.addi %while3A_108, %while3A_114 : i32
    %while3A_116 = arith.constant 1 : i32
    %while3A_117 = scf.for %while3A_386 = %while3A_108 to %while3A_115 step %while3A_116 iter_args(%while3A_387 = %while3A_109) -> (i32)  : i32 {
      %mul3A_388 = arith.constant 16 : i32
      %mul3A_389 = arith.muli %while3A_386, %mul3A_388 : i32
      %get3A = arith.index_cast %mul3A_389 : i32 to index
      %get3A_390 = tpu.vector_load %arg7[%get3A] {strides = array<i32>} : memref<16400xi32, #tpu.memory_space<vmem>>, vector<16xi32>,
      %mul3A_391 = arith.constant 16 : i32
      %mul3A_392 = arith.muli %while3A_386, %mul3A_391 : i32
      %get3A_393 = arith.index_cast %mul3A_392 : i32 to index
      %get3A_394 = tpu.vector_load %arg8[%get3A_393] {strides = array<i32>} : memref<16400xi32, #tpu.memory_space<vmem>>, vector<16xi32>,
      %shift_right_logical3A_395 = arith.constant 7 : i32
      %shift_right_logical3A_396 = vector.broadcast %shift_right_logical3A_395 : i32 to vector<16xi32>
      %shift_right_logical3A_397 = arith.shrui %get3A_390, %shift_right_logical3A_396 : vector<16xi32>
      %sub3A_398 = vector.broadcast %add3A_4 : i32 to vector<16xi32>
      %sub3A_399 = arith.subi %shift_right_logical3A_397, %sub3A_398 : vector<16xi32>
      %shift_right_logical3A_400 = arith.constant 4 : i32
      %shift_right_logical3A_401 = vector.broadcast %shift_right_logical3A_400 : i32 to vector<16xi32>
      %shift_right_logical3A_402 = arith.shrui %sub3A_399, %shift_right_logical3A_401 : vector<16xi32>
      %and3A_403 = arith.constant 1 : i32
      %and3A_404 = vector.broadcast %and3A_403 : i32 to vector<16xi32>
      %and3A_405 = arith.andi %shift_right_logical3A_402, %and3A_404 : vector<16xi32>
      %eq3A = arith.constant 0 : i32
      %eq3A_406 = vector.broadcast %eq3A : i32 to vector<16xi32>
      %eq3A_407 = arith.cmpi eq, %and3A_405, %eq3A_406 : vector<16xi32>
      %mul3A_408 = arith.constant 16 : i32
      %mul3A_409 = arith.muli %while3A_386, %mul3A_408 : i32
      %add3A_410 = vector.broadcast %mul3A_409 : i32 to vector<16xi32>
      %add3A_411 = arith.addi %add3A_410, %iota3A : vector<16xi32>
      %lt3A_412 = vector.broadcast %scan3A_12 : i32 to vector<16xi32>
      %lt3A_413 = arith.cmpi slt, %add3A_411, %lt3A_412 : vector<16xi32>
      %and3A_414 = arith.andi %eq3A_407, %lt3A_413 : vector<16xi1>
      %convert_element_type3A_415 = arith.extui %and3A_414 : vector<16xi1> to vector<16xi32>
      %broadcast_in_dim3A = arith.constant true
      %broadcast_in_dim3A_416 = vector.broadcast %broadcast_in_dim3A : i1 to vector<16xi1>
      %masked_cumsum3A = tpu.scan <sum>, %convert_element_type3A_415 masked %broadcast_in_dim3A_416 : vector<16xi32>, vector<16xi1> -> vector<16xi32>
      %add3A_417 = vector.broadcast %while3A_387 : i32 to vector<16xi32>
      %add3A_418 = arith.addi %add3A_417, %masked_cumsum3A : vector<16xi32>
      %sub3A_419 = arith.subi %add3A_418, %convert_element_type3A_415 : vector<16xi32>
      %jit3A_420 = arith.constant 16392 : i32
      %broadcast_in_dim3A_421 = vector.broadcast %jit3A_420 : i32 to vector<16xi32>
      %select_n3A_422 = arith.select %and3A_414, %sub3A_419, %broadcast_in_dim3A_421 : vector<16xi1>, vector<16xi32>
      tpu.vector_store_idx %arg6[%select_n3A_422], %get3A_390 : memref<16400xi32, #tpu.memory_space<vmem>>[vector<16xi32>], vector<16xi32>,
      tpu.vector_store_idx %arg9[%select_n3A_422], %get3A_394 : memref<16400xi32, #tpu.memory_space<vmem>>[vector<16xi32>], vector<16xi32>,
      %slice3A = vector.extract_strided_slice %masked_cumsum3A {offsets = [15], sizes = [1], strides = [1]} : vector<16xi32> to vector<1xi32>
      %squeeze3A = vector.extract %slice3A[0] : i32 from vector<1xi32>
      %add3A_423 = arith.addi %while3A_387, %squeeze3A : i32
      scf.yield %add3A_423 : i32
    }
    %while3A_118 = arith.constant 1 : i32
    %while3A_119 = scf.for %while3A_386 = %while3A_115 to %while3A_111 step %while3A_118 iter_args(%while3A_387 = %while3A_117) -> (i32)  : i32 {
      %mul3A_388 = arith.constant 16 : i32
      %mul3A_389 = arith.muli %while3A_386, %mul3A_388 : i32
      %get3A = arith.index_cast %mul3A_389 : i32 to index
      %get3A_390 = tpu.vector_load %arg7[%get3A] {strides = array<i32>} : memref<16400xi32, #tpu.memory_space<vmem>>, vector<16xi32>,
      %mul3A_391 = arith.constant 16 : i32
      %mul3A_392 = arith.muli %while3A_386, %mul3A_391 : i32
      %get3A_393 = arith.index_cast %mul3A_392 : i32 to index
      %get3A_394 = tpu.vector_load %arg8[%get3A_393] {strides = array<i32>} : memref<16400xi32, #tpu.memory_space<vmem>>, vector<16xi32>,
      %shift_right_logical3A_395 = arith.constant 7 : i32
      %shift_right_logical3A_396 = vector.broadcast %shift_right_logical3A_395 : i32 to vector<16xi32>
      %shift_right_logical3A_397 = arith.shrui %get3A_390, %shift_right_logical3A_396 : vector<16xi32>
      %sub3A_398 = vector.broadcast %add3A_4 : i32 to vector<16xi32>
      %sub3A_399 = arith.subi %shift_right_logical3A_397, %sub3A_398 : vector<16xi32>
      %shift_right_logical3A_400 = arith.constant 4 : i32
      %shift_right_logical3A_401 = vector.broadcast %shift_right_logical3A_400 : i32 to vector<16xi32>
      %shift_right_logical3A_402 = arith.shrui %sub3A_399, %shift_right_logical3A_401 : vector<16xi32>
      %and3A_403 = arith.constant 1 : i32
      %and3A_404 = vector.broadcast %and3A_403 : i32 to vector<16xi32>
      %and3A_405 = arith.andi %shift_right_logical3A_402, %and3A_404 : vector<16xi32>
      %eq3A = arith.constant 0 : i32
      %eq3A_406 = vector.broadcast %eq3A : i32 to vector<16xi32>
      %eq3A_407 = arith.cmpi eq, %and3A_405, %eq3A_406 : vector<16xi32>
      %mul3A_408 = arith.constant 16 : i32
      %mul3A_409 = arith.muli %while3A_386, %mul3A_408 : i32
      %add3A_410 = vector.broadcast %mul3A_409 : i32 to vector<16xi32>
      %add3A_411 = arith.addi %add3A_410, %iota3A : vector<16xi32>
      %lt3A_412 = vector.broadcast %scan3A_12 : i32 to vector<16xi32>
      %lt3A_413 = arith.cmpi slt, %add3A_411, %lt3A_412 : vector<16xi32>
      %and3A_414 = arith.andi %eq3A_407, %lt3A_413 : vector<16xi1>
      %convert_element_type3A_415 = arith.extui %and3A_414 : vector<16xi1> to vector<16xi32>
      %broadcast_in_dim3A = arith.constant true
      %broadcast_in_dim3A_416 = vector.broadcast %broadcast_in_dim3A : i1 to vector<16xi1>
      %masked_cumsum3A = tpu.scan <sum>, %convert_element_type3A_415 masked %broadcast_in_dim3A_416 : vector<16xi32>, vector<16xi1> -> vector<16xi32>
      %add3A_417 = vector.broadcast %while3A_387 : i32 to vector<16xi32>
      %add3A_418 = arith.addi %add3A_417, %masked_cumsum3A : vector<16xi32>
      %sub3A_419 = arith.subi %add3A_418, %convert_element_type3A_415 : vector<16xi32>
      %jit3A_420 = arith.constant 16392 : i32
      %broadcast_in_dim3A_421 = vector.broadcast %jit3A_420 : i32 to vector<16xi32>
      %select_n3A_422 = arith.select %and3A_414, %sub3A_419, %broadcast_in_dim3A_421 : vector<16xi1>, vector<16xi32>
      tpu.vector_store_idx %arg6[%select_n3A_422], %get3A_390 : memref<16400xi32, #tpu.memory_space<vmem>>[vector<16xi32>], vector<16xi32>,
      tpu.vector_store_idx %arg9[%select_n3A_422], %get3A_394 : memref<16400xi32, #tpu.memory_space<vmem>>[vector<16xi32>], vector<16xi32>,
      %slice3A = vector.extract_strided_slice %masked_cumsum3A {offsets = [15], sizes = [1], strides = [1]} : vector<16xi32> to vector<1xi32>
      %squeeze3A = vector.extract %slice3A[0] : i32 from vector<1xi32>
      %add3A_423 = arith.addi %while3A_387, %squeeze3A : i32
      scf.yield %add3A_423 : i32
    }
    %while3A_120 = arith.constant 0 : i32
    %while3A_121 = arith.subi %shift_right_logical3A_16, %while3A_120 : i32
    %while3A_122 = arith.addi %while3A_120, %while3A_121 : i32
    %while3A_123 = arith.constant 1 : i32
    %while3A_124 = arith.divsi %while3A_121, %while3A_123 : i32
    %while3A_125 = arith.muli %while3A_124, %while3A_123 : i32
    %while3A_126 = arith.addi %while3A_120, %while3A_125 : i32
    %while3A_127 = arith.constant 1 : i32
    %while3A_128 = scf.for %while3A_386 = %while3A_120 to %while3A_126 step %while3A_127 iter_args(%while3A_387 = %while3A_119) -> (i32)  : i32 {
      %mul3A_388 = arith.constant 16 : i32
      %mul3A_389 = arith.muli %while3A_386, %mul3A_388 : i32
      %get3A = arith.index_cast %mul3A_389 : i32 to index
      %get3A_390 = tpu.vector_load %arg7[%get3A] {strides = array<i32>} : memref<16400xi32, #tpu.memory_space<vmem>>, vector<16xi32>,
      %mul3A_391 = arith.constant 16 : i32
      %mul3A_392 = arith.muli %while3A_386, %mul3A_391 : i32
      %get3A_393 = arith.index_cast %mul3A_392 : i32 to index
      %get3A_394 = tpu.vector_load %arg8[%get3A_393] {strides = array<i32>} : memref<16400xi32, #tpu.memory_space<vmem>>, vector<16xi32>,
      %shift_right_logical3A_395 = arith.constant 7 : i32
      %shift_right_logical3A_396 = vector.broadcast %shift_right_logical3A_395 : i32 to vector<16xi32>
      %shift_right_logical3A_397 = arith.shrui %get3A_390, %shift_right_logical3A_396 : vector<16xi32>
      %sub3A_398 = vector.broadcast %add3A_4 : i32 to vector<16xi32>
      %sub3A_399 = arith.subi %shift_right_logical3A_397, %sub3A_398 : vector<16xi32>
      %shift_right_logical3A_400 = arith.constant 4 : i32
      %shift_right_logical3A_401 = vector.broadcast %shift_right_logical3A_400 : i32 to vector<16xi32>
      %shift_right_logical3A_402 = arith.shrui %sub3A_399, %shift_right_logical3A_401 : vector<16xi32>
      %and3A_403 = arith.constant 1 : i32
      %and3A_404 = vector.broadcast %and3A_403 : i32 to vector<16xi32>
      %and3A_405 = arith.andi %shift_right_logical3A_402, %and3A_404 : vector<16xi32>
      %eq3A = arith.constant 1 : i32
      %eq3A_406 = vector.broadcast %eq3A : i32 to vector<16xi32>
      %eq3A_407 = arith.cmpi eq, %and3A_405, %eq3A_406 : vector<16xi32>
      %mul3A_408 = arith.constant 16 : i32
      %mul3A_409 = arith.muli %while3A_386, %mul3A_408 : i32
      %add3A_410 = vector.broadcast %mul3A_409 : i32 to vector<16xi32>
      %add3A_411 = arith.addi %add3A_410, %iota3A : vector<16xi32>
      %lt3A_412 = vector.broadcast %scan3A_12 : i32 to vector<16xi32>
      %lt3A_413 = arith.cmpi slt, %add3A_411, %lt3A_412 : vector<16xi32>
      %and3A_414 = arith.andi %eq3A_407, %lt3A_413 : vector<16xi1>
      %convert_element_type3A_415 = arith.extui %and3A_414 : vector<16xi1> to vector<16xi32>
      %broadcast_in_dim3A = arith.constant true
      %broadcast_in_dim3A_416 = vector.broadcast %broadcast_in_dim3A : i1 to vector<16xi1>
      %masked_cumsum3A = tpu.scan <sum>, %convert_element_type3A_415 masked %broadcast_in_dim3A_416 : vector<16xi32>, vector<16xi1> -> vector<16xi32>
      %add3A_417 = vector.broadcast %while3A_387 : i32 to vector<16xi32>
      %add3A_418 = arith.addi %add3A_417, %masked_cumsum3A : vector<16xi32>
      %sub3A_419 = arith.subi %add3A_418, %convert_element_type3A_415 : vector<16xi32>
      %jit3A_420 = arith.constant 16392 : i32
      %broadcast_in_dim3A_421 = vector.broadcast %jit3A_420 : i32 to vector<16xi32>
      %select_n3A_422 = arith.select %and3A_414, %sub3A_419, %broadcast_in_dim3A_421 : vector<16xi1>, vector<16xi32>
      tpu.vector_store_idx %arg6[%select_n3A_422], %get3A_390 : memref<16400xi32, #tpu.memory_space<vmem>>[vector<16xi32>], vector<16xi32>,
      tpu.vector_store_idx %arg9[%select_n3A_422], %get3A_394 : memref<16400xi32, #tpu.memory_space<vmem>>[vector<16xi32>], vector<16xi32>,
      %slice3A = vector.extract_strided_slice %masked_cumsum3A {offsets = [15], sizes = [1], strides = [1]} : vector<16xi32> to vector<1xi32>
      %squeeze3A = vector.extract %slice3A[0] : i32 from vector<1xi32>
      %add3A_423 = arith.addi %while3A_387, %squeeze3A : i32
      scf.yield %add3A_423 : i32
    }
    %while3A_129 = arith.constant 1 : i32
    %while3A_130 = scf.for %while3A_386 = %while3A_126 to %while3A_122 step %while3A_129 iter_args(%while3A_387 = %while3A_128) -> (i32)  : i32 {
      %mul3A_388 = arith.constant 16 : i32
      %mul3A_389 = arith.muli %while3A_386, %mul3A_388 : i32
      %get3A = arith.index_cast %mul3A_389 : i32 to index
      %get3A_390 = tpu.vector_load %arg7[%get3A] {strides = array<i32>} : memref<16400xi32, #tpu.memory_space<vmem>>, vector<16xi32>,
      %mul3A_391 = arith.constant 16 : i32
      %mul3A_392 = arith.muli %while3A_386, %mul3A_391 : i32
      %get3A_393 = arith.index_cast %mul3A_392 : i32 to index
      %get3A_394 = tpu.vector_load %arg8[%get3A_393] {strides = array<i32>} : memref<16400xi32, #tpu.memory_space<vmem>>, vector<16xi32>,
      %shift_right_logical3A_395 = arith.constant 7 : i32
      %shift_right_logical3A_396 = vector.broadcast %shift_right_logical3A_395 : i32 to vector<16xi32>
      %shift_right_logical3A_397 = arith.shrui %get3A_390, %shift_right_logical3A_396 : vector<16xi32>
      %sub3A_398 = vector.broadcast %add3A_4 : i32 to vector<16xi32>
      %sub3A_399 = arith.subi %shift_right_logical3A_397, %sub3A_398 : vector<16xi32>
      %shift_right_logical3A_400 = arith.constant 4 : i32
      %shift_right_logical3A_401 = vector.broadcast %shift_right_logical3A_400 : i32 to vector<16xi32>
      %shift_right_logical3A_402 = arith.shrui %sub3A_399, %shift_right_logical3A_401 : vector<16xi32>
      %and3A_403 = arith.constant 1 : i32
      %and3A_404 = vector.broadcast %and3A_403 : i32 to vector<16xi32>
      %and3A_405 = arith.andi %shift_right_logical3A_402, %and3A_404 : vector<16xi32>
      %eq3A = arith.constant 1 : i32
      %eq3A_406 = vector.broadcast %eq3A : i32 to vector<16xi32>
      %eq3A_407 = arith.cmpi eq, %and3A_405, %eq3A_406 : vector<16xi32>
      %mul3A_408 = arith.constant 16 : i32
      %mul3A_409 = arith.muli %while3A_386, %mul3A_408 : i32
      %add3A_410 = vector.broadcast %mul3A_409 : i32 to vector<16xi32>
      %add3A_411 = arith.addi %add3A_410, %iota3A : vector<16xi32>
      %lt3A_412 = vector.broadcast %scan3A_12 : i32 to vector<16xi32>
      %lt3A_413 = arith.cmpi slt, %add3A_411, %lt3A_412 : vector<16xi32>
      %and3A_414 = arith.andi %eq3A_407, %lt3A_413 : vector<16xi1>
      %convert_element_type3A_415 = arith.extui %and3A_414 : vector<16xi1> to vector<16xi32>
      %broadcast_in_dim3A = arith.constant true
      %broadcast_in_dim3A_416 = vector.broadcast %broadcast_in_dim3A : i1 to vector<16xi1>
      %masked_cumsum3A = tpu.scan <sum>, %convert_element_type3A_415 masked %broadcast_in_dim3A_416 : vector<16xi32>, vector<16xi1> -> vector<16xi32>
      %add3A_417 = vector.broadcast %while3A_387 : i32 to vector<16xi32>
      %add3A_418 = arith.addi %add3A_417, %masked_cumsum3A : vector<16xi32>
      %sub3A_419 = arith.subi %add3A_418, %convert_element_type3A_415 : vector<16xi32>
      %jit3A_420 = arith.constant 16392 : i32
      %broadcast_in_dim3A_421 = vector.broadcast %jit3A_420 : i32 to vector<16xi32>
      %select_n3A_422 = arith.select %and3A_414, %sub3A_419, %broadcast_in_dim3A_421 : vector<16xi1>, vector<16xi32>
      tpu.vector_store_idx %arg6[%select_n3A_422], %get3A_390 : memref<16400xi32, #tpu.memory_space<vmem>>[vector<16xi32>], vector<16xi32>,
      tpu.vector_store_idx %arg9[%select_n3A_422], %get3A_394 : memref<16400xi32, #tpu.memory_space<vmem>>[vector<16xi32>], vector<16xi32>,
      %slice3A = vector.extract_strided_slice %masked_cumsum3A {offsets = [15], sizes = [1], strides = [1]} : vector<16xi32> to vector<1xi32>
      %squeeze3A = vector.extract %slice3A[0] : i32 from vector<1xi32>
      %add3A_423 = arith.addi %while3A_387, %squeeze3A : i32
      scf.yield %add3A_423 : i32
    }
    %while3A_131 = arith.constant 0 : i32
    %while3A_132 = arith.constant 0 : i32
    %while3A_133 = arith.subi %shift_right_logical3A_16, %while3A_131 : i32
    %while3A_134 = arith.addi %while3A_131, %while3A_133 : i32
    %while3A_135 = arith.constant 1 : i32
    %while3A_136 = arith.divsi %while3A_133, %while3A_135 : i32
    %while3A_137 = arith.muli %while3A_136, %while3A_135 : i32
    %while3A_138 = arith.addi %while3A_131, %while3A_137 : i32
    %while3A_139 = arith.constant 1 : i32
    %while3A_140 = scf.for %while3A_386 = %while3A_131 to %while3A_138 step %while3A_139 iter_args(%while3A_387 = %while3A_132) -> (i32)  : i32 {
      %mul3A_388 = arith.constant 16 : i32
      %mul3A_389 = arith.muli %while3A_386, %mul3A_388 : i32
      %get3A = arith.index_cast %mul3A_389 : i32 to index
      %get3A_390 = tpu.vector_load %arg6[%get3A] {strides = array<i32>} : memref<16400xi32, #tpu.memory_space<vmem>>, vector<16xi32>,
      %mul3A_391 = arith.constant 16 : i32
      %mul3A_392 = arith.muli %while3A_386, %mul3A_391 : i32
      %get3A_393 = arith.index_cast %mul3A_392 : i32 to index
      %get3A_394 = tpu.vector_load %arg9[%get3A_393] {strides = array<i32>} : memref<16400xi32, #tpu.memory_space<vmem>>, vector<16xi32>,
      %shift_right_logical3A_395 = arith.constant 7 : i32
      %shift_right_logical3A_396 = vector.broadcast %shift_right_logical3A_395 : i32 to vector<16xi32>
      %shift_right_logical3A_397 = arith.shrui %get3A_390, %shift_right_logical3A_396 : vector<16xi32>
      %sub3A_398 = vector.broadcast %add3A_4 : i32 to vector<16xi32>
      %sub3A_399 = arith.subi %shift_right_logical3A_397, %sub3A_398 : vector<16xi32>
      %shift_right_logical3A_400 = arith.constant 5 : i32
      %shift_right_logical3A_401 = vector.broadcast %shift_right_logical3A_400 : i32 to vector<16xi32>
      %shift_right_logical3A_402 = arith.shrui %sub3A_399, %shift_right_logical3A_401 : vector<16xi32>
      %and3A_403 = arith.constant 1 : i32
      %and3A_404 = vector.broadcast %and3A_403 : i32 to vector<16xi32>
      %and3A_405 = arith.andi %shift_right_logical3A_402, %and3A_404 : vector<16xi32>
      %eq3A = arith.constant 0 : i32
      %eq3A_406 = vector.broadcast %eq3A : i32 to vector<16xi32>
      %eq3A_407 = arith.cmpi eq, %and3A_405, %eq3A_406 : vector<16xi32>
      %mul3A_408 = arith.constant 16 : i32
      %mul3A_409 = arith.muli %while3A_386, %mul3A_408 : i32
      %add3A_410 = vector.broadcast %mul3A_409 : i32 to vector<16xi32>
      %add3A_411 = arith.addi %add3A_410, %iota3A : vector<16xi32>
      %lt3A_412 = vector.broadcast %scan3A_12 : i32 to vector<16xi32>
      %lt3A_413 = arith.cmpi slt, %add3A_411, %lt3A_412 : vector<16xi32>
      %and3A_414 = arith.andi %eq3A_407, %lt3A_413 : vector<16xi1>
      %convert_element_type3A_415 = arith.extui %and3A_414 : vector<16xi1> to vector<16xi32>
      %broadcast_in_dim3A = arith.constant true
      %broadcast_in_dim3A_416 = vector.broadcast %broadcast_in_dim3A : i1 to vector<16xi1>
      %masked_cumsum3A = tpu.scan <sum>, %convert_element_type3A_415 masked %broadcast_in_dim3A_416 : vector<16xi32>, vector<16xi1> -> vector<16xi32>
      %add3A_417 = vector.broadcast %while3A_387 : i32 to vector<16xi32>
      %add3A_418 = arith.addi %add3A_417, %masked_cumsum3A : vector<16xi32>
      %sub3A_419 = arith.subi %add3A_418, %convert_element_type3A_415 : vector<16xi32>
      %jit3A_420 = arith.constant 16392 : i32
      %broadcast_in_dim3A_421 = vector.broadcast %jit3A_420 : i32 to vector<16xi32>
      %select_n3A_422 = arith.select %and3A_414, %sub3A_419, %broadcast_in_dim3A_421 : vector<16xi1>, vector<16xi32>
      tpu.vector_store_idx %arg7[%select_n3A_422], %get3A_390 : memref<16400xi32, #tpu.memory_space<vmem>>[vector<16xi32>], vector<16xi32>,
      tpu.vector_store_idx %arg8[%select_n3A_422], %get3A_394 : memref<16400xi32, #tpu.memory_space<vmem>>[vector<16xi32>], vector<16xi32>,
      %slice3A = vector.extract_strided_slice %masked_cumsum3A {offsets = [15], sizes = [1], strides = [1]} : vector<16xi32> to vector<1xi32>
      %squeeze3A = vector.extract %slice3A[0] : i32 from vector<1xi32>
      %add3A_423 = arith.addi %while3A_387, %squeeze3A : i32
      scf.yield %add3A_423 : i32
    }
    %while3A_141 = arith.constant 1 : i32
    %while3A_142 = scf.for %while3A_386 = %while3A_138 to %while3A_134 step %while3A_141 iter_args(%while3A_387 = %while3A_140) -> (i32)  : i32 {
      %mul3A_388 = arith.constant 16 : i32
      %mul3A_389 = arith.muli %while3A_386, %mul3A_388 : i32
      %get3A = arith.index_cast %mul3A_389 : i32 to index
      %get3A_390 = tpu.vector_load %arg6[%get3A] {strides = array<i32>} : memref<16400xi32, #tpu.memory_space<vmem>>, vector<16xi32>,
      %mul3A_391 = arith.constant 16 : i32
      %mul3A_392 = arith.muli %while3A_386, %mul3A_391 : i32
      %get3A_393 = arith.index_cast %mul3A_392 : i32 to index
      %get3A_394 = tpu.vector_load %arg9[%get3A_393] {strides = array<i32>} : memref<16400xi32, #tpu.memory_space<vmem>>, vector<16xi32>,
      %shift_right_logical3A_395 = arith.constant 7 : i32
      %shift_right_logical3A_396 = vector.broadcast %shift_right_logical3A_395 : i32 to vector<16xi32>
      %shift_right_logical3A_397 = arith.shrui %get3A_390, %shift_right_logical3A_396 : vector<16xi32>
      %sub3A_398 = vector.broadcast %add3A_4 : i32 to vector<16xi32>
      %sub3A_399 = arith.subi %shift_right_logical3A_397, %sub3A_398 : vector<16xi32>
      %shift_right_logical3A_400 = arith.constant 5 : i32
      %shift_right_logical3A_401 = vector.broadcast %shift_right_logical3A_400 : i32 to vector<16xi32>
      %shift_right_logical3A_402 = arith.shrui %sub3A_399, %shift_right_logical3A_401 : vector<16xi32>
      %and3A_403 = arith.constant 1 : i32
      %and3A_404 = vector.broadcast %and3A_403 : i32 to vector<16xi32>
      %and3A_405 = arith.andi %shift_right_logical3A_402, %and3A_404 : vector<16xi32>
      %eq3A = arith.constant 0 : i32
      %eq3A_406 = vector.broadcast %eq3A : i32 to vector<16xi32>
      %eq3A_407 = arith.cmpi eq, %and3A_405, %eq3A_406 : vector<16xi32>
      %mul3A_408 = arith.constant 16 : i32
      %mul3A_409 = arith.muli %while3A_386, %mul3A_408 : i32
      %add3A_410 = vector.broadcast %mul3A_409 : i32 to vector<16xi32>
      %add3A_411 = arith.addi %add3A_410, %iota3A : vector<16xi32>
      %lt3A_412 = vector.broadcast %scan3A_12 : i32 to vector<16xi32>
      %lt3A_413 = arith.cmpi slt, %add3A_411, %lt3A_412 : vector<16xi32>
      %and3A_414 = arith.andi %eq3A_407, %lt3A_413 : vector<16xi1>
      %convert_element_type3A_415 = arith.extui %and3A_414 : vector<16xi1> to vector<16xi32>
      %broadcast_in_dim3A = arith.constant true
      %broadcast_in_dim3A_416 = vector.broadcast %broadcast_in_dim3A : i1 to vector<16xi1>
      %masked_cumsum3A = tpu.scan <sum>, %convert_element_type3A_415 masked %broadcast_in_dim3A_416 : vector<16xi32>, vector<16xi1> -> vector<16xi32>
      %add3A_417 = vector.broadcast %while3A_387 : i32 to vector<16xi32>
      %add3A_418 = arith.addi %add3A_417, %masked_cumsum3A : vector<16xi32>
      %sub3A_419 = arith.subi %add3A_418, %convert_element_type3A_415 : vector<16xi32>
      %jit3A_420 = arith.constant 16392 : i32
      %broadcast_in_dim3A_421 = vector.broadcast %jit3A_420 : i32 to vector<16xi32>
      %select_n3A_422 = arith.select %and3A_414, %sub3A_419, %broadcast_in_dim3A_421 : vector<16xi1>, vector<16xi32>
      tpu.vector_store_idx %arg7[%select_n3A_422], %get3A_390 : memref<16400xi32, #tpu.memory_space<vmem>>[vector<16xi32>], vector<16xi32>,
      tpu.vector_store_idx %arg8[%select_n3A_422], %get3A_394 : memref<16400xi32, #tpu.memory_space<vmem>>[vector<16xi32>], vector<16xi32>,
      %slice3A = vector.extract_strided_slice %masked_cumsum3A {offsets = [15], sizes = [1], strides = [1]} : vector<16xi32> to vector<1xi32>
      %squeeze3A = vector.extract %slice3A[0] : i32 from vector<1xi32>
      %add3A_423 = arith.addi %while3A_387, %squeeze3A : i32
      scf.yield %add3A_423 : i32
    }
    %while3A_143 = arith.constant 0 : i32
    %while3A_144 = arith.subi %shift_right_logical3A_16, %while3A_143 : i32
    %while3A_145 = arith.addi %while3A_143, %while3A_144 : i32
    %while3A_146 = arith.constant 1 : i32
    %while3A_147 = arith.divsi %while3A_144, %while3A_146 : i32
    %while3A_148 = arith.muli %while3A_147, %while3A_146 : i32
    %while3A_149 = arith.addi %while3A_143, %while3A_148 : i32
    %while3A_150 = arith.constant 1 : i32
    %while3A_151 = scf.for %while3A_386 = %while3A_143 to %while3A_149 step %while3A_150 iter_args(%while3A_387 = %while3A_142) -> (i32)  : i32 {
      %mul3A_388 = arith.constant 16 : i32
      %mul3A_389 = arith.muli %while3A_386, %mul3A_388 : i32
      %get3A = arith.index_cast %mul3A_389 : i32 to index
      %get3A_390 = tpu.vector_load %arg6[%get3A] {strides = array<i32>} : memref<16400xi32, #tpu.memory_space<vmem>>, vector<16xi32>,
      %mul3A_391 = arith.constant 16 : i32
      %mul3A_392 = arith.muli %while3A_386, %mul3A_391 : i32
      %get3A_393 = arith.index_cast %mul3A_392 : i32 to index
      %get3A_394 = tpu.vector_load %arg9[%get3A_393] {strides = array<i32>} : memref<16400xi32, #tpu.memory_space<vmem>>, vector<16xi32>,
      %shift_right_logical3A_395 = arith.constant 7 : i32
      %shift_right_logical3A_396 = vector.broadcast %shift_right_logical3A_395 : i32 to vector<16xi32>
      %shift_right_logical3A_397 = arith.shrui %get3A_390, %shift_right_logical3A_396 : vector<16xi32>
      %sub3A_398 = vector.broadcast %add3A_4 : i32 to vector<16xi32>
      %sub3A_399 = arith.subi %shift_right_logical3A_397, %sub3A_398 : vector<16xi32>
      %shift_right_logical3A_400 = arith.constant 5 : i32
      %shift_right_logical3A_401 = vector.broadcast %shift_right_logical3A_400 : i32 to vector<16xi32>
      %shift_right_logical3A_402 = arith.shrui %sub3A_399, %shift_right_logical3A_401 : vector<16xi32>
      %and3A_403 = arith.constant 1 : i32
      %and3A_404 = vector.broadcast %and3A_403 : i32 to vector<16xi32>
      %and3A_405 = arith.andi %shift_right_logical3A_402, %and3A_404 : vector<16xi32>
      %eq3A = arith.constant 1 : i32
      %eq3A_406 = vector.broadcast %eq3A : i32 to vector<16xi32>
      %eq3A_407 = arith.cmpi eq, %and3A_405, %eq3A_406 : vector<16xi32>
      %mul3A_408 = arith.constant 16 : i32
      %mul3A_409 = arith.muli %while3A_386, %mul3A_408 : i32
      %add3A_410 = vector.broadcast %mul3A_409 : i32 to vector<16xi32>
      %add3A_411 = arith.addi %add3A_410, %iota3A : vector<16xi32>
      %lt3A_412 = vector.broadcast %scan3A_12 : i32 to vector<16xi32>
      %lt3A_413 = arith.cmpi slt, %add3A_411, %lt3A_412 : vector<16xi32>
      %and3A_414 = arith.andi %eq3A_407, %lt3A_413 : vector<16xi1>
      %convert_element_type3A_415 = arith.extui %and3A_414 : vector<16xi1> to vector<16xi32>
      %broadcast_in_dim3A = arith.constant true
      %broadcast_in_dim3A_416 = vector.broadcast %broadcast_in_dim3A : i1 to vector<16xi1>
      %masked_cumsum3A = tpu.scan <sum>, %convert_element_type3A_415 masked %broadcast_in_dim3A_416 : vector<16xi32>, vector<16xi1> -> vector<16xi32>
      %add3A_417 = vector.broadcast %while3A_387 : i32 to vector<16xi32>
      %add3A_418 = arith.addi %add3A_417, %masked_cumsum3A : vector<16xi32>
      %sub3A_419 = arith.subi %add3A_418, %convert_element_type3A_415 : vector<16xi32>
      %jit3A_420 = arith.constant 16392 : i32
      %broadcast_in_dim3A_421 = vector.broadcast %jit3A_420 : i32 to vector<16xi32>
      %select_n3A_422 = arith.select %and3A_414, %sub3A_419, %broadcast_in_dim3A_421 : vector<16xi1>, vector<16xi32>
      tpu.vector_store_idx %arg7[%select_n3A_422], %get3A_390 : memref<16400xi32, #tpu.memory_space<vmem>>[vector<16xi32>], vector<16xi32>,
      tpu.vector_store_idx %arg8[%select_n3A_422], %get3A_394 : memref<16400xi32, #tpu.memory_space<vmem>>[vector<16xi32>], vector<16xi32>,
      %slice3A = vector.extract_strided_slice %masked_cumsum3A {offsets = [15], sizes = [1], strides = [1]} : vector<16xi32> to vector<1xi32>
      %squeeze3A = vector.extract %slice3A[0] : i32 from vector<1xi32>
      %add3A_423 = arith.addi %while3A_387, %squeeze3A : i32
      scf.yield %add3A_423 : i32
    }
    %while3A_152 = arith.constant 1 : i32
    %while3A_153 = scf.for %while3A_386 = %while3A_149 to %while3A_145 step %while3A_152 iter_args(%while3A_387 = %while3A_151) -> (i32)  : i32 {
      %mul3A_388 = arith.constant 16 : i32
      %mul3A_389 = arith.muli %while3A_386, %mul3A_388 : i32
      %get3A = arith.index_cast %mul3A_389 : i32 to index
      %get3A_390 = tpu.vector_load %arg6[%get3A] {strides = array<i32>} : memref<16400xi32, #tpu.memory_space<vmem>>, vector<16xi32>,
      %mul3A_391 = arith.constant 16 : i32
      %mul3A_392 = arith.muli %while3A_386, %mul3A_391 : i32
      %get3A_393 = arith.index_cast %mul3A_392 : i32 to index
      %get3A_394 = tpu.vector_load %arg9[%get3A_393] {strides = array<i32>} : memref<16400xi32, #tpu.memory_space<vmem>>, vector<16xi32>,
      %shift_right_logical3A_395 = arith.constant 7 : i32
      %shift_right_logical3A_396 = vector.broadcast %shift_right_logical3A_395 : i32 to vector<16xi32>
      %shift_right_logical3A_397 = arith.shrui %get3A_390, %shift_right_logical3A_396 : vector<16xi32>
      %sub3A_398 = vector.broadcast %add3A_4 : i32 to vector<16xi32>
      %sub3A_399 = arith.subi %shift_right_logical3A_397, %sub3A_398 : vector<16xi32>
      %shift_right_logical3A_400 = arith.constant 5 : i32
      %shift_right_logical3A_401 = vector.broadcast %shift_right_logical3A_400 : i32 to vector<16xi32>
      %shift_right_logical3A_402 = arith.shrui %sub3A_399, %shift_right_logical3A_401 : vector<16xi32>
      %and3A_403 = arith.constant 1 : i32
      %and3A_404 = vector.broadcast %and3A_403 : i32 to vector<16xi32>
      %and3A_405 = arith.andi %shift_right_logical3A_402, %and3A_404 : vector<16xi32>
      %eq3A = arith.constant 1 : i32
      %eq3A_406 = vector.broadcast %eq3A : i32 to vector<16xi32>
      %eq3A_407 = arith.cmpi eq, %and3A_405, %eq3A_406 : vector<16xi32>
      %mul3A_408 = arith.constant 16 : i32
      %mul3A_409 = arith.muli %while3A_386, %mul3A_408 : i32
      %add3A_410 = vector.broadcast %mul3A_409 : i32 to vector<16xi32>
      %add3A_411 = arith.addi %add3A_410, %iota3A : vector<16xi32>
      %lt3A_412 = vector.broadcast %scan3A_12 : i32 to vector<16xi32>
      %lt3A_413 = arith.cmpi slt, %add3A_411, %lt3A_412 : vector<16xi32>
      %and3A_414 = arith.andi %eq3A_407, %lt3A_413 : vector<16xi1>
      %convert_element_type3A_415 = arith.extui %and3A_414 : vector<16xi1> to vector<16xi32>
      %broadcast_in_dim3A = arith.constant true
      %broadcast_in_dim3A_416 = vector.broadcast %broadcast_in_dim3A : i1 to vector<16xi1>
      %masked_cumsum3A = tpu.scan <sum>, %convert_element_type3A_415 masked %broadcast_in_dim3A_416 : vector<16xi32>, vector<16xi1> -> vector<16xi32>
      %add3A_417 = vector.broadcast %while3A_387 : i32 to vector<16xi32>
      %add3A_418 = arith.addi %add3A_417, %masked_cumsum3A : vector<16xi32>
      %sub3A_419 = arith.subi %add3A_418, %convert_element_type3A_415 : vector<16xi32>
      %jit3A_420 = arith.constant 16392 : i32
      %broadcast_in_dim3A_421 = vector.broadcast %jit3A_420 : i32 to vector<16xi32>
      %select_n3A_422 = arith.select %and3A_414, %sub3A_419, %broadcast_in_dim3A_421 : vector<16xi1>, vector<16xi32>
      tpu.vector_store_idx %arg7[%select_n3A_422], %get3A_390 : memref<16400xi32, #tpu.memory_space<vmem>>[vector<16xi32>], vector<16xi32>,
      tpu.vector_store_idx %arg8[%select_n3A_422], %get3A_394 : memref<16400xi32, #tpu.memory_space<vmem>>[vector<16xi32>], vector<16xi32>,
      %slice3A = vector.extract_strided_slice %masked_cumsum3A {offsets = [15], sizes = [1], strides = [1]} : vector<16xi32> to vector<1xi32>
      %squeeze3A = vector.extract %slice3A[0] : i32 from vector<1xi32>
      %add3A_423 = arith.addi %while3A_387, %squeeze3A : i32
      scf.yield %add3A_423 : i32
    }
    %while3A_154 = arith.constant 0 : i32
    %while3A_155 = arith.constant 0 : i32
    %while3A_156 = arith.subi %shift_right_logical3A_16, %while3A_154 : i32
    %while3A_157 = arith.addi %while3A_154, %while3A_156 : i32
    %while3A_158 = arith.constant 1 : i32
    %while3A_159 = arith.divsi %while3A_156, %while3A_158 : i32
    %while3A_160 = arith.muli %while3A_159, %while3A_158 : i32
    %while3A_161 = arith.addi %while3A_154, %while3A_160 : i32
    %while3A_162 = arith.constant 1 : i32
    %while3A_163 = scf.for %while3A_386 = %while3A_154 to %while3A_161 step %while3A_162 iter_args(%while3A_387 = %while3A_155) -> (i32)  : i32 {
      %mul3A_388 = arith.constant 16 : i32
      %mul3A_389 = arith.muli %while3A_386, %mul3A_388 : i32
      %get3A = arith.index_cast %mul3A_389 : i32 to index
      %get3A_390 = tpu.vector_load %arg7[%get3A] {strides = array<i32>} : memref<16400xi32, #tpu.memory_space<vmem>>, vector<16xi32>,
      %mul3A_391 = arith.constant 16 : i32
      %mul3A_392 = arith.muli %while3A_386, %mul3A_391 : i32
      %get3A_393 = arith.index_cast %mul3A_392 : i32 to index
      %get3A_394 = tpu.vector_load %arg8[%get3A_393] {strides = array<i32>} : memref<16400xi32, #tpu.memory_space<vmem>>, vector<16xi32>,
      %shift_right_logical3A_395 = arith.constant 7 : i32
      %shift_right_logical3A_396 = vector.broadcast %shift_right_logical3A_395 : i32 to vector<16xi32>
      %shift_right_logical3A_397 = arith.shrui %get3A_390, %shift_right_logical3A_396 : vector<16xi32>
      %sub3A_398 = vector.broadcast %add3A_4 : i32 to vector<16xi32>
      %sub3A_399 = arith.subi %shift_right_logical3A_397, %sub3A_398 : vector<16xi32>
      %shift_right_logical3A_400 = arith.constant 6 : i32
      %shift_right_logical3A_401 = vector.broadcast %shift_right_logical3A_400 : i32 to vector<16xi32>
      %shift_right_logical3A_402 = arith.shrui %sub3A_399, %shift_right_logical3A_401 : vector<16xi32>
      %and3A_403 = arith.constant 1 : i32
      %and3A_404 = vector.broadcast %and3A_403 : i32 to vector<16xi32>
      %and3A_405 = arith.andi %shift_right_logical3A_402, %and3A_404 : vector<16xi32>
      %eq3A = arith.constant 0 : i32
      %eq3A_406 = vector.broadcast %eq3A : i32 to vector<16xi32>
      %eq3A_407 = arith.cmpi eq, %and3A_405, %eq3A_406 : vector<16xi32>
      %mul3A_408 = arith.constant 16 : i32
      %mul3A_409 = arith.muli %while3A_386, %mul3A_408 : i32
      %add3A_410 = vector.broadcast %mul3A_409 : i32 to vector<16xi32>
      %add3A_411 = arith.addi %add3A_410, %iota3A : vector<16xi32>
      %lt3A_412 = vector.broadcast %scan3A_12 : i32 to vector<16xi32>
      %lt3A_413 = arith.cmpi slt, %add3A_411, %lt3A_412 : vector<16xi32>
      %and3A_414 = arith.andi %eq3A_407, %lt3A_413 : vector<16xi1>
      %convert_element_type3A_415 = arith.extui %and3A_414 : vector<16xi1> to vector<16xi32>
      %broadcast_in_dim3A = arith.constant true
      %broadcast_in_dim3A_416 = vector.broadcast %broadcast_in_dim3A : i1 to vector<16xi1>
      %masked_cumsum3A = tpu.scan <sum>, %convert_element_type3A_415 masked %broadcast_in_dim3A_416 : vector<16xi32>, vector<16xi1> -> vector<16xi32>
      %add3A_417 = vector.broadcast %while3A_387 : i32 to vector<16xi32>
      %add3A_418 = arith.addi %add3A_417, %masked_cumsum3A : vector<16xi32>
      %sub3A_419 = arith.subi %add3A_418, %convert_element_type3A_415 : vector<16xi32>
      %jit3A_420 = arith.constant 16392 : i32
      %broadcast_in_dim3A_421 = vector.broadcast %jit3A_420 : i32 to vector<16xi32>
      %select_n3A_422 = arith.select %and3A_414, %sub3A_419, %broadcast_in_dim3A_421 : vector<16xi1>, vector<16xi32>
      tpu.vector_store_idx %arg6[%select_n3A_422], %get3A_390 : memref<16400xi32, #tpu.memory_space<vmem>>[vector<16xi32>], vector<16xi32>,
      tpu.vector_store_idx %arg9[%select_n3A_422], %get3A_394 : memref<16400xi32, #tpu.memory_space<vmem>>[vector<16xi32>], vector<16xi32>,
      %slice3A = vector.extract_strided_slice %masked_cumsum3A {offsets = [15], sizes = [1], strides = [1]} : vector<16xi32> to vector<1xi32>
      %squeeze3A = vector.extract %slice3A[0] : i32 from vector<1xi32>
      %add3A_423 = arith.addi %while3A_387, %squeeze3A : i32
      scf.yield %add3A_423 : i32
    }
    %while3A_164 = arith.constant 1 : i32
    %while3A_165 = scf.for %while3A_386 = %while3A_161 to %while3A_157 step %while3A_164 iter_args(%while3A_387 = %while3A_163) -> (i32)  : i32 {
      %mul3A_388 = arith.constant 16 : i32
      %mul3A_389 = arith.muli %while3A_386, %mul3A_388 : i32
      %get3A = arith.index_cast %mul3A_389 : i32 to index
      %get3A_390 = tpu.vector_load %arg7[%get3A] {strides = array<i32>} : memref<16400xi32, #tpu.memory_space<vmem>>, vector<16xi32>,
      %mul3A_391 = arith.constant 16 : i32
      %mul3A_392 = arith.muli %while3A_386, %mul3A_391 : i32
      %get3A_393 = arith.index_cast %mul3A_392 : i32 to index
      %get3A_394 = tpu.vector_load %arg8[%get3A_393] {strides = array<i32>} : memref<16400xi32, #tpu.memory_space<vmem>>, vector<16xi32>,
      %shift_right_logical3A_395 = arith.constant 7 : i32
      %shift_right_logical3A_396 = vector.broadcast %shift_right_logical3A_395 : i32 to vector<16xi32>
      %shift_right_logical3A_397 = arith.shrui %get3A_390, %shift_right_logical3A_396 : vector<16xi32>
      %sub3A_398 = vector.broadcast %add3A_4 : i32 to vector<16xi32>
      %sub3A_399 = arith.subi %shift_right_logical3A_397, %sub3A_398 : vector<16xi32>
      %shift_right_logical3A_400 = arith.constant 6 : i32
      %shift_right_logical3A_401 = vector.broadcast %shift_right_logical3A_400 : i32 to vector<16xi32>
      %shift_right_logical3A_402 = arith.shrui %sub3A_399, %shift_right_logical3A_401 : vector<16xi32>
      %and3A_403 = arith.constant 1 : i32
      %and3A_404 = vector.broadcast %and3A_403 : i32 to vector<16xi32>
      %and3A_405 = arith.andi %shift_right_logical3A_402, %and3A_404 : vector<16xi32>
      %eq3A = arith.constant 0 : i32
      %eq3A_406 = vector.broadcast %eq3A : i32 to vector<16xi32>
      %eq3A_407 = arith.cmpi eq, %and3A_405, %eq3A_406 : vector<16xi32>
      %mul3A_408 = arith.constant 16 : i32
      %mul3A_409 = arith.muli %while3A_386, %mul3A_408 : i32
      %add3A_410 = vector.broadcast %mul3A_409 : i32 to vector<16xi32>
      %add3A_411 = arith.addi %add3A_410, %iota3A : vector<16xi32>
      %lt3A_412 = vector.broadcast %scan3A_12 : i32 to vector<16xi32>
      %lt3A_413 = arith.cmpi slt, %add3A_411, %lt3A_412 : vector<16xi32>
      %and3A_414 = arith.andi %eq3A_407, %lt3A_413 : vector<16xi1>
      %convert_element_type3A_415 = arith.extui %and3A_414 : vector<16xi1> to vector<16xi32>
      %broadcast_in_dim3A = arith.constant true
      %broadcast_in_dim3A_416 = vector.broadcast %broadcast_in_dim3A : i1 to vector<16xi1>
      %masked_cumsum3A = tpu.scan <sum>, %convert_element_type3A_415 masked %broadcast_in_dim3A_416 : vector<16xi32>, vector<16xi1> -> vector<16xi32>
      %add3A_417 = vector.broadcast %while3A_387 : i32 to vector<16xi32>
      %add3A_418 = arith.addi %add3A_417, %masked_cumsum3A : vector<16xi32>
      %sub3A_419 = arith.subi %add3A_418, %convert_element_type3A_415 : vector<16xi32>
      %jit3A_420 = arith.constant 16392 : i32
      %broadcast_in_dim3A_421 = vector.broadcast %jit3A_420 : i32 to vector<16xi32>
      %select_n3A_422 = arith.select %and3A_414, %sub3A_419, %broadcast_in_dim3A_421 : vector<16xi1>, vector<16xi32>
      tpu.vector_store_idx %arg6[%select_n3A_422], %get3A_390 : memref<16400xi32, #tpu.memory_space<vmem>>[vector<16xi32>], vector<16xi32>,
      tpu.vector_store_idx %arg9[%select_n3A_422], %get3A_394 : memref<16400xi32, #tpu.memory_space<vmem>>[vector<16xi32>], vector<16xi32>,
      %slice3A = vector.extract_strided_slice %masked_cumsum3A {offsets = [15], sizes = [1], strides = [1]} : vector<16xi32> to vector<1xi32>
      %squeeze3A = vector.extract %slice3A[0] : i32 from vector<1xi32>
      %add3A_423 = arith.addi %while3A_387, %squeeze3A : i32
      scf.yield %add3A_423 : i32
    }
    %while3A_166 = arith.constant 0 : i32
    %while3A_167 = arith.subi %shift_right_logical3A_16, %while3A_166 : i32
    %while3A_168 = arith.addi %while3A_166, %while3A_167 : i32
    %while3A_169 = arith.constant 1 : i32
    %while3A_170 = arith.divsi %while3A_167, %while3A_169 : i32
    %while3A_171 = arith.muli %while3A_170, %while3A_169 : i32
    %while3A_172 = arith.addi %while3A_166, %while3A_171 : i32
    %while3A_173 = arith.constant 1 : i32
    %while3A_174 = scf.for %while3A_386 = %while3A_166 to %while3A_172 step %while3A_173 iter_args(%while3A_387 = %while3A_165) -> (i32)  : i32 {
      %mul3A_388 = arith.constant 16 : i32
      %mul3A_389 = arith.muli %while3A_386, %mul3A_388 : i32
      %get3A = arith.index_cast %mul3A_389 : i32 to index
      %get3A_390 = tpu.vector_load %arg7[%get3A] {strides = array<i32>} : memref<16400xi32, #tpu.memory_space<vmem>>, vector<16xi32>,
      %mul3A_391 = arith.constant 16 : i32
      %mul3A_392 = arith.muli %while3A_386, %mul3A_391 : i32
      %get3A_393 = arith.index_cast %mul3A_392 : i32 to index
      %get3A_394 = tpu.vector_load %arg8[%get3A_393] {strides = array<i32>} : memref<16400xi32, #tpu.memory_space<vmem>>, vector<16xi32>,
      %shift_right_logical3A_395 = arith.constant 7 : i32
      %shift_right_logical3A_396 = vector.broadcast %shift_right_logical3A_395 : i32 to vector<16xi32>
      %shift_right_logical3A_397 = arith.shrui %get3A_390, %shift_right_logical3A_396 : vector<16xi32>
      %sub3A_398 = vector.broadcast %add3A_4 : i32 to vector<16xi32>
      %sub3A_399 = arith.subi %shift_right_logical3A_397, %sub3A_398 : vector<16xi32>
      %shift_right_logical3A_400 = arith.constant 6 : i32
      %shift_right_logical3A_401 = vector.broadcast %shift_right_logical3A_400 : i32 to vector<16xi32>
      %shift_right_logical3A_402 = arith.shrui %sub3A_399, %shift_right_logical3A_401 : vector<16xi32>
      %and3A_403 = arith.constant 1 : i32
      %and3A_404 = vector.broadcast %and3A_403 : i32 to vector<16xi32>
      %and3A_405 = arith.andi %shift_right_logical3A_402, %and3A_404 : vector<16xi32>
      %eq3A = arith.constant 1 : i32
      %eq3A_406 = vector.broadcast %eq3A : i32 to vector<16xi32>
      %eq3A_407 = arith.cmpi eq, %and3A_405, %eq3A_406 : vector<16xi32>
      %mul3A_408 = arith.constant 16 : i32
      %mul3A_409 = arith.muli %while3A_386, %mul3A_408 : i32
      %add3A_410 = vector.broadcast %mul3A_409 : i32 to vector<16xi32>
      %add3A_411 = arith.addi %add3A_410, %iota3A : vector<16xi32>
      %lt3A_412 = vector.broadcast %scan3A_12 : i32 to vector<16xi32>
      %lt3A_413 = arith.cmpi slt, %add3A_411, %lt3A_412 : vector<16xi32>
      %and3A_414 = arith.andi %eq3A_407, %lt3A_413 : vector<16xi1>
      %convert_element_type3A_415 = arith.extui %and3A_414 : vector<16xi1> to vector<16xi32>
      %broadcast_in_dim3A = arith.constant true
      %broadcast_in_dim3A_416 = vector.broadcast %broadcast_in_dim3A : i1 to vector<16xi1>
      %masked_cumsum3A = tpu.scan <sum>, %convert_element_type3A_415 masked %broadcast_in_dim3A_416 : vector<16xi32>, vector<16xi1> -> vector<16xi32>
      %add3A_417 = vector.broadcast %while3A_387 : i32 to vector<16xi32>
      %add3A_418 = arith.addi %add3A_417, %masked_cumsum3A : vector<16xi32>
      %sub3A_419 = arith.subi %add3A_418, %convert_element_type3A_415 : vector<16xi32>
      %jit3A_420 = arith.constant 16392 : i32
      %broadcast_in_dim3A_421 = vector.broadcast %jit3A_420 : i32 to vector<16xi32>
      %select_n3A_422 = arith.select %and3A_414, %sub3A_419, %broadcast_in_dim3A_421 : vector<16xi1>, vector<16xi32>
      tpu.vector_store_idx %arg6[%select_n3A_422], %get3A_390 : memref<16400xi32, #tpu.memory_space<vmem>>[vector<16xi32>], vector<16xi32>,
      tpu.vector_store_idx %arg9[%select_n3A_422], %get3A_394 : memref<16400xi32, #tpu.memory_space<vmem>>[vector<16xi32>], vector<16xi32>,
      %slice3A = vector.extract_strided_slice %masked_cumsum3A {offsets = [15], sizes = [1], strides = [1]} : vector<16xi32> to vector<1xi32>
      %squeeze3A = vector.extract %slice3A[0] : i32 from vector<1xi32>
      %add3A_423 = arith.addi %while3A_387, %squeeze3A : i32
      scf.yield %add3A_423 : i32
    }
    %while3A_175 = arith.constant 1 : i32
    %while3A_176 = scf.for %while3A_386 = %while3A_172 to %while3A_168 step %while3A_175 iter_args(%while3A_387 = %while3A_174) -> (i32)  : i32 {
      %mul3A_388 = arith.constant 16 : i32
      %mul3A_389 = arith.muli %while3A_386, %mul3A_388 : i32
      %get3A = arith.index_cast %mul3A_389 : i32 to index
      %get3A_390 = tpu.vector_load %arg7[%get3A] {strides = array<i32>} : memref<16400xi32, #tpu.memory_space<vmem>>, vector<16xi32>,
      %mul3A_391 = arith.constant 16 : i32
      %mul3A_392 = arith.muli %while3A_386, %mul3A_391 : i32
      %get3A_393 = arith.index_cast %mul3A_392 : i32 to index
      %get3A_394 = tpu.vector_load %arg8[%get3A_393] {strides = array<i32>} : memref<16400xi32, #tpu.memory_space<vmem>>, vector<16xi32>,
      %shift_right_logical3A_395 = arith.constant 7 : i32
      %shift_right_logical3A_396 = vector.broadcast %shift_right_logical3A_395 : i32 to vector<16xi32>
      %shift_right_logical3A_397 = arith.shrui %get3A_390, %shift_right_logical3A_396 : vector<16xi32>
      %sub3A_398 = vector.broadcast %add3A_4 : i32 to vector<16xi32>
      %sub3A_399 = arith.subi %shift_right_logical3A_397, %sub3A_398 : vector<16xi32>
      %shift_right_logical3A_400 = arith.constant 6 : i32
      %shift_right_logical3A_401 = vector.broadcast %shift_right_logical3A_400 : i32 to vector<16xi32>
      %shift_right_logical3A_402 = arith.shrui %sub3A_399, %shift_right_logical3A_401 : vector<16xi32>
      %and3A_403 = arith.constant 1 : i32
      %and3A_404 = vector.broadcast %and3A_403 : i32 to vector<16xi32>
      %and3A_405 = arith.andi %shift_right_logical3A_402, %and3A_404 : vector<16xi32>
      %eq3A = arith.constant 1 : i32
      %eq3A_406 = vector.broadcast %eq3A : i32 to vector<16xi32>
      %eq3A_407 = arith.cmpi eq, %and3A_405, %eq3A_406 : vector<16xi32>
      %mul3A_408 = arith.constant 16 : i32
      %mul3A_409 = arith.muli %while3A_386, %mul3A_408 : i32
      %add3A_410 = vector.broadcast %mul3A_409 : i32 to vector<16xi32>
      %add3A_411 = arith.addi %add3A_410, %iota3A : vector<16xi32>
      %lt3A_412 = vector.broadcast %scan3A_12 : i32 to vector<16xi32>
      %lt3A_413 = arith.cmpi slt, %add3A_411, %lt3A_412 : vector<16xi32>
      %and3A_414 = arith.andi %eq3A_407, %lt3A_413 : vector<16xi1>
      %convert_element_type3A_415 = arith.extui %and3A_414 : vector<16xi1> to vector<16xi32>
      %broadcast_in_dim3A = arith.constant true
      %broadcast_in_dim3A_416 = vector.broadcast %broadcast_in_dim3A : i1 to vector<16xi1>
      %masked_cumsum3A = tpu.scan <sum>, %convert_element_type3A_415 masked %broadcast_in_dim3A_416 : vector<16xi32>, vector<16xi1> -> vector<16xi32>
      %add3A_417 = vector.broadcast %while3A_387 : i32 to vector<16xi32>
      %add3A_418 = arith.addi %add3A_417, %masked_cumsum3A : vector<16xi32>
      %sub3A_419 = arith.subi %add3A_418, %convert_element_type3A_415 : vector<16xi32>
      %jit3A_420 = arith.constant 16392 : i32
      %broadcast_in_dim3A_421 = vector.broadcast %jit3A_420 : i32 to vector<16xi32>
      %select_n3A_422 = arith.select %and3A_414, %sub3A_419, %broadcast_in_dim3A_421 : vector<16xi1>, vector<16xi32>
      tpu.vector_store_idx %arg6[%select_n3A_422], %get3A_390 : memref<16400xi32, #tpu.memory_space<vmem>>[vector<16xi32>], vector<16xi32>,
      tpu.vector_store_idx %arg9[%select_n3A_422], %get3A_394 : memref<16400xi32, #tpu.memory_space<vmem>>[vector<16xi32>], vector<16xi32>,
      %slice3A = vector.extract_strided_slice %masked_cumsum3A {offsets = [15], sizes = [1], strides = [1]} : vector<16xi32> to vector<1xi32>
      %squeeze3A = vector.extract %slice3A[0] : i32 from vector<1xi32>
      %add3A_423 = arith.addi %while3A_387, %squeeze3A : i32
      scf.yield %add3A_423 : i32
    }
    %while3A_177 = arith.constant 0 : i32
    %while3A_178 = arith.constant 0 : i32
    %while3A_179 = arith.subi %shift_right_logical3A_16, %while3A_177 : i32
    %while3A_180 = arith.addi %while3A_177, %while3A_179 : i32
    %while3A_181 = arith.constant 1 : i32
    %while3A_182 = arith.divsi %while3A_179, %while3A_181 : i32
    %while3A_183 = arith.muli %while3A_182, %while3A_181 : i32
    %while3A_184 = arith.addi %while3A_177, %while3A_183 : i32
    %while3A_185 = arith.constant 1 : i32
    %while3A_186 = scf.for %while3A_386 = %while3A_177 to %while3A_184 step %while3A_185 iter_args(%while3A_387 = %while3A_178) -> (i32)  : i32 {
      %mul3A_388 = arith.constant 16 : i32
      %mul3A_389 = arith.muli %while3A_386, %mul3A_388 : i32
      %get3A = arith.index_cast %mul3A_389 : i32 to index
      %get3A_390 = tpu.vector_load %arg6[%get3A] {strides = array<i32>} : memref<16400xi32, #tpu.memory_space<vmem>>, vector<16xi32>,
      %mul3A_391 = arith.constant 16 : i32
      %mul3A_392 = arith.muli %while3A_386, %mul3A_391 : i32
      %get3A_393 = arith.index_cast %mul3A_392 : i32 to index
      %get3A_394 = tpu.vector_load %arg9[%get3A_393] {strides = array<i32>} : memref<16400xi32, #tpu.memory_space<vmem>>, vector<16xi32>,
      %shift_right_logical3A_395 = arith.constant 7 : i32
      %shift_right_logical3A_396 = vector.broadcast %shift_right_logical3A_395 : i32 to vector<16xi32>
      %shift_right_logical3A_397 = arith.shrui %get3A_390, %shift_right_logical3A_396 : vector<16xi32>
      %sub3A_398 = vector.broadcast %add3A_4 : i32 to vector<16xi32>
      %sub3A_399 = arith.subi %shift_right_logical3A_397, %sub3A_398 : vector<16xi32>
      %shift_right_logical3A_400 = arith.constant 7 : i32
      %shift_right_logical3A_401 = vector.broadcast %shift_right_logical3A_400 : i32 to vector<16xi32>
      %shift_right_logical3A_402 = arith.shrui %sub3A_399, %shift_right_logical3A_401 : vector<16xi32>
      %and3A_403 = arith.constant 1 : i32
      %and3A_404 = vector.broadcast %and3A_403 : i32 to vector<16xi32>
      %and3A_405 = arith.andi %shift_right_logical3A_402, %and3A_404 : vector<16xi32>
      %eq3A = arith.constant 0 : i32
      %eq3A_406 = vector.broadcast %eq3A : i32 to vector<16xi32>
      %eq3A_407 = arith.cmpi eq, %and3A_405, %eq3A_406 : vector<16xi32>
      %mul3A_408 = arith.constant 16 : i32
      %mul3A_409 = arith.muli %while3A_386, %mul3A_408 : i32
      %add3A_410 = vector.broadcast %mul3A_409 : i32 to vector<16xi32>
      %add3A_411 = arith.addi %add3A_410, %iota3A : vector<16xi32>
      %lt3A_412 = vector.broadcast %scan3A_12 : i32 to vector<16xi32>
      %lt3A_413 = arith.cmpi slt, %add3A_411, %lt3A_412 : vector<16xi32>
      %and3A_414 = arith.andi %eq3A_407, %lt3A_413 : vector<16xi1>
      %convert_element_type3A_415 = arith.extui %and3A_414 : vector<16xi1> to vector<16xi32>
      %broadcast_in_dim3A = arith.constant true
      %broadcast_in_dim3A_416 = vector.broadcast %broadcast_in_dim3A : i1 to vector<16xi1>
      %masked_cumsum3A = tpu.scan <sum>, %convert_element_type3A_415 masked %broadcast_in_dim3A_416 : vector<16xi32>, vector<16xi1> -> vector<16xi32>
      %add3A_417 = vector.broadcast %while3A_387 : i32 to vector<16xi32>
      %add3A_418 = arith.addi %add3A_417, %masked_cumsum3A : vector<16xi32>
      %sub3A_419 = arith.subi %add3A_418, %convert_element_type3A_415 : vector<16xi32>
      %jit3A_420 = arith.constant 16392 : i32
      %broadcast_in_dim3A_421 = vector.broadcast %jit3A_420 : i32 to vector<16xi32>
      %select_n3A_422 = arith.select %and3A_414, %sub3A_419, %broadcast_in_dim3A_421 : vector<16xi1>, vector<16xi32>
      tpu.vector_store_idx %arg7[%select_n3A_422], %get3A_390 : memref<16400xi32, #tpu.memory_space<vmem>>[vector<16xi32>], vector<16xi32>,
      tpu.vector_store_idx %arg8[%select_n3A_422], %get3A_394 : memref<16400xi32, #tpu.memory_space<vmem>>[vector<16xi32>], vector<16xi32>,
      %slice3A = vector.extract_strided_slice %masked_cumsum3A {offsets = [15], sizes = [1], strides = [1]} : vector<16xi32> to vector<1xi32>
      %squeeze3A = vector.extract %slice3A[0] : i32 from vector<1xi32>
      %add3A_423 = arith.addi %while3A_387, %squeeze3A : i32
      scf.yield %add3A_423 : i32
    }
    %while3A_187 = arith.constant 1 : i32
    %while3A_188 = scf.for %while3A_386 = %while3A_184 to %while3A_180 step %while3A_187 iter_args(%while3A_387 = %while3A_186) -> (i32)  : i32 {
      %mul3A_388 = arith.constant 16 : i32
      %mul3A_389 = arith.muli %while3A_386, %mul3A_388 : i32
      %get3A = arith.index_cast %mul3A_389 : i32 to index
      %get3A_390 = tpu.vector_load %arg6[%get3A] {strides = array<i32>} : memref<16400xi32, #tpu.memory_space<vmem>>, vector<16xi32>,
      %mul3A_391 = arith.constant 16 : i32
      %mul3A_392 = arith.muli %while3A_386, %mul3A_391 : i32
      %get3A_393 = arith.index_cast %mul3A_392 : i32 to index
      %get3A_394 = tpu.vector_load %arg9[%get3A_393] {strides = array<i32>} : memref<16400xi32, #tpu.memory_space<vmem>>, vector<16xi32>,
      %shift_right_logical3A_395 = arith.constant 7 : i32
      %shift_right_logical3A_396 = vector.broadcast %shift_right_logical3A_395 : i32 to vector<16xi32>
      %shift_right_logical3A_397 = arith.shrui %get3A_390, %shift_right_logical3A_396 : vector<16xi32>
      %sub3A_398 = vector.broadcast %add3A_4 : i32 to vector<16xi32>
      %sub3A_399 = arith.subi %shift_right_logical3A_397, %sub3A_398 : vector<16xi32>
      %shift_right_logical3A_400 = arith.constant 7 : i32
      %shift_right_logical3A_401 = vector.broadcast %shift_right_logical3A_400 : i32 to vector<16xi32>
      %shift_right_logical3A_402 = arith.shrui %sub3A_399, %shift_right_logical3A_401 : vector<16xi32>
      %and3A_403 = arith.constant 1 : i32
      %and3A_404 = vector.broadcast %and3A_403 : i32 to vector<16xi32>
      %and3A_405 = arith.andi %shift_right_logical3A_402, %and3A_404 : vector<16xi32>
      %eq3A = arith.constant 0 : i32
      %eq3A_406 = vector.broadcast %eq3A : i32 to vector<16xi32>
      %eq3A_407 = arith.cmpi eq, %and3A_405, %eq3A_406 : vector<16xi32>
      %mul3A_408 = arith.constant 16 : i32
      %mul3A_409 = arith.muli %while3A_386, %mul3A_408 : i32
      %add3A_410 = vector.broadcast %mul3A_409 : i32 to vector<16xi32>
      %add3A_411 = arith.addi %add3A_410, %iota3A : vector<16xi32>
      %lt3A_412 = vector.broadcast %scan3A_12 : i32 to vector<16xi32>
      %lt3A_413 = arith.cmpi slt, %add3A_411, %lt3A_412 : vector<16xi32>
      %and3A_414 = arith.andi %eq3A_407, %lt3A_413 : vector<16xi1>
      %convert_element_type3A_415 = arith.extui %and3A_414 : vector<16xi1> to vector<16xi32>
      %broadcast_in_dim3A = arith.constant true
      %broadcast_in_dim3A_416 = vector.broadcast %broadcast_in_dim3A : i1 to vector<16xi1>
      %masked_cumsum3A = tpu.scan <sum>, %convert_element_type3A_415 masked %broadcast_in_dim3A_416 : vector<16xi32>, vector<16xi1> -> vector<16xi32>
      %add3A_417 = vector.broadcast %while3A_387 : i32 to vector<16xi32>
      %add3A_418 = arith.addi %add3A_417, %masked_cumsum3A : vector<16xi32>
      %sub3A_419 = arith.subi %add3A_418, %convert_element_type3A_415 : vector<16xi32>
      %jit3A_420 = arith.constant 16392 : i32
      %broadcast_in_dim3A_421 = vector.broadcast %jit3A_420 : i32 to vector<16xi32>
      %select_n3A_422 = arith.select %and3A_414, %sub3A_419, %broadcast_in_dim3A_421 : vector<16xi1>, vector<16xi32>
      tpu.vector_store_idx %arg7[%select_n3A_422], %get3A_390 : memref<16400xi32, #tpu.memory_space<vmem>>[vector<16xi32>], vector<16xi32>,
      tpu.vector_store_idx %arg8[%select_n3A_422], %get3A_394 : memref<16400xi32, #tpu.memory_space<vmem>>[vector<16xi32>], vector<16xi32>,
      %slice3A = vector.extract_strided_slice %masked_cumsum3A {offsets = [15], sizes = [1], strides = [1]} : vector<16xi32> to vector<1xi32>
      %squeeze3A = vector.extract %slice3A[0] : i32 from vector<1xi32>
      %add3A_423 = arith.addi %while3A_387, %squeeze3A : i32
      scf.yield %add3A_423 : i32
    }
    %while3A_189 = arith.constant 0 : i32
    %while3A_190 = arith.subi %shift_right_logical3A_16, %while3A_189 : i32
    %while3A_191 = arith.addi %while3A_189, %while3A_190 : i32
    %while3A_192 = arith.constant 1 : i32
    %while3A_193 = arith.divsi %while3A_190, %while3A_192 : i32
    %while3A_194 = arith.muli %while3A_193, %while3A_192 : i32
    %while3A_195 = arith.addi %while3A_189, %while3A_194 : i32
    %while3A_196 = arith.constant 1 : i32
    %while3A_197 = scf.for %while3A_386 = %while3A_189 to %while3A_195 step %while3A_196 iter_args(%while3A_387 = %while3A_188) -> (i32)  : i32 {
      %mul3A_388 = arith.constant 16 : i32
      %mul3A_389 = arith.muli %while3A_386, %mul3A_388 : i32
      %get3A = arith.index_cast %mul3A_389 : i32 to index
      %get3A_390 = tpu.vector_load %arg6[%get3A] {strides = array<i32>} : memref<16400xi32, #tpu.memory_space<vmem>>, vector<16xi32>,
      %mul3A_391 = arith.constant 16 : i32
      %mul3A_392 = arith.muli %while3A_386, %mul3A_391 : i32
      %get3A_393 = arith.index_cast %mul3A_392 : i32 to index
      %get3A_394 = tpu.vector_load %arg9[%get3A_393] {strides = array<i32>} : memref<16400xi32, #tpu.memory_space<vmem>>, vector<16xi32>,
      %shift_right_logical3A_395 = arith.constant 7 : i32
      %shift_right_logical3A_396 = vector.broadcast %shift_right_logical3A_395 : i32 to vector<16xi32>
      %shift_right_logical3A_397 = arith.shrui %get3A_390, %shift_right_logical3A_396 : vector<16xi32>
      %sub3A_398 = vector.broadcast %add3A_4 : i32 to vector<16xi32>
      %sub3A_399 = arith.subi %shift_right_logical3A_397, %sub3A_398 : vector<16xi32>
      %shift_right_logical3A_400 = arith.constant 7 : i32
      %shift_right_logical3A_401 = vector.broadcast %shift_right_logical3A_400 : i32 to vector<16xi32>
      %shift_right_logical3A_402 = arith.shrui %sub3A_399, %shift_right_logical3A_401 : vector<16xi32>
      %and3A_403 = arith.constant 1 : i32
      %and3A_404 = vector.broadcast %and3A_403 : i32 to vector<16xi32>
      %and3A_405 = arith.andi %shift_right_logical3A_402, %and3A_404 : vector<16xi32>
      %eq3A = arith.constant 1 : i32
      %eq3A_406 = vector.broadcast %eq3A : i32 to vector<16xi32>
      %eq3A_407 = arith.cmpi eq, %and3A_405, %eq3A_406 : vector<16xi32>
      %mul3A_408 = arith.constant 16 : i32
      %mul3A_409 = arith.muli %while3A_386, %mul3A_408 : i32
      %add3A_410 = vector.broadcast %mul3A_409 : i32 to vector<16xi32>
      %add3A_411 = arith.addi %add3A_410, %iota3A : vector<16xi32>
      %lt3A_412 = vector.broadcast %scan3A_12 : i32 to vector<16xi32>
      %lt3A_413 = arith.cmpi slt, %add3A_411, %lt3A_412 : vector<16xi32>
      %and3A_414 = arith.andi %eq3A_407, %lt3A_413 : vector<16xi1>
      %convert_element_type3A_415 = arith.extui %and3A_414 : vector<16xi1> to vector<16xi32>
      %broadcast_in_dim3A = arith.constant true
      %broadcast_in_dim3A_416 = vector.broadcast %broadcast_in_dim3A : i1 to vector<16xi1>
      %masked_cumsum3A = tpu.scan <sum>, %convert_element_type3A_415 masked %broadcast_in_dim3A_416 : vector<16xi32>, vector<16xi1> -> vector<16xi32>
      %add3A_417 = vector.broadcast %while3A_387 : i32 to vector<16xi32>
      %add3A_418 = arith.addi %add3A_417, %masked_cumsum3A : vector<16xi32>
      %sub3A_419 = arith.subi %add3A_418, %convert_element_type3A_415 : vector<16xi32>
      %jit3A_420 = arith.constant 16392 : i32
      %broadcast_in_dim3A_421 = vector.broadcast %jit3A_420 : i32 to vector<16xi32>
      %select_n3A_422 = arith.select %and3A_414, %sub3A_419, %broadcast_in_dim3A_421 : vector<16xi1>, vector<16xi32>
      tpu.vector_store_idx %arg7[%select_n3A_422], %get3A_390 : memref<16400xi32, #tpu.memory_space<vmem>>[vector<16xi32>], vector<16xi32>,
      tpu.vector_store_idx %arg8[%select_n3A_422], %get3A_394 : memref<16400xi32, #tpu.memory_space<vmem>>[vector<16xi32>], vector<16xi32>,
      %slice3A = vector.extract_strided_slice %masked_cumsum3A {offsets = [15], sizes = [1], strides = [1]} : vector<16xi32> to vector<1xi32>
      %squeeze3A = vector.extract %slice3A[0] : i32 from vector<1xi32>
      %add3A_423 = arith.addi %while3A_387, %squeeze3A : i32
      scf.yield %add3A_423 : i32
    }
    %while3A_198 = arith.constant 1 : i32
    %while3A_199 = scf.for %while3A_386 = %while3A_195 to %while3A_191 step %while3A_198 iter_args(%while3A_387 = %while3A_197) -> (i32)  : i32 {
      %mul3A_388 = arith.constant 16 : i32
      %mul3A_389 = arith.muli %while3A_386, %mul3A_388 : i32
      %get3A = arith.index_cast %mul3A_389 : i32 to index
      %get3A_390 = tpu.vector_load %arg6[%get3A] {strides = array<i32>} : memref<16400xi32, #tpu.memory_space<vmem>>, vector<16xi32>,
      %mul3A_391 = arith.constant 16 : i32
      %mul3A_392 = arith.muli %while3A_386, %mul3A_391 : i32
      %get3A_393 = arith.index_cast %mul3A_392 : i32 to index
      %get3A_394 = tpu.vector_load %arg9[%get3A_393] {strides = array<i32>} : memref<16400xi32, #tpu.memory_space<vmem>>, vector<16xi32>,
      %shift_right_logical3A_395 = arith.constant 7 : i32
      %shift_right_logical3A_396 = vector.broadcast %shift_right_logical3A_395 : i32 to vector<16xi32>
      %shift_right_logical3A_397 = arith.shrui %get3A_390, %shift_right_logical3A_396 : vector<16xi32>
      %sub3A_398 = vector.broadcast %add3A_4 : i32 to vector<16xi32>
      %sub3A_399 = arith.subi %shift_right_logical3A_397, %sub3A_398 : vector<16xi32>
      %shift_right_logical3A_400 = arith.constant 7 : i32
      %shift_right_logical3A_401 = vector.broadcast %shift_right_logical3A_400 : i32 to vector<16xi32>
      %shift_right_logical3A_402 = arith.shrui %sub3A_399, %shift_right_logical3A_401 : vector<16xi32>
      %and3A_403 = arith.constant 1 : i32
      %and3A_404 = vector.broadcast %and3A_403 : i32 to vector<16xi32>
      %and3A_405 = arith.andi %shift_right_logical3A_402, %and3A_404 : vector<16xi32>
      %eq3A = arith.constant 1 : i32
      %eq3A_406 = vector.broadcast %eq3A : i32 to vector<16xi32>
      %eq3A_407 = arith.cmpi eq, %and3A_405, %eq3A_406 : vector<16xi32>
      %mul3A_408 = arith.constant 16 : i32
      %mul3A_409 = arith.muli %while3A_386, %mul3A_408 : i32
      %add3A_410 = vector.broadcast %mul3A_409 : i32 to vector<16xi32>
      %add3A_411 = arith.addi %add3A_410, %iota3A : vector<16xi32>
      %lt3A_412 = vector.broadcast %scan3A_12 : i32 to vector<16xi32>
      %lt3A_413 = arith.cmpi slt, %add3A_411, %lt3A_412 : vector<16xi32>
      %and3A_414 = arith.andi %eq3A_407, %lt3A_413 : vector<16xi1>
      %convert_element_type3A_415 = arith.extui %and3A_414 : vector<16xi1> to vector<16xi32>
      %broadcast_in_dim3A = arith.constant true
      %broadcast_in_dim3A_416 = vector.broadcast %broadcast_in_dim3A : i1 to vector<16xi1>
      %masked_cumsum3A = tpu.scan <sum>, %convert_element_type3A_415 masked %broadcast_in_dim3A_416 : vector<16xi32>, vector<16xi1> -> vector<16xi32>
      %add3A_417 = vector.broadcast %while3A_387 : i32 to vector<16xi32>
      %add3A_418 = arith.addi %add3A_417, %masked_cumsum3A : vector<16xi32>
      %sub3A_419 = arith.subi %add3A_418, %convert_element_type3A_415 : vector<16xi32>
      %jit3A_420 = arith.constant 16392 : i32
      %broadcast_in_dim3A_421 = vector.broadcast %jit3A_420 : i32 to vector<16xi32>
      %select_n3A_422 = arith.select %and3A_414, %sub3A_419, %broadcast_in_dim3A_421 : vector<16xi1>, vector<16xi32>
      tpu.vector_store_idx %arg7[%select_n3A_422], %get3A_390 : memref<16400xi32, #tpu.memory_space<vmem>>[vector<16xi32>], vector<16xi32>,
      tpu.vector_store_idx %arg8[%select_n3A_422], %get3A_394 : memref<16400xi32, #tpu.memory_space<vmem>>[vector<16xi32>], vector<16xi32>,
      %slice3A = vector.extract_strided_slice %masked_cumsum3A {offsets = [15], sizes = [1], strides = [1]} : vector<16xi32> to vector<1xi32>
      %squeeze3A = vector.extract %slice3A[0] : i32 from vector<1xi32>
      %add3A_423 = arith.addi %while3A_387, %squeeze3A : i32
      scf.yield %add3A_423 : i32
    }
    %add3A_200 = arith.constant 0 : i32
    %add3A_201 = arith.addi %add3A_4, %add3A_200 : i32
    %ge3A = arith.constant 7812 : i32
    %ge3A_202 = arith.cmpi sge, %add3A_201, %ge3A : i32
    %convert_element_type3A = arith.extui %ge3A_202 : i1 to i32
    %cond3A = arith.constant 0 : i32
    %cond3A_203 = arith.constant 0 : i32
    %cond3A_204 = arith.cmpi ne, %convert_element_type3A, %cond3A_203 : i32
    %cond3A_205 = scf.if %cond3A_204 -> (i32) {
      tpu.enqueue_dma source(%arg4 : memref<64x128xf32, #tpu.memory_space<hbm>>) target(%arg10 : memref<64x128xf32, #tpu.memory_space<vmem>>) target_semaphore(%arg18 : memref<!tpu.dma_semaphore, #tpu.memory_space<semaphore_mem>>)
      %cond3A_386 = arith.constant 0 : i32
      scf.yield %cond3A_386 : i32
    } else {
      %min3A_386 = arith.constant 7811 : i32
      %min3A_387 = arith.minsi %add3A_201, %min3A_386 : i32
      %mul3A_388 = arith.constant 128 : i32
      %mul3A_389 = arith.muli %min3A_387, %mul3A_388 : i32
      %dma_start3A = arith.constant 0 : i32
      %dma_start3A_390 = tpu.memref_slice %arg3[%dma_start3A, %mul3A_389] : memref<64x1000000xf32, #tpu.memory_space<hbm>> -> memref<64x128xf32, #tpu.memory_space<hbm>>
      %dma_start3A_391 = arith.constant 0 : i32
      %dma_start3A_392 = tpu.memref_slice %arg3[%dma_start3A_391, %mul3A_389] : memref<64x1000000xf32, #tpu.memory_space<hbm>> -> memref<64x128xf32, #tpu.memory_space<hbm>>
      tpu.enqueue_dma source(%dma_start3A_392 : memref<64x128xf32, #tpu.memory_space<hbm>>) target(%arg10 : memref<64x128xf32, #tpu.memory_space<vmem>>) target_semaphore(%arg18 : memref<!tpu.dma_semaphore, #tpu.memory_space<semaphore_mem>>)
      %cond3A_393 = arith.constant 0 : i32
      scf.yield %cond3A_393 : i32
    }
    %add3A_206 = arith.constant 1 : i32
    %add3A_207 = arith.addi %add3A_4, %add3A_206 : i32
    %ge3A_208 = arith.constant 7812 : i32
    %ge3A_209 = arith.cmpi sge, %add3A_207, %ge3A_208 : i32
    %convert_element_type3A_210 = arith.extui %ge3A_209 : i1 to i32
    %cond3A_211 = arith.constant 0 : i32
    %cond3A_212 = arith.constant 0 : i32
    %cond3A_213 = arith.cmpi ne, %convert_element_type3A_210, %cond3A_212 : i32
    %cond3A_214 = scf.if %cond3A_213 -> (i32) {
      tpu.enqueue_dma source(%arg4 : memref<64x128xf32, #tpu.memory_space<hbm>>) target(%arg11 : memref<64x128xf32, #tpu.memory_space<vmem>>) target_semaphore(%arg19 : memref<!tpu.dma_semaphore, #tpu.memory_space<semaphore_mem>>)
      %cond3A_386 = arith.constant 0 : i32
      scf.yield %cond3A_386 : i32
    } else {
      %min3A_386 = arith.constant 7811 : i32
      %min3A_387 = arith.minsi %add3A_207, %min3A_386 : i32
      %mul3A_388 = arith.constant 128 : i32
      %mul3A_389 = arith.muli %min3A_387, %mul3A_388 : i32
      %dma_start3A = arith.constant 0 : i32
      %dma_start3A_390 = tpu.memref_slice %arg3[%dma_start3A, %mul3A_389] : memref<64x1000000xf32, #tpu.memory_space<hbm>> -> memref<64x128xf32, #tpu.memory_space<hbm>>
      %dma_start3A_391 = arith.constant 0 : i32
      %dma_start3A_392 = tpu.memref_slice %arg3[%dma_start3A_391, %mul3A_389] : memref<64x1000000xf32, #tpu.memory_space<hbm>> -> memref<64x128xf32, #tpu.memory_space<hbm>>
      tpu.enqueue_dma source(%dma_start3A_392 : memref<64x128xf32, #tpu.memory_space<hbm>>) target(%arg11 : memref<64x128xf32, #tpu.memory_space<vmem>>) target_semaphore(%arg19 : memref<!tpu.dma_semaphore, #tpu.memory_space<semaphore_mem>>)
      %cond3A_393 = arith.constant 0 : i32
      scf.yield %cond3A_393 : i32
    }
    %add3A_215 = arith.constant 2 : i32
    %add3A_216 = arith.addi %add3A_4, %add3A_215 : i32
    %ge3A_217 = arith.constant 7812 : i32
    %ge3A_218 = arith.cmpi sge, %add3A_216, %ge3A_217 : i32
    %convert_element_type3A_219 = arith.extui %ge3A_218 : i1 to i32
    %cond3A_220 = arith.constant 0 : i32
    %cond3A_221 = arith.constant 0 : i32
    %cond3A_222 = arith.cmpi ne, %convert_element_type3A_219, %cond3A_221 : i32
    %cond3A_223 = scf.if %cond3A_222 -> (i32) {
      tpu.enqueue_dma source(%arg4 : memref<64x128xf32, #tpu.memory_space<hbm>>) target(%arg12 : memref<64x128xf32, #tpu.memory_space<vmem>>) target_semaphore(%arg20 : memref<!tpu.dma_semaphore, #tpu.memory_space<semaphore_mem>>)
      %cond3A_386 = arith.constant 0 : i32
      scf.yield %cond3A_386 : i32
    } else {
      %min3A_386 = arith.constant 7811 : i32
      %min3A_387 = arith.minsi %add3A_216, %min3A_386 : i32
      %mul3A_388 = arith.constant 128 : i32
      %mul3A_389 = arith.muli %min3A_387, %mul3A_388 : i32
      %dma_start3A = arith.constant 0 : i32
      %dma_start3A_390 = tpu.memref_slice %arg3[%dma_start3A, %mul3A_389] : memref<64x1000000xf32, #tpu.memory_space<hbm>> -> memref<64x128xf32, #tpu.memory_space<hbm>>
      %dma_start3A_391 = arith.constant 0 : i32
      %dma_start3A_392 = tpu.memref_slice %arg3[%dma_start3A_391, %mul3A_389] : memref<64x1000000xf32, #tpu.memory_space<hbm>> -> memref<64x128xf32, #tpu.memory_space<hbm>>
      tpu.enqueue_dma source(%dma_start3A_392 : memref<64x128xf32, #tpu.memory_space<hbm>>) target(%arg12 : memref<64x128xf32, #tpu.memory_space<vmem>>) target_semaphore(%arg20 : memref<!tpu.dma_semaphore, #tpu.memory_space<semaphore_mem>>)
      %cond3A_393 = arith.constant 0 : i32
      scf.yield %cond3A_393 : i32
    }
    %add3A_224 = arith.constant 3 : i32
    %add3A_225 = arith.addi %add3A_4, %add3A_224 : i32
    %ge3A_226 = arith.constant 7812 : i32
    %ge3A_227 = arith.cmpi sge, %add3A_225, %ge3A_226 : i32
    %convert_element_type3A_228 = arith.extui %ge3A_227 : i1 to i32
    %cond3A_229 = arith.constant 0 : i32
    %cond3A_230 = arith.constant 0 : i32
    %cond3A_231 = arith.cmpi ne, %convert_element_type3A_228, %cond3A_230 : i32
    %cond3A_232 = scf.if %cond3A_231 -> (i32) {
      tpu.enqueue_dma source(%arg4 : memref<64x128xf32, #tpu.memory_space<hbm>>) target(%arg13 : memref<64x128xf32, #tpu.memory_space<vmem>>) target_semaphore(%arg21 : memref<!tpu.dma_semaphore, #tpu.memory_space<semaphore_mem>>)
      %cond3A_386 = arith.constant 0 : i32
      scf.yield %cond3A_386 : i32
    } else {
      %min3A_386 = arith.constant 7811 : i32
      %min3A_387 = arith.minsi %add3A_225, %min3A_386 : i32
      %mul3A_388 = arith.constant 128 : i32
      %mul3A_389 = arith.muli %min3A_387, %mul3A_388 : i32
      %dma_start3A = arith.constant 0 : i32
      %dma_start3A_390 = tpu.memref_slice %arg3[%dma_start3A, %mul3A_389] : memref<64x1000000xf32, #tpu.memory_space<hbm>> -> memref<64x128xf32, #tpu.memory_space<hbm>>
      %dma_start3A_391 = arith.constant 0 : i32
      %dma_start3A_392 = tpu.memref_slice %arg3[%dma_start3A_391, %mul3A_389] : memref<64x1000000xf32, #tpu.memory_space<hbm>> -> memref<64x128xf32, #tpu.memory_space<hbm>>
      tpu.enqueue_dma source(%dma_start3A_392 : memref<64x128xf32, #tpu.memory_space<hbm>>) target(%arg13 : memref<64x128xf32, #tpu.memory_space<vmem>>) target_semaphore(%arg21 : memref<!tpu.dma_semaphore, #tpu.memory_space<semaphore_mem>>)
      %cond3A_393 = arith.constant 0 : i32
      scf.yield %cond3A_393 : i32
    }
    %add3A_233 = arith.constant 4 : i32
    %add3A_234 = arith.addi %add3A_4, %add3A_233 : i32
    %ge3A_235 = arith.constant 7812 : i32
    %ge3A_236 = arith.cmpi sge, %add3A_234, %ge3A_235 : i32
    %convert_element_type3A_237 = arith.extui %ge3A_236 : i1 to i32
    %cond3A_238 = arith.constant 0 : i32
    %cond3A_239 = arith.constant 0 : i32
    %cond3A_240 = arith.cmpi ne, %convert_element_type3A_237, %cond3A_239 : i32
    %cond3A_241 = scf.if %cond3A_240 -> (i32) {
      tpu.enqueue_dma source(%arg4 : memref<64x128xf32, #tpu.memory_space<hbm>>) target(%arg14 : memref<64x128xf32, #tpu.memory_space<vmem>>) target_semaphore(%arg22 : memref<!tpu.dma_semaphore, #tpu.memory_space<semaphore_mem>>)
      %cond3A_386 = arith.constant 0 : i32
      scf.yield %cond3A_386 : i32
    } else {
      %min3A_386 = arith.constant 7811 : i32
      %min3A_387 = arith.minsi %add3A_234, %min3A_386 : i32
      %mul3A_388 = arith.constant 128 : i32
      %mul3A_389 = arith.muli %min3A_387, %mul3A_388 : i32
      %dma_start3A = arith.constant 0 : i32
      %dma_start3A_390 = tpu.memref_slice %arg3[%dma_start3A, %mul3A_389] : memref<64x1000000xf32, #tpu.memory_space<hbm>> -> memref<64x128xf32, #tpu.memory_space<hbm>>
      %dma_start3A_391 = arith.constant 0 : i32
      %dma_start3A_392 = tpu.memref_slice %arg3[%dma_start3A_391, %mul3A_389] : memref<64x1000000xf32, #tpu.memory_space<hbm>> -> memref<64x128xf32, #tpu.memory_space<hbm>>
      tpu.enqueue_dma source(%dma_start3A_392 : memref<64x128xf32, #tpu.memory_space<hbm>>) target(%arg14 : memref<64x128xf32, #tpu.memory_space<vmem>>) target_semaphore(%arg22 : memref<!tpu.dma_semaphore, #tpu.memory_space<semaphore_mem>>)
      %cond3A_393 = arith.constant 0 : i32
      scf.yield %cond3A_393 : i32
    }
    %add3A_242 = arith.constant 5 : i32
    %add3A_243 = arith.addi %add3A_4, %add3A_242 : i32
    %ge3A_244 = arith.constant 7812 : i32
    %ge3A_245 = arith.cmpi sge, %add3A_243, %ge3A_244 : i32
    %convert_element_type3A_246 = arith.extui %ge3A_245 : i1 to i32
    %cond3A_247 = arith.constant 0 : i32
    %cond3A_248 = arith.constant 0 : i32
    %cond3A_249 = arith.cmpi ne, %convert_element_type3A_246, %cond3A_248 : i32
    %cond3A_250 = scf.if %cond3A_249 -> (i32) {
      tpu.enqueue_dma source(%arg4 : memref<64x128xf32, #tpu.memory_space<hbm>>) target(%arg15 : memref<64x128xf32, #tpu.memory_space<vmem>>) target_semaphore(%arg23 : memref<!tpu.dma_semaphore, #tpu.memory_space<semaphore_mem>>)
      %cond3A_386 = arith.constant 0 : i32
      scf.yield %cond3A_386 : i32
    } else {
      %min3A_386 = arith.constant 7811 : i32
      %min3A_387 = arith.minsi %add3A_243, %min3A_386 : i32
      %mul3A_388 = arith.constant 128 : i32
      %mul3A_389 = arith.muli %min3A_387, %mul3A_388 : i32
      %dma_start3A = arith.constant 0 : i32
      %dma_start3A_390 = tpu.memref_slice %arg3[%dma_start3A, %mul3A_389] : memref<64x1000000xf32, #tpu.memory_space<hbm>> -> memref<64x128xf32, #tpu.memory_space<hbm>>
      %dma_start3A_391 = arith.constant 0 : i32
      %dma_start3A_392 = tpu.memref_slice %arg3[%dma_start3A_391, %mul3A_389] : memref<64x1000000xf32, #tpu.memory_space<hbm>> -> memref<64x128xf32, #tpu.memory_space<hbm>>
      tpu.enqueue_dma source(%dma_start3A_392 : memref<64x128xf32, #tpu.memory_space<hbm>>) target(%arg15 : memref<64x128xf32, #tpu.memory_space<vmem>>) target_semaphore(%arg23 : memref<!tpu.dma_semaphore, #tpu.memory_space<semaphore_mem>>)
      %cond3A_393 = arith.constant 0 : i32
      scf.yield %cond3A_393 : i32
    }
    %add3A_251 = arith.constant 6 : i32
    %add3A_252 = arith.addi %add3A_4, %add3A_251 : i32
    %ge3A_253 = arith.constant 7812 : i32
    %ge3A_254 = arith.cmpi sge, %add3A_252, %ge3A_253 : i32
    %convert_element_type3A_255 = arith.extui %ge3A_254 : i1 to i32
    %cond3A_256 = arith.constant 0 : i32
    %cond3A_257 = arith.constant 0 : i32
    %cond3A_258 = arith.cmpi ne, %convert_element_type3A_255, %cond3A_257 : i32
    %cond3A_259 = scf.if %cond3A_258 -> (i32) {
      tpu.enqueue_dma source(%arg4 : memref<64x128xf32, #tpu.memory_space<hbm>>) target(%arg16 : memref<64x128xf32, #tpu.memory_space<vmem>>) target_semaphore(%arg24 : memref<!tpu.dma_semaphore, #tpu.memory_space<semaphore_mem>>)
      %cond3A_386 = arith.constant 0 : i32
      scf.yield %cond3A_386 : i32
    } else {
      %min3A_386 = arith.constant 7811 : i32
      %min3A_387 = arith.minsi %add3A_252, %min3A_386 : i32
      %mul3A_388 = arith.constant 128 : i32
      %mul3A_389 = arith.muli %min3A_387, %mul3A_388 : i32
      %dma_start3A = arith.constant 0 : i32
      %dma_start3A_390 = tpu.memref_slice %arg3[%dma_start3A, %mul3A_389] : memref<64x1000000xf32, #tpu.memory_space<hbm>> -> memref<64x128xf32, #tpu.memory_space<hbm>>
      %dma_start3A_391 = arith.constant 0 : i32
      %dma_start3A_392 = tpu.memref_slice %arg3[%dma_start3A_391, %mul3A_389] : memref<64x1000000xf32, #tpu.memory_space<hbm>> -> memref<64x128xf32, #tpu.memory_space<hbm>>
      tpu.enqueue_dma source(%dma_start3A_392 : memref<64x128xf32, #tpu.memory_space<hbm>>) target(%arg16 : memref<64x128xf32, #tpu.memory_space<vmem>>) target_semaphore(%arg24 : memref<!tpu.dma_semaphore, #tpu.memory_space<semaphore_mem>>)
      %cond3A_393 = arith.constant 0 : i32
      scf.yield %cond3A_393 : i32
    }
    %add3A_260 = arith.constant 7 : i32
    %add3A_261 = arith.addi %select_n3A, %add3A_260 : i32
    %sub3A = arith.constant 1 : i32
    %sub3A_262 = arith.subi %add3A_261, %sub3A : i32
    %jit3A_263 = arith.constant 7 : i32
    %div3A = arith.divsi %sub3A_262, %jit3A_263 : i32
    %sign3A = arith.constant 0 : i32
    %sign3A_264 = arith.cmpi sgt, %sub3A_262, %sign3A : i32
    %sign3A_265 = arith.extui %sign3A_264 : i1 to i32
    %sign3A_266 = arith.constant 0 : i32
    %sign3A_267 = arith.cmpi slt, %sub3A_262, %sign3A_266 : i32
    %sign3A_268 = arith.extui %sign3A_267 : i1 to i32
    %sign3A_269 = arith.subi %sign3A_265, %sign3A_268 : i32
    %sign3A_270 = arith.constant 0 : i32
    %sign3A_271 = arith.cmpi sgt, %jit3A_263, %sign3A_270 : i32
    %sign3A_272 = arith.extui %sign3A_271 : i1 to i32
    %sign3A_273 = arith.constant 0 : i32
    %sign3A_274 = arith.cmpi slt, %jit3A_263, %sign3A_273 : i32
    %sign3A_275 = arith.extui %sign3A_274 : i1 to i32
    %sign3A_276 = arith.subi %sign3A_272, %sign3A_275 : i32
    %ne3A = arith.cmpi ne, %sign3A_269, %sign3A_276 : i32
    %rem3A = arith.remsi %sub3A_262, %jit3A_263 : i32
    %ne3A_277 = arith.constant 0 : i32
    %ne3A_278 = arith.cmpi ne, %rem3A, %ne3A_277 : i32
    %and3A = arith.andi %ne3A, %ne3A_278 : i1
    %sub3A_279 = arith.constant 1 : i32
    %sub3A_280 = arith.subi %div3A, %sub3A_279 : i32
    %select_n3A_281 = arith.select %and3A, %sub3A_280, %div3A : i32
    %while3A_282 = arith.constant 0 : i32
    %while3A_283 = arith.constant 0 : i32
    %while3A_284 = arith.subi %select_n3A_281, %while3A_282 : i32
    %while3A_285 = arith.addi %while3A_282, %while3A_284 : i32
    %while3A_286 = arith.constant 1 : i32
    %while3A_287 = arith.divsi %while3A_284, %while3A_286 : i32
    %while3A_288 = arith.muli %while3A_287, %while3A_286 : i32
    %while3A_289 = arith.addi %while3A_282, %while3A_288 : i32
    %while3A_290 = arith.constant 1 : i32
    %while3A_291 = scf.for %while3A_386 = %while3A_282 to %while3A_289 step %while3A_290 iter_args(%while3A_387 = %while3A_283) -> (i32)  : i32 {
      %mul3A_388 = arith.constant 7 : i32
      %mul3A_389 = arith.muli %while3A_386, %mul3A_388 : i32
      %add3A_390 = arith.addi %add3A_4, %mul3A_389 : i32
      %add3A_391 = arith.constant 0 : i32
      %add3A_392 = arith.addi %add3A_390, %add3A_391 : i32
      %min3A_393 = arith.constant 7811 : i32
      %min3A_394 = arith.minsi %add3A_392, %min3A_393 : i32
      %mul3A_395 = arith.constant 128 : i32
      %mul3A_396 = arith.muli %min3A_394, %mul3A_395 : i32
      %dma_wait3A_397 = arith.constant 0 : i32
      %dma_wait3A_398 = tpu.memref_slice %arg3[%dma_wait3A_397, %mul3A_396] : memref<64x1000000xf32, #tpu.memory_space<hbm>> -> memref<64x128xf32, #tpu.memory_space<hbm>>
      %dma_wait3A_399 = arith.constant 0 : i32
      %dma_wait3A_400 = tpu.memref_slice %arg3[%dma_wait3A_399, %mul3A_396] : memref<64x1000000xf32, #tpu.memory_space<hbm>> -> memref<64x128xf32, #tpu.memory_space<hbm>>
      tpu.wait_dma2 semaphore(%arg18 : memref<!tpu.dma_semaphore, #tpu.memory_space<semaphore_mem>>) src(%dma_wait3A_400 : memref<64x128xf32, #tpu.memory_space<hbm>>) dst(%arg10 : memref<64x128xf32, #tpu.memory_space<vmem>>)
      %mul3A_401 = arith.constant 128 : i32
      %mul3A_402 = arith.muli %add3A_392, %mul3A_401 : i32
      %while3A_403 = scf.while (%while3A_563 = %while3A_387) : (i32) -> i32 {
        %get3A = arith.index_cast %while3A_563 : i32 to index
        %get3A_564 = tpu.vector_load %arg7[%get3A] {strides = array<i32>} : memref<16400xi32, #tpu.memory_space<vmem>>, vector<16xi32>,
        %lt3A_565 = arith.cmpi slt, %while3A_563, %scan3A_12 : i32
        %slice3A = vector.extract_strided_slice %get3A_564 {offsets = [0], sizes = [1], strides = [1]} : vector<16xi32> to vector<1xi32>
        %squeeze3A = vector.extract %slice3A[0] : i32 from vector<1xi32>
        %shift_right_logical3A_566 = arith.constant 7 : i32
        %shift_right_logical3A_567 = arith.shrui %squeeze3A, %shift_right_logical3A_566 : i32
        %eq3A = arith.cmpi eq, %shift_right_logical3A_567, %add3A_392 : i32
        %and3A_568 = arith.andi %lt3A_565, %eq3A : i1
        scf.condition(%and3A_568) %while3A_563 : i32
      } do {
      ^bb0(%while3A_563: i32):
        %get3A = arith.index_cast %while3A_563 : i32 to index
        %get3A_564 = tpu.vector_load %arg7[%get3A] {strides = array<i32>} : memref<16400xi32, #tpu.memory_space<vmem>>, vector<16xi32>,
        %get3A_565 = arith.index_cast %while3A_563 : i32 to index
        %get3A_566 = tpu.vector_load %arg8[%get3A_565] {strides = array<i32>} : memref<16400xi32, #tpu.memory_space<vmem>>, vector<16xi32>,
        %slice3A = vector.extract_strided_slice %get3A_564 {offsets = [0], sizes = [1], strides = [1]} : vector<16xi32> to vector<1xi32>
        %squeeze3A = vector.extract %slice3A[0] : i32 from vector<1xi32>
        %sub3A_567 = arith.subi %squeeze3A, %mul3A_402 : i32
        %slice3A_568 = vector.extract_strided_slice %get3A_566 {offsets = [0], sizes = [1], strides = [1]} : vector<16xi32> to vector<1xi32>
        %squeeze3A_569 = vector.extract %slice3A_568[0] : i32 from vector<1xi32>
        %broadcast_in_dim3A = arith.constant 0 : i32
        %broadcast_in_dim3A_570 = vector.broadcast %broadcast_in_dim3A : i32 to vector<16xi32>
        %add3A_571 = vector.broadcast %sub3A_567 : i32 to vector<16xi32>
        %add3A_572 = arith.addi %broadcast_in_dim3A_570, %add3A_571 : vector<16xi32>
        %and3A_573 = arith.constant 31 : i32
        %and3A_574 = arith.andi %while3A_563, %and3A_573 : i32
        %ge3A_575 = arith.constant 32 : i32
        %ge3A_576 = arith.cmpi sge, %while3A_563, %ge3A_575 : i32
        %convert_element_type3A_577 = arith.extui %ge3A_576 : i1 to i32
        %cond3A_578 = arith.constant 0 : i32
        %cond3A_579 = arith.cmpi ne, %convert_element_type3A_577, %cond3A_578 : i32
        scf.if %cond3A_579 {
          %mul3A_627 = arith.constant 64 : i32
          %mul3A_628 = arith.muli %and3A_574, %mul3A_627 : i32
          %mul3A_629 = arith.constant 64 : i32
          %mul3A_630 = arith.muli %squeeze3A_569, %mul3A_629 : i32
          %dma_wait3A_631 = tpu.memref_slice %arg17[%mul3A_628] : memref<2048xf32, #tpu.memory_space<vmem>> -> memref<64xf32, #tpu.memory_space<vmem>>
          %dma_wait3A_632 = tpu.memref_slice %arg5[%mul3A_630] : memref<1048576xf32, #tpu.memory_space<hbm>> -> memref<64xf32, #tpu.memory_space<hbm>>
          %dma_wait3A_633 = tpu.memref_slice %arg5[%mul3A_630] : memref<1048576xf32, #tpu.memory_space<hbm>> -> memref<64xf32, #tpu.memory_space<hbm>>
          %dma_wait3A_634 = tpu.memref_slice %arg17[%mul3A_628] : memref<2048xf32, #tpu.memory_space<vmem>> -> memref<64xf32, #tpu.memory_space<vmem>>
          tpu.wait_dma2 semaphore(%arg25 : memref<!tpu.dma_semaphore, #tpu.memory_space<semaphore_mem>>) src(%dma_wait3A_634 : memref<64xf32, #tpu.memory_space<vmem>>) dst(%dma_wait3A_633 : memref<64xf32, #tpu.memory_space<hbm>>)
        } else {
        }
        %add3A_580 = arith.constant 0 : i32
        %add3A_581 = vector.broadcast %add3A_580 : i32 to vector<16xi32>
        %add3A_582 = arith.addi %iota3A, %add3A_581 : vector<16xi32>
        %gather3A = tpu.vector_load_idx %arg10[%add3A_582, %add3A_572] : memref<64x128xf32, #tpu.memory_space<vmem>>[vector<16xi32>, vector<16xi32>], vector<16xf32>,
        %mul3A_583 = arith.constant 64 : i32
        %mul3A_584 = arith.muli %and3A_574, %mul3A_583 : i32
        %add3A_585 = arith.constant 0 : i32
        %add3A_586 = arith.addi %mul3A_584, %add3A_585 : i32
        %swap3A = arith.index_cast %add3A_586 : i32 to index
        %swap3A_587 = tpu.vector_load %arg17[%swap3A] {strides = array<i32>} : memref<2048xf32, #tpu.memory_space<vmem>>, vector<16xf32>,
        tpu.vector_store %arg17[%swap3A], %gather3A {strides = array<i32>} : memref<2048xf32, #tpu.memory_space<vmem>>, vector<16xf32>,
        %add3A_588 = arith.constant 16 : i32
        %add3A_589 = vector.broadcast %add3A_588 : i32 to vector<16xi32>
        %add3A_590 = arith.addi %iota3A, %add3A_589 : vector<16xi32>
        %gather3A_591 = tpu.vector_load_idx %arg10[%add3A_590, %add3A_572] : memref<64x128xf32, #tpu.memory_space<vmem>>[vector<16xi32>, vector<16xi32>], vector<16xf32>,
        %mul3A_592 = arith.constant 64 : i32
        %mul3A_593 = arith.muli %and3A_574, %mul3A_592 : i32
        %add3A_594 = arith.constant 16 : i32
        %add3A_595 = arith.addi %mul3A_593, %add3A_594 : i32
        %swap3A_596 = arith.index_cast %add3A_595 : i32 to index
        %swap3A_597 = tpu.vector_load %arg17[%swap3A_596] {strides = array<i32>} : memref<2048xf32, #tpu.memory_space<vmem>>, vector<16xf32>,
        tpu.vector_store %arg17[%swap3A_596], %gather3A_591 {strides = array<i32>} : memref<2048xf32, #tpu.memory_space<vmem>>, vector<16xf32>,
        %add3A_598 = arith.constant 32 : i32
        %add3A_599 = vector.broadcast %add3A_598 : i32 to vector<16xi32>
        %add3A_600 = arith.addi %iota3A, %add3A_599 : vector<16xi32>
        %gather3A_601 = tpu.vector_load_idx %arg10[%add3A_600, %add3A_572] : memref<64x128xf32, #tpu.memory_space<vmem>>[vector<16xi32>, vector<16xi32>], vector<16xf32>,
        %mul3A_602 = arith.constant 64 : i32
        %mul3A_603 = arith.muli %and3A_574, %mul3A_602 : i32
        %add3A_604 = arith.constant 32 : i32
        %add3A_605 = arith.addi %mul3A_603, %add3A_604 : i32
        %swap3A_606 = arith.index_cast %add3A_605 : i32 to index
        %swap3A_607 = tpu.vector_load %arg17[%swap3A_606] {strides = array<i32>} : memref<2048xf32, #tpu.memory_space<vmem>>, vector<16xf32>,
        tpu.vector_store %arg17[%swap3A_606], %gather3A_601 {strides = array<i32>} : memref<2048xf32, #tpu.memory_space<vmem>>, vector<16xf32>,
        %add3A_608 = arith.constant 48 : i32
        %add3A_609 = vector.broadcast %add3A_608 : i32 to vector<16xi32>
        %add3A_610 = arith.addi %iota3A, %add3A_609 : vector<16xi32>
        %gather3A_611 = tpu.vector_load_idx %arg10[%add3A_610, %add3A_572] : memref<64x128xf32, #tpu.memory_space<vmem>>[vector<16xi32>, vector<16xi32>], vector<16xf32>,
        %mul3A_612 = arith.constant 64 : i32
        %mul3A_613 = arith.muli %and3A_574, %mul3A_612 : i32
        %add3A_614 = arith.constant 48 : i32
        %add3A_615 = arith.addi %mul3A_613, %add3A_614 : i32
        %swap3A_616 = arith.index_cast %add3A_615 : i32 to index
        %swap3A_617 = tpu.vector_load %arg17[%swap3A_616] {strides = array<i32>} : memref<2048xf32, #tpu.memory_space<vmem>>, vector<16xf32>,
        tpu.vector_store %arg17[%swap3A_616], %gather3A_611 {strides = array<i32>} : memref<2048xf32, #tpu.memory_space<vmem>>, vector<16xf32>,
        %mul3A_618 = arith.constant 64 : i32
        %mul3A_619 = arith.muli %and3A_574, %mul3A_618 : i32
        %mul3A_620 = arith.constant 64 : i32
        %mul3A_621 = arith.muli %squeeze3A_569, %mul3A_620 : i32
        %dma_start3A = tpu.memref_slice %arg17[%mul3A_619] : memref<2048xf32, #tpu.memory_space<vmem>> -> memref<64xf32, #tpu.memory_space<vmem>>
        %dma_start3A_622 = tpu.memref_slice %arg5[%mul3A_621] : memref<1048576xf32, #tpu.memory_space<hbm>> -> memref<64xf32, #tpu.memory_space<hbm>>
        %dma_start3A_623 = tpu.memref_slice %arg5[%mul3A_621] : memref<1048576xf32, #tpu.memory_space<hbm>> -> memref<64xf32, #tpu.memory_space<hbm>>
        %dma_start3A_624 = tpu.memref_slice %arg17[%mul3A_619] : memref<2048xf32, #tpu.memory_space<vmem>> -> memref<64xf32, #tpu.memory_space<vmem>>
        tpu.enqueue_dma source(%dma_start3A_624 : memref<64xf32, #tpu.memory_space<vmem>>) target(%dma_start3A_623 : memref<64xf32, #tpu.memory_space<hbm>>) target_semaphore(%arg25 : memref<!tpu.dma_semaphore, #tpu.memory_space<semaphore_mem>>)
        %add3A_625 = arith.constant 1 : i32
        %add3A_626 = arith.addi %while3A_563, %add3A_625 : i32
        scf.yield %add3A_626 : i32
      }
      %add3A_404 = arith.constant 7 : i32
      %add3A_405 = arith.addi %add3A_392, %add3A_404 : i32
      %ge3A_406 = arith.constant 7812 : i32
      %ge3A_407 = arith.cmpi sge, %add3A_405, %ge3A_406 : i32
      %convert_element_type3A_408 = arith.extui %ge3A_407 : i1 to i32
      %cond3A_409 = arith.constant 0 : i32
      %cond3A_410 = arith.constant 0 : i32
      %cond3A_411 = arith.cmpi ne, %convert_element_type3A_408, %cond3A_410 : i32
      %cond3A_412 = scf.if %cond3A_411 -> (i32) {
        tpu.enqueue_dma source(%arg4 : memref<64x128xf32, #tpu.memory_space<hbm>>) target(%arg10 : memref<64x128xf32, #tpu.memory_space<vmem>>) target_semaphore(%arg18 : memref<!tpu.dma_semaphore, #tpu.memory_space<semaphore_mem>>)
        %cond3A_563 = arith.constant 0 : i32
        scf.yield %cond3A_563 : i32
      } else {
        %min3A_563 = arith.constant 7811 : i32
        %min3A_564 = arith.minsi %add3A_405, %min3A_563 : i32
        %mul3A_565 = arith.constant 128 : i32
        %mul3A_566 = arith.muli %min3A_564, %mul3A_565 : i32
        %dma_start3A = arith.constant 0 : i32
        %dma_start3A_567 = tpu.memref_slice %arg3[%dma_start3A, %mul3A_566] : memref<64x1000000xf32, #tpu.memory_space<hbm>> -> memref<64x128xf32, #tpu.memory_space<hbm>>
        %dma_start3A_568 = arith.constant 0 : i32
        %dma_start3A_569 = tpu.memref_slice %arg3[%dma_start3A_568, %mul3A_566] : memref<64x1000000xf32, #tpu.memory_space<hbm>> -> memref<64x128xf32, #tpu.memory_space<hbm>>
        tpu.enqueue_dma source(%dma_start3A_569 : memref<64x128xf32, #tpu.memory_space<hbm>>) target(%arg10 : memref<64x128xf32, #tpu.memory_space<vmem>>) target_semaphore(%arg18 : memref<!tpu.dma_semaphore, #tpu.memory_space<semaphore_mem>>)
        %cond3A_570 = arith.constant 0 : i32
        scf.yield %cond3A_570 : i32
      }
      %mul3A_413 = arith.constant 7 : i32
      %mul3A_414 = arith.muli %while3A_386, %mul3A_413 : i32
      %add3A_415 = arith.addi %add3A_4, %mul3A_414 : i32
      %add3A_416 = arith.constant 1 : i32
      %add3A_417 = arith.addi %add3A_415, %add3A_416 : i32
      %min3A_418 = arith.constant 7811 : i32
      %min3A_419 = arith.minsi %add3A_417, %min3A_418 : i32
      %mul3A_420 = arith.constant 128 : i32
      %mul3A_421 = arith.muli %min3A_419, %mul3A_420 : i32
      %dma_wait3A_422 = arith.constant 0 : i32
      %dma_wait3A_423 = tpu.memref_slice %arg3[%dma_wait3A_422, %mul3A_421] : memref<64x1000000xf32, #tpu.memory_space<hbm>> -> memref<64x128xf32, #tpu.memory_space<hbm>>
      %dma_wait3A_424 = arith.constant 0 : i32
      %dma_wait3A_425 = tpu.memref_slice %arg3[%dma_wait3A_424, %mul3A_421] : memref<64x1000000xf32, #tpu.memory_space<hbm>> -> memref<64x128xf32, #tpu.memory_space<hbm>>
      tpu.wait_dma2 semaphore(%arg19 : memref<!tpu.dma_semaphore, #tpu.memory_space<semaphore_mem>>) src(%dma_wait3A_425 : memref<64x128xf32, #tpu.memory_space<hbm>>) dst(%arg11 : memref<64x128xf32, #tpu.memory_space<vmem>>)
      %mul3A_426 = arith.constant 128 : i32
      %mul3A_427 = arith.muli %add3A_417, %mul3A_426 : i32
      %while3A_428 = scf.while (%while3A_563 = %while3A_403) : (i32) -> i32 {
        %get3A = arith.index_cast %while3A_563 : i32 to index
        %get3A_564 = tpu.vector_load %arg7[%get3A] {strides = array<i32>} : memref<16400xi32, #tpu.memory_space<vmem>>, vector<16xi32>,
        %lt3A_565 = arith.cmpi slt, %while3A_563, %scan3A_12 : i32
        %slice3A = vector.extract_strided_slice %get3A_564 {offsets = [0], sizes = [1], strides = [1]} : vector<16xi32> to vector<1xi32>
        %squeeze3A = vector.extract %slice3A[0] : i32 from vector<1xi32>
        %shift_right_logical3A_566 = arith.constant 7 : i32
        %shift_right_logical3A_567 = arith.shrui %squeeze3A, %shift_right_logical3A_566 : i32
        %eq3A = arith.cmpi eq, %shift_right_logical3A_567, %add3A_417 : i32
        %and3A_568 = arith.andi %lt3A_565, %eq3A : i1
        scf.condition(%and3A_568) %while3A_563 : i32
      } do {
      ^bb0(%while3A_563: i32):
        %get3A = arith.index_cast %while3A_563 : i32 to index
        %get3A_564 = tpu.vector_load %arg7[%get3A] {strides = array<i32>} : memref<16400xi32, #tpu.memory_space<vmem>>, vector<16xi32>,
        %get3A_565 = arith.index_cast %while3A_563 : i32 to index
        %get3A_566 = tpu.vector_load %arg8[%get3A_565] {strides = array<i32>} : memref<16400xi32, #tpu.memory_space<vmem>>, vector<16xi32>,
        %slice3A = vector.extract_strided_slice %get3A_564 {offsets = [0], sizes = [1], strides = [1]} : vector<16xi32> to vector<1xi32>
        %squeeze3A = vector.extract %slice3A[0] : i32 from vector<1xi32>
        %sub3A_567 = arith.subi %squeeze3A, %mul3A_427 : i32
        %slice3A_568 = vector.extract_strided_slice %get3A_566 {offsets = [0], sizes = [1], strides = [1]} : vector<16xi32> to vector<1xi32>
        %squeeze3A_569 = vector.extract %slice3A_568[0] : i32 from vector<1xi32>
        %broadcast_in_dim3A = arith.constant 0 : i32
        %broadcast_in_dim3A_570 = vector.broadcast %broadcast_in_dim3A : i32 to vector<16xi32>
        %add3A_571 = vector.broadcast %sub3A_567 : i32 to vector<16xi32>
        %add3A_572 = arith.addi %broadcast_in_dim3A_570, %add3A_571 : vector<16xi32>
        %and3A_573 = arith.constant 31 : i32
        %and3A_574 = arith.andi %while3A_563, %and3A_573 : i32
        %ge3A_575 = arith.constant 32 : i32
        %ge3A_576 = arith.cmpi sge, %while3A_563, %ge3A_575 : i32
        %convert_element_type3A_577 = arith.extui %ge3A_576 : i1 to i32
        %cond3A_578 = arith.constant 0 : i32
        %cond3A_579 = arith.cmpi ne, %convert_element_type3A_577, %cond3A_578 : i32
        scf.if %cond3A_579 {
          %mul3A_627 = arith.constant 64 : i32
          %mul3A_628 = arith.muli %and3A_574, %mul3A_627 : i32
          %mul3A_629 = arith.constant 64 : i32
          %mul3A_630 = arith.muli %squeeze3A_569, %mul3A_629 : i32
          %dma_wait3A_631 = tpu.memref_slice %arg17[%mul3A_628] : memref<2048xf32, #tpu.memory_space<vmem>> -> memref<64xf32, #tpu.memory_space<vmem>>
          %dma_wait3A_632 = tpu.memref_slice %arg5[%mul3A_630] : memref<1048576xf32, #tpu.memory_space<hbm>> -> memref<64xf32, #tpu.memory_space<hbm>>
          %dma_wait3A_633 = tpu.memref_slice %arg5[%mul3A_630] : memref<1048576xf32, #tpu.memory_space<hbm>> -> memref<64xf32, #tpu.memory_space<hbm>>
          %dma_wait3A_634 = tpu.memref_slice %arg17[%mul3A_628] : memref<2048xf32, #tpu.memory_space<vmem>> -> memref<64xf32, #tpu.memory_space<vmem>>
          tpu.wait_dma2 semaphore(%arg25 : memref<!tpu.dma_semaphore, #tpu.memory_space<semaphore_mem>>) src(%dma_wait3A_634 : memref<64xf32, #tpu.memory_space<vmem>>) dst(%dma_wait3A_633 : memref<64xf32, #tpu.memory_space<hbm>>)
        } else {
        }
        %add3A_580 = arith.constant 0 : i32
        %add3A_581 = vector.broadcast %add3A_580 : i32 to vector<16xi32>
        %add3A_582 = arith.addi %iota3A, %add3A_581 : vector<16xi32>
        %gather3A = tpu.vector_load_idx %arg11[%add3A_582, %add3A_572] : memref<64x128xf32, #tpu.memory_space<vmem>>[vector<16xi32>, vector<16xi32>], vector<16xf32>,
        %mul3A_583 = arith.constant 64 : i32
        %mul3A_584 = arith.muli %and3A_574, %mul3A_583 : i32
        %add3A_585 = arith.constant 0 : i32
        %add3A_586 = arith.addi %mul3A_584, %add3A_585 : i32
        %swap3A = arith.index_cast %add3A_586 : i32 to index
        %swap3A_587 = tpu.vector_load %arg17[%swap3A] {strides = array<i32>} : memref<2048xf32, #tpu.memory_space<vmem>>, vector<16xf32>,
        tpu.vector_store %arg17[%swap3A], %gather3A {strides = array<i32>} : memref<2048xf32, #tpu.memory_space<vmem>>, vector<16xf32>,
        %add3A_588 = arith.constant 16 : i32
        %add3A_589 = vector.broadcast %add3A_588 : i32 to vector<16xi32>
        %add3A_590 = arith.addi %iota3A, %add3A_589 : vector<16xi32>
        %gather3A_591 = tpu.vector_load_idx %arg11[%add3A_590, %add3A_572] : memref<64x128xf32, #tpu.memory_space<vmem>>[vector<16xi32>, vector<16xi32>], vector<16xf32>,
        %mul3A_592 = arith.constant 64 : i32
        %mul3A_593 = arith.muli %and3A_574, %mul3A_592 : i32
        %add3A_594 = arith.constant 16 : i32
        %add3A_595 = arith.addi %mul3A_593, %add3A_594 : i32
        %swap3A_596 = arith.index_cast %add3A_595 : i32 to index
        %swap3A_597 = tpu.vector_load %arg17[%swap3A_596] {strides = array<i32>} : memref<2048xf32, #tpu.memory_space<vmem>>, vector<16xf32>,
        tpu.vector_store %arg17[%swap3A_596], %gather3A_591 {strides = array<i32>} : memref<2048xf32, #tpu.memory_space<vmem>>, vector<16xf32>,
        %add3A_598 = arith.constant 32 : i32
        %add3A_599 = vector.broadcast %add3A_598 : i32 to vector<16xi32>
        %add3A_600 = arith.addi %iota3A, %add3A_599 : vector<16xi32>
        %gather3A_601 = tpu.vector_load_idx %arg11[%add3A_600, %add3A_572] : memref<64x128xf32, #tpu.memory_space<vmem>>[vector<16xi32>, vector<16xi32>], vector<16xf32>,
        %mul3A_602 = arith.constant 64 : i32
        %mul3A_603 = arith.muli %and3A_574, %mul3A_602 : i32
        %add3A_604 = arith.constant 32 : i32
        %add3A_605 = arith.addi %mul3A_603, %add3A_604 : i32
        %swap3A_606 = arith.index_cast %add3A_605 : i32 to index
        %swap3A_607 = tpu.vector_load %arg17[%swap3A_606] {strides = array<i32>} : memref<2048xf32, #tpu.memory_space<vmem>>, vector<16xf32>,
        tpu.vector_store %arg17[%swap3A_606], %gather3A_601 {strides = array<i32>} : memref<2048xf32, #tpu.memory_space<vmem>>, vector<16xf32>,
        %add3A_608 = arith.constant 48 : i32
        %add3A_609 = vector.broadcast %add3A_608 : i32 to vector<16xi32>
        %add3A_610 = arith.addi %iota3A, %add3A_609 : vector<16xi32>
        %gather3A_611 = tpu.vector_load_idx %arg11[%add3A_610, %add3A_572] : memref<64x128xf32, #tpu.memory_space<vmem>>[vector<16xi32>, vector<16xi32>], vector<16xf32>,
        %mul3A_612 = arith.constant 64 : i32
        %mul3A_613 = arith.muli %and3A_574, %mul3A_612 : i32
        %add3A_614 = arith.constant 48 : i32
        %add3A_615 = arith.addi %mul3A_613, %add3A_614 : i32
        %swap3A_616 = arith.index_cast %add3A_615 : i32 to index
        %swap3A_617 = tpu.vector_load %arg17[%swap3A_616] {strides = array<i32>} : memref<2048xf32, #tpu.memory_space<vmem>>, vector<16xf32>,
        tpu.vector_store %arg17[%swap3A_616], %gather3A_611 {strides = array<i32>} : memref<2048xf32, #tpu.memory_space<vmem>>, vector<16xf32>,
        %mul3A_618 = arith.constant 64 : i32
        %mul3A_619 = arith.muli %and3A_574, %mul3A_618 : i32
        %mul3A_620 = arith.constant 64 : i32
        %mul3A_621 = arith.muli %squeeze3A_569, %mul3A_620 : i32
        %dma_start3A = tpu.memref_slice %arg17[%mul3A_619] : memref<2048xf32, #tpu.memory_space<vmem>> -> memref<64xf32, #tpu.memory_space<vmem>>
        %dma_start3A_622 = tpu.memref_slice %arg5[%mul3A_621] : memref<1048576xf32, #tpu.memory_space<hbm>> -> memref<64xf32, #tpu.memory_space<hbm>>
        %dma_start3A_623 = tpu.memref_slice %arg5[%mul3A_621] : memref<1048576xf32, #tpu.memory_space<hbm>> -> memref<64xf32, #tpu.memory_space<hbm>>
        %dma_start3A_624 = tpu.memref_slice %arg17[%mul3A_619] : memref<2048xf32, #tpu.memory_space<vmem>> -> memref<64xf32, #tpu.memory_space<vmem>>
        tpu.enqueue_dma source(%dma_start3A_624 : memref<64xf32, #tpu.memory_space<vmem>>) target(%dma_start3A_623 : memref<64xf32, #tpu.memory_space<hbm>>) target_semaphore(%arg25 : memref<!tpu.dma_semaphore, #tpu.memory_space<semaphore_mem>>)
        %add3A_625 = arith.constant 1 : i32
        %add3A_626 = arith.addi %while3A_563, %add3A_625 : i32
        scf.yield %add3A_626 : i32
      }
      %add3A_429 = arith.constant 7 : i32
      %add3A_430 = arith.addi %add3A_417, %add3A_429 : i32
      %ge3A_431 = arith.constant 7812 : i32
      %ge3A_432 = arith.cmpi sge, %add3A_430, %ge3A_431 : i32
      %convert_element_type3A_433 = arith.extui %ge3A_432 : i1 to i32
      %cond3A_434 = arith.constant 0 : i32
      %cond3A_435 = arith.constant 0 : i32
      %cond3A_436 = arith.cmpi ne, %convert_element_type3A_433, %cond3A_435 : i32
      %cond3A_437 = scf.if %cond3A_436 -> (i32) {
        tpu.enqueue_dma source(%arg4 : memref<64x128xf32, #tpu.memory_space<hbm>>) target(%arg11 : memref<64x128xf32, #tpu.memory_space<vmem>>) target_semaphore(%arg19 : memref<!tpu.dma_semaphore, #tpu.memory_space<semaphore_mem>>)
        %cond3A_563 = arith.constant 0 : i32
        scf.yield %cond3A_563 : i32
      } else {
        %min3A_563 = arith.constant 7811 : i32
        %min3A_564 = arith.minsi %add3A_430, %min3A_563 : i32
        %mul3A_565 = arith.constant 128 : i32
        %mul3A_566 = arith.muli %min3A_564, %mul3A_565 : i32
        %dma_start3A = arith.constant 0 : i32
        %dma_start3A_567 = tpu.memref_slice %arg3[%dma_start3A, %mul3A_566] : memref<64x1000000xf32, #tpu.memory_space<hbm>> -> memref<64x128xf32, #tpu.memory_space<hbm>>
        %dma_start3A_568 = arith.constant 0 : i32
        %dma_start3A_569 = tpu.memref_slice %arg3[%dma_start3A_568, %mul3A_566] : memref<64x1000000xf32, #tpu.memory_space<hbm>> -> memref<64x128xf32, #tpu.memory_space<hbm>>
        tpu.enqueue_dma source(%dma_start3A_569 : memref<64x128xf32, #tpu.memory_space<hbm>>) target(%arg11 : memref<64x128xf32, #tpu.memory_space<vmem>>) target_semaphore(%arg19 : memref<!tpu.dma_semaphore, #tpu.memory_space<semaphore_mem>>)
        %cond3A_570 = arith.constant 0 : i32
        scf.yield %cond3A_570 : i32
      }
      %mul3A_438 = arith.constant 7 : i32
      %mul3A_439 = arith.muli %while3A_386, %mul3A_438 : i32
      %add3A_440 = arith.addi %add3A_4, %mul3A_439 : i32
      %add3A_441 = arith.constant 2 : i32
      %add3A_442 = arith.addi %add3A_440, %add3A_441 : i32
      %min3A_443 = arith.constant 7811 : i32
      %min3A_444 = arith.minsi %add3A_442, %min3A_443 : i32
      %mul3A_445 = arith.constant 128 : i32
      %mul3A_446 = arith.muli %min3A_444, %mul3A_445 : i32
      %dma_wait3A_447 = arith.constant 0 : i32
      %dma_wait3A_448 = tpu.memref_slice %arg3[%dma_wait3A_447, %mul3A_446] : memref<64x1000000xf32, #tpu.memory_space<hbm>> -> memref<64x128xf32, #tpu.memory_space<hbm>>
      %dma_wait3A_449 = arith.constant 0 : i32
      %dma_wait3A_450 = tpu.memref_slice %arg3[%dma_wait3A_449, %mul3A_446] : memref<64x1000000xf32, #tpu.memory_space<hbm>> -> memref<64x128xf32, #tpu.memory_space<hbm>>
      tpu.wait_dma2 semaphore(%arg20 : memref<!tpu.dma_semaphore, #tpu.memory_space<semaphore_mem>>) src(%dma_wait3A_450 : memref<64x128xf32, #tpu.memory_space<hbm>>) dst(%arg12 : memref<64x128xf32, #tpu.memory_space<vmem>>)
      %mul3A_451 = arith.constant 128 : i32
      %mul3A_452 = arith.muli %add3A_442, %mul3A_451 : i32
      %while3A_453 = scf.while (%while3A_563 = %while3A_428) : (i32) -> i32 {
        %get3A = arith.index_cast %while3A_563 : i32 to index
        %get3A_564 = tpu.vector_load %arg7[%get3A] {strides = array<i32>} : memref<16400xi32, #tpu.memory_space<vmem>>, vector<16xi32>,
        %lt3A_565 = arith.cmpi slt, %while3A_563, %scan3A_12 : i32
        %slice3A = vector.extract_strided_slice %get3A_564 {offsets = [0], sizes = [1], strides = [1]} : vector<16xi32> to vector<1xi32>
        %squeeze3A = vector.extract %slice3A[0] : i32 from vector<1xi32>
        %shift_right_logical3A_566 = arith.constant 7 : i32
        %shift_right_logical3A_567 = arith.shrui %squeeze3A, %shift_right_logical3A_566 : i32
        %eq3A = arith.cmpi eq, %shift_right_logical3A_567, %add3A_442 : i32
        %and3A_568 = arith.andi %lt3A_565, %eq3A : i1
        scf.condition(%and3A_568) %while3A_563 : i32
      } do {
      ^bb0(%while3A_563: i32):
        %get3A = arith.index_cast %while3A_563 : i32 to index
        %get3A_564 = tpu.vector_load %arg7[%get3A] {strides = array<i32>} : memref<16400xi32, #tpu.memory_space<vmem>>, vector<16xi32>,
        %get3A_565 = arith.index_cast %while3A_563 : i32 to index
        %get3A_566 = tpu.vector_load %arg8[%get3A_565] {strides = array<i32>} : memref<16400xi32, #tpu.memory_space<vmem>>, vector<16xi32>,
        %slice3A = vector.extract_strided_slice %get3A_564 {offsets = [0], sizes = [1], strides = [1]} : vector<16xi32> to vector<1xi32>
        %squeeze3A = vector.extract %slice3A[0] : i32 from vector<1xi32>
        %sub3A_567 = arith.subi %squeeze3A, %mul3A_452 : i32
        %slice3A_568 = vector.extract_strided_slice %get3A_566 {offsets = [0], sizes = [1], strides = [1]} : vector<16xi32> to vector<1xi32>
        %squeeze3A_569 = vector.extract %slice3A_568[0] : i32 from vector<1xi32>
        %broadcast_in_dim3A = arith.constant 0 : i32
        %broadcast_in_dim3A_570 = vector.broadcast %broadcast_in_dim3A : i32 to vector<16xi32>
        %add3A_571 = vector.broadcast %sub3A_567 : i32 to vector<16xi32>
        %add3A_572 = arith.addi %broadcast_in_dim3A_570, %add3A_571 : vector<16xi32>
        %and3A_573 = arith.constant 31 : i32
        %and3A_574 = arith.andi %while3A_563, %and3A_573 : i32
        %ge3A_575 = arith.constant 32 : i32
        %ge3A_576 = arith.cmpi sge, %while3A_563, %ge3A_575 : i32
        %convert_element_type3A_577 = arith.extui %ge3A_576 : i1 to i32
        %cond3A_578 = arith.constant 0 : i32
        %cond3A_579 = arith.cmpi ne, %convert_element_type3A_577, %cond3A_578 : i32
        scf.if %cond3A_579 {
          %mul3A_627 = arith.constant 64 : i32
          %mul3A_628 = arith.muli %and3A_574, %mul3A_627 : i32
          %mul3A_629 = arith.constant 64 : i32
          %mul3A_630 = arith.muli %squeeze3A_569, %mul3A_629 : i32
          %dma_wait3A_631 = tpu.memref_slice %arg17[%mul3A_628] : memref<2048xf32, #tpu.memory_space<vmem>> -> memref<64xf32, #tpu.memory_space<vmem>>
          %dma_wait3A_632 = tpu.memref_slice %arg5[%mul3A_630] : memref<1048576xf32, #tpu.memory_space<hbm>> -> memref<64xf32, #tpu.memory_space<hbm>>
          %dma_wait3A_633 = tpu.memref_slice %arg5[%mul3A_630] : memref<1048576xf32, #tpu.memory_space<hbm>> -> memref<64xf32, #tpu.memory_space<hbm>>
          %dma_wait3A_634 = tpu.memref_slice %arg17[%mul3A_628] : memref<2048xf32, #tpu.memory_space<vmem>> -> memref<64xf32, #tpu.memory_space<vmem>>
          tpu.wait_dma2 semaphore(%arg25 : memref<!tpu.dma_semaphore, #tpu.memory_space<semaphore_mem>>) src(%dma_wait3A_634 : memref<64xf32, #tpu.memory_space<vmem>>) dst(%dma_wait3A_633 : memref<64xf32, #tpu.memory_space<hbm>>)
        } else {
        }
        %add3A_580 = arith.constant 0 : i32
        %add3A_581 = vector.broadcast %add3A_580 : i32 to vector<16xi32>
        %add3A_582 = arith.addi %iota3A, %add3A_581 : vector<16xi32>
        %gather3A = tpu.vector_load_idx %arg12[%add3A_582, %add3A_572] : memref<64x128xf32, #tpu.memory_space<vmem>>[vector<16xi32>, vector<16xi32>], vector<16xf32>,
        %mul3A_583 = arith.constant 64 : i32
        %mul3A_584 = arith.muli %and3A_574, %mul3A_583 : i32
        %add3A_585 = arith.constant 0 : i32
        %add3A_586 = arith.addi %mul3A_584, %add3A_585 : i32
        %swap3A = arith.index_cast %add3A_586 : i32 to index
        %swap3A_587 = tpu.vector_load %arg17[%swap3A] {strides = array<i32>} : memref<2048xf32, #tpu.memory_space<vmem>>, vector<16xf32>,
        tpu.vector_store %arg17[%swap3A], %gather3A {strides = array<i32>} : memref<2048xf32, #tpu.memory_space<vmem>>, vector<16xf32>,
        %add3A_588 = arith.constant 16 : i32
        %add3A_589 = vector.broadcast %add3A_588 : i32 to vector<16xi32>
        %add3A_590 = arith.addi %iota3A, %add3A_589 : vector<16xi32>
        %gather3A_591 = tpu.vector_load_idx %arg12[%add3A_590, %add3A_572] : memref<64x128xf32, #tpu.memory_space<vmem>>[vector<16xi32>, vector<16xi32>], vector<16xf32>,
        %mul3A_592 = arith.constant 64 : i32
        %mul3A_593 = arith.muli %and3A_574, %mul3A_592 : i32
        %add3A_594 = arith.constant 16 : i32
        %add3A_595 = arith.addi %mul3A_593, %add3A_594 : i32
        %swap3A_596 = arith.index_cast %add3A_595 : i32 to index
        %swap3A_597 = tpu.vector_load %arg17[%swap3A_596] {strides = array<i32>} : memref<2048xf32, #tpu.memory_space<vmem>>, vector<16xf32>,
        tpu.vector_store %arg17[%swap3A_596], %gather3A_591 {strides = array<i32>} : memref<2048xf32, #tpu.memory_space<vmem>>, vector<16xf32>,
        %add3A_598 = arith.constant 32 : i32
        %add3A_599 = vector.broadcast %add3A_598 : i32 to vector<16xi32>
        %add3A_600 = arith.addi %iota3A, %add3A_599 : vector<16xi32>
        %gather3A_601 = tpu.vector_load_idx %arg12[%add3A_600, %add3A_572] : memref<64x128xf32, #tpu.memory_space<vmem>>[vector<16xi32>, vector<16xi32>], vector<16xf32>,
        %mul3A_602 = arith.constant 64 : i32
        %mul3A_603 = arith.muli %and3A_574, %mul3A_602 : i32
        %add3A_604 = arith.constant 32 : i32
        %add3A_605 = arith.addi %mul3A_603, %add3A_604 : i32
        %swap3A_606 = arith.index_cast %add3A_605 : i32 to index
        %swap3A_607 = tpu.vector_load %arg17[%swap3A_606] {strides = array<i32>} : memref<2048xf32, #tpu.memory_space<vmem>>, vector<16xf32>,
        tpu.vector_store %arg17[%swap3A_606], %gather3A_601 {strides = array<i32>} : memref<2048xf32, #tpu.memory_space<vmem>>, vector<16xf32>,
        %add3A_608 = arith.constant 48 : i32
        %add3A_609 = vector.broadcast %add3A_608 : i32 to vector<16xi32>
        %add3A_610 = arith.addi %iota3A, %add3A_609 : vector<16xi32>
        %gather3A_611 = tpu.vector_load_idx %arg12[%add3A_610, %add3A_572] : memref<64x128xf32, #tpu.memory_space<vmem>>[vector<16xi32>, vector<16xi32>], vector<16xf32>,
        %mul3A_612 = arith.constant 64 : i32
        %mul3A_613 = arith.muli %and3A_574, %mul3A_612 : i32
        %add3A_614 = arith.constant 48 : i32
        %add3A_615 = arith.addi %mul3A_613, %add3A_614 : i32
        %swap3A_616 = arith.index_cast %add3A_615 : i32 to index
        %swap3A_617 = tpu.vector_load %arg17[%swap3A_616] {strides = array<i32>} : memref<2048xf32, #tpu.memory_space<vmem>>, vector<16xf32>,
        tpu.vector_store %arg17[%swap3A_616], %gather3A_611 {strides = array<i32>} : memref<2048xf32, #tpu.memory_space<vmem>>, vector<16xf32>,
        %mul3A_618 = arith.constant 64 : i32
        %mul3A_619 = arith.muli %and3A_574, %mul3A_618 : i32
        %mul3A_620 = arith.constant 64 : i32
        %mul3A_621 = arith.muli %squeeze3A_569, %mul3A_620 : i32
        %dma_start3A = tpu.memref_slice %arg17[%mul3A_619] : memref<2048xf32, #tpu.memory_space<vmem>> -> memref<64xf32, #tpu.memory_space<vmem>>
        %dma_start3A_622 = tpu.memref_slice %arg5[%mul3A_621] : memref<1048576xf32, #tpu.memory_space<hbm>> -> memref<64xf32, #tpu.memory_space<hbm>>
        %dma_start3A_623 = tpu.memref_slice %arg5[%mul3A_621] : memref<1048576xf32, #tpu.memory_space<hbm>> -> memref<64xf32, #tpu.memory_space<hbm>>
        %dma_start3A_624 = tpu.memref_slice %arg17[%mul3A_619] : memref<2048xf32, #tpu.memory_space<vmem>> -> memref<64xf32, #tpu.memory_space<vmem>>
        tpu.enqueue_dma source(%dma_start3A_624 : memref<64xf32, #tpu.memory_space<vmem>>) target(%dma_start3A_623 : memref<64xf32, #tpu.memory_space<hbm>>) target_semaphore(%arg25 : memref<!tpu.dma_semaphore, #tpu.memory_space<semaphore_mem>>)
        %add3A_625 = arith.constant 1 : i32
        %add3A_626 = arith.addi %while3A_563, %add3A_625 : i32
        scf.yield %add3A_626 : i32
      }
      %add3A_454 = arith.constant 7 : i32
      %add3A_455 = arith.addi %add3A_442, %add3A_454 : i32
      %ge3A_456 = arith.constant 7812 : i32
      %ge3A_457 = arith.cmpi sge, %add3A_455, %ge3A_456 : i32
      %convert_element_type3A_458 = arith.extui %ge3A_457 : i1 to i32
      %cond3A_459 = arith.constant 0 : i32
      %cond3A_460 = arith.constant 0 : i32
      %cond3A_461 = arith.cmpi ne, %convert_element_type3A_458, %cond3A_460 : i32
      %cond3A_462 = scf.if %cond3A_461 -> (i32) {
        tpu.enqueue_dma source(%arg4 : memref<64x128xf32, #tpu.memory_space<hbm>>) target(%arg12 : memref<64x128xf32, #tpu.memory_space<vmem>>) target_semaphore(%arg20 : memref<!tpu.dma_semaphore, #tpu.memory_space<semaphore_mem>>)
        %cond3A_563 = arith.constant 0 : i32
        scf.yield %cond3A_563 : i32
      } else {
        %min3A_563 = arith.constant 7811 : i32
        %min3A_564 = arith.minsi %add3A_455, %min3A_563 : i32
        %mul3A_565 = arith.constant 128 : i32
        %mul3A_566 = arith.muli %min3A_564, %mul3A_565 : i32
        %dma_start3A = arith.constant 0 : i32
        %dma_start3A_567 = tpu.memref_slice %arg3[%dma_start3A, %mul3A_566] : memref<64x1000000xf32, #tpu.memory_space<hbm>> -> memref<64x128xf32, #tpu.memory_space<hbm>>
        %dma_start3A_568 = arith.constant 0 : i32
        %dma_start3A_569 = tpu.memref_slice %arg3[%dma_start3A_568, %mul3A_566] : memref<64x1000000xf32, #tpu.memory_space<hbm>> -> memref<64x128xf32, #tpu.memory_space<hbm>>
        tpu.enqueue_dma source(%dma_start3A_569 : memref<64x128xf32, #tpu.memory_space<hbm>>) target(%arg12 : memref<64x128xf32, #tpu.memory_space<vmem>>) target_semaphore(%arg20 : memref<!tpu.dma_semaphore, #tpu.memory_space<semaphore_mem>>)
        %cond3A_570 = arith.constant 0 : i32
        scf.yield %cond3A_570 : i32
      }
      %mul3A_463 = arith.constant 7 : i32
      %mul3A_464 = arith.muli %while3A_386, %mul3A_463 : i32
      %add3A_465 = arith.addi %add3A_4, %mul3A_464 : i32
      %add3A_466 = arith.constant 3 : i32
      %add3A_467 = arith.addi %add3A_465, %add3A_466 : i32
      %min3A_468 = arith.constant 7811 : i32
      %min3A_469 = arith.minsi %add3A_467, %min3A_468 : i32
      %mul3A_470 = arith.constant 128 : i32
      %mul3A_471 = arith.muli %min3A_469, %mul3A_470 : i32
      %dma_wait3A_472 = arith.constant 0 : i32
      %dma_wait3A_473 = tpu.memref_slice %arg3[%dma_wait3A_472, %mul3A_471] : memref<64x1000000xf32, #tpu.memory_space<hbm>> -> memref<64x128xf32, #tpu.memory_space<hbm>>
      %dma_wait3A_474 = arith.constant 0 : i32
      %dma_wait3A_475 = tpu.memref_slice %arg3[%dma_wait3A_474, %mul3A_471] : memref<64x1000000xf32, #tpu.memory_space<hbm>> -> memref<64x128xf32, #tpu.memory_space<hbm>>
      tpu.wait_dma2 semaphore(%arg21 : memref<!tpu.dma_semaphore, #tpu.memory_space<semaphore_mem>>) src(%dma_wait3A_475 : memref<64x128xf32, #tpu.memory_space<hbm>>) dst(%arg13 : memref<64x128xf32, #tpu.memory_space<vmem>>)
      %mul3A_476 = arith.constant 128 : i32
      %mul3A_477 = arith.muli %add3A_467, %mul3A_476 : i32
      %while3A_478 = scf.while (%while3A_563 = %while3A_453) : (i32) -> i32 {
        %get3A = arith.index_cast %while3A_563 : i32 to index
        %get3A_564 = tpu.vector_load %arg7[%get3A] {strides = array<i32>} : memref<16400xi32, #tpu.memory_space<vmem>>, vector<16xi32>,
        %lt3A_565 = arith.cmpi slt, %while3A_563, %scan3A_12 : i32
        %slice3A = vector.extract_strided_slice %get3A_564 {offsets = [0], sizes = [1], strides = [1]} : vector<16xi32> to vector<1xi32>
        %squeeze3A = vector.extract %slice3A[0] : i32 from vector<1xi32>
        %shift_right_logical3A_566 = arith.constant 7 : i32
        %shift_right_logical3A_567 = arith.shrui %squeeze3A, %shift_right_logical3A_566 : i32
        %eq3A = arith.cmpi eq, %shift_right_logical3A_567, %add3A_467 : i32
        %and3A_568 = arith.andi %lt3A_565, %eq3A : i1
        scf.condition(%and3A_568) %while3A_563 : i32
      } do {
      ^bb0(%while3A_563: i32):
        %get3A = arith.index_cast %while3A_563 : i32 to index
        %get3A_564 = tpu.vector_load %arg7[%get3A] {strides = array<i32>} : memref<16400xi32, #tpu.memory_space<vmem>>, vector<16xi32>,
        %get3A_565 = arith.index_cast %while3A_563 : i32 to index
        %get3A_566 = tpu.vector_load %arg8[%get3A_565] {strides = array<i32>} : memref<16400xi32, #tpu.memory_space<vmem>>, vector<16xi32>,
        %slice3A = vector.extract_strided_slice %get3A_564 {offsets = [0], sizes = [1], strides = [1]} : vector<16xi32> to vector<1xi32>
        %squeeze3A = vector.extract %slice3A[0] : i32 from vector<1xi32>
        %sub3A_567 = arith.subi %squeeze3A, %mul3A_477 : i32
        %slice3A_568 = vector.extract_strided_slice %get3A_566 {offsets = [0], sizes = [1], strides = [1]} : vector<16xi32> to vector<1xi32>
        %squeeze3A_569 = vector.extract %slice3A_568[0] : i32 from vector<1xi32>
        %broadcast_in_dim3A = arith.constant 0 : i32
        %broadcast_in_dim3A_570 = vector.broadcast %broadcast_in_dim3A : i32 to vector<16xi32>
        %add3A_571 = vector.broadcast %sub3A_567 : i32 to vector<16xi32>
        %add3A_572 = arith.addi %broadcast_in_dim3A_570, %add3A_571 : vector<16xi32>
        %and3A_573 = arith.constant 31 : i32
        %and3A_574 = arith.andi %while3A_563, %and3A_573 : i32
        %ge3A_575 = arith.constant 32 : i32
        %ge3A_576 = arith.cmpi sge, %while3A_563, %ge3A_575 : i32
        %convert_element_type3A_577 = arith.extui %ge3A_576 : i1 to i32
        %cond3A_578 = arith.constant 0 : i32
        %cond3A_579 = arith.cmpi ne, %convert_element_type3A_577, %cond3A_578 : i32
        scf.if %cond3A_579 {
          %mul3A_627 = arith.constant 64 : i32
          %mul3A_628 = arith.muli %and3A_574, %mul3A_627 : i32
          %mul3A_629 = arith.constant 64 : i32
          %mul3A_630 = arith.muli %squeeze3A_569, %mul3A_629 : i32
          %dma_wait3A_631 = tpu.memref_slice %arg17[%mul3A_628] : memref<2048xf32, #tpu.memory_space<vmem>> -> memref<64xf32, #tpu.memory_space<vmem>>
          %dma_wait3A_632 = tpu.memref_slice %arg5[%mul3A_630] : memref<1048576xf32, #tpu.memory_space<hbm>> -> memref<64xf32, #tpu.memory_space<hbm>>
          %dma_wait3A_633 = tpu.memref_slice %arg5[%mul3A_630] : memref<1048576xf32, #tpu.memory_space<hbm>> -> memref<64xf32, #tpu.memory_space<hbm>>
          %dma_wait3A_634 = tpu.memref_slice %arg17[%mul3A_628] : memref<2048xf32, #tpu.memory_space<vmem>> -> memref<64xf32, #tpu.memory_space<vmem>>
          tpu.wait_dma2 semaphore(%arg25 : memref<!tpu.dma_semaphore, #tpu.memory_space<semaphore_mem>>) src(%dma_wait3A_634 : memref<64xf32, #tpu.memory_space<vmem>>) dst(%dma_wait3A_633 : memref<64xf32, #tpu.memory_space<hbm>>)
        } else {
        }
        %add3A_580 = arith.constant 0 : i32
        %add3A_581 = vector.broadcast %add3A_580 : i32 to vector<16xi32>
        %add3A_582 = arith.addi %iota3A, %add3A_581 : vector<16xi32>
        %gather3A = tpu.vector_load_idx %arg13[%add3A_582, %add3A_572] : memref<64x128xf32, #tpu.memory_space<vmem>>[vector<16xi32>, vector<16xi32>], vector<16xf32>,
        %mul3A_583 = arith.constant 64 : i32
        %mul3A_584 = arith.muli %and3A_574, %mul3A_583 : i32
        %add3A_585 = arith.constant 0 : i32
        %add3A_586 = arith.addi %mul3A_584, %add3A_585 : i32
        %swap3A = arith.index_cast %add3A_586 : i32 to index
        %swap3A_587 = tpu.vector_load %arg17[%swap3A] {strides = array<i32>} : memref<2048xf32, #tpu.memory_space<vmem>>, vector<16xf32>,
        tpu.vector_store %arg17[%swap3A], %gather3A {strides = array<i32>} : memref<2048xf32, #tpu.memory_space<vmem>>, vector<16xf32>,
        %add3A_588 = arith.constant 16 : i32
        %add3A_589 = vector.broadcast %add3A_588 : i32 to vector<16xi32>
        %add3A_590 = arith.addi %iota3A, %add3A_589 : vector<16xi32>
        %gather3A_591 = tpu.vector_load_idx %arg13[%add3A_590, %add3A_572] : memref<64x128xf32, #tpu.memory_space<vmem>>[vector<16xi32>, vector<16xi32>], vector<16xf32>,
        %mul3A_592 = arith.constant 64 : i32
        %mul3A_593 = arith.muli %and3A_574, %mul3A_592 : i32
        %add3A_594 = arith.constant 16 : i32
        %add3A_595 = arith.addi %mul3A_593, %add3A_594 : i32
        %swap3A_596 = arith.index_cast %add3A_595 : i32 to index
        %swap3A_597 = tpu.vector_load %arg17[%swap3A_596] {strides = array<i32>} : memref<2048xf32, #tpu.memory_space<vmem>>, vector<16xf32>,
        tpu.vector_store %arg17[%swap3A_596], %gather3A_591 {strides = array<i32>} : memref<2048xf32, #tpu.memory_space<vmem>>, vector<16xf32>,
        %add3A_598 = arith.constant 32 : i32
        %add3A_599 = vector.broadcast %add3A_598 : i32 to vector<16xi32>
        %add3A_600 = arith.addi %iota3A, %add3A_599 : vector<16xi32>
        %gather3A_601 = tpu.vector_load_idx %arg13[%add3A_600, %add3A_572] : memref<64x128xf32, #tpu.memory_space<vmem>>[vector<16xi32>, vector<16xi32>], vector<16xf32>,
        %mul3A_602 = arith.constant 64 : i32
        %mul3A_603 = arith.muli %and3A_574, %mul3A_602 : i32
        %add3A_604 = arith.constant 32 : i32
        %add3A_605 = arith.addi %mul3A_603, %add3A_604 : i32
        %swap3A_606 = arith.index_cast %add3A_605 : i32 to index
        %swap3A_607 = tpu.vector_load %arg17[%swap3A_606] {strides = array<i32>} : memref<2048xf32, #tpu.memory_space<vmem>>, vector<16xf32>,
        tpu.vector_store %arg17[%swap3A_606], %gather3A_601 {strides = array<i32>} : memref<2048xf32, #tpu.memory_space<vmem>>, vector<16xf32>,
        %add3A_608 = arith.constant 48 : i32
        %add3A_609 = vector.broadcast %add3A_608 : i32 to vector<16xi32>
        %add3A_610 = arith.addi %iota3A, %add3A_609 : vector<16xi32>
        %gather3A_611 = tpu.vector_load_idx %arg13[%add3A_610, %add3A_572] : memref<64x128xf32, #tpu.memory_space<vmem>>[vector<16xi32>, vector<16xi32>], vector<16xf32>,
        %mul3A_612 = arith.constant 64 : i32
        %mul3A_613 = arith.muli %and3A_574, %mul3A_612 : i32
        %add3A_614 = arith.constant 48 : i32
        %add3A_615 = arith.addi %mul3A_613, %add3A_614 : i32
        %swap3A_616 = arith.index_cast %add3A_615 : i32 to index
        %swap3A_617 = tpu.vector_load %arg17[%swap3A_616] {strides = array<i32>} : memref<2048xf32, #tpu.memory_space<vmem>>, vector<16xf32>,
        tpu.vector_store %arg17[%swap3A_616], %gather3A_611 {strides = array<i32>} : memref<2048xf32, #tpu.memory_space<vmem>>, vector<16xf32>,
        %mul3A_618 = arith.constant 64 : i32
        %mul3A_619 = arith.muli %and3A_574, %mul3A_618 : i32
        %mul3A_620 = arith.constant 64 : i32
        %mul3A_621 = arith.muli %squeeze3A_569, %mul3A_620 : i32
        %dma_start3A = tpu.memref_slice %arg17[%mul3A_619] : memref<2048xf32, #tpu.memory_space<vmem>> -> memref<64xf32, #tpu.memory_space<vmem>>
        %dma_start3A_622 = tpu.memref_slice %arg5[%mul3A_621] : memref<1048576xf32, #tpu.memory_space<hbm>> -> memref<64xf32, #tpu.memory_space<hbm>>
        %dma_start3A_623 = tpu.memref_slice %arg5[%mul3A_621] : memref<1048576xf32, #tpu.memory_space<hbm>> -> memref<64xf32, #tpu.memory_space<hbm>>
        %dma_start3A_624 = tpu.memref_slice %arg17[%mul3A_619] : memref<2048xf32, #tpu.memory_space<vmem>> -> memref<64xf32, #tpu.memory_space<vmem>>
        tpu.enqueue_dma source(%dma_start3A_624 : memref<64xf32, #tpu.memory_space<vmem>>) target(%dma_start3A_623 : memref<64xf32, #tpu.memory_space<hbm>>) target_semaphore(%arg25 : memref<!tpu.dma_semaphore, #tpu.memory_space<semaphore_mem>>)
        %add3A_625 = arith.constant 1 : i32
        %add3A_626 = arith.addi %while3A_563, %add3A_625 : i32
        scf.yield %add3A_626 : i32
      }
      %add3A_479 = arith.constant 7 : i32
      %add3A_480 = arith.addi %add3A_467, %add3A_479 : i32
      %ge3A_481 = arith.constant 7812 : i32
      %ge3A_482 = arith.cmpi sge, %add3A_480, %ge3A_481 : i32
      %convert_element_type3A_483 = arith.extui %ge3A_482 : i1 to i32
      %cond3A_484 = arith.constant 0 : i32
      %cond3A_485 = arith.constant 0 : i32
      %cond3A_486 = arith.cmpi ne, %convert_element_type3A_483, %cond3A_485 : i32
      %cond3A_487 = scf.if %cond3A_486 -> (i32) {
        tpu.enqueue_dma source(%arg4 : memref<64x128xf32, #tpu.memory_space<hbm>>) target(%arg13 : memref<64x128xf32, #tpu.memory_space<vmem>>) target_semaphore(%arg21 : memref<!tpu.dma_semaphore, #tpu.memory_space<semaphore_mem>>)
        %cond3A_563 = arith.constant 0 : i32
        scf.yield %cond3A_563 : i32
      } else {
        %min3A_563 = arith.constant 7811 : i32
        %min3A_564 = arith.minsi %add3A_480, %min3A_563 : i32
        %mul3A_565 = arith.constant 128 : i32
        %mul3A_566 = arith.muli %min3A_564, %mul3A_565 : i32
        %dma_start3A = arith.constant 0 : i32
        %dma_start3A_567 = tpu.memref_slice %arg3[%dma_start3A, %mul3A_566] : memref<64x1000000xf32, #tpu.memory_space<hbm>> -> memref<64x128xf32, #tpu.memory_space<hbm>>
        %dma_start3A_568 = arith.constant 0 : i32
        %dma_start3A_569 = tpu.memref_slice %arg3[%dma_start3A_568, %mul3A_566] : memref<64x1000000xf32, #tpu.memory_space<hbm>> -> memref<64x128xf32, #tpu.memory_space<hbm>>
        tpu.enqueue_dma source(%dma_start3A_569 : memref<64x128xf32, #tpu.memory_space<hbm>>) target(%arg13 : memref<64x128xf32, #tpu.memory_space<vmem>>) target_semaphore(%arg21 : memref<!tpu.dma_semaphore, #tpu.memory_space<semaphore_mem>>)
        %cond3A_570 = arith.constant 0 : i32
        scf.yield %cond3A_570 : i32
      }
      %mul3A_488 = arith.constant 7 : i32
      %mul3A_489 = arith.muli %while3A_386, %mul3A_488 : i32
      %add3A_490 = arith.addi %add3A_4, %mul3A_489 : i32
      %add3A_491 = arith.constant 4 : i32
      %add3A_492 = arith.addi %add3A_490, %add3A_491 : i32
      %min3A_493 = arith.constant 7811 : i32
      %min3A_494 = arith.minsi %add3A_492, %min3A_493 : i32
      %mul3A_495 = arith.constant 128 : i32
      %mul3A_496 = arith.muli %min3A_494, %mul3A_495 : i32
      %dma_wait3A_497 = arith.constant 0 : i32
      %dma_wait3A_498 = tpu.memref_slice %arg3[%dma_wait3A_497, %mul3A_496] : memref<64x1000000xf32, #tpu.memory_space<hbm>> -> memref<64x128xf32, #tpu.memory_space<hbm>>
      %dma_wait3A_499 = arith.constant 0 : i32
      %dma_wait3A_500 = tpu.memref_slice %arg3[%dma_wait3A_499, %mul3A_496] : memref<64x1000000xf32, #tpu.memory_space<hbm>> -> memref<64x128xf32, #tpu.memory_space<hbm>>
      tpu.wait_dma2 semaphore(%arg22 : memref<!tpu.dma_semaphore, #tpu.memory_space<semaphore_mem>>) src(%dma_wait3A_500 : memref<64x128xf32, #tpu.memory_space<hbm>>) dst(%arg14 : memref<64x128xf32, #tpu.memory_space<vmem>>)
      %mul3A_501 = arith.constant 128 : i32
      %mul3A_502 = arith.muli %add3A_492, %mul3A_501 : i32
      %while3A_503 = scf.while (%while3A_563 = %while3A_478) : (i32) -> i32 {
        %get3A = arith.index_cast %while3A_563 : i32 to index
        %get3A_564 = tpu.vector_load %arg7[%get3A] {strides = array<i32>} : memref<16400xi32, #tpu.memory_space<vmem>>, vector<16xi32>,
        %lt3A_565 = arith.cmpi slt, %while3A_563, %scan3A_12 : i32
        %slice3A = vector.extract_strided_slice %get3A_564 {offsets = [0], sizes = [1], strides = [1]} : vector<16xi32> to vector<1xi32>
        %squeeze3A = vector.extract %slice3A[0] : i32 from vector<1xi32>
        %shift_right_logical3A_566 = arith.constant 7 : i32
        %shift_right_logical3A_567 = arith.shrui %squeeze3A, %shift_right_logical3A_566 : i32
        %eq3A = arith.cmpi eq, %shift_right_logical3A_567, %add3A_492 : i32
        %and3A_568 = arith.andi %lt3A_565, %eq3A : i1
        scf.condition(%and3A_568) %while3A_563 : i32
      } do {
      ^bb0(%while3A_563: i32):
        %get3A = arith.index_cast %while3A_563 : i32 to index
        %get3A_564 = tpu.vector_load %arg7[%get3A] {strides = array<i32>} : memref<16400xi32, #tpu.memory_space<vmem>>, vector<16xi32>,
        %get3A_565 = arith.index_cast %while3A_563 : i32 to index
        %get3A_566 = tpu.vector_load %arg8[%get3A_565] {strides = array<i32>} : memref<16400xi32, #tpu.memory_space<vmem>>, vector<16xi32>,
        %slice3A = vector.extract_strided_slice %get3A_564 {offsets = [0], sizes = [1], strides = [1]} : vector<16xi32> to vector<1xi32>
        %squeeze3A = vector.extract %slice3A[0] : i32 from vector<1xi32>
        %sub3A_567 = arith.subi %squeeze3A, %mul3A_502 : i32
        %slice3A_568 = vector.extract_strided_slice %get3A_566 {offsets = [0], sizes = [1], strides = [1]} : vector<16xi32> to vector<1xi32>
        %squeeze3A_569 = vector.extract %slice3A_568[0] : i32 from vector<1xi32>
        %broadcast_in_dim3A = arith.constant 0 : i32
        %broadcast_in_dim3A_570 = vector.broadcast %broadcast_in_dim3A : i32 to vector<16xi32>
        %add3A_571 = vector.broadcast %sub3A_567 : i32 to vector<16xi32>
        %add3A_572 = arith.addi %broadcast_in_dim3A_570, %add3A_571 : vector<16xi32>
        %and3A_573 = arith.constant 31 : i32
        %and3A_574 = arith.andi %while3A_563, %and3A_573 : i32
        %ge3A_575 = arith.constant 32 : i32
        %ge3A_576 = arith.cmpi sge, %while3A_563, %ge3A_575 : i32
        %convert_element_type3A_577 = arith.extui %ge3A_576 : i1 to i32
        %cond3A_578 = arith.constant 0 : i32
        %cond3A_579 = arith.cmpi ne, %convert_element_type3A_577, %cond3A_578 : i32
        scf.if %cond3A_579 {
          %mul3A_627 = arith.constant 64 : i32
          %mul3A_628 = arith.muli %and3A_574, %mul3A_627 : i32
          %mul3A_629 = arith.constant 64 : i32
          %mul3A_630 = arith.muli %squeeze3A_569, %mul3A_629 : i32
          %dma_wait3A_631 = tpu.memref_slice %arg17[%mul3A_628] : memref<2048xf32, #tpu.memory_space<vmem>> -> memref<64xf32, #tpu.memory_space<vmem>>
          %dma_wait3A_632 = tpu.memref_slice %arg5[%mul3A_630] : memref<1048576xf32, #tpu.memory_space<hbm>> -> memref<64xf32, #tpu.memory_space<hbm>>
          %dma_wait3A_633 = tpu.memref_slice %arg5[%mul3A_630] : memref<1048576xf32, #tpu.memory_space<hbm>> -> memref<64xf32, #tpu.memory_space<hbm>>
          %dma_wait3A_634 = tpu.memref_slice %arg17[%mul3A_628] : memref<2048xf32, #tpu.memory_space<vmem>> -> memref<64xf32, #tpu.memory_space<vmem>>
          tpu.wait_dma2 semaphore(%arg25 : memref<!tpu.dma_semaphore, #tpu.memory_space<semaphore_mem>>) src(%dma_wait3A_634 : memref<64xf32, #tpu.memory_space<vmem>>) dst(%dma_wait3A_633 : memref<64xf32, #tpu.memory_space<hbm>>)
        } else {
        }
        %add3A_580 = arith.constant 0 : i32
        %add3A_581 = vector.broadcast %add3A_580 : i32 to vector<16xi32>
        %add3A_582 = arith.addi %iota3A, %add3A_581 : vector<16xi32>
        %gather3A = tpu.vector_load_idx %arg14[%add3A_582, %add3A_572] : memref<64x128xf32, #tpu.memory_space<vmem>>[vector<16xi32>, vector<16xi32>], vector<16xf32>,
        %mul3A_583 = arith.constant 64 : i32
        %mul3A_584 = arith.muli %and3A_574, %mul3A_583 : i32
        %add3A_585 = arith.constant 0 : i32
        %add3A_586 = arith.addi %mul3A_584, %add3A_585 : i32
        %swap3A = arith.index_cast %add3A_586 : i32 to index
        %swap3A_587 = tpu.vector_load %arg17[%swap3A] {strides = array<i32>} : memref<2048xf32, #tpu.memory_space<vmem>>, vector<16xf32>,
        tpu.vector_store %arg17[%swap3A], %gather3A {strides = array<i32>} : memref<2048xf32, #tpu.memory_space<vmem>>, vector<16xf32>,
        %add3A_588 = arith.constant 16 : i32
        %add3A_589 = vector.broadcast %add3A_588 : i32 to vector<16xi32>
        %add3A_590 = arith.addi %iota3A, %add3A_589 : vector<16xi32>
        %gather3A_591 = tpu.vector_load_idx %arg14[%add3A_590, %add3A_572] : memref<64x128xf32, #tpu.memory_space<vmem>>[vector<16xi32>, vector<16xi32>], vector<16xf32>,
        %mul3A_592 = arith.constant 64 : i32
        %mul3A_593 = arith.muli %and3A_574, %mul3A_592 : i32
        %add3A_594 = arith.constant 16 : i32
        %add3A_595 = arith.addi %mul3A_593, %add3A_594 : i32
        %swap3A_596 = arith.index_cast %add3A_595 : i32 to index
        %swap3A_597 = tpu.vector_load %arg17[%swap3A_596] {strides = array<i32>} : memref<2048xf32, #tpu.memory_space<vmem>>, vector<16xf32>,
        tpu.vector_store %arg17[%swap3A_596], %gather3A_591 {strides = array<i32>} : memref<2048xf32, #tpu.memory_space<vmem>>, vector<16xf32>,
        %add3A_598 = arith.constant 32 : i32
        %add3A_599 = vector.broadcast %add3A_598 : i32 to vector<16xi32>
        %add3A_600 = arith.addi %iota3A, %add3A_599 : vector<16xi32>
        %gather3A_601 = tpu.vector_load_idx %arg14[%add3A_600, %add3A_572] : memref<64x128xf32, #tpu.memory_space<vmem>>[vector<16xi32>, vector<16xi32>], vector<16xf32>,
        %mul3A_602 = arith.constant 64 : i32
        %mul3A_603 = arith.muli %and3A_574, %mul3A_602 : i32
        %add3A_604 = arith.constant 32 : i32
        %add3A_605 = arith.addi %mul3A_603, %add3A_604 : i32
        %swap3A_606 = arith.index_cast %add3A_605 : i32 to index
        %swap3A_607 = tpu.vector_load %arg17[%swap3A_606] {strides = array<i32>} : memref<2048xf32, #tpu.memory_space<vmem>>, vector<16xf32>,
        tpu.vector_store %arg17[%swap3A_606], %gather3A_601 {strides = array<i32>} : memref<2048xf32, #tpu.memory_space<vmem>>, vector<16xf32>,
        %add3A_608 = arith.constant 48 : i32
        %add3A_609 = vector.broadcast %add3A_608 : i32 to vector<16xi32>
        %add3A_610 = arith.addi %iota3A, %add3A_609 : vector<16xi32>
        %gather3A_611 = tpu.vector_load_idx %arg14[%add3A_610, %add3A_572] : memref<64x128xf32, #tpu.memory_space<vmem>>[vector<16xi32>, vector<16xi32>], vector<16xf32>,
        %mul3A_612 = arith.constant 64 : i32
        %mul3A_613 = arith.muli %and3A_574, %mul3A_612 : i32
        %add3A_614 = arith.constant 48 : i32
        %add3A_615 = arith.addi %mul3A_613, %add3A_614 : i32
        %swap3A_616 = arith.index_cast %add3A_615 : i32 to index
        %swap3A_617 = tpu.vector_load %arg17[%swap3A_616] {strides = array<i32>} : memref<2048xf32, #tpu.memory_space<vmem>>, vector<16xf32>,
        tpu.vector_store %arg17[%swap3A_616], %gather3A_611 {strides = array<i32>} : memref<2048xf32, #tpu.memory_space<vmem>>, vector<16xf32>,
        %mul3A_618 = arith.constant 64 : i32
        %mul3A_619 = arith.muli %and3A_574, %mul3A_618 : i32
        %mul3A_620 = arith.constant 64 : i32
        %mul3A_621 = arith.muli %squeeze3A_569, %mul3A_620 : i32
        %dma_start3A = tpu.memref_slice %arg17[%mul3A_619] : memref<2048xf32, #tpu.memory_space<vmem>> -> memref<64xf32, #tpu.memory_space<vmem>>
        %dma_start3A_622 = tpu.memref_slice %arg5[%mul3A_621] : memref<1048576xf32, #tpu.memory_space<hbm>> -> memref<64xf32, #tpu.memory_space<hbm>>
        %dma_start3A_623 = tpu.memref_slice %arg5[%mul3A_621] : memref<1048576xf32, #tpu.memory_space<hbm>> -> memref<64xf32, #tpu.memory_space<hbm>>
        %dma_start3A_624 = tpu.memref_slice %arg17[%mul3A_619] : memref<2048xf32, #tpu.memory_space<vmem>> -> memref<64xf32, #tpu.memory_space<vmem>>
        tpu.enqueue_dma source(%dma_start3A_624 : memref<64xf32, #tpu.memory_space<vmem>>) target(%dma_start3A_623 : memref<64xf32, #tpu.memory_space<hbm>>) target_semaphore(%arg25 : memref<!tpu.dma_semaphore, #tpu.memory_space<semaphore_mem>>)
        %add3A_625 = arith.constant 1 : i32
        %add3A_626 = arith.addi %while3A_563, %add3A_625 : i32
        scf.yield %add3A_626 : i32
      }
      %add3A_504 = arith.constant 7 : i32
      %add3A_505 = arith.addi %add3A_492, %add3A_504 : i32
      %ge3A_506 = arith.constant 7812 : i32
      %ge3A_507 = arith.cmpi sge, %add3A_505, %ge3A_506 : i32
      %convert_element_type3A_508 = arith.extui %ge3A_507 : i1 to i32
      %cond3A_509 = arith.constant 0 : i32
      %cond3A_510 = arith.constant 0 : i32
      %cond3A_511 = arith.cmpi ne, %convert_element_type3A_508, %cond3A_510 : i32
      %cond3A_512 = scf.if %cond3A_511 -> (i32) {
        tpu.enqueue_dma source(%arg4 : memref<64x128xf32, #tpu.memory_space<hbm>>) target(%arg14 : memref<64x128xf32, #tpu.memory_space<vmem>>) target_semaphore(%arg22 : memref<!tpu.dma_semaphore, #tpu.memory_space<semaphore_mem>>)
        %cond3A_563 = arith.constant 0 : i32
        scf.yield %cond3A_563 : i32
      } else {
        %min3A_563 = arith.constant 7811 : i32
        %min3A_564 = arith.minsi %add3A_505, %min3A_563 : i32
        %mul3A_565 = arith.constant 128 : i32
        %mul3A_566 = arith.muli %min3A_564, %mul3A_565 : i32
        %dma_start3A = arith.constant 0 : i32
        %dma_start3A_567 = tpu.memref_slice %arg3[%dma_start3A, %mul3A_566] : memref<64x1000000xf32, #tpu.memory_space<hbm>> -> memref<64x128xf32, #tpu.memory_space<hbm>>
        %dma_start3A_568 = arith.constant 0 : i32
        %dma_start3A_569 = tpu.memref_slice %arg3[%dma_start3A_568, %mul3A_566] : memref<64x1000000xf32, #tpu.memory_space<hbm>> -> memref<64x128xf32, #tpu.memory_space<hbm>>
        tpu.enqueue_dma source(%dma_start3A_569 : memref<64x128xf32, #tpu.memory_space<hbm>>) target(%arg14 : memref<64x128xf32, #tpu.memory_space<vmem>>) target_semaphore(%arg22 : memref<!tpu.dma_semaphore, #tpu.memory_space<semaphore_mem>>)
        %cond3A_570 = arith.constant 0 : i32
        scf.yield %cond3A_570 : i32
      }
      %mul3A_513 = arith.constant 7 : i32
      %mul3A_514 = arith.muli %while3A_386, %mul3A_513 : i32
      %add3A_515 = arith.addi %add3A_4, %mul3A_514 : i32
      %add3A_516 = arith.constant 5 : i32
      %add3A_517 = arith.addi %add3A_515, %add3A_516 : i32
      %min3A_518 = arith.constant 7811 : i32
      %min3A_519 = arith.minsi %add3A_517, %min3A_518 : i32
      %mul3A_520 = arith.constant 128 : i32
      %mul3A_521 = arith.muli %min3A_519, %mul3A_520 : i32
      %dma_wait3A_522 = arith.constant 0 : i32
      %dma_wait3A_523 = tpu.memref_slice %arg3[%dma_wait3A_522, %mul3A_521] : memref<64x1000000xf32, #tpu.memory_space<hbm>> -> memref<64x128xf32, #tpu.memory_space<hbm>>
      %dma_wait3A_524 = arith.constant 0 : i32
      %dma_wait3A_525 = tpu.memref_slice %arg3[%dma_wait3A_524, %mul3A_521] : memref<64x1000000xf32, #tpu.memory_space<hbm>> -> memref<64x128xf32, #tpu.memory_space<hbm>>
      tpu.wait_dma2 semaphore(%arg23 : memref<!tpu.dma_semaphore, #tpu.memory_space<semaphore_mem>>) src(%dma_wait3A_525 : memref<64x128xf32, #tpu.memory_space<hbm>>) dst(%arg15 : memref<64x128xf32, #tpu.memory_space<vmem>>)
      %mul3A_526 = arith.constant 128 : i32
      %mul3A_527 = arith.muli %add3A_517, %mul3A_526 : i32
      %while3A_528 = scf.while (%while3A_563 = %while3A_503) : (i32) -> i32 {
        %get3A = arith.index_cast %while3A_563 : i32 to index
        %get3A_564 = tpu.vector_load %arg7[%get3A] {strides = array<i32>} : memref<16400xi32, #tpu.memory_space<vmem>>, vector<16xi32>,
        %lt3A_565 = arith.cmpi slt, %while3A_563, %scan3A_12 : i32
        %slice3A = vector.extract_strided_slice %get3A_564 {offsets = [0], sizes = [1], strides = [1]} : vector<16xi32> to vector<1xi32>
        %squeeze3A = vector.extract %slice3A[0] : i32 from vector<1xi32>
        %shift_right_logical3A_566 = arith.constant 7 : i32
        %shift_right_logical3A_567 = arith.shrui %squeeze3A, %shift_right_logical3A_566 : i32
        %eq3A = arith.cmpi eq, %shift_right_logical3A_567, %add3A_517 : i32
        %and3A_568 = arith.andi %lt3A_565, %eq3A : i1
        scf.condition(%and3A_568) %while3A_563 : i32
      } do {
      ^bb0(%while3A_563: i32):
        %get3A = arith.index_cast %while3A_563 : i32 to index
        %get3A_564 = tpu.vector_load %arg7[%get3A] {strides = array<i32>} : memref<16400xi32, #tpu.memory_space<vmem>>, vector<16xi32>,
        %get3A_565 = arith.index_cast %while3A_563 : i32 to index
        %get3A_566 = tpu.vector_load %arg8[%get3A_565] {strides = array<i32>} : memref<16400xi32, #tpu.memory_space<vmem>>, vector<16xi32>,
        %slice3A = vector.extract_strided_slice %get3A_564 {offsets = [0], sizes = [1], strides = [1]} : vector<16xi32> to vector<1xi32>
        %squeeze3A = vector.extract %slice3A[0] : i32 from vector<1xi32>
        %sub3A_567 = arith.subi %squeeze3A, %mul3A_527 : i32
        %slice3A_568 = vector.extract_strided_slice %get3A_566 {offsets = [0], sizes = [1], strides = [1]} : vector<16xi32> to vector<1xi32>
        %squeeze3A_569 = vector.extract %slice3A_568[0] : i32 from vector<1xi32>
        %broadcast_in_dim3A = arith.constant 0 : i32
        %broadcast_in_dim3A_570 = vector.broadcast %broadcast_in_dim3A : i32 to vector<16xi32>
        %add3A_571 = vector.broadcast %sub3A_567 : i32 to vector<16xi32>
        %add3A_572 = arith.addi %broadcast_in_dim3A_570, %add3A_571 : vector<16xi32>
        %and3A_573 = arith.constant 31 : i32
        %and3A_574 = arith.andi %while3A_563, %and3A_573 : i32
        %ge3A_575 = arith.constant 32 : i32
        %ge3A_576 = arith.cmpi sge, %while3A_563, %ge3A_575 : i32
        %convert_element_type3A_577 = arith.extui %ge3A_576 : i1 to i32
        %cond3A_578 = arith.constant 0 : i32
        %cond3A_579 = arith.cmpi ne, %convert_element_type3A_577, %cond3A_578 : i32
        scf.if %cond3A_579 {
          %mul3A_627 = arith.constant 64 : i32
          %mul3A_628 = arith.muli %and3A_574, %mul3A_627 : i32
          %mul3A_629 = arith.constant 64 : i32
          %mul3A_630 = arith.muli %squeeze3A_569, %mul3A_629 : i32
          %dma_wait3A_631 = tpu.memref_slice %arg17[%mul3A_628] : memref<2048xf32, #tpu.memory_space<vmem>> -> memref<64xf32, #tpu.memory_space<vmem>>
          %dma_wait3A_632 = tpu.memref_slice %arg5[%mul3A_630] : memref<1048576xf32, #tpu.memory_space<hbm>> -> memref<64xf32, #tpu.memory_space<hbm>>
          %dma_wait3A_633 = tpu.memref_slice %arg5[%mul3A_630] : memref<1048576xf32, #tpu.memory_space<hbm>> -> memref<64xf32, #tpu.memory_space<hbm>>
          %dma_wait3A_634 = tpu.memref_slice %arg17[%mul3A_628] : memref<2048xf32, #tpu.memory_space<vmem>> -> memref<64xf32, #tpu.memory_space<vmem>>
          tpu.wait_dma2 semaphore(%arg25 : memref<!tpu.dma_semaphore, #tpu.memory_space<semaphore_mem>>) src(%dma_wait3A_634 : memref<64xf32, #tpu.memory_space<vmem>>) dst(%dma_wait3A_633 : memref<64xf32, #tpu.memory_space<hbm>>)
        } else {
        }
        %add3A_580 = arith.constant 0 : i32
        %add3A_581 = vector.broadcast %add3A_580 : i32 to vector<16xi32>
        %add3A_582 = arith.addi %iota3A, %add3A_581 : vector<16xi32>
        %gather3A = tpu.vector_load_idx %arg15[%add3A_582, %add3A_572] : memref<64x128xf32, #tpu.memory_space<vmem>>[vector<16xi32>, vector<16xi32>], vector<16xf32>,
        %mul3A_583 = arith.constant 64 : i32
        %mul3A_584 = arith.muli %and3A_574, %mul3A_583 : i32
        %add3A_585 = arith.constant 0 : i32
        %add3A_586 = arith.addi %mul3A_584, %add3A_585 : i32
        %swap3A = arith.index_cast %add3A_586 : i32 to index
        %swap3A_587 = tpu.vector_load %arg17[%swap3A] {strides = array<i32>} : memref<2048xf32, #tpu.memory_space<vmem>>, vector<16xf32>,
        tpu.vector_store %arg17[%swap3A], %gather3A {strides = array<i32>} : memref<2048xf32, #tpu.memory_space<vmem>>, vector<16xf32>,
        %add3A_588 = arith.constant 16 : i32
        %add3A_589 = vector.broadcast %add3A_588 : i32 to vector<16xi32>
        %add3A_590 = arith.addi %iota3A, %add3A_589 : vector<16xi32>
        %gather3A_591 = tpu.vector_load_idx %arg15[%add3A_590, %add3A_572] : memref<64x128xf32, #tpu.memory_space<vmem>>[vector<16xi32>, vector<16xi32>], vector<16xf32>,
        %mul3A_592 = arith.constant 64 : i32
        %mul3A_593 = arith.muli %and3A_574, %mul3A_592 : i32
        %add3A_594 = arith.constant 16 : i32
        %add3A_595 = arith.addi %mul3A_593, %add3A_594 : i32
        %swap3A_596 = arith.index_cast %add3A_595 : i32 to index
        %swap3A_597 = tpu.vector_load %arg17[%swap3A_596] {strides = array<i32>} : memref<2048xf32, #tpu.memory_space<vmem>>, vector<16xf32>,
        tpu.vector_store %arg17[%swap3A_596], %gather3A_591 {strides = array<i32>} : memref<2048xf32, #tpu.memory_space<vmem>>, vector<16xf32>,
        %add3A_598 = arith.constant 32 : i32
        %add3A_599 = vector.broadcast %add3A_598 : i32 to vector<16xi32>
        %add3A_600 = arith.addi %iota3A, %add3A_599 : vector<16xi32>
        %gather3A_601 = tpu.vector_load_idx %arg15[%add3A_600, %add3A_572] : memref<64x128xf32, #tpu.memory_space<vmem>>[vector<16xi32>, vector<16xi32>], vector<16xf32>,
        %mul3A_602 = arith.constant 64 : i32
        %mul3A_603 = arith.muli %and3A_574, %mul3A_602 : i32
        %add3A_604 = arith.constant 32 : i32
        %add3A_605 = arith.addi %mul3A_603, %add3A_604 : i32
        %swap3A_606 = arith.index_cast %add3A_605 : i32 to index
        %swap3A_607 = tpu.vector_load %arg17[%swap3A_606] {strides = array<i32>} : memref<2048xf32, #tpu.memory_space<vmem>>, vector<16xf32>,
        tpu.vector_store %arg17[%swap3A_606], %gather3A_601 {strides = array<i32>} : memref<2048xf32, #tpu.memory_space<vmem>>, vector<16xf32>,
        %add3A_608 = arith.constant 48 : i32
        %add3A_609 = vector.broadcast %add3A_608 : i32 to vector<16xi32>
        %add3A_610 = arith.addi %iota3A, %add3A_609 : vector<16xi32>
        %gather3A_611 = tpu.vector_load_idx %arg15[%add3A_610, %add3A_572] : memref<64x128xf32, #tpu.memory_space<vmem>>[vector<16xi32>, vector<16xi32>], vector<16xf32>,
        %mul3A_612 = arith.constant 64 : i32
        %mul3A_613 = arith.muli %and3A_574, %mul3A_612 : i32
        %add3A_614 = arith.constant 48 : i32
        %add3A_615 = arith.addi %mul3A_613, %add3A_614 : i32
        %swap3A_616 = arith.index_cast %add3A_615 : i32 to index
        %swap3A_617 = tpu.vector_load %arg17[%swap3A_616] {strides = array<i32>} : memref<2048xf32, #tpu.memory_space<vmem>>, vector<16xf32>,
        tpu.vector_store %arg17[%swap3A_616], %gather3A_611 {strides = array<i32>} : memref<2048xf32, #tpu.memory_space<vmem>>, vector<16xf32>,
        %mul3A_618 = arith.constant 64 : i32
        %mul3A_619 = arith.muli %and3A_574, %mul3A_618 : i32
        %mul3A_620 = arith.constant 64 : i32
        %mul3A_621 = arith.muli %squeeze3A_569, %mul3A_620 : i32
        %dma_start3A = tpu.memref_slice %arg17[%mul3A_619] : memref<2048xf32, #tpu.memory_space<vmem>> -> memref<64xf32, #tpu.memory_space<vmem>>
        %dma_start3A_622 = tpu.memref_slice %arg5[%mul3A_621] : memref<1048576xf32, #tpu.memory_space<hbm>> -> memref<64xf32, #tpu.memory_space<hbm>>
        %dma_start3A_623 = tpu.memref_slice %arg5[%mul3A_621] : memref<1048576xf32, #tpu.memory_space<hbm>> -> memref<64xf32, #tpu.memory_space<hbm>>
        %dma_start3A_624 = tpu.memref_slice %arg17[%mul3A_619] : memref<2048xf32, #tpu.memory_space<vmem>> -> memref<64xf32, #tpu.memory_space<vmem>>
        tpu.enqueue_dma source(%dma_start3A_624 : memref<64xf32, #tpu.memory_space<vmem>>) target(%dma_start3A_623 : memref<64xf32, #tpu.memory_space<hbm>>) target_semaphore(%arg25 : memref<!tpu.dma_semaphore, #tpu.memory_space<semaphore_mem>>)
        %add3A_625 = arith.constant 1 : i32
        %add3A_626 = arith.addi %while3A_563, %add3A_625 : i32
        scf.yield %add3A_626 : i32
      }
      %add3A_529 = arith.constant 7 : i32
      %add3A_530 = arith.addi %add3A_517, %add3A_529 : i32
      %ge3A_531 = arith.constant 7812 : i32
      %ge3A_532 = arith.cmpi sge, %add3A_530, %ge3A_531 : i32
      %convert_element_type3A_533 = arith.extui %ge3A_532 : i1 to i32
      %cond3A_534 = arith.constant 0 : i32
      %cond3A_535 = arith.constant 0 : i32
      %cond3A_536 = arith.cmpi ne, %convert_element_type3A_533, %cond3A_535 : i32
      %cond3A_537 = scf.if %cond3A_536 -> (i32) {
        tpu.enqueue_dma source(%arg4 : memref<64x128xf32, #tpu.memory_space<hbm>>) target(%arg15 : memref<64x128xf32, #tpu.memory_space<vmem>>) target_semaphore(%arg23 : memref<!tpu.dma_semaphore, #tpu.memory_space<semaphore_mem>>)
        %cond3A_563 = arith.constant 0 : i32
        scf.yield %cond3A_563 : i32
      } else {
        %min3A_563 = arith.constant 7811 : i32
        %min3A_564 = arith.minsi %add3A_530, %min3A_563 : i32
        %mul3A_565 = arith.constant 128 : i32
        %mul3A_566 = arith.muli %min3A_564, %mul3A_565 : i32
        %dma_start3A = arith.constant 0 : i32
        %dma_start3A_567 = tpu.memref_slice %arg3[%dma_start3A, %mul3A_566] : memref<64x1000000xf32, #tpu.memory_space<hbm>> -> memref<64x128xf32, #tpu.memory_space<hbm>>
        %dma_start3A_568 = arith.constant 0 : i32
        %dma_start3A_569 = tpu.memref_slice %arg3[%dma_start3A_568, %mul3A_566] : memref<64x1000000xf32, #tpu.memory_space<hbm>> -> memref<64x128xf32, #tpu.memory_space<hbm>>
        tpu.enqueue_dma source(%dma_start3A_569 : memref<64x128xf32, #tpu.memory_space<hbm>>) target(%arg15 : memref<64x128xf32, #tpu.memory_space<vmem>>) target_semaphore(%arg23 : memref<!tpu.dma_semaphore, #tpu.memory_space<semaphore_mem>>)
        %cond3A_570 = arith.constant 0 : i32
        scf.yield %cond3A_570 : i32
      }
      %mul3A_538 = arith.constant 7 : i32
      %mul3A_539 = arith.muli %while3A_386, %mul3A_538 : i32
      %add3A_540 = arith.addi %add3A_4, %mul3A_539 : i32
      %add3A_541 = arith.constant 6 : i32
      %add3A_542 = arith.addi %add3A_540, %add3A_541 : i32
      %min3A_543 = arith.constant 7811 : i32
      %min3A_544 = arith.minsi %add3A_542, %min3A_543 : i32
      %mul3A_545 = arith.constant 128 : i32
      %mul3A_546 = arith.muli %min3A_544, %mul3A_545 : i32
      %dma_wait3A_547 = arith.constant 0 : i32
      %dma_wait3A_548 = tpu.memref_slice %arg3[%dma_wait3A_547, %mul3A_546] : memref<64x1000000xf32, #tpu.memory_space<hbm>> -> memref<64x128xf32, #tpu.memory_space<hbm>>
      %dma_wait3A_549 = arith.constant 0 : i32
      %dma_wait3A_550 = tpu.memref_slice %arg3[%dma_wait3A_549, %mul3A_546] : memref<64x1000000xf32, #tpu.memory_space<hbm>> -> memref<64x128xf32, #tpu.memory_space<hbm>>
      tpu.wait_dma2 semaphore(%arg24 : memref<!tpu.dma_semaphore, #tpu.memory_space<semaphore_mem>>) src(%dma_wait3A_550 : memref<64x128xf32, #tpu.memory_space<hbm>>) dst(%arg16 : memref<64x128xf32, #tpu.memory_space<vmem>>)
      %mul3A_551 = arith.constant 128 : i32
      %mul3A_552 = arith.muli %add3A_542, %mul3A_551 : i32
      %while3A_553 = scf.while (%while3A_563 = %while3A_528) : (i32) -> i32 {
        %get3A = arith.index_cast %while3A_563 : i32 to index
        %get3A_564 = tpu.vector_load %arg7[%get3A] {strides = array<i32>} : memref<16400xi32, #tpu.memory_space<vmem>>, vector<16xi32>,
        %lt3A_565 = arith.cmpi slt, %while3A_563, %scan3A_12 : i32
        %slice3A = vector.extract_strided_slice %get3A_564 {offsets = [0], sizes = [1], strides = [1]} : vector<16xi32> to vector<1xi32>
        %squeeze3A = vector.extract %slice3A[0] : i32 from vector<1xi32>
        %shift_right_logical3A_566 = arith.constant 7 : i32
        %shift_right_logical3A_567 = arith.shrui %squeeze3A, %shift_right_logical3A_566 : i32
        %eq3A = arith.cmpi eq, %shift_right_logical3A_567, %add3A_542 : i32
        %and3A_568 = arith.andi %lt3A_565, %eq3A : i1
        scf.condition(%and3A_568) %while3A_563 : i32
      } do {
      ^bb0(%while3A_563: i32):
        %get3A = arith.index_cast %while3A_563 : i32 to index
        %get3A_564 = tpu.vector_load %arg7[%get3A] {strides = array<i32>} : memref<16400xi32, #tpu.memory_space<vmem>>, vector<16xi32>,
        %get3A_565 = arith.index_cast %while3A_563 : i32 to index
        %get3A_566 = tpu.vector_load %arg8[%get3A_565] {strides = array<i32>} : memref<16400xi32, #tpu.memory_space<vmem>>, vector<16xi32>,
        %slice3A = vector.extract_strided_slice %get3A_564 {offsets = [0], sizes = [1], strides = [1]} : vector<16xi32> to vector<1xi32>
        %squeeze3A = vector.extract %slice3A[0] : i32 from vector<1xi32>
        %sub3A_567 = arith.subi %squeeze3A, %mul3A_552 : i32
        %slice3A_568 = vector.extract_strided_slice %get3A_566 {offsets = [0], sizes = [1], strides = [1]} : vector<16xi32> to vector<1xi32>
        %squeeze3A_569 = vector.extract %slice3A_568[0] : i32 from vector<1xi32>
        %broadcast_in_dim3A = arith.constant 0 : i32
        %broadcast_in_dim3A_570 = vector.broadcast %broadcast_in_dim3A : i32 to vector<16xi32>
        %add3A_571 = vector.broadcast %sub3A_567 : i32 to vector<16xi32>
        %add3A_572 = arith.addi %broadcast_in_dim3A_570, %add3A_571 : vector<16xi32>
        %and3A_573 = arith.constant 31 : i32
        %and3A_574 = arith.andi %while3A_563, %and3A_573 : i32
        %ge3A_575 = arith.constant 32 : i32
        %ge3A_576 = arith.cmpi sge, %while3A_563, %ge3A_575 : i32
        %convert_element_type3A_577 = arith.extui %ge3A_576 : i1 to i32
        %cond3A_578 = arith.constant 0 : i32
        %cond3A_579 = arith.cmpi ne, %convert_element_type3A_577, %cond3A_578 : i32
        scf.if %cond3A_579 {
          %mul3A_627 = arith.constant 64 : i32
          %mul3A_628 = arith.muli %and3A_574, %mul3A_627 : i32
          %mul3A_629 = arith.constant 64 : i32
          %mul3A_630 = arith.muli %squeeze3A_569, %mul3A_629 : i32
          %dma_wait3A_631 = tpu.memref_slice %arg17[%mul3A_628] : memref<2048xf32, #tpu.memory_space<vmem>> -> memref<64xf32, #tpu.memory_space<vmem>>
          %dma_wait3A_632 = tpu.memref_slice %arg5[%mul3A_630] : memref<1048576xf32, #tpu.memory_space<hbm>> -> memref<64xf32, #tpu.memory_space<hbm>>
          %dma_wait3A_633 = tpu.memref_slice %arg5[%mul3A_630] : memref<1048576xf32, #tpu.memory_space<hbm>> -> memref<64xf32, #tpu.memory_space<hbm>>
          %dma_wait3A_634 = tpu.memref_slice %arg17[%mul3A_628] : memref<2048xf32, #tpu.memory_space<vmem>> -> memref<64xf32, #tpu.memory_space<vmem>>
          tpu.wait_dma2 semaphore(%arg25 : memref<!tpu.dma_semaphore, #tpu.memory_space<semaphore_mem>>) src(%dma_wait3A_634 : memref<64xf32, #tpu.memory_space<vmem>>) dst(%dma_wait3A_633 : memref<64xf32, #tpu.memory_space<hbm>>)
        } else {
        }
        %add3A_580 = arith.constant 0 : i32
        %add3A_581 = vector.broadcast %add3A_580 : i32 to vector<16xi32>
        %add3A_582 = arith.addi %iota3A, %add3A_581 : vector<16xi32>
        %gather3A = tpu.vector_load_idx %arg16[%add3A_582, %add3A_572] : memref<64x128xf32, #tpu.memory_space<vmem>>[vector<16xi32>, vector<16xi32>], vector<16xf32>,
        %mul3A_583 = arith.constant 64 : i32
        %mul3A_584 = arith.muli %and3A_574, %mul3A_583 : i32
        %add3A_585 = arith.constant 0 : i32
        %add3A_586 = arith.addi %mul3A_584, %add3A_585 : i32
        %swap3A = arith.index_cast %add3A_586 : i32 to index
        %swap3A_587 = tpu.vector_load %arg17[%swap3A] {strides = array<i32>} : memref<2048xf32, #tpu.memory_space<vmem>>, vector<16xf32>,
        tpu.vector_store %arg17[%swap3A], %gather3A {strides = array<i32>} : memref<2048xf32, #tpu.memory_space<vmem>>, vector<16xf32>,
        %add3A_588 = arith.constant 16 : i32
        %add3A_589 = vector.broadcast %add3A_588 : i32 to vector<16xi32>
        %add3A_590 = arith.addi %iota3A, %add3A_589 : vector<16xi32>
        %gather3A_591 = tpu.vector_load_idx %arg16[%add3A_590, %add3A_572] : memref<64x128xf32, #tpu.memory_space<vmem>>[vector<16xi32>, vector<16xi32>], vector<16xf32>,
        %mul3A_592 = arith.constant 64 : i32
        %mul3A_593 = arith.muli %and3A_574, %mul3A_592 : i32
        %add3A_594 = arith.constant 16 : i32
        %add3A_595 = arith.addi %mul3A_593, %add3A_594 : i32
        %swap3A_596 = arith.index_cast %add3A_595 : i32 to index
        %swap3A_597 = tpu.vector_load %arg17[%swap3A_596] {strides = array<i32>} : memref<2048xf32, #tpu.memory_space<vmem>>, vector<16xf32>,
        tpu.vector_store %arg17[%swap3A_596], %gather3A_591 {strides = array<i32>} : memref<2048xf32, #tpu.memory_space<vmem>>, vector<16xf32>,
        %add3A_598 = arith.constant 32 : i32
        %add3A_599 = vector.broadcast %add3A_598 : i32 to vector<16xi32>
        %add3A_600 = arith.addi %iota3A, %add3A_599 : vector<16xi32>
        %gather3A_601 = tpu.vector_load_idx %arg16[%add3A_600, %add3A_572] : memref<64x128xf32, #tpu.memory_space<vmem>>[vector<16xi32>, vector<16xi32>], vector<16xf32>,
        %mul3A_602 = arith.constant 64 : i32
        %mul3A_603 = arith.muli %and3A_574, %mul3A_602 : i32
        %add3A_604 = arith.constant 32 : i32
        %add3A_605 = arith.addi %mul3A_603, %add3A_604 : i32
        %swap3A_606 = arith.index_cast %add3A_605 : i32 to index
        %swap3A_607 = tpu.vector_load %arg17[%swap3A_606] {strides = array<i32>} : memref<2048xf32, #tpu.memory_space<vmem>>, vector<16xf32>,
        tpu.vector_store %arg17[%swap3A_606], %gather3A_601 {strides = array<i32>} : memref<2048xf32, #tpu.memory_space<vmem>>, vector<16xf32>,
        %add3A_608 = arith.constant 48 : i32
        %add3A_609 = vector.broadcast %add3A_608 : i32 to vector<16xi32>
        %add3A_610 = arith.addi %iota3A, %add3A_609 : vector<16xi32>
        %gather3A_611 = tpu.vector_load_idx %arg16[%add3A_610, %add3A_572] : memref<64x128xf32, #tpu.memory_space<vmem>>[vector<16xi32>, vector<16xi32>], vector<16xf32>,
        %mul3A_612 = arith.constant 64 : i32
        %mul3A_613 = arith.muli %and3A_574, %mul3A_612 : i32
        %add3A_614 = arith.constant 48 : i32
        %add3A_615 = arith.addi %mul3A_613, %add3A_614 : i32
        %swap3A_616 = arith.index_cast %add3A_615 : i32 to index
        %swap3A_617 = tpu.vector_load %arg17[%swap3A_616] {strides = array<i32>} : memref<2048xf32, #tpu.memory_space<vmem>>, vector<16xf32>,
        tpu.vector_store %arg17[%swap3A_616], %gather3A_611 {strides = array<i32>} : memref<2048xf32, #tpu.memory_space<vmem>>, vector<16xf32>,
        %mul3A_618 = arith.constant 64 : i32
        %mul3A_619 = arith.muli %and3A_574, %mul3A_618 : i32
        %mul3A_620 = arith.constant 64 : i32
        %mul3A_621 = arith.muli %squeeze3A_569, %mul3A_620 : i32
        %dma_start3A = tpu.memref_slice %arg17[%mul3A_619] : memref<2048xf32, #tpu.memory_space<vmem>> -> memref<64xf32, #tpu.memory_space<vmem>>
        %dma_start3A_622 = tpu.memref_slice %arg5[%mul3A_621] : memref<1048576xf32, #tpu.memory_space<hbm>> -> memref<64xf32, #tpu.memory_space<hbm>>
        %dma_start3A_623 = tpu.memref_slice %arg5[%mul3A_621] : memref<1048576xf32, #tpu.memory_space<hbm>> -> memref<64xf32, #tpu.memory_space<hbm>>
        %dma_start3A_624 = tpu.memref_slice %arg17[%mul3A_619] : memref<2048xf32, #tpu.memory_space<vmem>> -> memref<64xf32, #tpu.memory_space<vmem>>
        tpu.enqueue_dma source(%dma_start3A_624 : memref<64xf32, #tpu.memory_space<vmem>>) target(%dma_start3A_623 : memref<64xf32, #tpu.memory_space<hbm>>) target_semaphore(%arg25 : memref<!tpu.dma_semaphore, #tpu.memory_space<semaphore_mem>>)
        %add3A_625 = arith.constant 1 : i32
        %add3A_626 = arith.addi %while3A_563, %add3A_625 : i32
        scf.yield %add3A_626 : i32
      }
      %add3A_554 = arith.constant 7 : i32
      %add3A_555 = arith.addi %add3A_542, %add3A_554 : i32
      %ge3A_556 = arith.constant 7812 : i32
      %ge3A_557 = arith.cmpi sge, %add3A_555, %ge3A_556 : i32
      %convert_element_type3A_558 = arith.extui %ge3A_557 : i1 to i32
      %cond3A_559 = arith.constant 0 : i32
      %cond3A_560 = arith.constant 0 : i32
      %cond3A_561 = arith.cmpi ne, %convert_element_type3A_558, %cond3A_560 : i32
      %cond3A_562 = scf.if %cond3A_561 -> (i32) {
        tpu.enqueue_dma source(%arg4 : memref<64x128xf32, #tpu.memory_space<hbm>>) target(%arg16 : memref<64x128xf32, #tpu.memory_space<vmem>>) target_semaphore(%arg24 : memref<!tpu.dma_semaphore, #tpu.memory_space<semaphore_mem>>)
        %cond3A_563 = arith.constant 0 : i32
        scf.yield %cond3A_563 : i32
      } else {
        %min3A_563 = arith.constant 7811 : i32
        %min3A_564 = arith.minsi %add3A_555, %min3A_563 : i32
        %mul3A_565 = arith.constant 128 : i32
        %mul3A_566 = arith.muli %min3A_564, %mul3A_565 : i32
        %dma_start3A = arith.constant 0 : i32
        %dma_start3A_567 = tpu.memref_slice %arg3[%dma_start3A, %mul3A_566] : memref<64x1000000xf32, #tpu.memory_space<hbm>> -> memref<64x128xf32, #tpu.memory_space<hbm>>
        %dma_start3A_568 = arith.constant 0 : i32
        %dma_start3A_569 = tpu.memref_slice %arg3[%dma_start3A_568, %mul3A_566] : memref<64x1000000xf32, #tpu.memory_space<hbm>> -> memref<64x128xf32, #tpu.memory_space<hbm>>
        tpu.enqueue_dma source(%dma_start3A_569 : memref<64x128xf32, #tpu.memory_space<hbm>>) target(%arg16 : memref<64x128xf32, #tpu.memory_space<vmem>>) target_semaphore(%arg24 : memref<!tpu.dma_semaphore, #tpu.memory_space<semaphore_mem>>)
        %cond3A_570 = arith.constant 0 : i32
        scf.yield %cond3A_570 : i32
      }
      scf.yield %while3A_553 : i32
    }
    %while3A_292 = arith.constant 1 : i32
    %while3A_293 = scf.for %while3A_386 = %while3A_289 to %while3A_285 step %while3A_292 iter_args(%while3A_387 = %while3A_291) -> (i32)  : i32 {
      %mul3A_388 = arith.constant 7 : i32
      %mul3A_389 = arith.muli %while3A_386, %mul3A_388 : i32
      %add3A_390 = arith.addi %add3A_4, %mul3A_389 : i32
      %add3A_391 = arith.constant 0 : i32
      %add3A_392 = arith.addi %add3A_390, %add3A_391 : i32
      %min3A_393 = arith.constant 7811 : i32
      %min3A_394 = arith.minsi %add3A_392, %min3A_393 : i32
      %mul3A_395 = arith.constant 128 : i32
      %mul3A_396 = arith.muli %min3A_394, %mul3A_395 : i32
      %dma_wait3A_397 = arith.constant 0 : i32
      %dma_wait3A_398 = tpu.memref_slice %arg3[%dma_wait3A_397, %mul3A_396] : memref<64x1000000xf32, #tpu.memory_space<hbm>> -> memref<64x128xf32, #tpu.memory_space<hbm>>
      %dma_wait3A_399 = arith.constant 0 : i32
      %dma_wait3A_400 = tpu.memref_slice %arg3[%dma_wait3A_399, %mul3A_396] : memref<64x1000000xf32, #tpu.memory_space<hbm>> -> memref<64x128xf32, #tpu.memory_space<hbm>>
      tpu.wait_dma2 semaphore(%arg18 : memref<!tpu.dma_semaphore, #tpu.memory_space<semaphore_mem>>) src(%dma_wait3A_400 : memref<64x128xf32, #tpu.memory_space<hbm>>) dst(%arg10 : memref<64x128xf32, #tpu.memory_space<vmem>>)
      %mul3A_401 = arith.constant 128 : i32
      %mul3A_402 = arith.muli %add3A_392, %mul3A_401 : i32
      %while3A_403 = scf.while (%while3A_563 = %while3A_387) : (i32) -> i32 {
        %get3A = arith.index_cast %while3A_563 : i32 to index
        %get3A_564 = tpu.vector_load %arg7[%get3A] {strides = array<i32>} : memref<16400xi32, #tpu.memory_space<vmem>>, vector<16xi32>,
        %lt3A_565 = arith.cmpi slt, %while3A_563, %scan3A_12 : i32
        %slice3A = vector.extract_strided_slice %get3A_564 {offsets = [0], sizes = [1], strides = [1]} : vector<16xi32> to vector<1xi32>
        %squeeze3A = vector.extract %slice3A[0] : i32 from vector<1xi32>
        %shift_right_logical3A_566 = arith.constant 7 : i32
        %shift_right_logical3A_567 = arith.shrui %squeeze3A, %shift_right_logical3A_566 : i32
        %eq3A = arith.cmpi eq, %shift_right_logical3A_567, %add3A_392 : i32
        %and3A_568 = arith.andi %lt3A_565, %eq3A : i1
        scf.condition(%and3A_568) %while3A_563 : i32
      } do {
      ^bb0(%while3A_563: i32):
        %get3A = arith.index_cast %while3A_563 : i32 to index
        %get3A_564 = tpu.vector_load %arg7[%get3A] {strides = array<i32>} : memref<16400xi32, #tpu.memory_space<vmem>>, vector<16xi32>,
        %get3A_565 = arith.index_cast %while3A_563 : i32 to index
        %get3A_566 = tpu.vector_load %arg8[%get3A_565] {strides = array<i32>} : memref<16400xi32, #tpu.memory_space<vmem>>, vector<16xi32>,
        %slice3A = vector.extract_strided_slice %get3A_564 {offsets = [0], sizes = [1], strides = [1]} : vector<16xi32> to vector<1xi32>
        %squeeze3A = vector.extract %slice3A[0] : i32 from vector<1xi32>
        %sub3A_567 = arith.subi %squeeze3A, %mul3A_402 : i32
        %slice3A_568 = vector.extract_strided_slice %get3A_566 {offsets = [0], sizes = [1], strides = [1]} : vector<16xi32> to vector<1xi32>
        %squeeze3A_569 = vector.extract %slice3A_568[0] : i32 from vector<1xi32>
        %broadcast_in_dim3A = arith.constant 0 : i32
        %broadcast_in_dim3A_570 = vector.broadcast %broadcast_in_dim3A : i32 to vector<16xi32>
        %add3A_571 = vector.broadcast %sub3A_567 : i32 to vector<16xi32>
        %add3A_572 = arith.addi %broadcast_in_dim3A_570, %add3A_571 : vector<16xi32>
        %and3A_573 = arith.constant 31 : i32
        %and3A_574 = arith.andi %while3A_563, %and3A_573 : i32
        %ge3A_575 = arith.constant 32 : i32
        %ge3A_576 = arith.cmpi sge, %while3A_563, %ge3A_575 : i32
        %convert_element_type3A_577 = arith.extui %ge3A_576 : i1 to i32
        %cond3A_578 = arith.constant 0 : i32
        %cond3A_579 = arith.cmpi ne, %convert_element_type3A_577, %cond3A_578 : i32
        scf.if %cond3A_579 {
          %mul3A_627 = arith.constant 64 : i32
          %mul3A_628 = arith.muli %and3A_574, %mul3A_627 : i32
          %mul3A_629 = arith.constant 64 : i32
          %mul3A_630 = arith.muli %squeeze3A_569, %mul3A_629 : i32
          %dma_wait3A_631 = tpu.memref_slice %arg17[%mul3A_628] : memref<2048xf32, #tpu.memory_space<vmem>> -> memref<64xf32, #tpu.memory_space<vmem>>
          %dma_wait3A_632 = tpu.memref_slice %arg5[%mul3A_630] : memref<1048576xf32, #tpu.memory_space<hbm>> -> memref<64xf32, #tpu.memory_space<hbm>>
          %dma_wait3A_633 = tpu.memref_slice %arg5[%mul3A_630] : memref<1048576xf32, #tpu.memory_space<hbm>> -> memref<64xf32, #tpu.memory_space<hbm>>
          %dma_wait3A_634 = tpu.memref_slice %arg17[%mul3A_628] : memref<2048xf32, #tpu.memory_space<vmem>> -> memref<64xf32, #tpu.memory_space<vmem>>
          tpu.wait_dma2 semaphore(%arg25 : memref<!tpu.dma_semaphore, #tpu.memory_space<semaphore_mem>>) src(%dma_wait3A_634 : memref<64xf32, #tpu.memory_space<vmem>>) dst(%dma_wait3A_633 : memref<64xf32, #tpu.memory_space<hbm>>)
        } else {
        }
        %add3A_580 = arith.constant 0 : i32
        %add3A_581 = vector.broadcast %add3A_580 : i32 to vector<16xi32>
        %add3A_582 = arith.addi %iota3A, %add3A_581 : vector<16xi32>
        %gather3A = tpu.vector_load_idx %arg10[%add3A_582, %add3A_572] : memref<64x128xf32, #tpu.memory_space<vmem>>[vector<16xi32>, vector<16xi32>], vector<16xf32>,
        %mul3A_583 = arith.constant 64 : i32
        %mul3A_584 = arith.muli %and3A_574, %mul3A_583 : i32
        %add3A_585 = arith.constant 0 : i32
        %add3A_586 = arith.addi %mul3A_584, %add3A_585 : i32
        %swap3A = arith.index_cast %add3A_586 : i32 to index
        %swap3A_587 = tpu.vector_load %arg17[%swap3A] {strides = array<i32>} : memref<2048xf32, #tpu.memory_space<vmem>>, vector<16xf32>,
        tpu.vector_store %arg17[%swap3A], %gather3A {strides = array<i32>} : memref<2048xf32, #tpu.memory_space<vmem>>, vector<16xf32>,
        %add3A_588 = arith.constant 16 : i32
        %add3A_589 = vector.broadcast %add3A_588 : i32 to vector<16xi32>
        %add3A_590 = arith.addi %iota3A, %add3A_589 : vector<16xi32>
        %gather3A_591 = tpu.vector_load_idx %arg10[%add3A_590, %add3A_572] : memref<64x128xf32, #tpu.memory_space<vmem>>[vector<16xi32>, vector<16xi32>], vector<16xf32>,
        %mul3A_592 = arith.constant 64 : i32
        %mul3A_593 = arith.muli %and3A_574, %mul3A_592 : i32
        %add3A_594 = arith.constant 16 : i32
        %add3A_595 = arith.addi %mul3A_593, %add3A_594 : i32
        %swap3A_596 = arith.index_cast %add3A_595 : i32 to index
        %swap3A_597 = tpu.vector_load %arg17[%swap3A_596] {strides = array<i32>} : memref<2048xf32, #tpu.memory_space<vmem>>, vector<16xf32>,
        tpu.vector_store %arg17[%swap3A_596], %gather3A_591 {strides = array<i32>} : memref<2048xf32, #tpu.memory_space<vmem>>, vector<16xf32>,
        %add3A_598 = arith.constant 32 : i32
        %add3A_599 = vector.broadcast %add3A_598 : i32 to vector<16xi32>
        %add3A_600 = arith.addi %iota3A, %add3A_599 : vector<16xi32>
        %gather3A_601 = tpu.vector_load_idx %arg10[%add3A_600, %add3A_572] : memref<64x128xf32, #tpu.memory_space<vmem>>[vector<16xi32>, vector<16xi32>], vector<16xf32>,
        %mul3A_602 = arith.constant 64 : i32
        %mul3A_603 = arith.muli %and3A_574, %mul3A_602 : i32
        %add3A_604 = arith.constant 32 : i32
        %add3A_605 = arith.addi %mul3A_603, %add3A_604 : i32
        %swap3A_606 = arith.index_cast %add3A_605 : i32 to index
        %swap3A_607 = tpu.vector_load %arg17[%swap3A_606] {strides = array<i32>} : memref<2048xf32, #tpu.memory_space<vmem>>, vector<16xf32>,
        tpu.vector_store %arg17[%swap3A_606], %gather3A_601 {strides = array<i32>} : memref<2048xf32, #tpu.memory_space<vmem>>, vector<16xf32>,
        %add3A_608 = arith.constant 48 : i32
        %add3A_609 = vector.broadcast %add3A_608 : i32 to vector<16xi32>
        %add3A_610 = arith.addi %iota3A, %add3A_609 : vector<16xi32>
        %gather3A_611 = tpu.vector_load_idx %arg10[%add3A_610, %add3A_572] : memref<64x128xf32, #tpu.memory_space<vmem>>[vector<16xi32>, vector<16xi32>], vector<16xf32>,
        %mul3A_612 = arith.constant 64 : i32
        %mul3A_613 = arith.muli %and3A_574, %mul3A_612 : i32
        %add3A_614 = arith.constant 48 : i32
        %add3A_615 = arith.addi %mul3A_613, %add3A_614 : i32
        %swap3A_616 = arith.index_cast %add3A_615 : i32 to index
        %swap3A_617 = tpu.vector_load %arg17[%swap3A_616] {strides = array<i32>} : memref<2048xf32, #tpu.memory_space<vmem>>, vector<16xf32>,
        tpu.vector_store %arg17[%swap3A_616], %gather3A_611 {strides = array<i32>} : memref<2048xf32, #tpu.memory_space<vmem>>, vector<16xf32>,
        %mul3A_618 = arith.constant 64 : i32
        %mul3A_619 = arith.muli %and3A_574, %mul3A_618 : i32
        %mul3A_620 = arith.constant 64 : i32
        %mul3A_621 = arith.muli %squeeze3A_569, %mul3A_620 : i32
        %dma_start3A = tpu.memref_slice %arg17[%mul3A_619] : memref<2048xf32, #tpu.memory_space<vmem>> -> memref<64xf32, #tpu.memory_space<vmem>>
        %dma_start3A_622 = tpu.memref_slice %arg5[%mul3A_621] : memref<1048576xf32, #tpu.memory_space<hbm>> -> memref<64xf32, #tpu.memory_space<hbm>>
        %dma_start3A_623 = tpu.memref_slice %arg5[%mul3A_621] : memref<1048576xf32, #tpu.memory_space<hbm>> -> memref<64xf32, #tpu.memory_space<hbm>>
        %dma_start3A_624 = tpu.memref_slice %arg17[%mul3A_619] : memref<2048xf32, #tpu.memory_space<vmem>> -> memref<64xf32, #tpu.memory_space<vmem>>
        tpu.enqueue_dma source(%dma_start3A_624 : memref<64xf32, #tpu.memory_space<vmem>>) target(%dma_start3A_623 : memref<64xf32, #tpu.memory_space<hbm>>) target_semaphore(%arg25 : memref<!tpu.dma_semaphore, #tpu.memory_space<semaphore_mem>>)
        %add3A_625 = arith.constant 1 : i32
        %add3A_626 = arith.addi %while3A_563, %add3A_625 : i32
        scf.yield %add3A_626 : i32
      }
      %add3A_404 = arith.constant 7 : i32
      %add3A_405 = arith.addi %add3A_392, %add3A_404 : i32
      %ge3A_406 = arith.constant 7812 : i32
      %ge3A_407 = arith.cmpi sge, %add3A_405, %ge3A_406 : i32
      %convert_element_type3A_408 = arith.extui %ge3A_407 : i1 to i32
      %cond3A_409 = arith.constant 0 : i32
      %cond3A_410 = arith.constant 0 : i32
      %cond3A_411 = arith.cmpi ne, %convert_element_type3A_408, %cond3A_410 : i32
      %cond3A_412 = scf.if %cond3A_411 -> (i32) {
        tpu.enqueue_dma source(%arg4 : memref<64x128xf32, #tpu.memory_space<hbm>>) target(%arg10 : memref<64x128xf32, #tpu.memory_space<vmem>>) target_semaphore(%arg18 : memref<!tpu.dma_semaphore, #tpu.memory_space<semaphore_mem>>)
        %cond3A_563 = arith.constant 0 : i32
        scf.yield %cond3A_563 : i32
      } else {
        %min3A_563 = arith.constant 7811 : i32
        %min3A_564 = arith.minsi %add3A_405, %min3A_563 : i32
        %mul3A_565 = arith.constant 128 : i32
        %mul3A_566 = arith.muli %min3A_564, %mul3A_565 : i32
        %dma_start3A = arith.constant 0 : i32
        %dma_start3A_567 = tpu.memref_slice %arg3[%dma_start3A, %mul3A_566] : memref<64x1000000xf32, #tpu.memory_space<hbm>> -> memref<64x128xf32, #tpu.memory_space<hbm>>
        %dma_start3A_568 = arith.constant 0 : i32
        %dma_start3A_569 = tpu.memref_slice %arg3[%dma_start3A_568, %mul3A_566] : memref<64x1000000xf32, #tpu.memory_space<hbm>> -> memref<64x128xf32, #tpu.memory_space<hbm>>
        tpu.enqueue_dma source(%dma_start3A_569 : memref<64x128xf32, #tpu.memory_space<hbm>>) target(%arg10 : memref<64x128xf32, #tpu.memory_space<vmem>>) target_semaphore(%arg18 : memref<!tpu.dma_semaphore, #tpu.memory_space<semaphore_mem>>)
        %cond3A_570 = arith.constant 0 : i32
        scf.yield %cond3A_570 : i32
      }
      %mul3A_413 = arith.constant 7 : i32
      %mul3A_414 = arith.muli %while3A_386, %mul3A_413 : i32
      %add3A_415 = arith.addi %add3A_4, %mul3A_414 : i32
      %add3A_416 = arith.constant 1 : i32
      %add3A_417 = arith.addi %add3A_415, %add3A_416 : i32
      %min3A_418 = arith.constant 7811 : i32
      %min3A_419 = arith.minsi %add3A_417, %min3A_418 : i32
      %mul3A_420 = arith.constant 128 : i32
      %mul3A_421 = arith.muli %min3A_419, %mul3A_420 : i32
      %dma_wait3A_422 = arith.constant 0 : i32
      %dma_wait3A_423 = tpu.memref_slice %arg3[%dma_wait3A_422, %mul3A_421] : memref<64x1000000xf32, #tpu.memory_space<hbm>> -> memref<64x128xf32, #tpu.memory_space<hbm>>
      %dma_wait3A_424 = arith.constant 0 : i32
      %dma_wait3A_425 = tpu.memref_slice %arg3[%dma_wait3A_424, %mul3A_421] : memref<64x1000000xf32, #tpu.memory_space<hbm>> -> memref<64x128xf32, #tpu.memory_space<hbm>>
      tpu.wait_dma2 semaphore(%arg19 : memref<!tpu.dma_semaphore, #tpu.memory_space<semaphore_mem>>) src(%dma_wait3A_425 : memref<64x128xf32, #tpu.memory_space<hbm>>) dst(%arg11 : memref<64x128xf32, #tpu.memory_space<vmem>>)
      %mul3A_426 = arith.constant 128 : i32
      %mul3A_427 = arith.muli %add3A_417, %mul3A_426 : i32
      %while3A_428 = scf.while (%while3A_563 = %while3A_403) : (i32) -> i32 {
        %get3A = arith.index_cast %while3A_563 : i32 to index
        %get3A_564 = tpu.vector_load %arg7[%get3A] {strides = array<i32>} : memref<16400xi32, #tpu.memory_space<vmem>>, vector<16xi32>,
        %lt3A_565 = arith.cmpi slt, %while3A_563, %scan3A_12 : i32
        %slice3A = vector.extract_strided_slice %get3A_564 {offsets = [0], sizes = [1], strides = [1]} : vector<16xi32> to vector<1xi32>
        %squeeze3A = vector.extract %slice3A[0] : i32 from vector<1xi32>
        %shift_right_logical3A_566 = arith.constant 7 : i32
        %shift_right_logical3A_567 = arith.shrui %squeeze3A, %shift_right_logical3A_566 : i32
        %eq3A = arith.cmpi eq, %shift_right_logical3A_567, %add3A_417 : i32
        %and3A_568 = arith.andi %lt3A_565, %eq3A : i1
        scf.condition(%and3A_568) %while3A_563 : i32
      } do {
      ^bb0(%while3A_563: i32):
        %get3A = arith.index_cast %while3A_563 : i32 to index
        %get3A_564 = tpu.vector_load %arg7[%get3A] {strides = array<i32>} : memref<16400xi32, #tpu.memory_space<vmem>>, vector<16xi32>,
        %get3A_565 = arith.index_cast %while3A_563 : i32 to index
        %get3A_566 = tpu.vector_load %arg8[%get3A_565] {strides = array<i32>} : memref<16400xi32, #tpu.memory_space<vmem>>, vector<16xi32>,
        %slice3A = vector.extract_strided_slice %get3A_564 {offsets = [0], sizes = [1], strides = [1]} : vector<16xi32> to vector<1xi32>
        %squeeze3A = vector.extract %slice3A[0] : i32 from vector<1xi32>
        %sub3A_567 = arith.subi %squeeze3A, %mul3A_427 : i32
        %slice3A_568 = vector.extract_strided_slice %get3A_566 {offsets = [0], sizes = [1], strides = [1]} : vector<16xi32> to vector<1xi32>
        %squeeze3A_569 = vector.extract %slice3A_568[0] : i32 from vector<1xi32>
        %broadcast_in_dim3A = arith.constant 0 : i32
        %broadcast_in_dim3A_570 = vector.broadcast %broadcast_in_dim3A : i32 to vector<16xi32>
        %add3A_571 = vector.broadcast %sub3A_567 : i32 to vector<16xi32>
        %add3A_572 = arith.addi %broadcast_in_dim3A_570, %add3A_571 : vector<16xi32>
        %and3A_573 = arith.constant 31 : i32
        %and3A_574 = arith.andi %while3A_563, %and3A_573 : i32
        %ge3A_575 = arith.constant 32 : i32
        %ge3A_576 = arith.cmpi sge, %while3A_563, %ge3A_575 : i32
        %convert_element_type3A_577 = arith.extui %ge3A_576 : i1 to i32
        %cond3A_578 = arith.constant 0 : i32
        %cond3A_579 = arith.cmpi ne, %convert_element_type3A_577, %cond3A_578 : i32
        scf.if %cond3A_579 {
          %mul3A_627 = arith.constant 64 : i32
          %mul3A_628 = arith.muli %and3A_574, %mul3A_627 : i32
          %mul3A_629 = arith.constant 64 : i32
          %mul3A_630 = arith.muli %squeeze3A_569, %mul3A_629 : i32
          %dma_wait3A_631 = tpu.memref_slice %arg17[%mul3A_628] : memref<2048xf32, #tpu.memory_space<vmem>> -> memref<64xf32, #tpu.memory_space<vmem>>
          %dma_wait3A_632 = tpu.memref_slice %arg5[%mul3A_630] : memref<1048576xf32, #tpu.memory_space<hbm>> -> memref<64xf32, #tpu.memory_space<hbm>>
          %dma_wait3A_633 = tpu.memref_slice %arg5[%mul3A_630] : memref<1048576xf32, #tpu.memory_space<hbm>> -> memref<64xf32, #tpu.memory_space<hbm>>
          %dma_wait3A_634 = tpu.memref_slice %arg17[%mul3A_628] : memref<2048xf32, #tpu.memory_space<vmem>> -> memref<64xf32, #tpu.memory_space<vmem>>
          tpu.wait_dma2 semaphore(%arg25 : memref<!tpu.dma_semaphore, #tpu.memory_space<semaphore_mem>>) src(%dma_wait3A_634 : memref<64xf32, #tpu.memory_space<vmem>>) dst(%dma_wait3A_633 : memref<64xf32, #tpu.memory_space<hbm>>)
        } else {
        }
        %add3A_580 = arith.constant 0 : i32
        %add3A_581 = vector.broadcast %add3A_580 : i32 to vector<16xi32>
        %add3A_582 = arith.addi %iota3A, %add3A_581 : vector<16xi32>
        %gather3A = tpu.vector_load_idx %arg11[%add3A_582, %add3A_572] : memref<64x128xf32, #tpu.memory_space<vmem>>[vector<16xi32>, vector<16xi32>], vector<16xf32>,
        %mul3A_583 = arith.constant 64 : i32
        %mul3A_584 = arith.muli %and3A_574, %mul3A_583 : i32
        %add3A_585 = arith.constant 0 : i32
        %add3A_586 = arith.addi %mul3A_584, %add3A_585 : i32
        %swap3A = arith.index_cast %add3A_586 : i32 to index
        %swap3A_587 = tpu.vector_load %arg17[%swap3A] {strides = array<i32>} : memref<2048xf32, #tpu.memory_space<vmem>>, vector<16xf32>,
        tpu.vector_store %arg17[%swap3A], %gather3A {strides = array<i32>} : memref<2048xf32, #tpu.memory_space<vmem>>, vector<16xf32>,
        %add3A_588 = arith.constant 16 : i32
        %add3A_589 = vector.broadcast %add3A_588 : i32 to vector<16xi32>
        %add3A_590 = arith.addi %iota3A, %add3A_589 : vector<16xi32>
        %gather3A_591 = tpu.vector_load_idx %arg11[%add3A_590, %add3A_572] : memref<64x128xf32, #tpu.memory_space<vmem>>[vector<16xi32>, vector<16xi32>], vector<16xf32>,
        %mul3A_592 = arith.constant 64 : i32
        %mul3A_593 = arith.muli %and3A_574, %mul3A_592 : i32
        %add3A_594 = arith.constant 16 : i32
        %add3A_595 = arith.addi %mul3A_593, %add3A_594 : i32
        %swap3A_596 = arith.index_cast %add3A_595 : i32 to index
        %swap3A_597 = tpu.vector_load %arg17[%swap3A_596] {strides = array<i32>} : memref<2048xf32, #tpu.memory_space<vmem>>, vector<16xf32>,
        tpu.vector_store %arg17[%swap3A_596], %gather3A_591 {strides = array<i32>} : memref<2048xf32, #tpu.memory_space<vmem>>, vector<16xf32>,
        %add3A_598 = arith.constant 32 : i32
        %add3A_599 = vector.broadcast %add3A_598 : i32 to vector<16xi32>
        %add3A_600 = arith.addi %iota3A, %add3A_599 : vector<16xi32>
        %gather3A_601 = tpu.vector_load_idx %arg11[%add3A_600, %add3A_572] : memref<64x128xf32, #tpu.memory_space<vmem>>[vector<16xi32>, vector<16xi32>], vector<16xf32>,
        %mul3A_602 = arith.constant 64 : i32
        %mul3A_603 = arith.muli %and3A_574, %mul3A_602 : i32
        %add3A_604 = arith.constant 32 : i32
        %add3A_605 = arith.addi %mul3A_603, %add3A_604 : i32
        %swap3A_606 = arith.index_cast %add3A_605 : i32 to index
        %swap3A_607 = tpu.vector_load %arg17[%swap3A_606] {strides = array<i32>} : memref<2048xf32, #tpu.memory_space<vmem>>, vector<16xf32>,
        tpu.vector_store %arg17[%swap3A_606], %gather3A_601 {strides = array<i32>} : memref<2048xf32, #tpu.memory_space<vmem>>, vector<16xf32>,
        %add3A_608 = arith.constant 48 : i32
        %add3A_609 = vector.broadcast %add3A_608 : i32 to vector<16xi32>
        %add3A_610 = arith.addi %iota3A, %add3A_609 : vector<16xi32>
        %gather3A_611 = tpu.vector_load_idx %arg11[%add3A_610, %add3A_572] : memref<64x128xf32, #tpu.memory_space<vmem>>[vector<16xi32>, vector<16xi32>], vector<16xf32>,
        %mul3A_612 = arith.constant 64 : i32
        %mul3A_613 = arith.muli %and3A_574, %mul3A_612 : i32
        %add3A_614 = arith.constant 48 : i32
        %add3A_615 = arith.addi %mul3A_613, %add3A_614 : i32
        %swap3A_616 = arith.index_cast %add3A_615 : i32 to index
        %swap3A_617 = tpu.vector_load %arg17[%swap3A_616] {strides = array<i32>} : memref<2048xf32, #tpu.memory_space<vmem>>, vector<16xf32>,
        tpu.vector_store %arg17[%swap3A_616], %gather3A_611 {strides = array<i32>} : memref<2048xf32, #tpu.memory_space<vmem>>, vector<16xf32>,
        %mul3A_618 = arith.constant 64 : i32
        %mul3A_619 = arith.muli %and3A_574, %mul3A_618 : i32
        %mul3A_620 = arith.constant 64 : i32
        %mul3A_621 = arith.muli %squeeze3A_569, %mul3A_620 : i32
        %dma_start3A = tpu.memref_slice %arg17[%mul3A_619] : memref<2048xf32, #tpu.memory_space<vmem>> -> memref<64xf32, #tpu.memory_space<vmem>>
        %dma_start3A_622 = tpu.memref_slice %arg5[%mul3A_621] : memref<1048576xf32, #tpu.memory_space<hbm>> -> memref<64xf32, #tpu.memory_space<hbm>>
        %dma_start3A_623 = tpu.memref_slice %arg5[%mul3A_621] : memref<1048576xf32, #tpu.memory_space<hbm>> -> memref<64xf32, #tpu.memory_space<hbm>>
        %dma_start3A_624 = tpu.memref_slice %arg17[%mul3A_619] : memref<2048xf32, #tpu.memory_space<vmem>> -> memref<64xf32, #tpu.memory_space<vmem>>
        tpu.enqueue_dma source(%dma_start3A_624 : memref<64xf32, #tpu.memory_space<vmem>>) target(%dma_start3A_623 : memref<64xf32, #tpu.memory_space<hbm>>) target_semaphore(%arg25 : memref<!tpu.dma_semaphore, #tpu.memory_space<semaphore_mem>>)
        %add3A_625 = arith.constant 1 : i32
        %add3A_626 = arith.addi %while3A_563, %add3A_625 : i32
        scf.yield %add3A_626 : i32
      }
      %add3A_429 = arith.constant 7 : i32
      %add3A_430 = arith.addi %add3A_417, %add3A_429 : i32
      %ge3A_431 = arith.constant 7812 : i32
      %ge3A_432 = arith.cmpi sge, %add3A_430, %ge3A_431 : i32
      %convert_element_type3A_433 = arith.extui %ge3A_432 : i1 to i32
      %cond3A_434 = arith.constant 0 : i32
      %cond3A_435 = arith.constant 0 : i32
      %cond3A_436 = arith.cmpi ne, %convert_element_type3A_433, %cond3A_435 : i32
      %cond3A_437 = scf.if %cond3A_436 -> (i32) {
        tpu.enqueue_dma source(%arg4 : memref<64x128xf32, #tpu.memory_space<hbm>>) target(%arg11 : memref<64x128xf32, #tpu.memory_space<vmem>>) target_semaphore(%arg19 : memref<!tpu.dma_semaphore, #tpu.memory_space<semaphore_mem>>)
        %cond3A_563 = arith.constant 0 : i32
        scf.yield %cond3A_563 : i32
      } else {
        %min3A_563 = arith.constant 7811 : i32
        %min3A_564 = arith.minsi %add3A_430, %min3A_563 : i32
        %mul3A_565 = arith.constant 128 : i32
        %mul3A_566 = arith.muli %min3A_564, %mul3A_565 : i32
        %dma_start3A = arith.constant 0 : i32
        %dma_start3A_567 = tpu.memref_slice %arg3[%dma_start3A, %mul3A_566] : memref<64x1000000xf32, #tpu.memory_space<hbm>> -> memref<64x128xf32, #tpu.memory_space<hbm>>
        %dma_start3A_568 = arith.constant 0 : i32
        %dma_start3A_569 = tpu.memref_slice %arg3[%dma_start3A_568, %mul3A_566] : memref<64x1000000xf32, #tpu.memory_space<hbm>> -> memref<64x128xf32, #tpu.memory_space<hbm>>
        tpu.enqueue_dma source(%dma_start3A_569 : memref<64x128xf32, #tpu.memory_space<hbm>>) target(%arg11 : memref<64x128xf32, #tpu.memory_space<vmem>>) target_semaphore(%arg19 : memref<!tpu.dma_semaphore, #tpu.memory_space<semaphore_mem>>)
        %cond3A_570 = arith.constant 0 : i32
        scf.yield %cond3A_570 : i32
      }
      %mul3A_438 = arith.constant 7 : i32
      %mul3A_439 = arith.muli %while3A_386, %mul3A_438 : i32
      %add3A_440 = arith.addi %add3A_4, %mul3A_439 : i32
      %add3A_441 = arith.constant 2 : i32
      %add3A_442 = arith.addi %add3A_440, %add3A_441 : i32
      %min3A_443 = arith.constant 7811 : i32
      %min3A_444 = arith.minsi %add3A_442, %min3A_443 : i32
      %mul3A_445 = arith.constant 128 : i32
      %mul3A_446 = arith.muli %min3A_444, %mul3A_445 : i32
      %dma_wait3A_447 = arith.constant 0 : i32
      %dma_wait3A_448 = tpu.memref_slice %arg3[%dma_wait3A_447, %mul3A_446] : memref<64x1000000xf32, #tpu.memory_space<hbm>> -> memref<64x128xf32, #tpu.memory_space<hbm>>
      %dma_wait3A_449 = arith.constant 0 : i32
      %dma_wait3A_450 = tpu.memref_slice %arg3[%dma_wait3A_449, %mul3A_446] : memref<64x1000000xf32, #tpu.memory_space<hbm>> -> memref<64x128xf32, #tpu.memory_space<hbm>>
      tpu.wait_dma2 semaphore(%arg20 : memref<!tpu.dma_semaphore, #tpu.memory_space<semaphore_mem>>) src(%dma_wait3A_450 : memref<64x128xf32, #tpu.memory_space<hbm>>) dst(%arg12 : memref<64x128xf32, #tpu.memory_space<vmem>>)
      %mul3A_451 = arith.constant 128 : i32
      %mul3A_452 = arith.muli %add3A_442, %mul3A_451 : i32
      %while3A_453 = scf.while (%while3A_563 = %while3A_428) : (i32) -> i32 {
        %get3A = arith.index_cast %while3A_563 : i32 to index
        %get3A_564 = tpu.vector_load %arg7[%get3A] {strides = array<i32>} : memref<16400xi32, #tpu.memory_space<vmem>>, vector<16xi32>,
        %lt3A_565 = arith.cmpi slt, %while3A_563, %scan3A_12 : i32
        %slice3A = vector.extract_strided_slice %get3A_564 {offsets = [0], sizes = [1], strides = [1]} : vector<16xi32> to vector<1xi32>
        %squeeze3A = vector.extract %slice3A[0] : i32 from vector<1xi32>
        %shift_right_logical3A_566 = arith.constant 7 : i32
        %shift_right_logical3A_567 = arith.shrui %squeeze3A, %shift_right_logical3A_566 : i32
        %eq3A = arith.cmpi eq, %shift_right_logical3A_567, %add3A_442 : i32
        %and3A_568 = arith.andi %lt3A_565, %eq3A : i1
        scf.condition(%and3A_568) %while3A_563 : i32
      } do {
      ^bb0(%while3A_563: i32):
        %get3A = arith.index_cast %while3A_563 : i32 to index
        %get3A_564 = tpu.vector_load %arg7[%get3A] {strides = array<i32>} : memref<16400xi32, #tpu.memory_space<vmem>>, vector<16xi32>,
        %get3A_565 = arith.index_cast %while3A_563 : i32 to index
        %get3A_566 = tpu.vector_load %arg8[%get3A_565] {strides = array<i32>} : memref<16400xi32, #tpu.memory_space<vmem>>, vector<16xi32>,
        %slice3A = vector.extract_strided_slice %get3A_564 {offsets = [0], sizes = [1], strides = [1]} : vector<16xi32> to vector<1xi32>
        %squeeze3A = vector.extract %slice3A[0] : i32 from vector<1xi32>
        %sub3A_567 = arith.subi %squeeze3A, %mul3A_452 : i32
        %slice3A_568 = vector.extract_strided_slice %get3A_566 {offsets = [0], sizes = [1], strides = [1]} : vector<16xi32> to vector<1xi32>
        %squeeze3A_569 = vector.extract %slice3A_568[0] : i32 from vector<1xi32>
        %broadcast_in_dim3A = arith.constant 0 : i32
        %broadcast_in_dim3A_570 = vector.broadcast %broadcast_in_dim3A : i32 to vector<16xi32>
        %add3A_571 = vector.broadcast %sub3A_567 : i32 to vector<16xi32>
        %add3A_572 = arith.addi %broadcast_in_dim3A_570, %add3A_571 : vector<16xi32>
        %and3A_573 = arith.constant 31 : i32
        %and3A_574 = arith.andi %while3A_563, %and3A_573 : i32
        %ge3A_575 = arith.constant 32 : i32
        %ge3A_576 = arith.cmpi sge, %while3A_563, %ge3A_575 : i32
        %convert_element_type3A_577 = arith.extui %ge3A_576 : i1 to i32
        %cond3A_578 = arith.constant 0 : i32
        %cond3A_579 = arith.cmpi ne, %convert_element_type3A_577, %cond3A_578 : i32
        scf.if %cond3A_579 {
          %mul3A_627 = arith.constant 64 : i32
          %mul3A_628 = arith.muli %and3A_574, %mul3A_627 : i32
          %mul3A_629 = arith.constant 64 : i32
          %mul3A_630 = arith.muli %squeeze3A_569, %mul3A_629 : i32
          %dma_wait3A_631 = tpu.memref_slice %arg17[%mul3A_628] : memref<2048xf32, #tpu.memory_space<vmem>> -> memref<64xf32, #tpu.memory_space<vmem>>
          %dma_wait3A_632 = tpu.memref_slice %arg5[%mul3A_630] : memref<1048576xf32, #tpu.memory_space<hbm>> -> memref<64xf32, #tpu.memory_space<hbm>>
          %dma_wait3A_633 = tpu.memref_slice %arg5[%mul3A_630] : memref<1048576xf32, #tpu.memory_space<hbm>> -> memref<64xf32, #tpu.memory_space<hbm>>
          %dma_wait3A_634 = tpu.memref_slice %arg17[%mul3A_628] : memref<2048xf32, #tpu.memory_space<vmem>> -> memref<64xf32, #tpu.memory_space<vmem>>
          tpu.wait_dma2 semaphore(%arg25 : memref<!tpu.dma_semaphore, #tpu.memory_space<semaphore_mem>>) src(%dma_wait3A_634 : memref<64xf32, #tpu.memory_space<vmem>>) dst(%dma_wait3A_633 : memref<64xf32, #tpu.memory_space<hbm>>)
        } else {
        }
        %add3A_580 = arith.constant 0 : i32
        %add3A_581 = vector.broadcast %add3A_580 : i32 to vector<16xi32>
        %add3A_582 = arith.addi %iota3A, %add3A_581 : vector<16xi32>
        %gather3A = tpu.vector_load_idx %arg12[%add3A_582, %add3A_572] : memref<64x128xf32, #tpu.memory_space<vmem>>[vector<16xi32>, vector<16xi32>], vector<16xf32>,
        %mul3A_583 = arith.constant 64 : i32
        %mul3A_584 = arith.muli %and3A_574, %mul3A_583 : i32
        %add3A_585 = arith.constant 0 : i32
        %add3A_586 = arith.addi %mul3A_584, %add3A_585 : i32
        %swap3A = arith.index_cast %add3A_586 : i32 to index
        %swap3A_587 = tpu.vector_load %arg17[%swap3A] {strides = array<i32>} : memref<2048xf32, #tpu.memory_space<vmem>>, vector<16xf32>,
        tpu.vector_store %arg17[%swap3A], %gather3A {strides = array<i32>} : memref<2048xf32, #tpu.memory_space<vmem>>, vector<16xf32>,
        %add3A_588 = arith.constant 16 : i32
        %add3A_589 = vector.broadcast %add3A_588 : i32 to vector<16xi32>
        %add3A_590 = arith.addi %iota3A, %add3A_589 : vector<16xi32>
        %gather3A_591 = tpu.vector_load_idx %arg12[%add3A_590, %add3A_572] : memref<64x128xf32, #tpu.memory_space<vmem>>[vector<16xi32>, vector<16xi32>], vector<16xf32>,
        %mul3A_592 = arith.constant 64 : i32
        %mul3A_593 = arith.muli %and3A_574, %mul3A_592 : i32
        %add3A_594 = arith.constant 16 : i32
        %add3A_595 = arith.addi %mul3A_593, %add3A_594 : i32
        %swap3A_596 = arith.index_cast %add3A_595 : i32 to index
        %swap3A_597 = tpu.vector_load %arg17[%swap3A_596] {strides = array<i32>} : memref<2048xf32, #tpu.memory_space<vmem>>, vector<16xf32>,
        tpu.vector_store %arg17[%swap3A_596], %gather3A_591 {strides = array<i32>} : memref<2048xf32, #tpu.memory_space<vmem>>, vector<16xf32>,
        %add3A_598 = arith.constant 32 : i32
        %add3A_599 = vector.broadcast %add3A_598 : i32 to vector<16xi32>
        %add3A_600 = arith.addi %iota3A, %add3A_599 : vector<16xi32>
        %gather3A_601 = tpu.vector_load_idx %arg12[%add3A_600, %add3A_572] : memref<64x128xf32, #tpu.memory_space<vmem>>[vector<16xi32>, vector<16xi32>], vector<16xf32>,
        %mul3A_602 = arith.constant 64 : i32
        %mul3A_603 = arith.muli %and3A_574, %mul3A_602 : i32
        %add3A_604 = arith.constant 32 : i32
        %add3A_605 = arith.addi %mul3A_603, %add3A_604 : i32
        %swap3A_606 = arith.index_cast %add3A_605 : i32 to index
        %swap3A_607 = tpu.vector_load %arg17[%swap3A_606] {strides = array<i32>} : memref<2048xf32, #tpu.memory_space<vmem>>, vector<16xf32>,
        tpu.vector_store %arg17[%swap3A_606], %gather3A_601 {strides = array<i32>} : memref<2048xf32, #tpu.memory_space<vmem>>, vector<16xf32>,
        %add3A_608 = arith.constant 48 : i32
        %add3A_609 = vector.broadcast %add3A_608 : i32 to vector<16xi32>
        %add3A_610 = arith.addi %iota3A, %add3A_609 : vector<16xi32>
        %gather3A_611 = tpu.vector_load_idx %arg12[%add3A_610, %add3A_572] : memref<64x128xf32, #tpu.memory_space<vmem>>[vector<16xi32>, vector<16xi32>], vector<16xf32>,
        %mul3A_612 = arith.constant 64 : i32
        %mul3A_613 = arith.muli %and3A_574, %mul3A_612 : i32
        %add3A_614 = arith.constant 48 : i32
        %add3A_615 = arith.addi %mul3A_613, %add3A_614 : i32
        %swap3A_616 = arith.index_cast %add3A_615 : i32 to index
        %swap3A_617 = tpu.vector_load %arg17[%swap3A_616] {strides = array<i32>} : memref<2048xf32, #tpu.memory_space<vmem>>, vector<16xf32>,
        tpu.vector_store %arg17[%swap3A_616], %gather3A_611 {strides = array<i32>} : memref<2048xf32, #tpu.memory_space<vmem>>, vector<16xf32>,
        %mul3A_618 = arith.constant 64 : i32
        %mul3A_619 = arith.muli %and3A_574, %mul3A_618 : i32
        %mul3A_620 = arith.constant 64 : i32
        %mul3A_621 = arith.muli %squeeze3A_569, %mul3A_620 : i32
        %dma_start3A = tpu.memref_slice %arg17[%mul3A_619] : memref<2048xf32, #tpu.memory_space<vmem>> -> memref<64xf32, #tpu.memory_space<vmem>>
        %dma_start3A_622 = tpu.memref_slice %arg5[%mul3A_621] : memref<1048576xf32, #tpu.memory_space<hbm>> -> memref<64xf32, #tpu.memory_space<hbm>>
        %dma_start3A_623 = tpu.memref_slice %arg5[%mul3A_621] : memref<1048576xf32, #tpu.memory_space<hbm>> -> memref<64xf32, #tpu.memory_space<hbm>>
        %dma_start3A_624 = tpu.memref_slice %arg17[%mul3A_619] : memref<2048xf32, #tpu.memory_space<vmem>> -> memref<64xf32, #tpu.memory_space<vmem>>
        tpu.enqueue_dma source(%dma_start3A_624 : memref<64xf32, #tpu.memory_space<vmem>>) target(%dma_start3A_623 : memref<64xf32, #tpu.memory_space<hbm>>) target_semaphore(%arg25 : memref<!tpu.dma_semaphore, #tpu.memory_space<semaphore_mem>>)
        %add3A_625 = arith.constant 1 : i32
        %add3A_626 = arith.addi %while3A_563, %add3A_625 : i32
        scf.yield %add3A_626 : i32
      }
      %add3A_454 = arith.constant 7 : i32
      %add3A_455 = arith.addi %add3A_442, %add3A_454 : i32
      %ge3A_456 = arith.constant 7812 : i32
      %ge3A_457 = arith.cmpi sge, %add3A_455, %ge3A_456 : i32
      %convert_element_type3A_458 = arith.extui %ge3A_457 : i1 to i32
      %cond3A_459 = arith.constant 0 : i32
      %cond3A_460 = arith.constant 0 : i32
      %cond3A_461 = arith.cmpi ne, %convert_element_type3A_458, %cond3A_460 : i32
      %cond3A_462 = scf.if %cond3A_461 -> (i32) {
        tpu.enqueue_dma source(%arg4 : memref<64x128xf32, #tpu.memory_space<hbm>>) target(%arg12 : memref<64x128xf32, #tpu.memory_space<vmem>>) target_semaphore(%arg20 : memref<!tpu.dma_semaphore, #tpu.memory_space<semaphore_mem>>)
        %cond3A_563 = arith.constant 0 : i32
        scf.yield %cond3A_563 : i32
      } else {
        %min3A_563 = arith.constant 7811 : i32
        %min3A_564 = arith.minsi %add3A_455, %min3A_563 : i32
        %mul3A_565 = arith.constant 128 : i32
        %mul3A_566 = arith.muli %min3A_564, %mul3A_565 : i32
        %dma_start3A = arith.constant 0 : i32
        %dma_start3A_567 = tpu.memref_slice %arg3[%dma_start3A, %mul3A_566] : memref<64x1000000xf32, #tpu.memory_space<hbm>> -> memref<64x128xf32, #tpu.memory_space<hbm>>
        %dma_start3A_568 = arith.constant 0 : i32
        %dma_start3A_569 = tpu.memref_slice %arg3[%dma_start3A_568, %mul3A_566] : memref<64x1000000xf32, #tpu.memory_space<hbm>> -> memref<64x128xf32, #tpu.memory_space<hbm>>
        tpu.enqueue_dma source(%dma_start3A_569 : memref<64x128xf32, #tpu.memory_space<hbm>>) target(%arg12 : memref<64x128xf32, #tpu.memory_space<vmem>>) target_semaphore(%arg20 : memref<!tpu.dma_semaphore, #tpu.memory_space<semaphore_mem>>)
        %cond3A_570 = arith.constant 0 : i32
        scf.yield %cond3A_570 : i32
      }
      %mul3A_463 = arith.constant 7 : i32
      %mul3A_464 = arith.muli %while3A_386, %mul3A_463 : i32
      %add3A_465 = arith.addi %add3A_4, %mul3A_464 : i32
      %add3A_466 = arith.constant 3 : i32
      %add3A_467 = arith.addi %add3A_465, %add3A_466 : i32
      %min3A_468 = arith.constant 7811 : i32
      %min3A_469 = arith.minsi %add3A_467, %min3A_468 : i32
      %mul3A_470 = arith.constant 128 : i32
      %mul3A_471 = arith.muli %min3A_469, %mul3A_470 : i32
      %dma_wait3A_472 = arith.constant 0 : i32
      %dma_wait3A_473 = tpu.memref_slice %arg3[%dma_wait3A_472, %mul3A_471] : memref<64x1000000xf32, #tpu.memory_space<hbm>> -> memref<64x128xf32, #tpu.memory_space<hbm>>
      %dma_wait3A_474 = arith.constant 0 : i32
      %dma_wait3A_475 = tpu.memref_slice %arg3[%dma_wait3A_474, %mul3A_471] : memref<64x1000000xf32, #tpu.memory_space<hbm>> -> memref<64x128xf32, #tpu.memory_space<hbm>>
      tpu.wait_dma2 semaphore(%arg21 : memref<!tpu.dma_semaphore, #tpu.memory_space<semaphore_mem>>) src(%dma_wait3A_475 : memref<64x128xf32, #tpu.memory_space<hbm>>) dst(%arg13 : memref<64x128xf32, #tpu.memory_space<vmem>>)
      %mul3A_476 = arith.constant 128 : i32
      %mul3A_477 = arith.muli %add3A_467, %mul3A_476 : i32
      %while3A_478 = scf.while (%while3A_563 = %while3A_453) : (i32) -> i32 {
        %get3A = arith.index_cast %while3A_563 : i32 to index
        %get3A_564 = tpu.vector_load %arg7[%get3A] {strides = array<i32>} : memref<16400xi32, #tpu.memory_space<vmem>>, vector<16xi32>,
        %lt3A_565 = arith.cmpi slt, %while3A_563, %scan3A_12 : i32
        %slice3A = vector.extract_strided_slice %get3A_564 {offsets = [0], sizes = [1], strides = [1]} : vector<16xi32> to vector<1xi32>
        %squeeze3A = vector.extract %slice3A[0] : i32 from vector<1xi32>
        %shift_right_logical3A_566 = arith.constant 7 : i32
        %shift_right_logical3A_567 = arith.shrui %squeeze3A, %shift_right_logical3A_566 : i32
        %eq3A = arith.cmpi eq, %shift_right_logical3A_567, %add3A_467 : i32
        %and3A_568 = arith.andi %lt3A_565, %eq3A : i1
        scf.condition(%and3A_568) %while3A_563 : i32
      } do {
      ^bb0(%while3A_563: i32):
        %get3A = arith.index_cast %while3A_563 : i32 to index
        %get3A_564 = tpu.vector_load %arg7[%get3A] {strides = array<i32>} : memref<16400xi32, #tpu.memory_space<vmem>>, vector<16xi32>,
        %get3A_565 = arith.index_cast %while3A_563 : i32 to index
        %get3A_566 = tpu.vector_load %arg8[%get3A_565] {strides = array<i32>} : memref<16400xi32, #tpu.memory_space<vmem>>, vector<16xi32>,
        %slice3A = vector.extract_strided_slice %get3A_564 {offsets = [0], sizes = [1], strides = [1]} : vector<16xi32> to vector<1xi32>
        %squeeze3A = vector.extract %slice3A[0] : i32 from vector<1xi32>
        %sub3A_567 = arith.subi %squeeze3A, %mul3A_477 : i32
        %slice3A_568 = vector.extract_strided_slice %get3A_566 {offsets = [0], sizes = [1], strides = [1]} : vector<16xi32> to vector<1xi32>
        %squeeze3A_569 = vector.extract %slice3A_568[0] : i32 from vector<1xi32>
        %broadcast_in_dim3A = arith.constant 0 : i32
        %broadcast_in_dim3A_570 = vector.broadcast %broadcast_in_dim3A : i32 to vector<16xi32>
        %add3A_571 = vector.broadcast %sub3A_567 : i32 to vector<16xi32>
        %add3A_572 = arith.addi %broadcast_in_dim3A_570, %add3A_571 : vector<16xi32>
        %and3A_573 = arith.constant 31 : i32
        %and3A_574 = arith.andi %while3A_563, %and3A_573 : i32
        %ge3A_575 = arith.constant 32 : i32
        %ge3A_576 = arith.cmpi sge, %while3A_563, %ge3A_575 : i32
        %convert_element_type3A_577 = arith.extui %ge3A_576 : i1 to i32
        %cond3A_578 = arith.constant 0 : i32
        %cond3A_579 = arith.cmpi ne, %convert_element_type3A_577, %cond3A_578 : i32
        scf.if %cond3A_579 {
          %mul3A_627 = arith.constant 64 : i32
          %mul3A_628 = arith.muli %and3A_574, %mul3A_627 : i32
          %mul3A_629 = arith.constant 64 : i32
          %mul3A_630 = arith.muli %squeeze3A_569, %mul3A_629 : i32
          %dma_wait3A_631 = tpu.memref_slice %arg17[%mul3A_628] : memref<2048xf32, #tpu.memory_space<vmem>> -> memref<64xf32, #tpu.memory_space<vmem>>
          %dma_wait3A_632 = tpu.memref_slice %arg5[%mul3A_630] : memref<1048576xf32, #tpu.memory_space<hbm>> -> memref<64xf32, #tpu.memory_space<hbm>>
          %dma_wait3A_633 = tpu.memref_slice %arg5[%mul3A_630] : memref<1048576xf32, #tpu.memory_space<hbm>> -> memref<64xf32, #tpu.memory_space<hbm>>
          %dma_wait3A_634 = tpu.memref_slice %arg17[%mul3A_628] : memref<2048xf32, #tpu.memory_space<vmem>> -> memref<64xf32, #tpu.memory_space<vmem>>
          tpu.wait_dma2 semaphore(%arg25 : memref<!tpu.dma_semaphore, #tpu.memory_space<semaphore_mem>>) src(%dma_wait3A_634 : memref<64xf32, #tpu.memory_space<vmem>>) dst(%dma_wait3A_633 : memref<64xf32, #tpu.memory_space<hbm>>)
        } else {
        }
        %add3A_580 = arith.constant 0 : i32
        %add3A_581 = vector.broadcast %add3A_580 : i32 to vector<16xi32>
        %add3A_582 = arith.addi %iota3A, %add3A_581 : vector<16xi32>
        %gather3A = tpu.vector_load_idx %arg13[%add3A_582, %add3A_572] : memref<64x128xf32, #tpu.memory_space<vmem>>[vector<16xi32>, vector<16xi32>], vector<16xf32>,
        %mul3A_583 = arith.constant 64 : i32
        %mul3A_584 = arith.muli %and3A_574, %mul3A_583 : i32
        %add3A_585 = arith.constant 0 : i32
        %add3A_586 = arith.addi %mul3A_584, %add3A_585 : i32
        %swap3A = arith.index_cast %add3A_586 : i32 to index
        %swap3A_587 = tpu.vector_load %arg17[%swap3A] {strides = array<i32>} : memref<2048xf32, #tpu.memory_space<vmem>>, vector<16xf32>,
        tpu.vector_store %arg17[%swap3A], %gather3A {strides = array<i32>} : memref<2048xf32, #tpu.memory_space<vmem>>, vector<16xf32>,
        %add3A_588 = arith.constant 16 : i32
        %add3A_589 = vector.broadcast %add3A_588 : i32 to vector<16xi32>
        %add3A_590 = arith.addi %iota3A, %add3A_589 : vector<16xi32>
        %gather3A_591 = tpu.vector_load_idx %arg13[%add3A_590, %add3A_572] : memref<64x128xf32, #tpu.memory_space<vmem>>[vector<16xi32>, vector<16xi32>], vector<16xf32>,
        %mul3A_592 = arith.constant 64 : i32
        %mul3A_593 = arith.muli %and3A_574, %mul3A_592 : i32
        %add3A_594 = arith.constant 16 : i32
        %add3A_595 = arith.addi %mul3A_593, %add3A_594 : i32
        %swap3A_596 = arith.index_cast %add3A_595 : i32 to index
        %swap3A_597 = tpu.vector_load %arg17[%swap3A_596] {strides = array<i32>} : memref<2048xf32, #tpu.memory_space<vmem>>, vector<16xf32>,
        tpu.vector_store %arg17[%swap3A_596], %gather3A_591 {strides = array<i32>} : memref<2048xf32, #tpu.memory_space<vmem>>, vector<16xf32>,
        %add3A_598 = arith.constant 32 : i32
        %add3A_599 = vector.broadcast %add3A_598 : i32 to vector<16xi32>
        %add3A_600 = arith.addi %iota3A, %add3A_599 : vector<16xi32>
        %gather3A_601 = tpu.vector_load_idx %arg13[%add3A_600, %add3A_572] : memref<64x128xf32, #tpu.memory_space<vmem>>[vector<16xi32>, vector<16xi32>], vector<16xf32>,
        %mul3A_602 = arith.constant 64 : i32
        %mul3A_603 = arith.muli %and3A_574, %mul3A_602 : i32
        %add3A_604 = arith.constant 32 : i32
        %add3A_605 = arith.addi %mul3A_603, %add3A_604 : i32
        %swap3A_606 = arith.index_cast %add3A_605 : i32 to index
        %swap3A_607 = tpu.vector_load %arg17[%swap3A_606] {strides = array<i32>} : memref<2048xf32, #tpu.memory_space<vmem>>, vector<16xf32>,
        tpu.vector_store %arg17[%swap3A_606], %gather3A_601 {strides = array<i32>} : memref<2048xf32, #tpu.memory_space<vmem>>, vector<16xf32>,
        %add3A_608 = arith.constant 48 : i32
        %add3A_609 = vector.broadcast %add3A_608 : i32 to vector<16xi32>
        %add3A_610 = arith.addi %iota3A, %add3A_609 : vector<16xi32>
        %gather3A_611 = tpu.vector_load_idx %arg13[%add3A_610, %add3A_572] : memref<64x128xf32, #tpu.memory_space<vmem>>[vector<16xi32>, vector<16xi32>], vector<16xf32>,
        %mul3A_612 = arith.constant 64 : i32
        %mul3A_613 = arith.muli %and3A_574, %mul3A_612 : i32
        %add3A_614 = arith.constant 48 : i32
        %add3A_615 = arith.addi %mul3A_613, %add3A_614 : i32
        %swap3A_616 = arith.index_cast %add3A_615 : i32 to index
        %swap3A_617 = tpu.vector_load %arg17[%swap3A_616] {strides = array<i32>} : memref<2048xf32, #tpu.memory_space<vmem>>, vector<16xf32>,
        tpu.vector_store %arg17[%swap3A_616], %gather3A_611 {strides = array<i32>} : memref<2048xf32, #tpu.memory_space<vmem>>, vector<16xf32>,
        %mul3A_618 = arith.constant 64 : i32
        %mul3A_619 = arith.muli %and3A_574, %mul3A_618 : i32
        %mul3A_620 = arith.constant 64 : i32
        %mul3A_621 = arith.muli %squeeze3A_569, %mul3A_620 : i32
        %dma_start3A = tpu.memref_slice %arg17[%mul3A_619] : memref<2048xf32, #tpu.memory_space<vmem>> -> memref<64xf32, #tpu.memory_space<vmem>>
        %dma_start3A_622 = tpu.memref_slice %arg5[%mul3A_621] : memref<1048576xf32, #tpu.memory_space<hbm>> -> memref<64xf32, #tpu.memory_space<hbm>>
        %dma_start3A_623 = tpu.memref_slice %arg5[%mul3A_621] : memref<1048576xf32, #tpu.memory_space<hbm>> -> memref<64xf32, #tpu.memory_space<hbm>>
        %dma_start3A_624 = tpu.memref_slice %arg17[%mul3A_619] : memref<2048xf32, #tpu.memory_space<vmem>> -> memref<64xf32, #tpu.memory_space<vmem>>
        tpu.enqueue_dma source(%dma_start3A_624 : memref<64xf32, #tpu.memory_space<vmem>>) target(%dma_start3A_623 : memref<64xf32, #tpu.memory_space<hbm>>) target_semaphore(%arg25 : memref<!tpu.dma_semaphore, #tpu.memory_space<semaphore_mem>>)
        %add3A_625 = arith.constant 1 : i32
        %add3A_626 = arith.addi %while3A_563, %add3A_625 : i32
        scf.yield %add3A_626 : i32
      }
      %add3A_479 = arith.constant 7 : i32
      %add3A_480 = arith.addi %add3A_467, %add3A_479 : i32
      %ge3A_481 = arith.constant 7812 : i32
      %ge3A_482 = arith.cmpi sge, %add3A_480, %ge3A_481 : i32
      %convert_element_type3A_483 = arith.extui %ge3A_482 : i1 to i32
      %cond3A_484 = arith.constant 0 : i32
      %cond3A_485 = arith.constant 0 : i32
      %cond3A_486 = arith.cmpi ne, %convert_element_type3A_483, %cond3A_485 : i32
      %cond3A_487 = scf.if %cond3A_486 -> (i32) {
        tpu.enqueue_dma source(%arg4 : memref<64x128xf32, #tpu.memory_space<hbm>>) target(%arg13 : memref<64x128xf32, #tpu.memory_space<vmem>>) target_semaphore(%arg21 : memref<!tpu.dma_semaphore, #tpu.memory_space<semaphore_mem>>)
        %cond3A_563 = arith.constant 0 : i32
        scf.yield %cond3A_563 : i32
      } else {
        %min3A_563 = arith.constant 7811 : i32
        %min3A_564 = arith.minsi %add3A_480, %min3A_563 : i32
        %mul3A_565 = arith.constant 128 : i32
        %mul3A_566 = arith.muli %min3A_564, %mul3A_565 : i32
        %dma_start3A = arith.constant 0 : i32
        %dma_start3A_567 = tpu.memref_slice %arg3[%dma_start3A, %mul3A_566] : memref<64x1000000xf32, #tpu.memory_space<hbm>> -> memref<64x128xf32, #tpu.memory_space<hbm>>
        %dma_start3A_568 = arith.constant 0 : i32
        %dma_start3A_569 = tpu.memref_slice %arg3[%dma_start3A_568, %mul3A_566] : memref<64x1000000xf32, #tpu.memory_space<hbm>> -> memref<64x128xf32, #tpu.memory_space<hbm>>
        tpu.enqueue_dma source(%dma_start3A_569 : memref<64x128xf32, #tpu.memory_space<hbm>>) target(%arg13 : memref<64x128xf32, #tpu.memory_space<vmem>>) target_semaphore(%arg21 : memref<!tpu.dma_semaphore, #tpu.memory_space<semaphore_mem>>)
        %cond3A_570 = arith.constant 0 : i32
        scf.yield %cond3A_570 : i32
      }
      %mul3A_488 = arith.constant 7 : i32
      %mul3A_489 = arith.muli %while3A_386, %mul3A_488 : i32
      %add3A_490 = arith.addi %add3A_4, %mul3A_489 : i32
      %add3A_491 = arith.constant 4 : i32
      %add3A_492 = arith.addi %add3A_490, %add3A_491 : i32
      %min3A_493 = arith.constant 7811 : i32
      %min3A_494 = arith.minsi %add3A_492, %min3A_493 : i32
      %mul3A_495 = arith.constant 128 : i32
      %mul3A_496 = arith.muli %min3A_494, %mul3A_495 : i32
      %dma_wait3A_497 = arith.constant 0 : i32
      %dma_wait3A_498 = tpu.memref_slice %arg3[%dma_wait3A_497, %mul3A_496] : memref<64x1000000xf32, #tpu.memory_space<hbm>> -> memref<64x128xf32, #tpu.memory_space<hbm>>
      %dma_wait3A_499 = arith.constant 0 : i32
      %dma_wait3A_500 = tpu.memref_slice %arg3[%dma_wait3A_499, %mul3A_496] : memref<64x1000000xf32, #tpu.memory_space<hbm>> -> memref<64x128xf32, #tpu.memory_space<hbm>>
      tpu.wait_dma2 semaphore(%arg22 : memref<!tpu.dma_semaphore, #tpu.memory_space<semaphore_mem>>) src(%dma_wait3A_500 : memref<64x128xf32, #tpu.memory_space<hbm>>) dst(%arg14 : memref<64x128xf32, #tpu.memory_space<vmem>>)
      %mul3A_501 = arith.constant 128 : i32
      %mul3A_502 = arith.muli %add3A_492, %mul3A_501 : i32
      %while3A_503 = scf.while (%while3A_563 = %while3A_478) : (i32) -> i32 {
        %get3A = arith.index_cast %while3A_563 : i32 to index
        %get3A_564 = tpu.vector_load %arg7[%get3A] {strides = array<i32>} : memref<16400xi32, #tpu.memory_space<vmem>>, vector<16xi32>,
        %lt3A_565 = arith.cmpi slt, %while3A_563, %scan3A_12 : i32
        %slice3A = vector.extract_strided_slice %get3A_564 {offsets = [0], sizes = [1], strides = [1]} : vector<16xi32> to vector<1xi32>
        %squeeze3A = vector.extract %slice3A[0] : i32 from vector<1xi32>
        %shift_right_logical3A_566 = arith.constant 7 : i32
        %shift_right_logical3A_567 = arith.shrui %squeeze3A, %shift_right_logical3A_566 : i32
        %eq3A = arith.cmpi eq, %shift_right_logical3A_567, %add3A_492 : i32
        %and3A_568 = arith.andi %lt3A_565, %eq3A : i1
        scf.condition(%and3A_568) %while3A_563 : i32
      } do {
      ^bb0(%while3A_563: i32):
        %get3A = arith.index_cast %while3A_563 : i32 to index
        %get3A_564 = tpu.vector_load %arg7[%get3A] {strides = array<i32>} : memref<16400xi32, #tpu.memory_space<vmem>>, vector<16xi32>,
        %get3A_565 = arith.index_cast %while3A_563 : i32 to index
        %get3A_566 = tpu.vector_load %arg8[%get3A_565] {strides = array<i32>} : memref<16400xi32, #tpu.memory_space<vmem>>, vector<16xi32>,
        %slice3A = vector.extract_strided_slice %get3A_564 {offsets = [0], sizes = [1], strides = [1]} : vector<16xi32> to vector<1xi32>
        %squeeze3A = vector.extract %slice3A[0] : i32 from vector<1xi32>
        %sub3A_567 = arith.subi %squeeze3A, %mul3A_502 : i32
        %slice3A_568 = vector.extract_strided_slice %get3A_566 {offsets = [0], sizes = [1], strides = [1]} : vector<16xi32> to vector<1xi32>
        %squeeze3A_569 = vector.extract %slice3A_568[0] : i32 from vector<1xi32>
        %broadcast_in_dim3A = arith.constant 0 : i32
        %broadcast_in_dim3A_570 = vector.broadcast %broadcast_in_dim3A : i32 to vector<16xi32>
        %add3A_571 = vector.broadcast %sub3A_567 : i32 to vector<16xi32>
        %add3A_572 = arith.addi %broadcast_in_dim3A_570, %add3A_571 : vector<16xi32>
        %and3A_573 = arith.constant 31 : i32
        %and3A_574 = arith.andi %while3A_563, %and3A_573 : i32
        %ge3A_575 = arith.constant 32 : i32
        %ge3A_576 = arith.cmpi sge, %while3A_563, %ge3A_575 : i32
        %convert_element_type3A_577 = arith.extui %ge3A_576 : i1 to i32
        %cond3A_578 = arith.constant 0 : i32
        %cond3A_579 = arith.cmpi ne, %convert_element_type3A_577, %cond3A_578 : i32
        scf.if %cond3A_579 {
          %mul3A_627 = arith.constant 64 : i32
          %mul3A_628 = arith.muli %and3A_574, %mul3A_627 : i32
          %mul3A_629 = arith.constant 64 : i32
          %mul3A_630 = arith.muli %squeeze3A_569, %mul3A_629 : i32
          %dma_wait3A_631 = tpu.memref_slice %arg17[%mul3A_628] : memref<2048xf32, #tpu.memory_space<vmem>> -> memref<64xf32, #tpu.memory_space<vmem>>
          %dma_wait3A_632 = tpu.memref_slice %arg5[%mul3A_630] : memref<1048576xf32, #tpu.memory_space<hbm>> -> memref<64xf32, #tpu.memory_space<hbm>>
          %dma_wait3A_633 = tpu.memref_slice %arg5[%mul3A_630] : memref<1048576xf32, #tpu.memory_space<hbm>> -> memref<64xf32, #tpu.memory_space<hbm>>
          %dma_wait3A_634 = tpu.memref_slice %arg17[%mul3A_628] : memref<2048xf32, #tpu.memory_space<vmem>> -> memref<64xf32, #tpu.memory_space<vmem>>
          tpu.wait_dma2 semaphore(%arg25 : memref<!tpu.dma_semaphore, #tpu.memory_space<semaphore_mem>>) src(%dma_wait3A_634 : memref<64xf32, #tpu.memory_space<vmem>>) dst(%dma_wait3A_633 : memref<64xf32, #tpu.memory_space<hbm>>)
        } else {
        }
        %add3A_580 = arith.constant 0 : i32
        %add3A_581 = vector.broadcast %add3A_580 : i32 to vector<16xi32>
        %add3A_582 = arith.addi %iota3A, %add3A_581 : vector<16xi32>
        %gather3A = tpu.vector_load_idx %arg14[%add3A_582, %add3A_572] : memref<64x128xf32, #tpu.memory_space<vmem>>[vector<16xi32>, vector<16xi32>], vector<16xf32>,
        %mul3A_583 = arith.constant 64 : i32
        %mul3A_584 = arith.muli %and3A_574, %mul3A_583 : i32
        %add3A_585 = arith.constant 0 : i32
        %add3A_586 = arith.addi %mul3A_584, %add3A_585 : i32
        %swap3A = arith.index_cast %add3A_586 : i32 to index
        %swap3A_587 = tpu.vector_load %arg17[%swap3A] {strides = array<i32>} : memref<2048xf32, #tpu.memory_space<vmem>>, vector<16xf32>,
        tpu.vector_store %arg17[%swap3A], %gather3A {strides = array<i32>} : memref<2048xf32, #tpu.memory_space<vmem>>, vector<16xf32>,
        %add3A_588 = arith.constant 16 : i32
        %add3A_589 = vector.broadcast %add3A_588 : i32 to vector<16xi32>
        %add3A_590 = arith.addi %iota3A, %add3A_589 : vector<16xi32>
        %gather3A_591 = tpu.vector_load_idx %arg14[%add3A_590, %add3A_572] : memref<64x128xf32, #tpu.memory_space<vmem>>[vector<16xi32>, vector<16xi32>], vector<16xf32>,
        %mul3A_592 = arith.constant 64 : i32
        %mul3A_593 = arith.muli %and3A_574, %mul3A_592 : i32
        %add3A_594 = arith.constant 16 : i32
        %add3A_595 = arith.addi %mul3A_593, %add3A_594 : i32
        %swap3A_596 = arith.index_cast %add3A_595 : i32 to index
        %swap3A_597 = tpu.vector_load %arg17[%swap3A_596] {strides = array<i32>} : memref<2048xf32, #tpu.memory_space<vmem>>, vector<16xf32>,
        tpu.vector_store %arg17[%swap3A_596], %gather3A_591 {strides = array<i32>} : memref<2048xf32, #tpu.memory_space<vmem>>, vector<16xf32>,
        %add3A_598 = arith.constant 32 : i32
        %add3A_599 = vector.broadcast %add3A_598 : i32 to vector<16xi32>
        %add3A_600 = arith.addi %iota3A, %add3A_599 : vector<16xi32>
        %gather3A_601 = tpu.vector_load_idx %arg14[%add3A_600, %add3A_572] : memref<64x128xf32, #tpu.memory_space<vmem>>[vector<16xi32>, vector<16xi32>], vector<16xf32>,
        %mul3A_602 = arith.constant 64 : i32
        %mul3A_603 = arith.muli %and3A_574, %mul3A_602 : i32
        %add3A_604 = arith.constant 32 : i32
        %add3A_605 = arith.addi %mul3A_603, %add3A_604 : i32
        %swap3A_606 = arith.index_cast %add3A_605 : i32 to index
        %swap3A_607 = tpu.vector_load %arg17[%swap3A_606] {strides = array<i32>} : memref<2048xf32, #tpu.memory_space<vmem>>, vector<16xf32>,
        tpu.vector_store %arg17[%swap3A_606], %gather3A_601 {strides = array<i32>} : memref<2048xf32, #tpu.memory_space<vmem>>, vector<16xf32>,
        %add3A_608 = arith.constant 48 : i32
        %add3A_609 = vector.broadcast %add3A_608 : i32 to vector<16xi32>
        %add3A_610 = arith.addi %iota3A, %add3A_609 : vector<16xi32>
        %gather3A_611 = tpu.vector_load_idx %arg14[%add3A_610, %add3A_572] : memref<64x128xf32, #tpu.memory_space<vmem>>[vector<16xi32>, vector<16xi32>], vector<16xf32>,
        %mul3A_612 = arith.constant 64 : i32
        %mul3A_613 = arith.muli %and3A_574, %mul3A_612 : i32
        %add3A_614 = arith.constant 48 : i32
        %add3A_615 = arith.addi %mul3A_613, %add3A_614 : i32
        %swap3A_616 = arith.index_cast %add3A_615 : i32 to index
        %swap3A_617 = tpu.vector_load %arg17[%swap3A_616] {strides = array<i32>} : memref<2048xf32, #tpu.memory_space<vmem>>, vector<16xf32>,
        tpu.vector_store %arg17[%swap3A_616], %gather3A_611 {strides = array<i32>} : memref<2048xf32, #tpu.memory_space<vmem>>, vector<16xf32>,
        %mul3A_618 = arith.constant 64 : i32
        %mul3A_619 = arith.muli %and3A_574, %mul3A_618 : i32
        %mul3A_620 = arith.constant 64 : i32
        %mul3A_621 = arith.muli %squeeze3A_569, %mul3A_620 : i32
        %dma_start3A = tpu.memref_slice %arg17[%mul3A_619] : memref<2048xf32, #tpu.memory_space<vmem>> -> memref<64xf32, #tpu.memory_space<vmem>>
        %dma_start3A_622 = tpu.memref_slice %arg5[%mul3A_621] : memref<1048576xf32, #tpu.memory_space<hbm>> -> memref<64xf32, #tpu.memory_space<hbm>>
        %dma_start3A_623 = tpu.memref_slice %arg5[%mul3A_621] : memref<1048576xf32, #tpu.memory_space<hbm>> -> memref<64xf32, #tpu.memory_space<hbm>>
        %dma_start3A_624 = tpu.memref_slice %arg17[%mul3A_619] : memref<2048xf32, #tpu.memory_space<vmem>> -> memref<64xf32, #tpu.memory_space<vmem>>
        tpu.enqueue_dma source(%dma_start3A_624 : memref<64xf32, #tpu.memory_space<vmem>>) target(%dma_start3A_623 : memref<64xf32, #tpu.memory_space<hbm>>) target_semaphore(%arg25 : memref<!tpu.dma_semaphore, #tpu.memory_space<semaphore_mem>>)
        %add3A_625 = arith.constant 1 : i32
        %add3A_626 = arith.addi %while3A_563, %add3A_625 : i32
        scf.yield %add3A_626 : i32
      }
      %add3A_504 = arith.constant 7 : i32
      %add3A_505 = arith.addi %add3A_492, %add3A_504 : i32
      %ge3A_506 = arith.constant 7812 : i32
      %ge3A_507 = arith.cmpi sge, %add3A_505, %ge3A_506 : i32
      %convert_element_type3A_508 = arith.extui %ge3A_507 : i1 to i32
      %cond3A_509 = arith.constant 0 : i32
      %cond3A_510 = arith.constant 0 : i32
      %cond3A_511 = arith.cmpi ne, %convert_element_type3A_508, %cond3A_510 : i32
      %cond3A_512 = scf.if %cond3A_511 -> (i32) {
        tpu.enqueue_dma source(%arg4 : memref<64x128xf32, #tpu.memory_space<hbm>>) target(%arg14 : memref<64x128xf32, #tpu.memory_space<vmem>>) target_semaphore(%arg22 : memref<!tpu.dma_semaphore, #tpu.memory_space<semaphore_mem>>)
        %cond3A_563 = arith.constant 0 : i32
        scf.yield %cond3A_563 : i32
      } else {
        %min3A_563 = arith.constant 7811 : i32
        %min3A_564 = arith.minsi %add3A_505, %min3A_563 : i32
        %mul3A_565 = arith.constant 128 : i32
        %mul3A_566 = arith.muli %min3A_564, %mul3A_565 : i32
        %dma_start3A = arith.constant 0 : i32
        %dma_start3A_567 = tpu.memref_slice %arg3[%dma_start3A, %mul3A_566] : memref<64x1000000xf32, #tpu.memory_space<hbm>> -> memref<64x128xf32, #tpu.memory_space<hbm>>
        %dma_start3A_568 = arith.constant 0 : i32
        %dma_start3A_569 = tpu.memref_slice %arg3[%dma_start3A_568, %mul3A_566] : memref<64x1000000xf32, #tpu.memory_space<hbm>> -> memref<64x128xf32, #tpu.memory_space<hbm>>
        tpu.enqueue_dma source(%dma_start3A_569 : memref<64x128xf32, #tpu.memory_space<hbm>>) target(%arg14 : memref<64x128xf32, #tpu.memory_space<vmem>>) target_semaphore(%arg22 : memref<!tpu.dma_semaphore, #tpu.memory_space<semaphore_mem>>)
        %cond3A_570 = arith.constant 0 : i32
        scf.yield %cond3A_570 : i32
      }
      %mul3A_513 = arith.constant 7 : i32
      %mul3A_514 = arith.muli %while3A_386, %mul3A_513 : i32
      %add3A_515 = arith.addi %add3A_4, %mul3A_514 : i32
      %add3A_516 = arith.constant 5 : i32
      %add3A_517 = arith.addi %add3A_515, %add3A_516 : i32
      %min3A_518 = arith.constant 7811 : i32
      %min3A_519 = arith.minsi %add3A_517, %min3A_518 : i32
      %mul3A_520 = arith.constant 128 : i32
      %mul3A_521 = arith.muli %min3A_519, %mul3A_520 : i32
      %dma_wait3A_522 = arith.constant 0 : i32
      %dma_wait3A_523 = tpu.memref_slice %arg3[%dma_wait3A_522, %mul3A_521] : memref<64x1000000xf32, #tpu.memory_space<hbm>> -> memref<64x128xf32, #tpu.memory_space<hbm>>
      %dma_wait3A_524 = arith.constant 0 : i32
      %dma_wait3A_525 = tpu.memref_slice %arg3[%dma_wait3A_524, %mul3A_521] : memref<64x1000000xf32, #tpu.memory_space<hbm>> -> memref<64x128xf32, #tpu.memory_space<hbm>>
      tpu.wait_dma2 semaphore(%arg23 : memref<!tpu.dma_semaphore, #tpu.memory_space<semaphore_mem>>) src(%dma_wait3A_525 : memref<64x128xf32, #tpu.memory_space<hbm>>) dst(%arg15 : memref<64x128xf32, #tpu.memory_space<vmem>>)
      %mul3A_526 = arith.constant 128 : i32
      %mul3A_527 = arith.muli %add3A_517, %mul3A_526 : i32
      %while3A_528 = scf.while (%while3A_563 = %while3A_503) : (i32) -> i32 {
        %get3A = arith.index_cast %while3A_563 : i32 to index
        %get3A_564 = tpu.vector_load %arg7[%get3A] {strides = array<i32>} : memref<16400xi32, #tpu.memory_space<vmem>>, vector<16xi32>,
        %lt3A_565 = arith.cmpi slt, %while3A_563, %scan3A_12 : i32
        %slice3A = vector.extract_strided_slice %get3A_564 {offsets = [0], sizes = [1], strides = [1]} : vector<16xi32> to vector<1xi32>
        %squeeze3A = vector.extract %slice3A[0] : i32 from vector<1xi32>
        %shift_right_logical3A_566 = arith.constant 7 : i32
        %shift_right_logical3A_567 = arith.shrui %squeeze3A, %shift_right_logical3A_566 : i32
        %eq3A = arith.cmpi eq, %shift_right_logical3A_567, %add3A_517 : i32
        %and3A_568 = arith.andi %lt3A_565, %eq3A : i1
        scf.condition(%and3A_568) %while3A_563 : i32
      } do {
      ^bb0(%while3A_563: i32):
        %get3A = arith.index_cast %while3A_563 : i32 to index
        %get3A_564 = tpu.vector_load %arg7[%get3A] {strides = array<i32>} : memref<16400xi32, #tpu.memory_space<vmem>>, vector<16xi32>,
        %get3A_565 = arith.index_cast %while3A_563 : i32 to index
        %get3A_566 = tpu.vector_load %arg8[%get3A_565] {strides = array<i32>} : memref<16400xi32, #tpu.memory_space<vmem>>, vector<16xi32>,
        %slice3A = vector.extract_strided_slice %get3A_564 {offsets = [0], sizes = [1], strides = [1]} : vector<16xi32> to vector<1xi32>
        %squeeze3A = vector.extract %slice3A[0] : i32 from vector<1xi32>
        %sub3A_567 = arith.subi %squeeze3A, %mul3A_527 : i32
        %slice3A_568 = vector.extract_strided_slice %get3A_566 {offsets = [0], sizes = [1], strides = [1]} : vector<16xi32> to vector<1xi32>
        %squeeze3A_569 = vector.extract %slice3A_568[0] : i32 from vector<1xi32>
        %broadcast_in_dim3A = arith.constant 0 : i32
        %broadcast_in_dim3A_570 = vector.broadcast %broadcast_in_dim3A : i32 to vector<16xi32>
        %add3A_571 = vector.broadcast %sub3A_567 : i32 to vector<16xi32>
        %add3A_572 = arith.addi %broadcast_in_dim3A_570, %add3A_571 : vector<16xi32>
        %and3A_573 = arith.constant 31 : i32
        %and3A_574 = arith.andi %while3A_563, %and3A_573 : i32
        %ge3A_575 = arith.constant 32 : i32
        %ge3A_576 = arith.cmpi sge, %while3A_563, %ge3A_575 : i32
        %convert_element_type3A_577 = arith.extui %ge3A_576 : i1 to i32
        %cond3A_578 = arith.constant 0 : i32
        %cond3A_579 = arith.cmpi ne, %convert_element_type3A_577, %cond3A_578 : i32
        scf.if %cond3A_579 {
          %mul3A_627 = arith.constant 64 : i32
          %mul3A_628 = arith.muli %and3A_574, %mul3A_627 : i32
          %mul3A_629 = arith.constant 64 : i32
          %mul3A_630 = arith.muli %squeeze3A_569, %mul3A_629 : i32
          %dma_wait3A_631 = tpu.memref_slice %arg17[%mul3A_628] : memref<2048xf32, #tpu.memory_space<vmem>> -> memref<64xf32, #tpu.memory_space<vmem>>
          %dma_wait3A_632 = tpu.memref_slice %arg5[%mul3A_630] : memref<1048576xf32, #tpu.memory_space<hbm>> -> memref<64xf32, #tpu.memory_space<hbm>>
          %dma_wait3A_633 = tpu.memref_slice %arg5[%mul3A_630] : memref<1048576xf32, #tpu.memory_space<hbm>> -> memref<64xf32, #tpu.memory_space<hbm>>
          %dma_wait3A_634 = tpu.memref_slice %arg17[%mul3A_628] : memref<2048xf32, #tpu.memory_space<vmem>> -> memref<64xf32, #tpu.memory_space<vmem>>
          tpu.wait_dma2 semaphore(%arg25 : memref<!tpu.dma_semaphore, #tpu.memory_space<semaphore_mem>>) src(%dma_wait3A_634 : memref<64xf32, #tpu.memory_space<vmem>>) dst(%dma_wait3A_633 : memref<64xf32, #tpu.memory_space<hbm>>)
        } else {
        }
        %add3A_580 = arith.constant 0 : i32
        %add3A_581 = vector.broadcast %add3A_580 : i32 to vector<16xi32>
        %add3A_582 = arith.addi %iota3A, %add3A_581 : vector<16xi32>
        %gather3A = tpu.vector_load_idx %arg15[%add3A_582, %add3A_572] : memref<64x128xf32, #tpu.memory_space<vmem>>[vector<16xi32>, vector<16xi32>], vector<16xf32>,
        %mul3A_583 = arith.constant 64 : i32
        %mul3A_584 = arith.muli %and3A_574, %mul3A_583 : i32
        %add3A_585 = arith.constant 0 : i32
        %add3A_586 = arith.addi %mul3A_584, %add3A_585 : i32
        %swap3A = arith.index_cast %add3A_586 : i32 to index
        %swap3A_587 = tpu.vector_load %arg17[%swap3A] {strides = array<i32>} : memref<2048xf32, #tpu.memory_space<vmem>>, vector<16xf32>,
        tpu.vector_store %arg17[%swap3A], %gather3A {strides = array<i32>} : memref<2048xf32, #tpu.memory_space<vmem>>, vector<16xf32>,
        %add3A_588 = arith.constant 16 : i32
        %add3A_589 = vector.broadcast %add3A_588 : i32 to vector<16xi32>
        %add3A_590 = arith.addi %iota3A, %add3A_589 : vector<16xi32>
        %gather3A_591 = tpu.vector_load_idx %arg15[%add3A_590, %add3A_572] : memref<64x128xf32, #tpu.memory_space<vmem>>[vector<16xi32>, vector<16xi32>], vector<16xf32>,
        %mul3A_592 = arith.constant 64 : i32
        %mul3A_593 = arith.muli %and3A_574, %mul3A_592 : i32
        %add3A_594 = arith.constant 16 : i32
        %add3A_595 = arith.addi %mul3A_593, %add3A_594 : i32
        %swap3A_596 = arith.index_cast %add3A_595 : i32 to index
        %swap3A_597 = tpu.vector_load %arg17[%swap3A_596] {strides = array<i32>} : memref<2048xf32, #tpu.memory_space<vmem>>, vector<16xf32>,
        tpu.vector_store %arg17[%swap3A_596], %gather3A_591 {strides = array<i32>} : memref<2048xf32, #tpu.memory_space<vmem>>, vector<16xf32>,
        %add3A_598 = arith.constant 32 : i32
        %add3A_599 = vector.broadcast %add3A_598 : i32 to vector<16xi32>
        %add3A_600 = arith.addi %iota3A, %add3A_599 : vector<16xi32>
        %gather3A_601 = tpu.vector_load_idx %arg15[%add3A_600, %add3A_572] : memref<64x128xf32, #tpu.memory_space<vmem>>[vector<16xi32>, vector<16xi32>], vector<16xf32>,
        %mul3A_602 = arith.constant 64 : i32
        %mul3A_603 = arith.muli %and3A_574, %mul3A_602 : i32
        %add3A_604 = arith.constant 32 : i32
        %add3A_605 = arith.addi %mul3A_603, %add3A_604 : i32
        %swap3A_606 = arith.index_cast %add3A_605 : i32 to index
        %swap3A_607 = tpu.vector_load %arg17[%swap3A_606] {strides = array<i32>} : memref<2048xf32, #tpu.memory_space<vmem>>, vector<16xf32>,
        tpu.vector_store %arg17[%swap3A_606], %gather3A_601 {strides = array<i32>} : memref<2048xf32, #tpu.memory_space<vmem>>, vector<16xf32>,
        %add3A_608 = arith.constant 48 : i32
        %add3A_609 = vector.broadcast %add3A_608 : i32 to vector<16xi32>
        %add3A_610 = arith.addi %iota3A, %add3A_609 : vector<16xi32>
        %gather3A_611 = tpu.vector_load_idx %arg15[%add3A_610, %add3A_572] : memref<64x128xf32, #tpu.memory_space<vmem>>[vector<16xi32>, vector<16xi32>], vector<16xf32>,
        %mul3A_612 = arith.constant 64 : i32
        %mul3A_613 = arith.muli %and3A_574, %mul3A_612 : i32
        %add3A_614 = arith.constant 48 : i32
        %add3A_615 = arith.addi %mul3A_613, %add3A_614 : i32
        %swap3A_616 = arith.index_cast %add3A_615 : i32 to index
        %swap3A_617 = tpu.vector_load %arg17[%swap3A_616] {strides = array<i32>} : memref<2048xf32, #tpu.memory_space<vmem>>, vector<16xf32>,
        tpu.vector_store %arg17[%swap3A_616], %gather3A_611 {strides = array<i32>} : memref<2048xf32, #tpu.memory_space<vmem>>, vector<16xf32>,
        %mul3A_618 = arith.constant 64 : i32
        %mul3A_619 = arith.muli %and3A_574, %mul3A_618 : i32
        %mul3A_620 = arith.constant 64 : i32
        %mul3A_621 = arith.muli %squeeze3A_569, %mul3A_620 : i32
        %dma_start3A = tpu.memref_slice %arg17[%mul3A_619] : memref<2048xf32, #tpu.memory_space<vmem>> -> memref<64xf32, #tpu.memory_space<vmem>>
        %dma_start3A_622 = tpu.memref_slice %arg5[%mul3A_621] : memref<1048576xf32, #tpu.memory_space<hbm>> -> memref<64xf32, #tpu.memory_space<hbm>>
        %dma_start3A_623 = tpu.memref_slice %arg5[%mul3A_621] : memref<1048576xf32, #tpu.memory_space<hbm>> -> memref<64xf32, #tpu.memory_space<hbm>>
        %dma_start3A_624 = tpu.memref_slice %arg17[%mul3A_619] : memref<2048xf32, #tpu.memory_space<vmem>> -> memref<64xf32, #tpu.memory_space<vmem>>
        tpu.enqueue_dma source(%dma_start3A_624 : memref<64xf32, #tpu.memory_space<vmem>>) target(%dma_start3A_623 : memref<64xf32, #tpu.memory_space<hbm>>) target_semaphore(%arg25 : memref<!tpu.dma_semaphore, #tpu.memory_space<semaphore_mem>>)
        %add3A_625 = arith.constant 1 : i32
        %add3A_626 = arith.addi %while3A_563, %add3A_625 : i32
        scf.yield %add3A_626 : i32
      }
      %add3A_529 = arith.constant 7 : i32
      %add3A_530 = arith.addi %add3A_517, %add3A_529 : i32
      %ge3A_531 = arith.constant 7812 : i32
      %ge3A_532 = arith.cmpi sge, %add3A_530, %ge3A_531 : i32
      %convert_element_type3A_533 = arith.extui %ge3A_532 : i1 to i32
      %cond3A_534 = arith.constant 0 : i32
      %cond3A_535 = arith.constant 0 : i32
      %cond3A_536 = arith.cmpi ne, %convert_element_type3A_533, %cond3A_535 : i32
      %cond3A_537 = scf.if %cond3A_536 -> (i32) {
        tpu.enqueue_dma source(%arg4 : memref<64x128xf32, #tpu.memory_space<hbm>>) target(%arg15 : memref<64x128xf32, #tpu.memory_space<vmem>>) target_semaphore(%arg23 : memref<!tpu.dma_semaphore, #tpu.memory_space<semaphore_mem>>)
        %cond3A_563 = arith.constant 0 : i32
        scf.yield %cond3A_563 : i32
      } else {
        %min3A_563 = arith.constant 7811 : i32
        %min3A_564 = arith.minsi %add3A_530, %min3A_563 : i32
        %mul3A_565 = arith.constant 128 : i32
        %mul3A_566 = arith.muli %min3A_564, %mul3A_565 : i32
        %dma_start3A = arith.constant 0 : i32
        %dma_start3A_567 = tpu.memref_slice %arg3[%dma_start3A, %mul3A_566] : memref<64x1000000xf32, #tpu.memory_space<hbm>> -> memref<64x128xf32, #tpu.memory_space<hbm>>
        %dma_start3A_568 = arith.constant 0 : i32
        %dma_start3A_569 = tpu.memref_slice %arg3[%dma_start3A_568, %mul3A_566] : memref<64x1000000xf32, #tpu.memory_space<hbm>> -> memref<64x128xf32, #tpu.memory_space<hbm>>
        tpu.enqueue_dma source(%dma_start3A_569 : memref<64x128xf32, #tpu.memory_space<hbm>>) target(%arg15 : memref<64x128xf32, #tpu.memory_space<vmem>>) target_semaphore(%arg23 : memref<!tpu.dma_semaphore, #tpu.memory_space<semaphore_mem>>)
        %cond3A_570 = arith.constant 0 : i32
        scf.yield %cond3A_570 : i32
      }
      %mul3A_538 = arith.constant 7 : i32
      %mul3A_539 = arith.muli %while3A_386, %mul3A_538 : i32
      %add3A_540 = arith.addi %add3A_4, %mul3A_539 : i32
      %add3A_541 = arith.constant 6 : i32
      %add3A_542 = arith.addi %add3A_540, %add3A_541 : i32
      %min3A_543 = arith.constant 7811 : i32
      %min3A_544 = arith.minsi %add3A_542, %min3A_543 : i32
      %mul3A_545 = arith.constant 128 : i32
      %mul3A_546 = arith.muli %min3A_544, %mul3A_545 : i32
      %dma_wait3A_547 = arith.constant 0 : i32
      %dma_wait3A_548 = tpu.memref_slice %arg3[%dma_wait3A_547, %mul3A_546] : memref<64x1000000xf32, #tpu.memory_space<hbm>> -> memref<64x128xf32, #tpu.memory_space<hbm>>
      %dma_wait3A_549 = arith.constant 0 : i32
      %dma_wait3A_550 = tpu.memref_slice %arg3[%dma_wait3A_549, %mul3A_546] : memref<64x1000000xf32, #tpu.memory_space<hbm>> -> memref<64x128xf32, #tpu.memory_space<hbm>>
      tpu.wait_dma2 semaphore(%arg24 : memref<!tpu.dma_semaphore, #tpu.memory_space<semaphore_mem>>) src(%dma_wait3A_550 : memref<64x128xf32, #tpu.memory_space<hbm>>) dst(%arg16 : memref<64x128xf32, #tpu.memory_space<vmem>>)
      %mul3A_551 = arith.constant 128 : i32
      %mul3A_552 = arith.muli %add3A_542, %mul3A_551 : i32
      %while3A_553 = scf.while (%while3A_563 = %while3A_528) : (i32) -> i32 {
        %get3A = arith.index_cast %while3A_563 : i32 to index
        %get3A_564 = tpu.vector_load %arg7[%get3A] {strides = array<i32>} : memref<16400xi32, #tpu.memory_space<vmem>>, vector<16xi32>,
        %lt3A_565 = arith.cmpi slt, %while3A_563, %scan3A_12 : i32
        %slice3A = vector.extract_strided_slice %get3A_564 {offsets = [0], sizes = [1], strides = [1]} : vector<16xi32> to vector<1xi32>
        %squeeze3A = vector.extract %slice3A[0] : i32 from vector<1xi32>
        %shift_right_logical3A_566 = arith.constant 7 : i32
        %shift_right_logical3A_567 = arith.shrui %squeeze3A, %shift_right_logical3A_566 : i32
        %eq3A = arith.cmpi eq, %shift_right_logical3A_567, %add3A_542 : i32
        %and3A_568 = arith.andi %lt3A_565, %eq3A : i1
        scf.condition(%and3A_568) %while3A_563 : i32
      } do {
      ^bb0(%while3A_563: i32):
        %get3A = arith.index_cast %while3A_563 : i32 to index
        %get3A_564 = tpu.vector_load %arg7[%get3A] {strides = array<i32>} : memref<16400xi32, #tpu.memory_space<vmem>>, vector<16xi32>,
        %get3A_565 = arith.index_cast %while3A_563 : i32 to index
        %get3A_566 = tpu.vector_load %arg8[%get3A_565] {strides = array<i32>} : memref<16400xi32, #tpu.memory_space<vmem>>, vector<16xi32>,
        %slice3A = vector.extract_strided_slice %get3A_564 {offsets = [0], sizes = [1], strides = [1]} : vector<16xi32> to vector<1xi32>
        %squeeze3A = vector.extract %slice3A[0] : i32 from vector<1xi32>
        %sub3A_567 = arith.subi %squeeze3A, %mul3A_552 : i32
        %slice3A_568 = vector.extract_strided_slice %get3A_566 {offsets = [0], sizes = [1], strides = [1]} : vector<16xi32> to vector<1xi32>
        %squeeze3A_569 = vector.extract %slice3A_568[0] : i32 from vector<1xi32>
        %broadcast_in_dim3A = arith.constant 0 : i32
        %broadcast_in_dim3A_570 = vector.broadcast %broadcast_in_dim3A : i32 to vector<16xi32>
        %add3A_571 = vector.broadcast %sub3A_567 : i32 to vector<16xi32>
        %add3A_572 = arith.addi %broadcast_in_dim3A_570, %add3A_571 : vector<16xi32>
        %and3A_573 = arith.constant 31 : i32
        %and3A_574 = arith.andi %while3A_563, %and3A_573 : i32
        %ge3A_575 = arith.constant 32 : i32
        %ge3A_576 = arith.cmpi sge, %while3A_563, %ge3A_575 : i32
        %convert_element_type3A_577 = arith.extui %ge3A_576 : i1 to i32
        %cond3A_578 = arith.constant 0 : i32
        %cond3A_579 = arith.cmpi ne, %convert_element_type3A_577, %cond3A_578 : i32
        scf.if %cond3A_579 {
          %mul3A_627 = arith.constant 64 : i32
          %mul3A_628 = arith.muli %and3A_574, %mul3A_627 : i32
          %mul3A_629 = arith.constant 64 : i32
          %mul3A_630 = arith.muli %squeeze3A_569, %mul3A_629 : i32
          %dma_wait3A_631 = tpu.memref_slice %arg17[%mul3A_628] : memref<2048xf32, #tpu.memory_space<vmem>> -> memref<64xf32, #tpu.memory_space<vmem>>
          %dma_wait3A_632 = tpu.memref_slice %arg5[%mul3A_630] : memref<1048576xf32, #tpu.memory_space<hbm>> -> memref<64xf32, #tpu.memory_space<hbm>>
          %dma_wait3A_633 = tpu.memref_slice %arg5[%mul3A_630] : memref<1048576xf32, #tpu.memory_space<hbm>> -> memref<64xf32, #tpu.memory_space<hbm>>
          %dma_wait3A_634 = tpu.memref_slice %arg17[%mul3A_628] : memref<2048xf32, #tpu.memory_space<vmem>> -> memref<64xf32, #tpu.memory_space<vmem>>
          tpu.wait_dma2 semaphore(%arg25 : memref<!tpu.dma_semaphore, #tpu.memory_space<semaphore_mem>>) src(%dma_wait3A_634 : memref<64xf32, #tpu.memory_space<vmem>>) dst(%dma_wait3A_633 : memref<64xf32, #tpu.memory_space<hbm>>)
        } else {
        }
        %add3A_580 = arith.constant 0 : i32
        %add3A_581 = vector.broadcast %add3A_580 : i32 to vector<16xi32>
        %add3A_582 = arith.addi %iota3A, %add3A_581 : vector<16xi32>
        %gather3A = tpu.vector_load_idx %arg16[%add3A_582, %add3A_572] : memref<64x128xf32, #tpu.memory_space<vmem>>[vector<16xi32>, vector<16xi32>], vector<16xf32>,
        %mul3A_583 = arith.constant 64 : i32
        %mul3A_584 = arith.muli %and3A_574, %mul3A_583 : i32
        %add3A_585 = arith.constant 0 : i32
        %add3A_586 = arith.addi %mul3A_584, %add3A_585 : i32
        %swap3A = arith.index_cast %add3A_586 : i32 to index
        %swap3A_587 = tpu.vector_load %arg17[%swap3A] {strides = array<i32>} : memref<2048xf32, #tpu.memory_space<vmem>>, vector<16xf32>,
        tpu.vector_store %arg17[%swap3A], %gather3A {strides = array<i32>} : memref<2048xf32, #tpu.memory_space<vmem>>, vector<16xf32>,
        %add3A_588 = arith.constant 16 : i32
        %add3A_589 = vector.broadcast %add3A_588 : i32 to vector<16xi32>
        %add3A_590 = arith.addi %iota3A, %add3A_589 : vector<16xi32>
        %gather3A_591 = tpu.vector_load_idx %arg16[%add3A_590, %add3A_572] : memref<64x128xf32, #tpu.memory_space<vmem>>[vector<16xi32>, vector<16xi32>], vector<16xf32>,
        %mul3A_592 = arith.constant 64 : i32
        %mul3A_593 = arith.muli %and3A_574, %mul3A_592 : i32
        %add3A_594 = arith.constant 16 : i32
        %add3A_595 = arith.addi %mul3A_593, %add3A_594 : i32
        %swap3A_596 = arith.index_cast %add3A_595 : i32 to index
        %swap3A_597 = tpu.vector_load %arg17[%swap3A_596] {strides = array<i32>} : memref<2048xf32, #tpu.memory_space<vmem>>, vector<16xf32>,
        tpu.vector_store %arg17[%swap3A_596], %gather3A_591 {strides = array<i32>} : memref<2048xf32, #tpu.memory_space<vmem>>, vector<16xf32>,
        %add3A_598 = arith.constant 32 : i32
        %add3A_599 = vector.broadcast %add3A_598 : i32 to vector<16xi32>
        %add3A_600 = arith.addi %iota3A, %add3A_599 : vector<16xi32>
        %gather3A_601 = tpu.vector_load_idx %arg16[%add3A_600, %add3A_572] : memref<64x128xf32, #tpu.memory_space<vmem>>[vector<16xi32>, vector<16xi32>], vector<16xf32>,
        %mul3A_602 = arith.constant 64 : i32
        %mul3A_603 = arith.muli %and3A_574, %mul3A_602 : i32
        %add3A_604 = arith.constant 32 : i32
        %add3A_605 = arith.addi %mul3A_603, %add3A_604 : i32
        %swap3A_606 = arith.index_cast %add3A_605 : i32 to index
        %swap3A_607 = tpu.vector_load %arg17[%swap3A_606] {strides = array<i32>} : memref<2048xf32, #tpu.memory_space<vmem>>, vector<16xf32>,
        tpu.vector_store %arg17[%swap3A_606], %gather3A_601 {strides = array<i32>} : memref<2048xf32, #tpu.memory_space<vmem>>, vector<16xf32>,
        %add3A_608 = arith.constant 48 : i32
        %add3A_609 = vector.broadcast %add3A_608 : i32 to vector<16xi32>
        %add3A_610 = arith.addi %iota3A, %add3A_609 : vector<16xi32>
        %gather3A_611 = tpu.vector_load_idx %arg16[%add3A_610, %add3A_572] : memref<64x128xf32, #tpu.memory_space<vmem>>[vector<16xi32>, vector<16xi32>], vector<16xf32>,
        %mul3A_612 = arith.constant 64 : i32
        %mul3A_613 = arith.muli %and3A_574, %mul3A_612 : i32
        %add3A_614 = arith.constant 48 : i32
        %add3A_615 = arith.addi %mul3A_613, %add3A_614 : i32
        %swap3A_616 = arith.index_cast %add3A_615 : i32 to index
        %swap3A_617 = tpu.vector_load %arg17[%swap3A_616] {strides = array<i32>} : memref<2048xf32, #tpu.memory_space<vmem>>, vector<16xf32>,
        tpu.vector_store %arg17[%swap3A_616], %gather3A_611 {strides = array<i32>} : memref<2048xf32, #tpu.memory_space<vmem>>, vector<16xf32>,
        %mul3A_618 = arith.constant 64 : i32
        %mul3A_619 = arith.muli %and3A_574, %mul3A_618 : i32
        %mul3A_620 = arith.constant 64 : i32
        %mul3A_621 = arith.muli %squeeze3A_569, %mul3A_620 : i32
        %dma_start3A = tpu.memref_slice %arg17[%mul3A_619] : memref<2048xf32, #tpu.memory_space<vmem>> -> memref<64xf32, #tpu.memory_space<vmem>>
        %dma_start3A_622 = tpu.memref_slice %arg5[%mul3A_621] : memref<1048576xf32, #tpu.memory_space<hbm>> -> memref<64xf32, #tpu.memory_space<hbm>>
        %dma_start3A_623 = tpu.memref_slice %arg5[%mul3A_621] : memref<1048576xf32, #tpu.memory_space<hbm>> -> memref<64xf32, #tpu.memory_space<hbm>>
        %dma_start3A_624 = tpu.memref_slice %arg17[%mul3A_619] : memref<2048xf32, #tpu.memory_space<vmem>> -> memref<64xf32, #tpu.memory_space<vmem>>
        tpu.enqueue_dma source(%dma_start3A_624 : memref<64xf32, #tpu.memory_space<vmem>>) target(%dma_start3A_623 : memref<64xf32, #tpu.memory_space<hbm>>) target_semaphore(%arg25 : memref<!tpu.dma_semaphore, #tpu.memory_space<semaphore_mem>>)
        %add3A_625 = arith.constant 1 : i32
        %add3A_626 = arith.addi %while3A_563, %add3A_625 : i32
        scf.yield %add3A_626 : i32
      }
      %add3A_554 = arith.constant 7 : i32
      %add3A_555 = arith.addi %add3A_542, %add3A_554 : i32
      %ge3A_556 = arith.constant 7812 : i32
      %ge3A_557 = arith.cmpi sge, %add3A_555, %ge3A_556 : i32
      %convert_element_type3A_558 = arith.extui %ge3A_557 : i1 to i32
      %cond3A_559 = arith.constant 0 : i32
      %cond3A_560 = arith.constant 0 : i32
      %cond3A_561 = arith.cmpi ne, %convert_element_type3A_558, %cond3A_560 : i32
      %cond3A_562 = scf.if %cond3A_561 -> (i32) {
        tpu.enqueue_dma source(%arg4 : memref<64x128xf32, #tpu.memory_space<hbm>>) target(%arg16 : memref<64x128xf32, #tpu.memory_space<vmem>>) target_semaphore(%arg24 : memref<!tpu.dma_semaphore, #tpu.memory_space<semaphore_mem>>)
        %cond3A_563 = arith.constant 0 : i32
        scf.yield %cond3A_563 : i32
      } else {
        %min3A_563 = arith.constant 7811 : i32
        %min3A_564 = arith.minsi %add3A_555, %min3A_563 : i32
        %mul3A_565 = arith.constant 128 : i32
        %mul3A_566 = arith.muli %min3A_564, %mul3A_565 : i32
        %dma_start3A = arith.constant 0 : i32
        %dma_start3A_567 = tpu.memref_slice %arg3[%dma_start3A, %mul3A_566] : memref<64x1000000xf32, #tpu.memory_space<hbm>> -> memref<64x128xf32, #tpu.memory_space<hbm>>
        %dma_start3A_568 = arith.constant 0 : i32
        %dma_start3A_569 = tpu.memref_slice %arg3[%dma_start3A_568, %mul3A_566] : memref<64x1000000xf32, #tpu.memory_space<hbm>> -> memref<64x128xf32, #tpu.memory_space<hbm>>
        tpu.enqueue_dma source(%dma_start3A_569 : memref<64x128xf32, #tpu.memory_space<hbm>>) target(%arg16 : memref<64x128xf32, #tpu.memory_space<vmem>>) target_semaphore(%arg24 : memref<!tpu.dma_semaphore, #tpu.memory_space<semaphore_mem>>)
        %cond3A_570 = arith.constant 0 : i32
        scf.yield %cond3A_570 : i32
      }
      scf.yield %while3A_553 : i32
    }
    %mul3A_294 = arith.constant 7 : i32
    %mul3A_295 = arith.muli %select_n3A_281, %mul3A_294 : i32
    %add3A_296 = arith.addi %add3A_4, %mul3A_295 : i32
    %add3A_297 = arith.constant 0 : i32
    %add3A_298 = arith.addi %add3A_296, %add3A_297 : i32
    %min3A_299 = arith.constant 7811 : i32
    %min3A_300 = arith.minsi %add3A_298, %min3A_299 : i32
    %mul3A_301 = arith.constant 128 : i32
    %mul3A_302 = arith.muli %min3A_300, %mul3A_301 : i32
    %dma_wait3A = arith.constant 0 : i32
    %dma_wait3A_303 = tpu.memref_slice %arg3[%dma_wait3A, %mul3A_302] : memref<64x1000000xf32, #tpu.memory_space<hbm>> -> memref<64x128xf32, #tpu.memory_space<hbm>>
    %dma_wait3A_304 = arith.constant 0 : i32
    %dma_wait3A_305 = tpu.memref_slice %arg3[%dma_wait3A_304, %mul3A_302] : memref<64x1000000xf32, #tpu.memory_space<hbm>> -> memref<64x128xf32, #tpu.memory_space<hbm>>
    tpu.wait_dma2 semaphore(%arg18 : memref<!tpu.dma_semaphore, #tpu.memory_space<semaphore_mem>>) src(%dma_wait3A_305 : memref<64x128xf32, #tpu.memory_space<hbm>>) dst(%arg10 : memref<64x128xf32, #tpu.memory_space<vmem>>)
    %mul3A_306 = arith.constant 7 : i32
    %mul3A_307 = arith.muli %select_n3A_281, %mul3A_306 : i32
    %add3A_308 = arith.addi %add3A_4, %mul3A_307 : i32
    %add3A_309 = arith.constant 1 : i32
    %add3A_310 = arith.addi %add3A_308, %add3A_309 : i32
    %min3A_311 = arith.constant 7811 : i32
    %min3A_312 = arith.minsi %add3A_310, %min3A_311 : i32
    %mul3A_313 = arith.constant 128 : i32
    %mul3A_314 = arith.muli %min3A_312, %mul3A_313 : i32
    %dma_wait3A_315 = arith.constant 0 : i32
    %dma_wait3A_316 = tpu.memref_slice %arg3[%dma_wait3A_315, %mul3A_314] : memref<64x1000000xf32, #tpu.memory_space<hbm>> -> memref<64x128xf32, #tpu.memory_space<hbm>>
    %dma_wait3A_317 = arith.constant 0 : i32
    %dma_wait3A_318 = tpu.memref_slice %arg3[%dma_wait3A_317, %mul3A_314] : memref<64x1000000xf32, #tpu.memory_space<hbm>> -> memref<64x128xf32, #tpu.memory_space<hbm>>
    tpu.wait_dma2 semaphore(%arg19 : memref<!tpu.dma_semaphore, #tpu.memory_space<semaphore_mem>>) src(%dma_wait3A_318 : memref<64x128xf32, #tpu.memory_space<hbm>>) dst(%arg11 : memref<64x128xf32, #tpu.memory_space<vmem>>)
    %mul3A_319 = arith.constant 7 : i32
    %mul3A_320 = arith.muli %select_n3A_281, %mul3A_319 : i32
    %add3A_321 = arith.addi %add3A_4, %mul3A_320 : i32
    %add3A_322 = arith.constant 2 : i32
    %add3A_323 = arith.addi %add3A_321, %add3A_322 : i32
    %min3A_324 = arith.constant 7811 : i32
    %min3A_325 = arith.minsi %add3A_323, %min3A_324 : i32
    %mul3A_326 = arith.constant 128 : i32
    %mul3A_327 = arith.muli %min3A_325, %mul3A_326 : i32
    %dma_wait3A_328 = arith.constant 0 : i32
    %dma_wait3A_329 = tpu.memref_slice %arg3[%dma_wait3A_328, %mul3A_327] : memref<64x1000000xf32, #tpu.memory_space<hbm>> -> memref<64x128xf32, #tpu.memory_space<hbm>>
    %dma_wait3A_330 = arith.constant 0 : i32
    %dma_wait3A_331 = tpu.memref_slice %arg3[%dma_wait3A_330, %mul3A_327] : memref<64x1000000xf32, #tpu.memory_space<hbm>> -> memref<64x128xf32, #tpu.memory_space<hbm>>
    tpu.wait_dma2 semaphore(%arg20 : memref<!tpu.dma_semaphore, #tpu.memory_space<semaphore_mem>>) src(%dma_wait3A_331 : memref<64x128xf32, #tpu.memory_space<hbm>>) dst(%arg12 : memref<64x128xf32, #tpu.memory_space<vmem>>)
    %mul3A_332 = arith.constant 7 : i32
    %mul3A_333 = arith.muli %select_n3A_281, %mul3A_332 : i32
    %add3A_334 = arith.addi %add3A_4, %mul3A_333 : i32
    %add3A_335 = arith.constant 3 : i32
    %add3A_336 = arith.addi %add3A_334, %add3A_335 : i32
    %min3A_337 = arith.constant 7811 : i32
    %min3A_338 = arith.minsi %add3A_336, %min3A_337 : i32
    %mul3A_339 = arith.constant 128 : i32
    %mul3A_340 = arith.muli %min3A_338, %mul3A_339 : i32
    %dma_wait3A_341 = arith.constant 0 : i32
    %dma_wait3A_342 = tpu.memref_slice %arg3[%dma_wait3A_341, %mul3A_340] : memref<64x1000000xf32, #tpu.memory_space<hbm>> -> memref<64x128xf32, #tpu.memory_space<hbm>>
    %dma_wait3A_343 = arith.constant 0 : i32
    %dma_wait3A_344 = tpu.memref_slice %arg3[%dma_wait3A_343, %mul3A_340] : memref<64x1000000xf32, #tpu.memory_space<hbm>> -> memref<64x128xf32, #tpu.memory_space<hbm>>
    tpu.wait_dma2 semaphore(%arg21 : memref<!tpu.dma_semaphore, #tpu.memory_space<semaphore_mem>>) src(%dma_wait3A_344 : memref<64x128xf32, #tpu.memory_space<hbm>>) dst(%arg13 : memref<64x128xf32, #tpu.memory_space<vmem>>)
    %mul3A_345 = arith.constant 7 : i32
    %mul3A_346 = arith.muli %select_n3A_281, %mul3A_345 : i32
    %add3A_347 = arith.addi %add3A_4, %mul3A_346 : i32
    %add3A_348 = arith.constant 4 : i32
    %add3A_349 = arith.addi %add3A_347, %add3A_348 : i32
    %min3A_350 = arith.constant 7811 : i32
    %min3A_351 = arith.minsi %add3A_349, %min3A_350 : i32
    %mul3A_352 = arith.constant 128 : i32
    %mul3A_353 = arith.muli %min3A_351, %mul3A_352 : i32
    %dma_wait3A_354 = arith.constant 0 : i32
    %dma_wait3A_355 = tpu.memref_slice %arg3[%dma_wait3A_354, %mul3A_353] : memref<64x1000000xf32, #tpu.memory_space<hbm>> -> memref<64x128xf32, #tpu.memory_space<hbm>>
    %dma_wait3A_356 = arith.constant 0 : i32
    %dma_wait3A_357 = tpu.memref_slice %arg3[%dma_wait3A_356, %mul3A_353] : memref<64x1000000xf32, #tpu.memory_space<hbm>> -> memref<64x128xf32, #tpu.memory_space<hbm>>
    tpu.wait_dma2 semaphore(%arg22 : memref<!tpu.dma_semaphore, #tpu.memory_space<semaphore_mem>>) src(%dma_wait3A_357 : memref<64x128xf32, #tpu.memory_space<hbm>>) dst(%arg14 : memref<64x128xf32, #tpu.memory_space<vmem>>)
    %mul3A_358 = arith.constant 7 : i32
    %mul3A_359 = arith.muli %select_n3A_281, %mul3A_358 : i32
    %add3A_360 = arith.addi %add3A_4, %mul3A_359 : i32
    %add3A_361 = arith.constant 5 : i32
    %add3A_362 = arith.addi %add3A_360, %add3A_361 : i32
    %min3A_363 = arith.constant 7811 : i32
    %min3A_364 = arith.minsi %add3A_362, %min3A_363 : i32
    %mul3A_365 = arith.constant 128 : i32
    %mul3A_366 = arith.muli %min3A_364, %mul3A_365 : i32
    %dma_wait3A_367 = arith.constant 0 : i32
    %dma_wait3A_368 = tpu.memref_slice %arg3[%dma_wait3A_367, %mul3A_366] : memref<64x1000000xf32, #tpu.memory_space<hbm>> -> memref<64x128xf32, #tpu.memory_space<hbm>>
    %dma_wait3A_369 = arith.constant 0 : i32
    %dma_wait3A_370 = tpu.memref_slice %arg3[%dma_wait3A_369, %mul3A_366] : memref<64x1000000xf32, #tpu.memory_space<hbm>> -> memref<64x128xf32, #tpu.memory_space<hbm>>
    tpu.wait_dma2 semaphore(%arg23 : memref<!tpu.dma_semaphore, #tpu.memory_space<semaphore_mem>>) src(%dma_wait3A_370 : memref<64x128xf32, #tpu.memory_space<hbm>>) dst(%arg15 : memref<64x128xf32, #tpu.memory_space<vmem>>)
    %mul3A_371 = arith.constant 7 : i32
    %mul3A_372 = arith.muli %select_n3A_281, %mul3A_371 : i32
    %add3A_373 = arith.addi %add3A_4, %mul3A_372 : i32
    %add3A_374 = arith.constant 6 : i32
    %add3A_375 = arith.addi %add3A_373, %add3A_374 : i32
    %min3A_376 = arith.constant 7811 : i32
    %min3A_377 = arith.minsi %add3A_375, %min3A_376 : i32
    %mul3A_378 = arith.constant 128 : i32
    %mul3A_379 = arith.muli %min3A_377, %mul3A_378 : i32
    %dma_wait3A_380 = arith.constant 0 : i32
    %dma_wait3A_381 = tpu.memref_slice %arg3[%dma_wait3A_380, %mul3A_379] : memref<64x1000000xf32, #tpu.memory_space<hbm>> -> memref<64x128xf32, #tpu.memory_space<hbm>>
    %dma_wait3A_382 = arith.constant 0 : i32
    %dma_wait3A_383 = tpu.memref_slice %arg3[%dma_wait3A_382, %mul3A_379] : memref<64x1000000xf32, #tpu.memory_space<hbm>> -> memref<64x128xf32, #tpu.memory_space<hbm>>
    tpu.wait_dma2 semaphore(%arg24 : memref<!tpu.dma_semaphore, #tpu.memory_space<semaphore_mem>>) src(%dma_wait3A_383 : memref<64x128xf32, #tpu.memory_space<hbm>>) dst(%arg16 : memref<64x128xf32, #tpu.memory_space<vmem>>)
    %while3A_384 = arith.constant 0 : i32
    %while3A_385 = scf.while (%while3A_386 = %while3A_384) : (i32) -> i32 {
      %min3A_387 = arith.constant 32 : i32
      %min3A_388 = arith.minsi %while3A_293, %min3A_387 : i32
      %lt3A_389 = arith.cmpi slt, %while3A_386, %min3A_388 : i32
      scf.condition(%lt3A_389) %while3A_386 : i32
    } do {
    ^bb0(%while3A_386: i32):
      %dma_wait3A_387 = arith.constant 0 : i32
      %dma_wait3A_388 = tpu.memref_slice %arg17[%dma_wait3A_387] : memref<2048xf32, #tpu.memory_space<vmem>> -> memref<64xf32, #tpu.memory_space<vmem>>
      %dma_wait3A_389 = arith.constant 0 : i32
      %dma_wait3A_390 = tpu.memref_slice %arg5[%dma_wait3A_389] : memref<1048576xf32, #tpu.memory_space<hbm>> -> memref<64xf32, #tpu.memory_space<hbm>>
      %dma_wait3A_391 = arith.constant 0 : i32
      %dma_wait3A_392 = tpu.memref_slice %arg5[%dma_wait3A_391] : memref<1048576xf32, #tpu.memory_space<hbm>> -> memref<64xf32, #tpu.memory_space<hbm>>
      %dma_wait3A_393 = arith.constant 0 : i32
      %dma_wait3A_394 = tpu.memref_slice %arg17[%dma_wait3A_393] : memref<2048xf32, #tpu.memory_space<vmem>> -> memref<64xf32, #tpu.memory_space<vmem>>
      tpu.wait_dma2 semaphore(%arg25 : memref<!tpu.dma_semaphore, #tpu.memory_space<semaphore_mem>>) src(%dma_wait3A_394 : memref<64xf32, #tpu.memory_space<vmem>>) dst(%dma_wait3A_392 : memref<64xf32, #tpu.memory_space<hbm>>)
      %add3A_395 = arith.constant 1 : i32
      %add3A_396 = arith.addi %while3A_386, %add3A_395 : i32
      scf.yield %add3A_396 : i32
    }
    return
  }
}

</mosaic_0001>

<sc_bundles>
// kernel: kernel.3.cloned.1.call-start
scs
__scs_entry_jumppad:
0x0: {  	(pc) =	sbr.rel $0x88, $3  }
0x1: {  	(tag) =	ssettag $0x0;
	lr =	simm.s32 $0x1  }
0x2: {  	[smem:$0x3F9F] =	sst lr;
	_ =	strace $0xD0000000  }
0x3: {  	_ = 	snop  }
0x4: {  	_ = 	snop  }
0x5: {  	_ = 	snop  }
0x6: {  	_ = 	snop  }
0x7: {  	_ = 	snop  }
__scs_overlays_trampoline_lowered:
0x8: {  	[smem:$0x3FAE] =	sst s0  }
0x9: {  	[smem:$0x3FAF] =	sst s1  }
0xa: {  	[smem:$0x3FB0] =	sst s2  }
0xb: {  	[smem:$0x3FB1] =	sst s3  }
0xc: {  	[smem:$0x3FB2] =	sst s4  }
0xd: {  	[smem:$0x3FB3] =	sst s5  }
0xe: {  	[smem:$0x3FB4] =	sst s6  }
0xf: {  	[smem:$0x3FB5] =	sst s7  }
0x10: {  	[smem:$0x3FB6] =	sst s8  }
0x11: {  	[smem:$0x3FB7] =	sst s9;
	s0 =	simm.s32 @!p0 $0x0  }
0x12: {  	s1 =	sld [smem:$0x3F9D];
	s0 =	simm.s32 @p0 $0x1  }
0x13: {  	[smem:$0x3FB8] =	sst s0;
	s0 =	simm.s32 @!p1 $0x0  }
0x14: {  	s2 =	sld [smem:$0x3F9C];
	s0 =	simm.s32 @p1 $0x1  }
0x15: {  	[smem:$0x3FB9] =	sst s0;
	s0 =	simm.s32 @!p2 $0x0  }
0x16: {  	s3 =	sld [smem:$0x3FDB];
	s0 =	simm.s32 @p2 $0x1  }
0x17: {  	s4 =	simm.s32 $0x1BF5;
	[smem:$0x3FBB] =	sst s0  }
0x18: {  	s0 =	sld [smem:$0x3F9E];
	_ =	swait.ge [sflag:s4], $0x0  }
0x19: {  	s7 =	sld [smem:$0x3F9F]  }
0x1a: {  	s8 =	sadd.s32 $0xFFFFE003, lr  }
0x1b: {  	s9 =	sadd.s32 $0xFFFFFEF7, lr;
	s5 =	simm.s32 $0xFFFFFFFF;
	p2 =	slt.u32 s8, $0xFFFFF086  }
0x1c: {  	p1 =	slt.u32 s9, $0xF7A;
	s5 =	simm.s32 @!p2 $0x0  }
0x1d: {  	s5 =	simm.s32 @p1 $0x1;
	p0 =	seq.s32 s7, s2  }
0x1e: {  	s7 =	smul.u32 @!p0 $0xF7A, s2;
	p2 =	seq.s32 @!p0 s5, $0x0  }
0x1f: {  	s9 =	smul.u32 $0xF7A, s1;
	s8 =	simm.s32 @!p0 $0x1BF5;
	p2 =	por !p2, p0  }
0x20: {  	[sflag:s8] =	ssyncset.s32 @!p0 $0xFFFFF086;
	s6 =	sadd.s32 @!p0 s3, s7;
	s7 =	simm.s32 @!p0 $0x108  }
0x21: {  	s3 =	sadd.s32 s3, s9;
	s6 =	sadd.s32 @!p0 $0x88, s6;
	s7 =	simm.s32 @p2 $0x1082  }
0x22: {  	[simem:s7], [sflag:s8] =	dma.local @!p0 [hbm:s6], $0xF7A  }
0x23: {  	s9 =	sor.u32 $0xD0000000, s2;
	s6 =	simm.s32 $0x108;
	_ =	swait.ge @!p0 [sflag:s8], $0x0  }
0x24: {  	s3 =	sadd.s32 $0x88, s3;
	s6 =	simm.s32 @!p1 $0x1082;
	[sflag:s4] =	ssyncset.s32 $0xFFFFF086  }
0x25: {  	[simem:s6], [sflag:s4] =	dma.local [hbm:s3], $0xF7A  }
0x26: {  	[smem:$0x3F9F] =	sst s1;
	(tag) =	ssettag s2;
	_ =	strace s9  }
0x27: {  	s1 =	sld [smem:$0x3FAF]  }
0x28: {  	s2 =	sld [smem:$0x3FB0]  }
0x29: {  	s4 =	sld [smem:$0x3FB2]  }
0x2a: {  	p0 =	seq.s32 s5, $0x0;
	s5 =	sld [smem:$0x3FB3]  }
0x2b: {  	s6 =	sld [smem:$0x3FB4]  }
0x2c: {  	s7 =	sld [smem:$0x3FB5]  }
0x2d: {  	s3 =	simm.s32 $0x108;
	s8 =	sld [smem:$0x3FB6]  }
0x2e: {  	s3 =	simm.s32 @!p0 $0x1082;
	s9 =	sld [smem:$0x3FB7]  }
0x2f: {  	lr =	sadd.s32 s0, s3;
	s0 =	sld [smem:$0x3FAE]  }
0x30: {  	s3 =	sld [smem:$0x3FB1]  }
0x31: {  	[smem:$0x3FBA] =	sst s10  }
0x32: {  	s10 =	sld [smem:$0x3FB8];
	_ =	sdelay $0x3  }
0x33: {  	p0 =	seq.s32 s10, $0x1;
	s10 =	sld [smem:$0x3FBA];
	_ =	sdelay $0x3  }
0x34: {  	[smem:$0x3FBA] =	sst s10  }
0x35: {  	s10 =	sld [smem:$0x3FB9];
	_ =	sdelay $0x3  }
0x36: {  	p1 =	seq.s32 s10, $0x1;
	s10 =	sld [smem:$0x3FBA];
	_ =	sdelay $0x3  }
0x37: {  	[smem:$0x3FBA] =	sst s10  }
0x38: {  	s10 =	sld [smem:$0x3FBB]  }
0x39: {  	_ = 	snop;
	(pc) =	sbr.ind lr, $3  }
0x3a: {  	_ = 	snop  }
0x3b: {  	_ = 	snop  }
0x3c: {  	p2 =	seq.s32 s10, $0x1;
	s10 =	sld [smem:$0x3FBA]  }
0x3d: {  	_ =	shalt  }
0x3e: {  	_ =	shalt  }
0x3f: {  	_ =	shalt  }
0x40: {  	_ =	shalt  }
0x41: {  	_ =	shalt  }
0x42: {  	_ =	shalt  }
0x43: {  	_ =	shalt  }
0x44: {  	_ =	shalt  }
0x45: {  	_ =	shalt  }
0x46: {  	_ =	shalt  }
0x47: {  	_ =	shalt  }
0x48: {  	_ =	shalt  }
0x49: {  	_ =	shalt  }
0x4a: {  	_ =	shalt  }
0x4b: {  	_ =	shalt  }
0x4c: {  	_ =	shalt  }
0x4d: {  	_ =	shalt  }
0x4e: {  	_ =	shalt  }
0x4f: {  	_ =	shalt  }
0x50: {  	_ =	shalt  }
0x51: {  	_ =	shalt  }
0x52: {  	_ =	shalt  }
0x53: {  	_ =	shalt  }
0x54: {  	_ =	shalt  }
0x55: {  	_ =	shalt  }
0x56: {  	_ =	shalt  }
0x57: {  	_ =	shalt  }
0x58: {  	_ =	shalt  }
0x59: {  	_ =	shalt  }
0x5a: {  	_ =	shalt  }
0x5b: {  	_ =	shalt  }
0x5c: {  	_ =	shalt  }
0x5d: {  	_ =	shalt  }
0x5e: {  	_ =	shalt  }
0x5f: {  	_ =	shalt  }
0x60: {  	_ =	shalt  }
0x61: {  	_ =	shalt  }
0x62: {  	_ =	shalt  }
0x63: {  	_ =	shalt  }
0x64: {  	_ =	shalt  }
0x65: {  	_ =	shalt  }
0x66: {  	_ =	shalt  }
0x67: {  	_ =	shalt  }
0x68: {  	_ =	shalt  }
0x69: {  	_ =	shalt  }
0x6a: {  	_ =	shalt  }
0x6b: {  	_ =	shalt  }
0x6c: {  	_ =	shalt  }
0x6d: {  	_ =	shalt  }
0x6e: {  	_ =	shalt  }
0x6f: {  	_ =	shalt  }
0x70: {  	_ =	shalt  }
0x71: {  	_ =	shalt  }
0x72: {  	_ =	shalt  }
0x73: {  	_ =	shalt  }
0x74: {  	_ =	shalt  }
0x75: {  	_ =	shalt  }
0x76: {  	_ =	shalt  }
0x77: {  	_ =	shalt  }
0x78: {  	_ =	shalt  }
0x79: {  	_ =	shalt  }
0x7a: {  	_ =	shalt  }
0x7b: {  	_ =	shalt  }
0x7c: {  	_ =	shalt  }
0x7d: {  	_ =	shalt  }
0x7e: {  	_ =	shalt  }
0x7f: {  	_ =	shalt  }
0x80: {  	_ =	shalt  }
0x81: {  	_ =	shalt  }
0x82: {  	_ =	shalt  }
0x83: {  	_ =	shalt  }
0x84: {  	_ =	shalt  }
0x85: {  	_ =	shalt  }
0x86: {  	_ =	shalt  }
0x87: {  	_ =	shalt  }
.Lfunc_end0:
.L_simem_size_0:
called_computation_lowered:
.L_overlay_start_0:
0x88: {  	s2 =	sld [smem:$0x3FD9]  }
0x89: {  	s3 =	sld [smem:$0x3FFE];
	_ =	sdelay $0x1  }
0x8a: {  	s1 =	srdreg.scid  }
0x8b: {  	s0 =	sand.u32 $0x1, s1  }
0x8c: {  	s17 =	sshll.u32 s0, $0xA;
	s2 =	sadd.s32 s3, s2  }
0x8d: {  	s2 =	sadd.s32 s2, s17  }
0x8e: {  	[smem:$0x3FC6] =	sst s2  }
0x8f: {  	_ = 	snop  }
0x90: {  	s2 =	sld [smem:$0x3FC9]  }
0x91: {  	s18 =	sld [smem:$0x3FC8]  }
0x92: {  	s4 =	sld [smem:$0x3FD0];
	(tm) =	ssettm $0x1  }
0x93: {  	s5 =	sld [smem:$0x3FFB];
	_ =	sdelay $0x3  }
0x94: {  	_ =	strace s5  }
0x95: {  	s5 =	sld [smem:$0x3FFC];
	_ =	sdelay $0x3  }
0x96: {  	_ =	strace s5  }
0x97: {  	s5 =	sld [smem:$0x3FFD];
	_ =	sdelay $0x3  }
0x98: {  	_ =	strace s5  }
0x99: {  	_ =	strace $0x8FFFFFFF  }
0x9a: {  	s19 =	sld [smem:$0x3FDB];
	_ =	sdelay $0x1  }
0x9b: {  	s6 =	simm.s32 $_scs_section_size  }
0x9c: {  	s7 =	simm.s32 $_size__tile_overlayer_lowered;
	s8 =	simm.s32 $_tile_overlayer_lowered  }
0x9d: {  	s22 =	simm.s32 $0x1BFF;
	s21 =	sshll.u32 s8, $0x1;
	s5 =	sadd.s32 s6, s19  }
0x9e: {  	s9 =	simm.s32 $0x0;
	s20 =	sshll.u32 s7, $0x1;
	s7 =	sadd.s32 s21, s5  }
0x9f: {  	[timem:s9], [sflag:s22] =	dma.local [hbm:s7], s20  }
0xa0: {  	_ =	swait.ge [sflag:s22], s20  }
0xa1: {  	s6 =	ssub.s32 $0x0, s20;
	[sflag:s22] =	ssyncset.done $0x0  }
0xa2: {  	[sflag:s22] =	ssyncadd.s32 s6;
	_ =	sdelay $0x1  }
0xa3: {  	s23 =	simm.s32 $0x1B8B  }
0xa4: {  	_ =	swait.ge [sflag:s23], $0x1  }
0xa5: {  	[sflag:s23] =	ssyncset.done $0x0  }
0xa6: {  	s25 =	simm.s32 $0x1B8E;
	s24 =	sld [smem:$0x3FFE];
	[sflag:s23] =	ssyncadd.s32 $0xFFFFFFFF  }
0xa7: {  	s26 =	simm.s32 $execute0_lowered;
	[smem:$0x3FD2] =	sst s25  }
0xa8: {  	s7 =	sshll.u32 s26, $0x1;
	_ =	strace $0x80000046;
	[dreg:$0x1] =	wrdreg $0xFFFFFFFF  }
0xa9: {  	s28 =	simm.s32 $_size_execute0_lowered;
	s5 =	sadd.s32 s5, s7;
	[dreg:$0x0] =	wrdreg $0x0  }
0xaa: {  	s7 =	sshll.u32 s28, $0x1;
	[dreg:$0x2] =	wrdreg s5  }
0xab: {  	[dreg:$0x3] =	wrdreg s7  }
0xac: {  	[dreg:$0x4] =	wrdreg $0xC0  }
0xad: {  	_ =	task [dreg:s9], $0x5FFFF  }
0xae: {  	[dreg:$0x1] =	wrdreg $0xFFFFFFFF  }
0xaf: {  	[dreg:$0x0] =	wrdreg $0x60  }
0xb0: {  	[dreg:$0x2] =	wrdreg s2  }
0xb1: {  	[dreg:$0x3] =	wrdreg s18  }
0xb2: {  	[dreg:$0x4] =	wrdreg s24  }
0xb3: {  	[dreg:$0x5] =	wrdreg s4  }
0xb4: {  	[dreg:$0x6] =	wrdreg $0x9  }
0xb5: {  	_ =	task.clear_ibuf [dreg:s9], $0x7FFFF;
	_ =	strace $0x90000046  }
0xb6: {  	s29 =	simm.s32 $0x9;
	_ =	strace $0x80000048  }
0xb7: {  	_ =	swait.ge [sflag:s29], $0x1  }
0xb8: {  	[sflag:s29] =	ssyncadd.s32 $0xFFFFFFFF  }
0xb9: {  	_ =	strace $0x90000048  }
0xba: {  	_ =	sfence  }
0xbb: {  	s30 =	sld [smem:$0x0];
	_ =	sdelay $0x2  }
0xbc: {  	s31 =	sshll.u32 s1, $0xD;
	s1 =	sshrl.u32 s1, $0x2  }
0xbd: {  	s3 =	sand.u32 $0x4000, s31;
	s1 =	sadd.s32 s1, s30  }
0xbe: {  	s0 =	sor.u32 s3, s0;
	s1 =	sshll.u32 s1, $0x11  }
0xbf: {  	s0 =	sor.u32 s1, s0  }
0xc0: {  	s0 =	sadd.s32 $0x8F2B, s0  }
0xc1: {  	[sflag:s0] =	ssyncadd.remote.s32 $0x1  }
0xc2: {  	_ =	sfence.sel $0xFFFF  }
0xc3: {  	[dreg:$0x0] =	wrdreg $0xFFFFFFFF;
	(pc) =	sbr.abs _section_cstart, $3  }
0xc4: {  	[dreg:$0x1] =	wrdreg $0xFFFFFFFF  }
0xc5: {  	_ =	task.clear_ibuf [dreg:s9], $0x2FFFF;
	_ =	strace $0x9FFFFFFF  }
0xc6: {  	(tm) =	ssettm $0x7FFFFFFF  }
0xc7: {  	_ =	shalt  }
tec
execute0_lowered:
.L_overlay_start_1:
0x0: {  	(tag) =	ssettag $0x1  }
0x1: {  	s0 =	rddreg [dreg:$0x1]  }
0x2: {  	s1 =	rddreg [dreg:$0x2]  }
0x3: {  	s3 =	rddreg [dreg:$0x3]  }
0x4: {  	s2 =	srdreg.scid;
	s5 =	stileid.u32  }
0x5: {  	s4 =	simm.s32 $0x0;
	s28 =	simm.s32 $0x10200;
	s29 =	simm.s32 $0x12200  }
0x6: {  	s30 =	simm.s32 $0x14200;
	s31 =	simm.s32 $0x16200;
	s2 =	sand.u32 $0x1, s2  }
0x7: {  	s5 =	sshll.u32 s5, $0x1;
	[smem:$0x7FF] =	sst s4;
	s20 =	sadd.s32 $0x380, s0  }
0x8: {  	s21 =	sadd.s32 $0x400, s0;
	_ =	strace $0x80000047;
	[dreg:$0xd] =	wrdreg s20  }
0x9: {  	s22 =	sadd.s32 $0x480, s0;
	s23 =	sadd.s32 $0x500, s0;
	[dreg:$0xe] =	wrdreg s21  }
0xa: {  	s24 =	sadd.s32 $0x580, s0;
	s25 =	sadd.s32 $0x600, s0;
	[dreg:$0xf] =	wrdreg s22  }
0xb: {  	s6 =	sor.u32 s2, s5;
	s5 =	sadd.s32 $0x400, s1;
	[dreg:$0x10] =	wrdreg s23  }
0xc: {  	s8 =	ssub.s32 $0x2, s2;
	s2 =	simm.s32 $0xF5;
	[dreg:$0x11] =	wrdreg s24  }
0xd: {  	[dreg:$0x12] =	wrdreg s25;
	s23 =	simm.s32 $0x4080;
	s24 =	simm.s32 $0x8100  }
0xe: {  	s21 =	simm.s32 $0x8;
	s22 =	simm.s32 $0xC180;
	s7 =	smul.u32 $0xF4, s6  }
0xf: {  	s9 =	smin.u32 s6, $0x5;
	p0 =	slt.u32 s6, $0x5;
	s10 =	sshrl.u32 s8, $0x1  }
0x10: {  	s2 =	simm.s32 @!p0 $0xF4;
	s1 =	ssub.s32 s8, s10;
	s10 =	simm.s32 $0x4  }
0x11: {  	s11 =	sadd.s32 s9, s7;
	s26 =	smax.u32 s1, $0x1;
	s1 =	simm.s32 $0x1C200  }
0x12: {  	s7 =	sshll.u32 s11, $0x7;
	s6 =	sadd.s32 s2, s11;
	[dreg:$0x14] =	wrdreg s26  }
0x13: {  	[dreg:$0x5] =	wrdreg s11;
	v3 =	vmov s11;
	s11 =	simm.s32 $0x5;
	s12 =	sadd.s32 s0, s7  }
0x14: {  	s13 =	sadd.s32 $0x80, s7;
	s8 =	sadd.s32 $0x100, s7;
	s9 =	sadd.s32 $0x180, s7  }
0x15: {  	s16 =	sadd.s32 $0x200, s7;
	s17 =	sadd.s32 $0x280, s7;
	s7 =	sadd.s32 $0x300, s7  }
0x16: {  	[dreg:$0x6] =	wrdreg s12;
	s2 =	sand.u32 $0x1FFFFF80, s13;
	s8 =	sand.u32 $0x1FFFFF80, s8  }
0x17: {  	s9 =	sand.u32 $0x1FFFFF80, s9;
	s7 =	sand.u32 $0x1FFFFF80, s7;
	s2 =	sadd.s32 s0, s2  }
0x18: {  	s12 =	simm.s32 $0x6;
	s14 =	sadd.s32 s0, s8;
	[dreg:$0x7] =	wrdreg s2  }
0x19: {  	s15 =	sadd.s32 s0, s9;
	s8 =	sand.u32 $0x1FFFFF80, s17;
	[dreg:$0x8] =	wrdreg s14  }
.Ltmp0:
0x1a: {  	v0 =	vlaneseq.u32;
	s19 =	sadd.s32 s0, s7;
	[dreg:$0x9] =	wrdreg s15;
	(pc) =	sbr.rel .LBB2_1-.Ltmp0, $4  }
0x1b: {  	v1 =	vmul.u32 $0x80, v0;
	s2 =	sand.u32 $0x1FFFFF80, s16;
	s18 =	sadd.s32 s0, s8;
	[dreg:$0xc] =	wrdreg s19  }
0x1c: {  	s13 =	simm.s32 $0x7;
	s2 =	sadd.s32 s0, s2;
	[dreg:$0xb] =	wrdreg s18  }
0x1d: {  	v4 =	vimm.s32 $0x0;
	v5 =	vor.u32 $0x800, v1;
	s7 =	simm.s32 $0x0;
	s0 =	sadd.s32 $0x680, s0;
	[dreg:$0xa] =	wrdreg s2  }
0x1e: {  	v6 =	vor.u32 $0x1000, v1;
	v7 =	vor.u32 $0x1800, v1;
	v2 =	vmov s6;
	[dreg:$0x13] =	wrdreg s0;
	s0 =	simm.s32 $0x18200;
	s2 =	simm.s32 $0x1A200  }
.LBB2_125:
0x1f: {  	[sflag:s21] =	ssyncadd.s32 $0xFFFFFFC0  }
.LBB2_126:
0x20: {  	s7 =	sadd.s32 $0x1, s7;
	s6 =	rddreg [dreg:$0x14]  }
0x21: {  	p0 =	sne.s32 s7, s6  }
.Ltmp1:
0x22: {  	_ = 	snop;
	(pc) =	sbr.rel @!p0 .LBB2_127-.Ltmp1, $1  }
0x23: {  	_ =	sdelay $0x3  }
.LBB2_1:
0x24: {  	[dreg:$0x15] =	wrdreg s7  }
0x25: {  	s6 =	rddreg [dreg:$0x0];
	s26 =	simm.s32 $0x9  }
0x26: {  	[tilespmem:s4], [sflag:$0x9] =	stream.linear.gather [hbm4b:s6+s4], $0x4000, $0x38;
	[tilespmem:$0x1EA00] =	vst v63  }
0x27: {  	_ =	swait.ge [sflag:s26], $0x4000  }
0x28: {  	[sflag:s26] =	ssyncset.done $0x0  }
0x29: {  	[sflag:s26] =	ssyncadd.s32 $0xFFFFC000  }
0x2a: {  	v8 =	vld [tilespmem:s4+$0x0];
	_ =	sdelay $0x4  }
0x2b: {  	v9 =	vshrl.u32 v8, $0x7  }
0x2c: {  	vm0 =	vge.u32 v9, v3;
	vm1 =	vlt.u32 v9, v2  }
0x2d: {  	vm0 =	vmand vm0, vm1  }
0x2e: {  	v9 =	vsel vm0, $0x1, v4  }
0x2f: {  	(xrf0) =	vadd.scan.msk.s32 $0xffff, v9;
	_ =	sdelay $0x4  }
0x30: {  	v9 =	vsel vm0, $0xFFFFFFFF, v4  }
0x31: {  	v9 =	vadd.s32 s4, v9;
	v10, _, _ =	vpop (xrf0)  }
0x32: {  	v9 =	vadd.s32 v10, v9;
	(v2sf) =	vpush v10, $0xF  }
0x33: {  	v9 =	vnsel vm0, $0x4008, v9;
	_ =	sdelay $0x4  }
0x34: {  	[tilespmem:v9+s23+$0x0] =	vst.idx.msk $0xffff, v8;
	v8 =	vor.u32 s4, v0  }
0x35: {  	s6 =	simm.s32 $0x10;
	[tilespmem:v9+s24+$0x0] =	vst.idx.msk $0xffff, v8  }
0x36: {  	s15 =	simm.s32 $0x20;
	s14 =	simm.s32 $0x0;
	s16 =	simm.s32 $0x10;
	v8 =	vld [tilespmem:s6+$0x0]  }
.LBB2_2:
0x37: {  	p0 =	sne.s32 s15, $0x3FF0;
	_ =	sdelay $0x3  }
0x38: {  	v9 =	vshrl.u32 v8, $0x7  }
0x39: {  	vm0 =	vge.u32 v9, v3;
	vm1 =	vlt.u32 v9, v2  }
0x3a: {  	vm0 =	vmand vm0, vm1;
	s7 =	spop (v2sf)  }
0x3b: {  	v9 =	vsel vm0, $0xFFFFFFFF, v4;
	v10 =	vsel vm0, $0x1, v4;
	s14 =	sadd.s32 s14, s7  }
0x3c: {  	v9 =	vadd.s32 s14, v9;
	(xrf0) =	vadd.scan.msk.s32 $0xffff, v10;
	_ =	sdelay $0x5  }
0x3d: {  	v10, _, _ =	vpop (xrf0)  }
0x3e: {  	v9 =	vadd.s32 v10, v9;
	(v2sf) =	vpush v10, $0xF  }
0x3f: {  	v9 =	vnsel vm0, $0x4008, v9;
	_ =	sdelay $0x2  }
.Ltmp2:
0x40: {  	(pc) =	sbr.rel @p0 .LBB2_2-.Ltmp2, $4  }
0x41: {  	_ = 	snop  }
0x42: {  	[tilespmem:v9+s23+$0x0] =	vst.idx.msk $0xffff, v8;
	v8 =	vor.u32 s6, v0;
	s6 =	smov.u32 s15  }
0x43: {  	s16 =	sadd.s32 $0x10, s16;
	[tilespmem:v9+s24+$0x0] =	vst.idx.msk $0xffff, v8  }
0x44: {  	s15 =	sadd.s32 $0x10, s15;
	v8 =	vld [tilespmem:s16+$0x0]  }
0x45: {  	_ =	sdelay $0x3  }
0x46: {  	v9 =	vshrl.u32 v8, $0x7  }
0x47: {  	vm0 =	vge.u32 v9, v3;
	vm1 =	vlt.u32 v9, v2  }
0x48: {  	vm0 =	vmand vm0, vm1  }
0x49: {  	v63 =	vsel vm0, $0x1, v4  }
0x4a: {  	(xrf0) =	vadd.scan.msk.s32 $0xffff, v63;
	_ =	sdelay $0x5  }
0x4b: {  	v9, _, _ =	vpop (xrf0)  }
0x4c: {  	(v2sf) =	vpush v9, $0xF;
	_ =	sdelay $0xd  }
0x4d: {  	s7 =	spop (v2sf)  }
0x4e: {  	v10 =	vsel vm0, $0xFFFFFFFF, v4;
	s7 =	sadd.s32 s14, s7;
	s26 =	spop (v2sf)  }
0x4f: {  	v10 =	vadd.s32 s7, v10;
	s26 =	sadd.s32 s7, s26  }
0x50: {  	v9 =	vadd.s32 v9, v10;
	s7 =	sadd.s32 $0xF, s26  }
0x51: {  	v9 =	vnsel vm0, $0x4008, v9;
	s7 =	sshrl.u32 s7, $0x4  }
0x52: {  	p0 =	seq.s32 s7, $0x0  }
.Ltmp3:
0x53: {  	_ = 	snop;
	(pc) =	sbr.rel @p0 .LBB2_85-.Ltmp3, $3  }
0x54: {  	_ =	sdelay $0x1  }
0x55: {  	[tilespmem:v9+s23+$0x0] =	vst.idx.msk $0xffff, v8;
	v8 =	vor.u32 s6, v0  }
0x56: {  	[tilespmem:v9+s24+$0x0] =	vst.idx.msk $0xffff, v8  }
0x57: {  	s20 =	simm.s32 $0x4080  }
0x58: {  	v10 =	vld [tilespmem:s20+$0x0];
	_ =	sdelay $0x1  }
0x59: {  	p0 =	sne.s32 s7, $0x1  }
.Ltmp4:
0x5a: {  	_ = 	snop;
	(pc) =	sbr.rel @!p0 .LBB2_5-.Ltmp4, $4  }
0x5b: {  	_ = 	snop  }
0x5c: {  	v8 =	vshrl.u32 v10, $0x7  }
0x5d: {  	s15 =	simm.s32 $0x0;
	v9 =	vsub.s32 v8, v3  }
0x5e: {  	s9 =	simm.s32 $0x8100;
	s8 =	sadd.s32 $0xFFFFFFFF, s7;
	p1 =	por $0x0, $0x0;
	v8 =	vmov s26;
	v11 =	vand.u32 $0x1, v9;
	v9 =	vor.u32 s15, v0  }
0x5f: {  	vm0 =	veq.s32 v11, $0x0;
	vm1 =	vlt.s32 v9, v8  }
0x60: {  	vm0 =	vmand vm1, vm0  }
0x61: {  	v11 =	vsel vm0, $0x1, v4  }
0x62: {  	(xrf0) =	vadd.scan.msk.s32 $0xffff, v11;
	_ =	sdelay $0x4  }
0x63: {  	v11 =	vsel vm0, $0xFFFFFFFF, v4  }
0x64: {  	v11 =	vadd.s32 s15, v11;
	v12, _, _ =	vpop (xrf0)  }
0x65: {  	(v2sf) =	vpush v12, $0xF;
	v11 =	vadd.s32 v12, v11  }
0x66: {  	v11 =	vnsel vm0, $0x4008, v11  }
0x67: {  	v12 =	vld [tilespmem:s9+$0x0];
	_ =	sdelay $0x3  }
0x68: {  	[tilespmem:v11+s15+$0x0] =	vst.idx.msk $0xffff, v10  }
0x69: {  	s16 =	simm.s32 $0x4090;
	[tilespmem:v11+s22+$0x0] =	vst.idx.msk $0xffff, v12  }
0x6a: {  	v10 =	vld [tilespmem:s16+$0x0];
	_ =	sdelay $0x1  }
0x6b: {  	p3 =	sne.s32 s8, $0x1  }
.Ltmp5:
0x6c: {  	_ = 	snop;
	(pc) =	sbr.rel @!p3 .LBB2_7-.Ltmp5, $4  }
0x6d: {  	_ = 	snop  }
0x6e: {  	v11 =	vshrl.u32 v10, $0x7  }
0x6f: {  	s17 =	sadd.s32 $0xFFFFFFFF, s8;
	s18 =	simm.s32 $0x10;
	p2 =	por $0x1, $0x1;
	v11 =	vsub.s32 v11, v3  }
0x70: {  	s25 =	simm.s32 $0x0;
	s14 =	simm.s32 $0x8100;
	v12 =	vor.u32 s18, v0;
	s19 =	spop (v2sf);
	v11 =	vand.u32 $0x1, v11  }
.LBB2_8:
0x71: {  	p3 =	sne.s32 s17, $0x1;
	vm0 =	veq.s32 v11, $0x0;
	vm1 =	vlt.s32 v12, v8;
	s25 =	sadd.s32 s25, s19;
	s14 =	sadd.s32 $0x10, s14  }
0x72: {  	s17 =	sadd.s32 $0xFFFFFFFF, s17;
	vm0 =	vmand vm1, vm0  }
0x73: {  	v11 =	vsel vm0, $0xFFFFFFFF, v4;
	v12 =	vsel vm0, $0x1, v4  }
0x74: {  	(xrf0) =	vadd.scan.msk.s32 $0xffff, v12;
	_ =	sdelay $0x5  }
0x75: {  	v11 =	vadd.s32 s25, v11;
	v12, _, _ =	vpop (xrf0)  }
0x76: {  	v11 =	vadd.s32 v12, v11;
	(v2sf) =	vpush v12, $0xF  }
0x77: {  	v11 =	vnsel vm0, $0x4008, v11  }
0x78: {  	v12 =	vld [tilespmem:s14+$0x0];
	_ =	sdelay $0x3  }
0x79: {  	[tilespmem:v11+s15+$0x0] =	vst.idx.msk $0xffff, v10  }
0x7a: {  	s16 =	sadd.s32 $0x10, s16;
	[tilespmem:v11+s22+$0x0] =	vst.idx.msk $0xffff, v12  }
0x7b: {  	v10 =	vld [tilespmem:s16+$0x0];
	_ =	sdelay $0x2  }
.Ltmp6:
0x7c: {  	(pc) =	sbr.rel @p3 .LBB2_8-.Ltmp6, $4  }
0x7d: {  	_ = 	snop  }
0x7e: {  	v11 =	vshrl.u32 v10, $0x7  }
0x7f: {  	s18 =	sadd.s32 $0x10, s18;
	v11 =	vsub.s32 v11, v3  }
0x80: {  	v12 =	vor.u32 s18, v0;
	v11 =	vand.u32 $0x1, v11;
	s19 =	spop (v2sf)  }
.LBB2_9:
0x81: {  	vm0 =	veq.s32 v11, $0x0;
	vm1 =	vlt.s32 v12, v8  }
0x82: {  	vm0 =	vmand vm1, vm0  }
0x83: {  	v11 =	vsel vm0, $0x1, v4  }
0x84: {  	(xrf0) =	vadd.scan.msk.s32 $0xffff, v11;
	_ =	sdelay $0x4  }
0x85: {  	s6 =	sadd.s32 @p2 s25, s19;
	s7 =	simm.s32 $0x0  }
0x86: {  	s7 =	smov.u32 @p2 s6;
	v11 =	vsel vm0, $0xFFFFFFFF, v4;
	v62, _, _ =	vpop (xrf0)  }
0x87: {  	v11 =	vadd.s32 s7, v11;
	(v2sf) =	vpush v62, $0xF  }
0x88: {  	s6 =	sadd.s32 @p2 $0x10, s14;
	s14 =	simm.s32 $0x8100;
	v11 =	vadd.s32 v62, v11  }
0x89: {  	s14 =	smov.u32 @p2 s6;
	v11 =	vnsel vm0, $0x4008, v11  }
0x8a: {  	v63 =	vld [tilespmem:s14+$0x0];
	_ =	sdelay $0x3  }
0x8b: {  	[tilespmem:v11+s15+$0x0] =	vst.idx.msk $0xffff, v10  }
0x8c: {  	[tilespmem:v11+s22+$0x0] =	vst.idx.msk $0xffff, v63  }
0x8d: {  	v10 =	vld [tilespmem:s20+$0x0];
	_ =	sdelay $0x2  }
.Ltmp7:
0x8e: {  	_ = 	snop;
	(pc) =	sbr.rel @!p0 .LBB2_10-.Ltmp7, $4  }
0x8f: {  	_ = 	snop  }
0x90: {  	v11 =	vshrl.u32 v10, $0x7  }
0x91: {  	v11 =	vsub.s32 v11, v3;
	s25 =	spop (v2sf)  }
0x92: {  	v11 =	vand.u32 $0x1, v11;
	s14 =	sadd.s32 s7, s25  }
0x93: {  	vm0 =	veq.s32 v11, $0x1;
	vm1 =	vlt.s32 v9, v8  }
0x94: {  	vm0 =	vmand vm1, vm0  }
0x95: {  	v9 =	vsel vm0, $0x1, v4  }
0x96: {  	(xrf0) =	vadd.scan.msk.s32 $0xffff, v9;
	_ =	sdelay $0x4  }
0x97: {  	v9 =	vsel vm0, $0xFFFFFFFF, v4  }
0x98: {  	v9 =	vadd.s32 s14, v9;
	v11, _, _ =	vpop (xrf0)  }
0x99: {  	v9 =	vadd.s32 v11, v9;
	(v2sf) =	vpush v11, $0xF  }
0x9a: {  	v9 =	vnsel vm0, $0x4008, v9  }
0x9b: {  	v11 =	vld [tilespmem:s9+$0x0];
	_ =	sdelay $0x2  }
0x9c: {  	s15 =	simm.s32 $0x0  }
0x9d: {  	s16 =	simm.s32 $0xC180;
	[tilespmem:v9+s15+$0x0] =	vst.idx.msk $0xffff, v10  }
0x9e: {  	s18 =	simm.s32 $0x4090;
	[tilespmem:v9+s16+$0x0] =	vst.idx.msk $0xffff, v11  }
0x9f: {  	v10 =	vld [tilespmem:s18+$0x0];
	_ =	sdelay $0x1  }
0xa0: {  	p2 =	sne.s32 s8, $0x1  }
.Ltmp8:
0xa1: {  	_ = 	snop;
	(pc) =	sbr.rel @!p2 .LBB2_12-.Ltmp8, $4  }
0xa2: {  	_ = 	snop  }
0xa3: {  	v9 =	vshrl.u32 v10, $0x7  }
0xa4: {  	s19 =	sadd.s32 $0xFFFFFFFF, s8;
	s20 =	simm.s32 $0x10;
	p1 =	por $0x1, $0x1;
	v9 =	vsub.s32 v9, v3  }
0xa5: {  	s17 =	smov.u32 s14;
	s25 =	simm.s32 $0x8100;
	v11 =	vand.u32 $0x1, v9;
	v9 =	vor.u32 s20, v0;
	s6 =	spop (v2sf)  }
.LBB2_13:
0xa6: {  	p2 =	sne.s32 s19, $0x1;
	vm0 =	veq.s32 v11, $0x1;
	vm1 =	vlt.s32 v9, v8;
	s17 =	sadd.s32 s17, s6;
	s25 =	sadd.s32 $0x10, s25  }
0xa7: {  	s19 =	sadd.s32 $0xFFFFFFFF, s19;
	vm0 =	vmand vm1, vm0  }
0xa8: {  	v9 =	vsel vm0, $0xFFFFFFFF, v4;
	v11 =	vsel vm0, $0x1, v4  }
0xa9: {  	(xrf0) =	vadd.scan.msk.s32 $0xffff, v11;
	_ =	sdelay $0x5  }
0xaa: {  	v9 =	vadd.s32 s17, v9;
	v11, _, _ =	vpop (xrf0)  }
0xab: {  	v9 =	vadd.s32 v11, v9;
	(v2sf) =	vpush v11, $0xF  }
0xac: {  	v9 =	vnsel vm0, $0x4008, v9  }
0xad: {  	v11 =	vld [tilespmem:s25+$0x0];
	_ =	sdelay $0x3  }
0xae: {  	[tilespmem:v9+s15+$0x0] =	vst.idx.msk $0xffff, v10  }
0xaf: {  	s18 =	sadd.s32 $0x10, s18;
	[tilespmem:v9+s16+$0x0] =	vst.idx.msk $0xffff, v11  }
0xb0: {  	v10 =	vld [tilespmem:s18+$0x0];
	_ =	sdelay $0x2  }
.Ltmp9:
0xb1: {  	(pc) =	sbr.rel @p2 .LBB2_13-.Ltmp9, $4  }
0xb2: {  	_ = 	snop  }
0xb3: {  	v9 =	vshrl.u32 v10, $0x7  }
0xb4: {  	s20 =	sadd.s32 $0x10, s20;
	v9 =	vsub.s32 v9, v3  }
0xb5: {  	v11 =	vand.u32 $0x1, v9;
	v9 =	vor.u32 s20, v0;
	s6 =	spop (v2sf)  }
.LBB2_14:
0xb6: {  	vm0 =	veq.s32 v11, $0x1;
	vm1 =	vlt.s32 v9, v8  }
0xb7: {  	vm0 =	vmand vm1, vm0  }
0xb8: {  	v9 =	vsel vm0, $0x1, v4  }
0xb9: {  	(xrf0) =	vadd.scan.msk.s32 $0xffff, v9;
	_ =	sdelay $0x3  }
0xba: {  	s6 =	sadd.s32 @p1 s17, s6  }
0xbb: {  	s14 =	smov.u32 @p1 s6;
	v9 =	vsel vm0, $0xFFFFFFFF, v4  }
0xbc: {  	v9 =	vadd.s32 s14, v9;
	v11, _, _ =	vpop (xrf0)  }
0xbd: {  	s6 =	sadd.s32 @p1 $0x10, s25;
	v9 =	vadd.s32 v11, v9;
	(v2sf) =	vpush v11, $0xF  }
0xbe: {  	s9 =	smov.u32 @p1 s6;
	v9 =	vnsel vm0, $0x4008, v9  }
0xbf: {  	v11 =	vld [tilespmem:s9+$0x0];
	_ =	sdelay $0x2  }
0xc0: {  	s14 =	simm.s32 $0x0  }
0xc1: {  	s9 =	simm.s32 $0xC180;
	[tilespmem:v9+s14+$0x0] =	vst.idx.msk $0xffff, v10  }
0xc2: {  	[tilespmem:v9+s9+$0x0] =	vst.idx.msk $0xffff, v11  }
0xc3: {  	v10 =	vld [tilespmem:s14+$0x0];
	_ =	sdelay $0x2  }
.Ltmp10:
0xc4: {  	_ = 	snop;
	(pc) =	sbr.rel @!p0 .LBB2_15-.Ltmp10, $4  }
0xc5: {  	_ = 	snop  }
0xc6: {  	v9 =	vshrl.u32 v10, $0x7  }
0xc7: {  	v9 =	vsub.s32 v9, v3  }
0xc8: {  	p1 =	por $0x0, $0x0;
	s25 =	spop (v2sf);
	v11 =	vand.u32 $0x2, v9;
	v9 =	vor.u32 s14, v0  }
0xc9: {  	vm0 =	veq.s32 v11, $0x0;
	vm1 =	vlt.s32 v9, v8  }
0xca: {  	vm0 =	vmand vm1, vm0  }
0xcb: {  	v11 =	vsel vm0, $0x1, v4  }
0xcc: {  	(xrf0) =	vadd.scan.msk.s32 $0xffff, v11;
	_ =	sdelay $0x4  }
0xcd: {  	v11 =	vsel vm0, $0xFFFFFFFF, v4  }
0xce: {  	v11 =	vadd.s32 s14, v11;
	v12, _, _ =	vpop (xrf0)  }
0xcf: {  	(v2sf) =	vpush v12, $0xF;
	v11 =	vadd.s32 v12, v11  }
0xd0: {  	v11 =	vnsel vm0, $0x4008, v11  }
0xd1: {  	v12 =	vld [tilespmem:s9+$0x0];
	_ =	sdelay $0x3  }
0xd2: {  	[tilespmem:v11+s23+$0x0] =	vst.idx.msk $0xffff, v10  }
0xd3: {  	s16 =	simm.s32 $0x10;
	[tilespmem:v11+s24+$0x0] =	vst.idx.msk $0xffff, v12  }
0xd4: {  	v10 =	vld [tilespmem:s16+$0x0];
	_ =	sdelay $0x1  }
0xd5: {  	p3 =	sne.s32 s8, $0x1  }
.Ltmp11:
0xd6: {  	_ = 	snop;
	(pc) =	sbr.rel @!p3 .LBB2_17-.Ltmp11, $4  }
0xd7: {  	_ = 	snop  }
0xd8: {  	v11 =	vshrl.u32 v10, $0x7  }
0xd9: {  	s17 =	sadd.s32 $0xFFFFFFFF, s8;
	p2 =	por $0x1, $0x1;
	s25 =	simm.s32 $0x0;
	v11 =	vsub.s32 v11, v3  }
0xda: {  	s15 =	simm.s32 $0xC180;
	s18 =	simm.s32 $0x10;
	v12 =	vor.u32 s16, v0;
	s19 =	spop (v2sf);
	v11 =	vand.u32 $0x2, v11  }
.LBB2_18:
0xdb: {  	p3 =	sne.s32 s17, $0x1;
	vm0 =	veq.s32 v11, $0x0;
	vm1 =	vlt.s32 v12, v8;
	s25 =	sadd.s32 s25, s19;
	s15 =	sadd.s32 $0x10, s15  }
0xdc: {  	s17 =	sadd.s32 $0xFFFFFFFF, s17;
	vm0 =	vmand vm1, vm0  }
0xdd: {  	v11 =	vsel vm0, $0xFFFFFFFF, v4;
	v12 =	vsel vm0, $0x1, v4  }
0xde: {  	(xrf0) =	vadd.scan.msk.s32 $0xffff, v12;
	_ =	sdelay $0x5  }
0xdf: {  	v11 =	vadd.s32 s25, v11;
	v12, _, _ =	vpop (xrf0)  }
0xe0: {  	v11 =	vadd.s32 v12, v11;
	(v2sf) =	vpush v12, $0xF  }
0xe1: {  	v11 =	vnsel vm0, $0x4008, v11  }
0xe2: {  	v12 =	vld [tilespmem:s15+$0x0];
	_ =	sdelay $0x3  }
0xe3: {  	[tilespmem:v11+s23+$0x0] =	vst.idx.msk $0xffff, v10  }
0xe4: {  	s16 =	sadd.s32 $0x10, s16;
	[tilespmem:v11+s24+$0x0] =	vst.idx.msk $0xffff, v12  }
0xe5: {  	v10 =	vld [tilespmem:s16+$0x0];
	_ =	sdelay $0x2  }
.Ltmp12:
0xe6: {  	(pc) =	sbr.rel @p3 .LBB2_18-.Ltmp12, $4  }
0xe7: {  	_ = 	snop  }
0xe8: {  	v11 =	vshrl.u32 v10, $0x7  }
0xe9: {  	s18 =	sadd.s32 $0x10, s18;
	v11 =	vsub.s32 v11, v3  }
0xea: {  	v12 =	vor.u32 s18, v0;
	v11 =	vand.u32 $0x2, v11;
	s19 =	spop (v2sf)  }
.LBB2_19:
0xeb: {  	vm0 =	veq.s32 v11, $0x0;
	vm1 =	vlt.s32 v12, v8  }
0xec: {  	vm0 =	vmand vm1, vm0  }
0xed: {  	v11 =	vsel vm0, $0x1, v4  }
0xee: {  	(xrf0) =	vadd.scan.msk.s32 $0xffff, v11;
	_ =	sdelay $0x4  }
0xef: {  	s6 =	sadd.s32 @p2 s25, s19;
	s7 =	simm.s32 $0x0  }
0xf0: {  	s7 =	smov.u32 @p2 s6;
	v11 =	vsel vm0, $0xFFFFFFFF, v4;
	v62, _, _ =	vpop (xrf0)  }
0xf1: {  	v11 =	vadd.s32 s7, v11;
	(v2sf) =	vpush v62, $0xF  }
0xf2: {  	s6 =	sadd.s32 @p2 $0x10, s15;
	s15 =	simm.s32 $0xC180;
	v11 =	vadd.s32 v62, v11  }
0xf3: {  	s15 =	smov.u32 @p2 s6;
	v11 =	vnsel vm0, $0x4008, v11  }
0xf4: {  	v63 =	vld [tilespmem:s15+$0x0];
	_ =	sdelay $0x3  }
0xf5: {  	[tilespmem:v11+s23+$0x0] =	vst.idx.msk $0xffff, v10  }
0xf6: {  	[tilespmem:v11+s24+$0x0] =	vst.idx.msk $0xffff, v63  }
0xf7: {  	v10 =	vld [tilespmem:s14+$0x0];
	_ =	sdelay $0x2  }
.Ltmp13:
0xf8: {  	_ = 	snop;
	(pc) =	sbr.rel @!p0 .LBB2_20-.Ltmp13, $4  }
0xf9: {  	_ = 	snop  }
0xfa: {  	v11 =	vshrl.u32 v10, $0x7  }
0xfb: {  	v11 =	vsub.s32 v11, v3;
	s25 =	spop (v2sf)  }
0xfc: {  	v11 =	vand.u32 $0x2, v11;
	s16 =	sadd.s32 s7, s25  }
0xfd: {  	vm0 =	vne.s32 v11, $0x0;
	vm1 =	vlt.s32 v9, v8  }
0xfe: {  	vm0 =	vmand vm1, vm0  }
0xff: {  	v9 =	vsel vm0, $0x1, v4  }
0x100: {  	(xrf0) =	vadd.scan.msk.s32 $0xffff, v9;
	_ =	sdelay $0x4  }
0x101: {  	v9 =	vsel vm0, $0xFFFFFFFF, v4  }
0x102: {  	v9 =	vadd.s32 s16, v9;
	v11, _, _ =	vpop (xrf0)  }
0x103: {  	(v2sf) =	vpush v11, $0xF;
	v9 =	vadd.s32 v11, v9  }
0x104: {  	v9 =	vnsel vm0, $0x4008, v9  }
0x105: {  	v11 =	vld [tilespmem:s9+$0x0];
	_ =	sdelay $0x2  }
0x106: {  	s25 =	simm.s32 $0x4080  }
0x107: {  	s17 =	simm.s32 $0x8100;
	[tilespmem:v9+s25+$0x0] =	vst.idx.msk $0xffff, v10  }
0x108: {  	s18 =	simm.s32 $0x10;
	[tilespmem:v9+s17+$0x0] =	vst.idx.msk $0xffff, v11  }
0x109: {  	v10 =	vld [tilespmem:s18+$0x0];
	_ =	sdelay $0x1  }
0x10a: {  	p2 =	sne.s32 s8, $0x1  }
.Ltmp14:
0x10b: {  	_ = 	snop;
	(pc) =	sbr.rel @!p2 .LBB2_22-.Ltmp14, $4  }
0x10c: {  	_ = 	snop  }
0x10d: {  	v9 =	vshrl.u32 v10, $0x7  }
0x10e: {  	s19 =	sadd.s32 $0xFFFFFFFF, s8;
	p1 =	por $0x1, $0x1;
	s14 =	smov.u32 s16;
	v9 =	vsub.s32 v9, v3  }
0x10f: {  	s15 =	simm.s32 $0xC180;
	s20 =	simm.s32 $0x10;
	s6 =	spop (v2sf);
	v11 =	vand.u32 $0x2, v9;
	v9 =	vor.u32 s18, v0  }
.LBB2_23:
0x110: {  	p2 =	sne.s32 s19, $0x1;
	vm0 =	vne.s32 v11, $0x0;
	vm1 =	vlt.s32 v9, v8;
	s14 =	sadd.s32 s14, s6;
	s15 =	sadd.s32 $0x10, s15  }
0x111: {  	s19 =	sadd.s32 $0xFFFFFFFF, s19;
	vm0 =	vmand vm1, vm0  }
0x112: {  	v9 =	vsel vm0, $0xFFFFFFFF, v4;
	v11 =	vsel vm0, $0x1, v4  }
0x113: {  	(xrf0) =	vadd.scan.msk.s32 $0xffff, v11;
	_ =	sdelay $0x5  }
0x114: {  	v9 =	vadd.s32 s14, v9;
	v11, _, _ =	vpop (xrf0)  }
0x115: {  	v9 =	vadd.s32 v11, v9;
	(v2sf) =	vpush v11, $0xF  }
0x116: {  	v9 =	vnsel vm0, $0x4008, v9  }
0x117: {  	v11 =	vld [tilespmem:s15+$0x0];
	_ =	sdelay $0x3  }
0x118: {  	[tilespmem:v9+s25+$0x0] =	vst.idx.msk $0xffff, v10  }
0x119: {  	s18 =	sadd.s32 $0x10, s18;
	[tilespmem:v9+s17+$0x0] =	vst.idx.msk $0xffff, v11  }
0x11a: {  	v10 =	vld [tilespmem:s18+$0x0];
	_ =	sdelay $0x2  }
.Ltmp15:
0x11b: {  	(pc) =	sbr.rel @p2 .LBB2_23-.Ltmp15, $4  }
0x11c: {  	_ = 	snop  }
0x11d: {  	v9 =	vshrl.u32 v10, $0x7  }
0x11e: {  	s20 =	sadd.s32 $0x10, s20;
	v9 =	vsub.s32 v9, v3  }
0x11f: {  	v11 =	vand.u32 $0x2, v9;
	v9 =	vor.u32 s20, v0;
	s6 =	spop (v2sf)  }
.LBB2_24:
0x120: {  	vm0 =	vne.s32 v11, $0x0;
	vm1 =	vlt.s32 v9, v8  }
0x121: {  	vm0 =	vmand vm1, vm0  }
0x122: {  	v9 =	vsel vm0, $0x1, v4  }
0x123: {  	(xrf0) =	vadd.scan.msk.s32 $0xffff, v9;
	_ =	sdelay $0x3  }
0x124: {  	s6 =	sadd.s32 @p1 s14, s6  }
0x125: {  	s16 =	smov.u32 @p1 s6;
	v9 =	vsel vm0, $0xFFFFFFFF, v4  }
0x126: {  	v9 =	vadd.s32 s16, v9;
	v11, _, _ =	vpop (xrf0)  }
0x127: {  	s6 =	sadd.s32 @p1 $0x10, s15;
	v9 =	vadd.s32 v11, v9;
	(v2sf) =	vpush v11, $0xF  }
0x128: {  	s9 =	smov.u32 @p1 s6;
	v9 =	vnsel vm0, $0x4008, v9  }
0x129: {  	v11 =	vld [tilespmem:s9+$0x0];
	_ =	sdelay $0x2  }
0x12a: {  	s25 =	simm.s32 $0x4080  }
0x12b: {  	s9 =	simm.s32 $0x8100;
	[tilespmem:v9+s25+$0x0] =	vst.idx.msk $0xffff, v10  }
0x12c: {  	[tilespmem:v9+s9+$0x0] =	vst.idx.msk $0xffff, v11  }
0x12d: {  	v10 =	vld [tilespmem:s25+$0x0];
	_ =	sdelay $0x2  }
.Ltmp16:
0x12e: {  	_ = 	snop;
	(pc) =	sbr.rel @!p0 .LBB2_25-.Ltmp16, $4  }
0x12f: {  	_ = 	snop  }
0x130: {  	v9 =	vshrl.u32 v10, $0x7  }
0x131: {  	s15 =	simm.s32 $0x0;
	v9 =	vsub.s32 v9, v3  }
0x132: {  	p1 =	por $0x0, $0x0;
	s20 =	spop (v2sf);
	v11 =	vand.u32 $0x4, v9;
	v9 =	vor.u32 s15, v0  }
0x133: {  	vm0 =	veq.s32 v11, $0x0;
	vm1 =	vlt.s32 v9, v8  }
0x134: {  	vm0 =	vmand vm1, vm0  }
0x135: {  	v11 =	vsel vm0, $0x1, v4  }
0x136: {  	(xrf0) =	vadd.scan.msk.s32 $0xffff, v11;
	_ =	sdelay $0x4  }
0x137: {  	v11 =	vsel vm0, $0xFFFFFFFF, v4  }
0x138: {  	v11 =	vadd.s32 s15, v11;
	v12, _, _ =	vpop (xrf0)  }
0x139: {  	(v2sf) =	vpush v12, $0xF;
	v11 =	vadd.s32 v12, v11  }
0x13a: {  	v11 =	vnsel vm0, $0x4008, v11  }
0x13b: {  	v12 =	vld [tilespmem:s9+$0x0];
	_ =	sdelay $0x3  }
0x13c: {  	[tilespmem:v11+s15+$0x0] =	vst.idx.msk $0xffff, v10  }
0x13d: {  	s17 =	simm.s32 $0x4090;
	[tilespmem:v11+s22+$0x0] =	vst.idx.msk $0xffff, v12  }
0x13e: {  	v10 =	vld [tilespmem:s17+$0x0];
	_ =	sdelay $0x1  }
0x13f: {  	p3 =	sne.s32 s8, $0x1  }
.Ltmp17:
0x140: {  	_ = 	snop;
	(pc) =	sbr.rel @!p3 .LBB2_27-.Ltmp17, $4  }
0x141: {  	_ = 	snop  }
0x142: {  	v11 =	vshrl.u32 v10, $0x7  }
0x143: {  	s18 =	sadd.s32 $0xFFFFFFFF, s8;
	s19 =	simm.s32 $0x10;
	p2 =	por $0x1, $0x1;
	v11 =	vsub.s32 v11, v3  }
0x144: {  	s16 =	simm.s32 $0x0;
	s14 =	simm.s32 $0x8100;
	v12 =	vor.u32 s19, v0;
	s20 =	spop (v2sf);
	v11 =	vand.u32 $0x4, v11  }
.LBB2_28:
0x145: {  	p3 =	sne.s32 s18, $0x1;
	vm0 =	veq.s32 v11, $0x0;
	vm1 =	vlt.s32 v12, v8;
	s16 =	sadd.s32 s16, s20;
	s14 =	sadd.s32 $0x10, s14  }
0x146: {  	s18 =	sadd.s32 $0xFFFFFFFF, s18;
	vm0 =	vmand vm1, vm0  }
0x147: {  	v11 =	vsel vm0, $0xFFFFFFFF, v4;
	v12 =	vsel vm0, $0x1, v4  }
0x148: {  	(xrf0) =	vadd.scan.msk.s32 $0xffff, v12;
	_ =	sdelay $0x5  }
0x149: {  	v11 =	vadd.s32 s16, v11;
	v12, _, _ =	vpop (xrf0)  }
0x14a: {  	v11 =	vadd.s32 v12, v11;
	(v2sf) =	vpush v12, $0xF  }
0x14b: {  	v11 =	vnsel vm0, $0x4008, v11  }
0x14c: {  	v12 =	vld [tilespmem:s14+$0x0];
	_ =	sdelay $0x3  }
0x14d: {  	[tilespmem:v11+s15+$0x0] =	vst.idx.msk $0xffff, v10  }
0x14e: {  	s17 =	sadd.s32 $0x10, s17;
	[tilespmem:v11+s22+$0x0] =	vst.idx.msk $0xffff, v12  }
0x14f: {  	v10 =	vld [tilespmem:s17+$0x0];
	_ =	sdelay $0x2  }
.Ltmp18:
0x150: {  	(pc) =	sbr.rel @p3 .LBB2_28-.Ltmp18, $4  }
0x151: {  	_ = 	snop  }
0x152: {  	v11 =	vshrl.u32 v10, $0x7  }
0x153: {  	s19 =	sadd.s32 $0x10, s19;
	v11 =	vsub.s32 v11, v3  }
0x154: {  	v12 =	vor.u32 s19, v0;
	v11 =	vand.u32 $0x4, v11;
	s20 =	spop (v2sf)  }
.LBB2_29:
0x155: {  	vm0 =	veq.s32 v11, $0x0;
	vm1 =	vlt.s32 v12, v8  }
0x156: {  	vm0 =	vmand vm1, vm0  }
0x157: {  	v11 =	vsel vm0, $0x1, v4  }
0x158: {  	(xrf0) =	vadd.scan.msk.s32 $0xffff, v11;
	_ =	sdelay $0x4  }
0x159: {  	s6 =	sadd.s32 @p2 s16, s20;
	s7 =	simm.s32 $0x0  }
0x15a: {  	s7 =	smov.u32 @p2 s6;
	v11 =	vsel vm0, $0xFFFFFFFF, v4;
	v62, _, _ =	vpop (xrf0)  }
0x15b: {  	v11 =	vadd.s32 s7, v11;
	(v2sf) =	vpush v62, $0xF  }
0x15c: {  	s6 =	sadd.s32 @p2 $0x10, s14;
	s14 =	simm.s32 $0x8100;
	v11 =	vadd.s32 v62, v11  }
0x15d: {  	s14 =	smov.u32 @p2 s6;
	v11 =	vnsel vm0, $0x4008, v11  }
0x15e: {  	v63 =	vld [tilespmem:s14+$0x0];
	_ =	sdelay $0x3  }
0x15f: {  	[tilespmem:v11+s15+$0x0] =	vst.idx.msk $0xffff, v10  }
0x160: {  	[tilespmem:v11+s22+$0x0] =	vst.idx.msk $0xffff, v63  }
0x161: {  	v10 =	vld [tilespmem:s25+$0x0];
	_ =	sdelay $0x2  }
.Ltmp19:
0x162: {  	_ = 	snop;
	(pc) =	sbr.rel @!p0 .LBB2_30-.Ltmp19, $4  }
0x163: {  	_ = 	snop  }
0x164: {  	v11 =	vshrl.u32 v10, $0x7  }
0x165: {  	v11 =	vsub.s32 v11, v3;
	s25 =	spop (v2sf)  }
0x166: {  	v11 =	vand.u32 $0x4, v11;
	s14 =	sadd.s32 s7, s25  }
0x167: {  	vm0 =	vne.s32 v11, $0x0;
	vm1 =	vlt.s32 v9, v8  }
0x168: {  	vm0 =	vmand vm1, vm0  }
0x169: {  	v9 =	vsel vm0, $0x1, v4  }
0x16a: {  	(xrf0) =	vadd.scan.msk.s32 $0xffff, v9;
	_ =	sdelay $0x4  }
0x16b: {  	v9 =	vsel vm0, $0xFFFFFFFF, v4  }
0x16c: {  	v9 =	vadd.s32 s14, v9;
	v11, _, _ =	vpop (xrf0)  }
0x16d: {  	v9 =	vadd.s32 v11, v9;
	(v2sf) =	vpush v11, $0xF  }
0x16e: {  	v9 =	vnsel vm0, $0x4008, v9  }
0x16f: {  	v11 =	vld [tilespmem:s9+$0x0];
	_ =	sdelay $0x2  }
0x170: {  	s15 =	simm.s32 $0x0  }
0x171: {  	s16 =	simm.s32 $0xC180;
	[tilespmem:v9+s15+$0x0] =	vst.idx.msk $0xffff, v10  }
0x172: {  	s18 =	simm.s32 $0x4090;
	[tilespmem:v9+s16+$0x0] =	vst.idx.msk $0xffff, v11  }
0x173: {  	v10 =	vld [tilespmem:s18+$0x0];
	_ =	sdelay $0x1  }
0x174: {  	p2 =	sne.s32 s8, $0x1  }
.Ltmp20:
0x175: {  	_ = 	snop;
	(pc) =	sbr.rel @!p2 .LBB2_32-.Ltmp20, $4  }
0x176: {  	_ = 	snop  }
0x177: {  	v9 =	vshrl.u32 v10, $0x7  }
0x178: {  	s19 =	sadd.s32 $0xFFFFFFFF, s8;
	s20 =	simm.s32 $0x10;
	p1 =	por $0x1, $0x1;
	v9 =	vsub.s32 v9, v3  }
0x179: {  	s17 =	smov.u32 s14;
	s25 =	simm.s32 $0x8100;
	v11 =	vand.u32 $0x4, v9;
	v9 =	vor.u32 s20, v0;
	s6 =	spop (v2sf)  }
.LBB2_33:
0x17a: {  	p2 =	sne.s32 s19, $0x1;
	vm0 =	vne.s32 v11, $0x0;
	vm1 =	vlt.s32 v9, v8;
	s17 =	sadd.s32 s17, s6;
	s25 =	sadd.s32 $0x10, s25  }
0x17b: {  	s19 =	sadd.s32 $0xFFFFFFFF, s19;
	vm0 =	vmand vm1, vm0  }
0x17c: {  	v9 =	vsel vm0, $0xFFFFFFFF, v4;
	v11 =	vsel vm0, $0x1, v4  }
0x17d: {  	(xrf0) =	vadd.scan.msk.s32 $0xffff, v11;
	_ =	sdelay $0x5  }
0x17e: {  	v9 =	vadd.s32 s17, v9;
	v11, _, _ =	vpop (xrf0)  }
0x17f: {  	v9 =	vadd.s32 v11, v9;
	(v2sf) =	vpush v11, $0xF  }
0x180: {  	v9 =	vnsel vm0, $0x4008, v9  }
0x181: {  	v11 =	vld [tilespmem:s25+$0x0];
	_ =	sdelay $0x3  }
0x182: {  	[tilespmem:v9+s15+$0x0] =	vst.idx.msk $0xffff, v10  }
0x183: {  	s18 =	sadd.s32 $0x10, s18;
	[tilespmem:v9+s16+$0x0] =	vst.idx.msk $0xffff, v11  }
0x184: {  	v10 =	vld [tilespmem:s18+$0x0];
	_ =	sdelay $0x2  }
.Ltmp21:
0x185: {  	(pc) =	sbr.rel @p2 .LBB2_33-.Ltmp21, $4  }
0x186: {  	_ = 	snop  }
0x187: {  	v9 =	vshrl.u32 v10, $0x7  }
0x188: {  	s20 =	sadd.s32 $0x10, s20;
	v9 =	vsub.s32 v9, v3  }
0x189: {  	v11 =	vand.u32 $0x4, v9;
	v9 =	vor.u32 s20, v0;
	s6 =	spop (v2sf)  }
.LBB2_34:
0x18a: {  	vm0 =	vne.s32 v11, $0x0;
	vm1 =	vlt.s32 v9, v8  }
0x18b: {  	vm0 =	vmand vm1, vm0  }
0x18c: {  	v9 =	vsel vm0, $0x1, v4  }
0x18d: {  	(xrf0) =	vadd.scan.msk.s32 $0xffff, v9;
	_ =	sdelay $0x3  }
0x18e: {  	s6 =	sadd.s32 @p1 s17, s6  }
0x18f: {  	s14 =	smov.u32 @p1 s6;
	v9 =	vsel vm0, $0xFFFFFFFF, v4  }
0x190: {  	v9 =	vadd.s32 s14, v9;
	v11, _, _ =	vpop (xrf0)  }
0x191: {  	s6 =	sadd.s32 @p1 $0x10, s25;
	v9 =	vadd.s32 v11, v9;
	(v2sf) =	vpush v11, $0xF  }
0x192: {  	s9 =	smov.u32 @p1 s6;
	v9 =	vnsel vm0, $0x4008, v9  }
0x193: {  	v11 =	vld [tilespmem:s9+$0x0];
	_ =	sdelay $0x2  }
0x194: {  	s14 =	simm.s32 $0x0  }
0x195: {  	s9 =	simm.s32 $0xC180;
	[tilespmem:v9+s14+$0x0] =	vst.idx.msk $0xffff, v10  }
0x196: {  	[tilespmem:v9+s9+$0x0] =	vst.idx.msk $0xffff, v11  }
0x197: {  	v10 =	vld [tilespmem:s14+$0x0];
	_ =	sdelay $0x2  }
.Ltmp22:
0x198: {  	_ = 	snop;
	(pc) =	sbr.rel @!p0 .LBB2_35-.Ltmp22, $4  }
0x199: {  	_ = 	snop  }
0x19a: {  	v9 =	vshrl.u32 v10, $0x7  }
0x19b: {  	v9 =	vsub.s32 v9, v3  }
0x19c: {  	p1 =	por $0x0, $0x0;
	s25 =	spop (v2sf);
	v11 =	vand.u32 $0x8, v9;
	v9 =	vor.u32 s14, v0  }
0x19d: {  	vm0 =	veq.s32 v11, $0x0;
	vm1 =	vlt.s32 v9, v8  }
0x19e: {  	vm0 =	vmand vm1, vm0  }
0x19f: {  	v11 =	vsel vm0, $0x1, v4  }
0x1a0: {  	(xrf0) =	vadd.scan.msk.s32 $0xffff, v11;
	_ =	sdelay $0x4  }
0x1a1: {  	v11 =	vsel vm0, $0xFFFFFFFF, v4  }
0x1a2: {  	v11 =	vadd.s32 s14, v11;
	v12, _, _ =	vpop (xrf0)  }
0x1a3: {  	(v2sf) =	vpush v12, $0xF;
	v11 =	vadd.s32 v12, v11  }
0x1a4: {  	v11 =	vnsel vm0, $0x4008, v11  }
0x1a5: {  	v12 =	vld [tilespmem:s9+$0x0];
	_ =	sdelay $0x3  }
0x1a6: {  	[tilespmem:v11+s23+$0x0] =	vst.idx.msk $0xffff, v10  }
0x1a7: {  	s16 =	simm.s32 $0x10;
	[tilespmem:v11+s24+$0x0] =	vst.idx.msk $0xffff, v12  }
0x1a8: {  	v10 =	vld [tilespmem:s16+$0x0];
	_ =	sdelay $0x1  }
0x1a9: {  	p3 =	sne.s32 s8, $0x1  }
.Ltmp23:
0x1aa: {  	_ = 	snop;
	(pc) =	sbr.rel @!p3 .LBB2_37-.Ltmp23, $4  }
0x1ab: {  	_ = 	snop  }
0x1ac: {  	v11 =	vshrl.u32 v10, $0x7  }
0x1ad: {  	s17 =	sadd.s32 $0xFFFFFFFF, s8;
	p2 =	por $0x1, $0x1;
	s25 =	simm.s32 $0x0;
	v11 =	vsub.s32 v11, v3  }
0x1ae: {  	s15 =	simm.s32 $0xC180;
	s18 =	simm.s32 $0x10;
	v12 =	vor.u32 s16, v0;
	s19 =	spop (v2sf);
	v11 =	vand.u32 $0x8, v11  }
.LBB2_38:
0x1af: {  	p3 =	sne.s32 s17, $0x1;
	vm0 =	veq.s32 v11, $0x0;
	vm1 =	vlt.s32 v12, v8;
	s25 =	sadd.s32 s25, s19;
	s15 =	sadd.s32 $0x10, s15  }
0x1b0: {  	s17 =	sadd.s32 $0xFFFFFFFF, s17;
	vm0 =	vmand vm1, vm0  }
0x1b1: {  	v11 =	vsel vm0, $0xFFFFFFFF, v4;
	v12 =	vsel vm0, $0x1, v4  }
0x1b2: {  	(xrf0) =	vadd.scan.msk.s32 $0xffff, v12;
	_ =	sdelay $0x5  }
0x1b3: {  	v11 =	vadd.s32 s25, v11;
	v12, _, _ =	vpop (xrf0)  }
0x1b4: {  	v11 =	vadd.s32 v12, v11;
	(v2sf) =	vpush v12, $0xF  }
0x1b5: {  	v11 =	vnsel vm0, $0x4008, v11  }
0x1b6: {  	v12 =	vld [tilespmem:s15+$0x0];
	_ =	sdelay $0x3  }
0x1b7: {  	[tilespmem:v11+s23+$0x0] =	vst.idx.msk $0xffff, v10  }
0x1b8: {  	s16 =	sadd.s32 $0x10, s16;
	[tilespmem:v11+s24+$0x0] =	vst.idx.msk $0xffff, v12  }
0x1b9: {  	v10 =	vld [tilespmem:s16+$0x0];
	_ =	sdelay $0x2  }
.Ltmp24:
0x1ba: {  	(pc) =	sbr.rel @p3 .LBB2_38-.Ltmp24, $4  }
0x1bb: {  	_ = 	snop  }
0x1bc: {  	v11 =	vshrl.u32 v10, $0x7  }
0x1bd: {  	s18 =	sadd.s32 $0x10, s18;
	v11 =	vsub.s32 v11, v3  }
0x1be: {  	v12 =	vor.u32 s18, v0;
	v11 =	vand.u32 $0x8, v11;
	s19 =	spop (v2sf)  }
.LBB2_39:
0x1bf: {  	vm0 =	veq.s32 v11, $0x0;
	vm1 =	vlt.s32 v12, v8  }
0x1c0: {  	vm0 =	vmand vm1, vm0  }
0x1c1: {  	v11 =	vsel vm0, $0x1, v4  }
0x1c2: {  	(xrf0) =	vadd.scan.msk.s32 $0xffff, v11;
	_ =	sdelay $0x4  }
0x1c3: {  	s6 =	sadd.s32 @p2 s25, s19;
	s7 =	simm.s32 $0x0  }
0x1c4: {  	s7 =	smov.u32 @p2 s6;
	v11 =	vsel vm0, $0xFFFFFFFF, v4;
	v62, _, _ =	vpop (xrf0)  }
0x1c5: {  	v11 =	vadd.s32 s7, v11;
	(v2sf) =	vpush v62, $0xF  }
0x1c6: {  	s6 =	sadd.s32 @p2 $0x10, s15;
	s15 =	simm.s32 $0xC180;
	v11 =	vadd.s32 v62, v11  }
0x1c7: {  	s15 =	smov.u32 @p2 s6;
	v11 =	vnsel vm0, $0x4008, v11  }
0x1c8: {  	v63 =	vld [tilespmem:s15+$0x0];
	_ =	sdelay $0x3  }
0x1c9: {  	[tilespmem:v11+s23+$0x0] =	vst.idx.msk $0xffff, v10  }
0x1ca: {  	[tilespmem:v11+s24+$0x0] =	vst.idx.msk $0xffff, v63  }
0x1cb: {  	v10 =	vld [tilespmem:s14+$0x0];
	_ =	sdelay $0x2  }
.Ltmp25:
0x1cc: {  	_ = 	snop;
	(pc) =	sbr.rel @!p0 .LBB2_40-.Ltmp25, $4  }
0x1cd: {  	_ = 	snop  }
0x1ce: {  	v11 =	vshrl.u32 v10, $0x7  }
0x1cf: {  	v11 =	vsub.s32 v11, v3;
	s25 =	spop (v2sf)  }
0x1d0: {  	v11 =	vand.u32 $0x8, v11;
	s14 =	sadd.s32 s7, s25  }
0x1d1: {  	vm0 =	vne.s32 v11, $0x0;
	vm1 =	vlt.s32 v9, v8  }
0x1d2: {  	vm0 =	vmand vm1, vm0  }
0x1d3: {  	v9 =	vsel vm0, $0x1, v4  }
0x1d4: {  	(xrf0) =	vadd.scan.msk.s32 $0xffff, v9;
	_ =	sdelay $0x4  }
0x1d5: {  	v9 =	vsel vm0, $0xFFFFFFFF, v4  }
0x1d6: {  	v9 =	vadd.s32 s14, v9;
	v11, _, _ =	vpop (xrf0)  }
0x1d7: {  	(v2sf) =	vpush v11, $0xF;
	v9 =	vadd.s32 v11, v9  }
0x1d8: {  	v9 =	vnsel vm0, $0x4008, v9  }
0x1d9: {  	v11 =	vld [tilespmem:s9+$0x0];
	_ =	sdelay $0x2  }
0x1da: {  	s25 =	simm.s32 $0x4080  }
0x1db: {  	s17 =	simm.s32 $0x8100;
	[tilespmem:v9+s25+$0x0] =	vst.idx.msk $0xffff, v10  }
0x1dc: {  	s18 =	simm.s32 $0x10;
	[tilespmem:v9+s17+$0x0] =	vst.idx.msk $0xffff, v11  }
0x1dd: {  	v10 =	vld [tilespmem:s18+$0x0];
	_ =	sdelay $0x1  }
0x1de: {  	p2 =	sne.s32 s8, $0x1  }
.Ltmp26:
0x1df: {  	_ = 	snop;
	(pc) =	sbr.rel @!p2 .LBB2_42-.Ltmp26, $4  }
0x1e0: {  	_ = 	snop  }
0x1e1: {  	v9 =	vshrl.u32 v10, $0x7  }
0x1e2: {  	s19 =	sadd.s32 $0xFFFFFFFF, s8;
	p1 =	por $0x1, $0x1;
	s16 =	smov.u32 s14;
	v9 =	vsub.s32 v9, v3  }
0x1e3: {  	s15 =	simm.s32 $0xC180;
	s20 =	simm.s32 $0x10;
	s6 =	spop (v2sf);
	v11 =	vand.u32 $0x8, v9;
	v9 =	vor.u32 s18, v0  }
.LBB2_43:
0x1e4: {  	p2 =	sne.s32 s19, $0x1;
	vm0 =	vne.s32 v11, $0x0;
	vm1 =	vlt.s32 v9, v8;
	s16 =	sadd.s32 s16, s6;
	s15 =	sadd.s32 $0x10, s15  }
0x1e5: {  	s19 =	sadd.s32 $0xFFFFFFFF, s19;
	vm0 =	vmand vm1, vm0  }
0x1e6: {  	v9 =	vsel vm0, $0xFFFFFFFF, v4;
	v11 =	vsel vm0, $0x1, v4  }
0x1e7: {  	(xrf0) =	vadd.scan.msk.s32 $0xffff, v11;
	_ =	sdelay $0x5  }
0x1e8: {  	v9 =	vadd.s32 s16, v9;
	v11, _, _ =	vpop (xrf0)  }
0x1e9: {  	v9 =	vadd.s32 v11, v9;
	(v2sf) =	vpush v11, $0xF  }
0x1ea: {  	v9 =	vnsel vm0, $0x4008, v9  }
0x1eb: {  	v11 =	vld [tilespmem:s15+$0x0];
	_ =	sdelay $0x3  }
0x1ec: {  	[tilespmem:v9+s25+$0x0] =	vst.idx.msk $0xffff, v10  }
0x1ed: {  	s18 =	sadd.s32 $0x10, s18;
	[tilespmem:v9+s17+$0x0] =	vst.idx.msk $0xffff, v11  }
0x1ee: {  	v10 =	vld [tilespmem:s18+$0x0];
	_ =	sdelay $0x2  }
.Ltmp27:
0x1ef: {  	(pc) =	sbr.rel @p2 .LBB2_43-.Ltmp27, $4  }
0x1f0: {  	_ = 	snop  }
0x1f1: {  	v9 =	vshrl.u32 v10, $0x7  }
0x1f2: {  	s20 =	sadd.s32 $0x10, s20;
	v9 =	vsub.s32 v9, v3  }
0x1f3: {  	v11 =	vand.u32 $0x8, v9;
	v9 =	vor.u32 s20, v0;
	s6 =	spop (v2sf)  }
.LBB2_44:
0x1f4: {  	vm0 =	vne.s32 v11, $0x0;
	vm1 =	vlt.s32 v9, v8  }
0x1f5: {  	vm0 =	vmand vm1, vm0  }
0x1f6: {  	v9 =	vsel vm0, $0x1, v4  }
0x1f7: {  	(xrf0) =	vadd.scan.msk.s32 $0xffff, v9;
	_ =	sdelay $0x3  }
0x1f8: {  	s6 =	sadd.s32 @p1 s16, s6  }
0x1f9: {  	s14 =	smov.u32 @p1 s6;
	v9 =	vsel vm0, $0xFFFFFFFF, v4  }
0x1fa: {  	v9 =	vadd.s32 s14, v9;
	v11, _, _ =	vpop (xrf0)  }
0x1fb: {  	s6 =	sadd.s32 @p1 $0x10, s15;
	v9 =	vadd.s32 v11, v9;
	(v2sf) =	vpush v11, $0xF  }
0x1fc: {  	s9 =	smov.u32 @p1 s6;
	v9 =	vnsel vm0, $0x4008, v9  }
0x1fd: {  	v11 =	vld [tilespmem:s9+$0x0];
	_ =	sdelay $0x2  }
0x1fe: {  	s25 =	simm.s32 $0x4080  }
0x1ff: {  	s9 =	simm.s32 $0x8100;
	[tilespmem:v9+s25+$0x0] =	vst.idx.msk $0xffff, v10  }
0x200: {  	[tilespmem:v9+s9+$0x0] =	vst.idx.msk $0xffff, v11  }
0x201: {  	v10 =	vld [tilespmem:s25+$0x0];
	_ =	sdelay $0x2  }
.Ltmp28:
0x202: {  	_ = 	snop;
	(pc) =	sbr.rel @!p0 .LBB2_45-.Ltmp28, $4  }
0x203: {  	_ = 	snop  }
0x204: {  	v9 =	vshrl.u32 v10, $0x7  }
0x205: {  	s15 =	simm.s32 $0x0;
	v9 =	vsub.s32 v9, v3  }
0x206: {  	p1 =	por $0x0, $0x0;
	s20 =	spop (v2sf);
	v11 =	vand.u32 $0x10, v9;
	v9 =	vor.u32 s15, v0  }
0x207: {  	vm0 =	veq.s32 v11, $0x0;
	vm1 =	vlt.s32 v9, v8  }
0x208: {  	vm0 =	vmand vm1, vm0  }
0x209: {  	v11 =	vsel vm0, $0x1, v4  }
0x20a: {  	(xrf0) =	vadd.scan.msk.s32 $0xffff, v11;
	_ =	sdelay $0x4  }
0x20b: {  	v11 =	vsel vm0, $0xFFFFFFFF, v4  }
0x20c: {  	v11 =	vadd.s32 s15, v11;
	v12, _, _ =	vpop (xrf0)  }
0x20d: {  	(v2sf) =	vpush v12, $0xF;
	v11 =	vadd.s32 v12, v11  }
0x20e: {  	v11 =	vnsel vm0, $0x4008, v11  }
0x20f: {  	v12 =	vld [tilespmem:s9+$0x0];
	_ =	sdelay $0x3  }
0x210: {  	[tilespmem:v11+s15+$0x0] =	vst.idx.msk $0xffff, v10  }
0x211: {  	s17 =	simm.s32 $0x4090;
	[tilespmem:v11+s22+$0x0] =	vst.idx.msk $0xffff, v12  }
0x212: {  	v10 =	vld [tilespmem:s17+$0x0];
	_ =	sdelay $0x1  }
0x213: {  	p3 =	sne.s32 s8, $0x1  }
.Ltmp29:
0x214: {  	_ = 	snop;
	(pc) =	sbr.rel @!p3 .LBB2_47-.Ltmp29, $4  }
0x215: {  	_ = 	snop  }
0x216: {  	v11 =	vshrl.u32 v10, $0x7  }
0x217: {  	s18 =	sadd.s32 $0xFFFFFFFF, s8;
	s19 =	simm.s32 $0x10;
	p2 =	por $0x1, $0x1;
	v11 =	vsub.s32 v11, v3  }
0x218: {  	s16 =	simm.s32 $0x0;
	s14 =	simm.s32 $0x8100;
	v12 =	vor.u32 s19, v0;
	s20 =	spop (v2sf);
	v11 =	vand.u32 $0x10, v11  }
.LBB2_48:
0x219: {  	p3 =	sne.s32 s18, $0x1;
	vm0 =	veq.s32 v11, $0x0;
	vm1 =	vlt.s32 v12, v8;
	s16 =	sadd.s32 s16, s20;
	s14 =	sadd.s32 $0x10, s14  }
0x21a: {  	s18 =	sadd.s32 $0xFFFFFFFF, s18;
	vm0 =	vmand vm1, vm0  }
0x21b: {  	v11 =	vsel vm0, $0xFFFFFFFF, v4;
	v12 =	vsel vm0, $0x1, v4  }
0x21c: {  	(xrf0) =	vadd.scan.msk.s32 $0xffff, v12;
	_ =	sdelay $0x5  }
0x21d: {  	v11 =	vadd.s32 s16, v11;
	v12, _, _ =	vpop (xrf0)  }
0x21e: {  	v11 =	vadd.s32 v12, v11;
	(v2sf) =	vpush v12, $0xF  }
0x21f: {  	v11 =	vnsel vm0, $0x4008, v11  }
0x220: {  	v12 =	vld [tilespmem:s14+$0x0];
	_ =	sdelay $0x3  }
0x221: {  	[tilespmem:v11+s15+$0x0] =	vst.idx.msk $0xffff, v10  }
0x222: {  	s17 =	sadd.s32 $0x10, s17;
	[tilespmem:v11+s22+$0x0] =	vst.idx.msk $0xffff, v12  }
0x223: {  	v10 =	vld [tilespmem:s17+$0x0];
	_ =	sdelay $0x2  }
.Ltmp30:
0x224: {  	(pc) =	sbr.rel @p3 .LBB2_48-.Ltmp30, $4  }
0x225: {  	_ = 	snop  }
0x226: {  	v11 =	vshrl.u32 v10, $0x7  }
0x227: {  	s19 =	sadd.s32 $0x10, s19;
	v11 =	vsub.s32 v11, v3  }
0x228: {  	v12 =	vor.u32 s19, v0;
	v11 =	vand.u32 $0x10, v11;
	s20 =	spop (v2sf)  }
.LBB2_49:
0x229: {  	vm0 =	veq.s32 v11, $0x0;
	vm1 =	vlt.s32 v12, v8  }
0x22a: {  	vm0 =	vmand vm1, vm0  }
0x22b: {  	v11 =	vsel vm0, $0x1, v4  }
0x22c: {  	(xrf0) =	vadd.scan.msk.s32 $0xffff, v11;
	_ =	sdelay $0x4  }
0x22d: {  	s6 =	sadd.s32 @p2 s16, s20;
	s7 =	simm.s32 $0x0  }
0x22e: {  	s7 =	smov.u32 @p2 s6;
	v11 =	vsel vm0, $0xFFFFFFFF, v4;
	v62, _, _ =	vpop (xrf0)  }
0x22f: {  	v11 =	vadd.s32 s7, v11;
	(v2sf) =	vpush v62, $0xF  }
0x230: {  	s6 =	sadd.s32 @p2 $0x10, s14;
	s14 =	simm.s32 $0x8100;
	v11 =	vadd.s32 v62, v11  }
0x231: {  	s14 =	smov.u32 @p2 s6;
	v11 =	vnsel vm0, $0x4008, v11  }
0x232: {  	v63 =	vld [tilespmem:s14+$0x0];
	_ =	sdelay $0x3  }
0x233: {  	[tilespmem:v11+s15+$0x0] =	vst.idx.msk $0xffff, v10  }
0x234: {  	[tilespmem:v11+s22+$0x0] =	vst.idx.msk $0xffff, v63  }
0x235: {  	v10 =	vld [tilespmem:s25+$0x0];
	_ =	sdelay $0x2  }
.Ltmp31:
0x236: {  	_ = 	snop;
	(pc) =	sbr.rel @!p0 .LBB2_50-.Ltmp31, $4  }
0x237: {  	_ = 	snop  }
0x238: {  	v11 =	vshrl.u32 v10, $0x7  }
0x239: {  	v11 =	vsub.s32 v11, v3;
	s25 =	spop (v2sf)  }
0x23a: {  	v11 =	vand.u32 $0x10, v11;
	s14 =	sadd.s32 s7, s25  }
0x23b: {  	vm0 =	vne.s32 v11, $0x0;
	vm1 =	vlt.s32 v9, v8  }
0x23c: {  	vm0 =	vmand vm1, vm0  }
0x23d: {  	v9 =	vsel vm0, $0x1, v4  }
0x23e: {  	(xrf0) =	vadd.scan.msk.s32 $0xffff, v9;
	_ =	sdelay $0x4  }
0x23f: {  	v9 =	vsel vm0, $0xFFFFFFFF, v4  }
0x240: {  	v9 =	vadd.s32 s14, v9;
	v11, _, _ =	vpop (xrf0)  }
0x241: {  	v9 =	vadd.s32 v11, v9;
	(v2sf) =	vpush v11, $0xF  }
0x242: {  	v9 =	vnsel vm0, $0x4008, v9  }
0x243: {  	v11 =	vld [tilespmem:s9+$0x0];
	_ =	sdelay $0x2  }
0x244: {  	s15 =	simm.s32 $0x0  }
0x245: {  	s16 =	simm.s32 $0xC180;
	[tilespmem:v9+s15+$0x0] =	vst.idx.msk $0xffff, v10  }
0x246: {  	s18 =	simm.s32 $0x4090;
	[tilespmem:v9+s16+$0x0] =	vst.idx.msk $0xffff, v11  }
0x247: {  	v10 =	vld [tilespmem:s18+$0x0];
	_ =	sdelay $0x1  }
0x248: {  	p2 =	sne.s32 s8, $0x1  }
.Ltmp32:
0x249: {  	_ = 	snop;
	(pc) =	sbr.rel @!p2 .LBB2_52-.Ltmp32, $4  }
0x24a: {  	_ = 	snop  }
0x24b: {  	v9 =	vshrl.u32 v10, $0x7  }
0x24c: {  	s19 =	sadd.s32 $0xFFFFFFFF, s8;
	s20 =	simm.s32 $0x10;
	p1 =	por $0x1, $0x1;
	v9 =	vsub.s32 v9, v3  }
0x24d: {  	s17 =	smov.u32 s14;
	s25 =	simm.s32 $0x8100;
	v11 =	vand.u32 $0x10, v9;
	v9 =	vor.u32 s20, v0;
	s6 =	spop (v2sf)  }
.LBB2_53:
0x24e: {  	p2 =	sne.s32 s19, $0x1;
	vm0 =	vne.s32 v11, $0x0;
	vm1 =	vlt.s32 v9, v8;
	s17 =	sadd.s32 s17, s6;
	s25 =	sadd.s32 $0x10, s25  }
0x24f: {  	s19 =	sadd.s32 $0xFFFFFFFF, s19;
	vm0 =	vmand vm1, vm0  }
0x250: {  	v9 =	vsel vm0, $0xFFFFFFFF, v4;
	v11 =	vsel vm0, $0x1, v4  }
0x251: {  	(xrf0) =	vadd.scan.msk.s32 $0xffff, v11;
	_ =	sdelay $0x5  }
0x252: {  	v9 =	vadd.s32 s17, v9;
	v11, _, _ =	vpop (xrf0)  }
0x253: {  	v9 =	vadd.s32 v11, v9;
	(v2sf) =	vpush v11, $0xF  }
0x254: {  	v9 =	vnsel vm0, $0x4008, v9  }
0x255: {  	v11 =	vld [tilespmem:s25+$0x0];
	_ =	sdelay $0x3  }
0x256: {  	[tilespmem:v9+s15+$0x0] =	vst.idx.msk $0xffff, v10  }
0x257: {  	s18 =	sadd.s32 $0x10, s18;
	[tilespmem:v9+s16+$0x0] =	vst.idx.msk $0xffff, v11  }
0x258: {  	v10 =	vld [tilespmem:s18+$0x0];
	_ =	sdelay $0x2  }
.Ltmp33:
0x259: {  	(pc) =	sbr.rel @p2 .LBB2_53-.Ltmp33, $4  }
0x25a: {  	_ = 	snop  }
0x25b: {  	v9 =	vshrl.u32 v10, $0x7  }
0x25c: {  	s20 =	sadd.s32 $0x10, s20;
	v9 =	vsub.s32 v9, v3  }
0x25d: {  	v11 =	vand.u32 $0x10, v9;
	v9 =	vor.u32 s20, v0;
	s6 =	spop (v2sf)  }
.LBB2_54:
0x25e: {  	vm0 =	vne.s32 v11, $0x0;
	vm1 =	vlt.s32 v9, v8  }
0x25f: {  	vm0 =	vmand vm1, vm0  }
0x260: {  	v9 =	vsel vm0, $0x1, v4  }
0x261: {  	(xrf0) =	vadd.scan.msk.s32 $0xffff, v9;
	_ =	sdelay $0x3  }
0x262: {  	s6 =	sadd.s32 @p1 s17, s6  }
0x263: {  	s14 =	smov.u32 @p1 s6;
	v9 =	vsel vm0, $0xFFFFFFFF, v4  }
0x264: {  	v9 =	vadd.s32 s14, v9;
	v11, _, _ =	vpop (xrf0)  }
0x265: {  	s6 =	sadd.s32 @p1 $0x10, s25;
	v9 =	vadd.s32 v11, v9;
	(v2sf) =	vpush v11, $0xF  }
0x266: {  	s9 =	smov.u32 @p1 s6;
	v9 =	vnsel vm0, $0x4008, v9  }
0x267: {  	v11 =	vld [tilespmem:s9+$0x0];
	_ =	sdelay $0x2  }
0x268: {  	s14 =	simm.s32 $0x0  }
0x269: {  	s9 =	simm.s32 $0xC180;
	[tilespmem:v9+s14+$0x0] =	vst.idx.msk $0xffff, v10  }
0x26a: {  	[tilespmem:v9+s9+$0x0] =	vst.idx.msk $0xffff, v11  }
0x26b: {  	v10 =	vld [tilespmem:s14+$0x0];
	_ =	sdelay $0x2  }
.Ltmp34:
0x26c: {  	_ = 	snop;
	(pc) =	sbr.rel @!p0 .LBB2_55-.Ltmp34, $4  }
0x26d: {  	_ = 	snop  }
0x26e: {  	v9 =	vshrl.u32 v10, $0x7  }
0x26f: {  	v9 =	vsub.s32 v9, v3  }
0x270: {  	p1 =	por $0x0, $0x0;
	s25 =	spop (v2sf);
	v11 =	vand.u32 $0x20, v9;
	v9 =	vor.u32 s14, v0  }
0x271: {  	vm0 =	veq.s32 v11, $0x0;
	vm1 =	vlt.s32 v9, v8  }
0x272: {  	vm0 =	vmand vm1, vm0  }
0x273: {  	v11 =	vsel vm0, $0x1, v4  }
0x274: {  	(xrf0) =	vadd.scan.msk.s32 $0xffff, v11;
	_ =	sdelay $0x4  }
0x275: {  	v11 =	vsel vm0, $0xFFFFFFFF, v4  }
0x276: {  	v11 =	vadd.s32 s14, v11;
	v12, _, _ =	vpop (xrf0)  }
0x277: {  	(v2sf) =	vpush v12, $0xF;
	v11 =	vadd.s32 v12, v11  }
0x278: {  	v11 =	vnsel vm0, $0x4008, v11  }
0x279: {  	v12 =	vld [tilespmem:s9+$0x0];
	_ =	sdelay $0x3  }
0x27a: {  	[tilespmem:v11+s23+$0x0] =	vst.idx.msk $0xffff, v10  }
0x27b: {  	s16 =	simm.s32 $0x10;
	[tilespmem:v11+s24+$0x0] =	vst.idx.msk $0xffff, v12  }
0x27c: {  	v10 =	vld [tilespmem:s16+$0x0];
	_ =	sdelay $0x1  }
0x27d: {  	p3 =	sne.s32 s8, $0x1  }
.Ltmp35:
0x27e: {  	_ = 	snop;
	(pc) =	sbr.rel @!p3 .LBB2_57-.Ltmp35, $4  }
0x27f: {  	_ = 	snop  }
0x280: {  	v11 =	vshrl.u32 v10, $0x7  }
0x281: {  	s17 =	sadd.s32 $0xFFFFFFFF, s8;
	p2 =	por $0x1, $0x1;
	s25 =	simm.s32 $0x0;
	v11 =	vsub.s32 v11, v3  }
0x282: {  	s15 =	simm.s32 $0xC180;
	s18 =	simm.s32 $0x10;
	v12 =	vor.u32 s16, v0;
	s19 =	spop (v2sf);
	v11 =	vand.u32 $0x20, v11  }
.LBB2_58:
0x283: {  	p3 =	sne.s32 s17, $0x1;
	vm0 =	veq.s32 v11, $0x0;
	vm1 =	vlt.s32 v12, v8;
	s25 =	sadd.s32 s25, s19;
	s15 =	sadd.s32 $0x10, s15  }
0x284: {  	s17 =	sadd.s32 $0xFFFFFFFF, s17;
	vm0 =	vmand vm1, vm0  }
0x285: {  	v11 =	vsel vm0, $0xFFFFFFFF, v4;
	v12 =	vsel vm0, $0x1, v4  }
0x286: {  	(xrf0) =	vadd.scan.msk.s32 $0xffff, v12;
	_ =	sdelay $0x5  }
0x287: {  	v11 =	vadd.s32 s25, v11;
	v12, _, _ =	vpop (xrf0)  }
0x288: {  	v11 =	vadd.s32 v12, v11;
	(v2sf) =	vpush v12, $0xF  }
0x289: {  	v11 =	vnsel vm0, $0x4008, v11  }
0x28a: {  	v12 =	vld [tilespmem:s15+$0x0];
	_ =	sdelay $0x3  }
0x28b: {  	[tilespmem:v11+s23+$0x0] =	vst.idx.msk $0xffff, v10  }
0x28c: {  	s16 =	sadd.s32 $0x10, s16;
	[tilespmem:v11+s24+$0x0] =	vst.idx.msk $0xffff, v12  }
0x28d: {  	v10 =	vld [tilespmem:s16+$0x0];
	_ =	sdelay $0x2  }
.Ltmp36:
0x28e: {  	(pc) =	sbr.rel @p3 .LBB2_58-.Ltmp36, $4  }
0x28f: {  	_ = 	snop  }
0x290: {  	v11 =	vshrl.u32 v10, $0x7  }
0x291: {  	s18 =	sadd.s32 $0x10, s18;
	v11 =	vsub.s32 v11, v3  }
0x292: {  	v12 =	vor.u32 s18, v0;
	v11 =	vand.u32 $0x20, v11;
	s19 =	spop (v2sf)  }
.LBB2_59:
0x293: {  	vm0 =	veq.s32 v11, $0x0;
	vm1 =	vlt.s32 v12, v8  }
0x294: {  	vm0 =	vmand vm1, vm0  }
0x295: {  	v11 =	vsel vm0, $0x1, v4  }
0x296: {  	(xrf0) =	vadd.scan.msk.s32 $0xffff, v11;
	_ =	sdelay $0x4  }
0x297: {  	s6 =	sadd.s32 @p2 s25, s19;
	s7 =	simm.s32 $0x0  }
0x298: {  	s7 =	smov.u32 @p2 s6;
	v11 =	vsel vm0, $0xFFFFFFFF, v4;
	v62, _, _ =	vpop (xrf0)  }
0x299: {  	v11 =	vadd.s32 s7, v11;
	(v2sf) =	vpush v62, $0xF  }
0x29a: {  	s6 =	sadd.s32 @p2 $0x10, s15;
	s15 =	simm.s32 $0xC180;
	v11 =	vadd.s32 v62, v11  }
0x29b: {  	s15 =	smov.u32 @p2 s6;
	v11 =	vnsel vm0, $0x4008, v11  }
0x29c: {  	v63 =	vld [tilespmem:s15+$0x0];
	_ =	sdelay $0x3  }
0x29d: {  	[tilespmem:v11+s23+$0x0] =	vst.idx.msk $0xffff, v10  }
0x29e: {  	[tilespmem:v11+s24+$0x0] =	vst.idx.msk $0xffff, v63  }
0x29f: {  	v10 =	vld [tilespmem:s14+$0x0];
	_ =	sdelay $0x2  }
.Ltmp37:
0x2a0: {  	_ = 	snop;
	(pc) =	sbr.rel @!p0 .LBB2_60-.Ltmp37, $4  }
0x2a1: {  	_ = 	snop  }
0x2a2: {  	v11 =	vshrl.u32 v10, $0x7  }
0x2a3: {  	v11 =	vsub.s32 v11, v3;
	s25 =	spop (v2sf)  }
0x2a4: {  	v11 =	vand.u32 $0x20, v11;
	s14 =	sadd.s32 s7, s25  }
0x2a5: {  	vm0 =	vne.s32 v11, $0x0;
	vm1 =	vlt.s32 v9, v8  }
0x2a6: {  	vm0 =	vmand vm1, vm0  }
0x2a7: {  	v9 =	vsel vm0, $0x1, v4  }
0x2a8: {  	(xrf0) =	vadd.scan.msk.s32 $0xffff, v9;
	_ =	sdelay $0x4  }
0x2a9: {  	v9 =	vsel vm0, $0xFFFFFFFF, v4  }
0x2aa: {  	v9 =	vadd.s32 s14, v9;
	v11, _, _ =	vpop (xrf0)  }
0x2ab: {  	(v2sf) =	vpush v11, $0xF;
	v9 =	vadd.s32 v11, v9  }
0x2ac: {  	v9 =	vnsel vm0, $0x4008, v9  }
0x2ad: {  	v11 =	vld [tilespmem:s9+$0x0];
	_ =	sdelay $0x2  }
0x2ae: {  	s25 =	simm.s32 $0x4080  }
0x2af: {  	s17 =	simm.s32 $0x8100;
	[tilespmem:v9+s25+$0x0] =	vst.idx.msk $0xffff, v10  }
0x2b0: {  	s18 =	simm.s32 $0x10;
	[tilespmem:v9+s17+$0x0] =	vst.idx.msk $0xffff, v11  }
0x2b1: {  	v10 =	vld [tilespmem:s18+$0x0];
	_ =	sdelay $0x1  }
0x2b2: {  	p2 =	sne.s32 s8, $0x1  }
.Ltmp38:
0x2b3: {  	_ = 	snop;
	(pc) =	sbr.rel @!p2 .LBB2_62-.Ltmp38, $4  }
0x2b4: {  	_ = 	snop  }
0x2b5: {  	v9 =	vshrl.u32 v10, $0x7  }
0x2b6: {  	s19 =	sadd.s32 $0xFFFFFFFF, s8;
	p1 =	por $0x1, $0x1;
	s16 =	smov.u32 s14;
	v9 =	vsub.s32 v9, v3  }
0x2b7: {  	s15 =	simm.s32 $0xC180;
	s20 =	simm.s32 $0x10;
	s6 =	spop (v2sf);
	v11 =	vand.u32 $0x20, v9;
	v9 =	vor.u32 s18, v0  }
.LBB2_63:
0x2b8: {  	p2 =	sne.s32 s19, $0x1;
	vm0 =	vne.s32 v11, $0x0;
	vm1 =	vlt.s32 v9, v8;
	s16 =	sadd.s32 s16, s6;
	s15 =	sadd.s32 $0x10, s15  }
0x2b9: {  	s19 =	sadd.s32 $0xFFFFFFFF, s19;
	vm0 =	vmand vm1, vm0  }
0x2ba: {  	v9 =	vsel vm0, $0xFFFFFFFF, v4;
	v11 =	vsel vm0, $0x1, v4  }
0x2bb: {  	(xrf0) =	vadd.scan.msk.s32 $0xffff, v11;
	_ =	sdelay $0x5  }
0x2bc: {  	v9 =	vadd.s32 s16, v9;
	v11, _, _ =	vpop (xrf0)  }
0x2bd: {  	v9 =	vadd.s32 v11, v9;
	(v2sf) =	vpush v11, $0xF  }
0x2be: {  	v9 =	vnsel vm0, $0x4008, v9  }
0x2bf: {  	v11 =	vld [tilespmem:s15+$0x0];
	_ =	sdelay $0x3  }
0x2c0: {  	[tilespmem:v9+s25+$0x0] =	vst.idx.msk $0xffff, v10  }
0x2c1: {  	s18 =	sadd.s32 $0x10, s18;
	[tilespmem:v9+s17+$0x0] =	vst.idx.msk $0xffff, v11  }
0x2c2: {  	v10 =	vld [tilespmem:s18+$0x0];
	_ =	sdelay $0x2  }
.Ltmp39:
0x2c3: {  	(pc) =	sbr.rel @p2 .LBB2_63-.Ltmp39, $4  }
0x2c4: {  	_ = 	snop  }
0x2c5: {  	v9 =	vshrl.u32 v10, $0x7  }
0x2c6: {  	s20 =	sadd.s32 $0x10, s20;
	v9 =	vsub.s32 v9, v3  }
0x2c7: {  	v11 =	vand.u32 $0x20, v9;
	v9 =	vor.u32 s20, v0;
	s6 =	spop (v2sf)  }
.LBB2_64:
0x2c8: {  	vm0 =	vne.s32 v11, $0x0;
	vm1 =	vlt.s32 v9, v8  }
0x2c9: {  	vm0 =	vmand vm1, vm0  }
0x2ca: {  	v9 =	vsel vm0, $0x1, v4  }
0x2cb: {  	(xrf0) =	vadd.scan.msk.s32 $0xffff, v9;
	_ =	sdelay $0x3  }
0x2cc: {  	s6 =	sadd.s32 @p1 s16, s6  }
0x2cd: {  	s14 =	smov.u32 @p1 s6;
	v9 =	vsel vm0, $0xFFFFFFFF, v4  }
0x2ce: {  	v9 =	vadd.s32 s14, v9;
	v11, _, _ =	vpop (xrf0)  }
0x2cf: {  	s6 =	sadd.s32 @p1 $0x10, s15;
	v9 =	vadd.s32 v11, v9;
	(v2sf) =	vpush v11, $0xF  }
0x2d0: {  	s9 =	smov.u32 @p1 s6;
	v9 =	vnsel vm0, $0x4008, v9  }
0x2d1: {  	v11 =	vld [tilespmem:s9+$0x0];
	_ =	sdelay $0x2  }
0x2d2: {  	s25 =	simm.s32 $0x4080  }
0x2d3: {  	s9 =	simm.s32 $0x8100;
	[tilespmem:v9+s25+$0x0] =	vst.idx.msk $0xffff, v10  }
0x2d4: {  	[tilespmem:v9+s9+$0x0] =	vst.idx.msk $0xffff, v11  }
0x2d5: {  	v10 =	vld [tilespmem:s25+$0x0];
	_ =	sdelay $0x2  }
.Ltmp40:
0x2d6: {  	_ = 	snop;
	(pc) =	sbr.rel @!p0 .LBB2_65-.Ltmp40, $4  }
0x2d7: {  	_ = 	snop  }
0x2d8: {  	v9 =	vshrl.u32 v10, $0x7  }
0x2d9: {  	s15 =	simm.s32 $0x0;
	v9 =	vsub.s32 v9, v3  }
0x2da: {  	p1 =	por $0x0, $0x0;
	s20 =	spop (v2sf);
	v11 =	vand.u32 $0x40, v9;
	v9 =	vor.u32 s15, v0  }
0x2db: {  	vm0 =	veq.s32 v11, $0x0;
	vm1 =	vlt.s32 v9, v8  }
0x2dc: {  	vm0 =	vmand vm1, vm0  }
0x2dd: {  	v11 =	vsel vm0, $0x1, v4  }
0x2de: {  	(xrf0) =	vadd.scan.msk.s32 $0xffff, v11;
	_ =	sdelay $0x4  }
0x2df: {  	v11 =	vsel vm0, $0xFFFFFFFF, v4  }
0x2e0: {  	v11 =	vadd.s32 s15, v11;
	v12, _, _ =	vpop (xrf0)  }
0x2e1: {  	(v2sf) =	vpush v12, $0xF;
	v11 =	vadd.s32 v12, v11  }
0x2e2: {  	v11 =	vnsel vm0, $0x4008, v11  }
0x2e3: {  	v12 =	vld [tilespmem:s9+$0x0];
	_ =	sdelay $0x3  }
0x2e4: {  	[tilespmem:v11+s15+$0x0] =	vst.idx.msk $0xffff, v10  }
0x2e5: {  	s17 =	simm.s32 $0x4090;
	[tilespmem:v11+s22+$0x0] =	vst.idx.msk $0xffff, v12  }
0x2e6: {  	v10 =	vld [tilespmem:s17+$0x0];
	_ =	sdelay $0x1  }
0x2e7: {  	p3 =	sne.s32 s8, $0x1  }
.Ltmp41:
0x2e8: {  	_ = 	snop;
	(pc) =	sbr.rel @!p3 .LBB2_67-.Ltmp41, $4  }
0x2e9: {  	_ = 	snop  }
0x2ea: {  	v11 =	vshrl.u32 v10, $0x7  }
0x2eb: {  	s18 =	sadd.s32 $0xFFFFFFFF, s8;
	s19 =	simm.s32 $0x10;
	p2 =	por $0x1, $0x1;
	v11 =	vsub.s32 v11, v3  }
0x2ec: {  	s16 =	simm.s32 $0x0;
	s14 =	simm.s32 $0x8100;
	v12 =	vor.u32 s19, v0;
	s20 =	spop (v2sf);
	v11 =	vand.u32 $0x40, v11  }
.LBB2_68:
0x2ed: {  	p3 =	sne.s32 s18, $0x1;
	vm0 =	veq.s32 v11, $0x0;
	vm1 =	vlt.s32 v12, v8;
	s16 =	sadd.s32 s16, s20;
	s14 =	sadd.s32 $0x10, s14  }
0x2ee: {  	s18 =	sadd.s32 $0xFFFFFFFF, s18;
	vm0 =	vmand vm1, vm0  }
0x2ef: {  	v11 =	vsel vm0, $0xFFFFFFFF, v4;
	v12 =	vsel vm0, $0x1, v4  }
0x2f0: {  	(xrf0) =	vadd.scan.msk.s32 $0xffff, v12;
	_ =	sdelay $0x5  }
0x2f1: {  	v11 =	vadd.s32 s16, v11;
	v12, _, _ =	vpop (xrf0)  }
0x2f2: {  	v11 =	vadd.s32 v12, v11;
	(v2sf) =	vpush v12, $0xF  }
0x2f3: {  	v11 =	vnsel vm0, $0x4008, v11  }
0x2f4: {  	v12 =	vld [tilespmem:s14+$0x0];
	_ =	sdelay $0x3  }
0x2f5: {  	[tilespmem:v11+s15+$0x0] =	vst.idx.msk $0xffff, v10  }
0x2f6: {  	s17 =	sadd.s32 $0x10, s17;
	[tilespmem:v11+s22+$0x0] =	vst.idx.msk $0xffff, v12  }
0x2f7: {  	v10 =	vld [tilespmem:s17+$0x0];
	_ =	sdelay $0x2  }
.Ltmp42:
0x2f8: {  	(pc) =	sbr.rel @p3 .LBB2_68-.Ltmp42, $4  }
0x2f9: {  	_ = 	snop  }
0x2fa: {  	v11 =	vshrl.u32 v10, $0x7  }
0x2fb: {  	s19 =	sadd.s32 $0x10, s19;
	v11 =	vsub.s32 v11, v3  }
0x2fc: {  	v12 =	vor.u32 s19, v0;
	v11 =	vand.u32 $0x40, v11;
	s20 =	spop (v2sf)  }
.LBB2_69:
0x2fd: {  	vm0 =	veq.s32 v11, $0x0;
	vm1 =	vlt.s32 v12, v8  }
0x2fe: {  	vm0 =	vmand vm1, vm0  }
0x2ff: {  	v11 =	vsel vm0, $0x1, v4  }
0x300: {  	(xrf0) =	vadd.scan.msk.s32 $0xffff, v11;
	_ =	sdelay $0x4  }
0x301: {  	s6 =	sadd.s32 @p2 s16, s20;
	s7 =	simm.s32 $0x0  }
0x302: {  	s7 =	smov.u32 @p2 s6;
	v11 =	vsel vm0, $0xFFFFFFFF, v4;
	v62, _, _ =	vpop (xrf0)  }
0x303: {  	v11 =	vadd.s32 s7, v11;
	(v2sf) =	vpush v62, $0xF  }
0x304: {  	s6 =	sadd.s32 @p2 $0x10, s14;
	s14 =	simm.s32 $0x8100;
	v11 =	vadd.s32 v62, v11  }
0x305: {  	s14 =	smov.u32 @p2 s6;
	v11 =	vnsel vm0, $0x4008, v11  }
0x306: {  	v63 =	vld [tilespmem:s14+$0x0];
	_ =	sdelay $0x3  }
0x307: {  	[tilespmem:v11+s15+$0x0] =	vst.idx.msk $0xffff, v10  }
0x308: {  	[tilespmem:v11+s22+$0x0] =	vst.idx.msk $0xffff, v63  }
0x309: {  	v10 =	vld [tilespmem:s25+$0x0];
	_ =	sdelay $0x2  }
.Ltmp43:
0x30a: {  	_ = 	snop;
	(pc) =	sbr.rel @!p0 .LBB2_70-.Ltmp43, $4  }
0x30b: {  	_ = 	snop  }
0x30c: {  	v11 =	vshrl.u32 v10, $0x7  }
0x30d: {  	v11 =	vsub.s32 v11, v3;
	s25 =	spop (v2sf)  }
0x30e: {  	v11 =	vand.u32 $0x40, v11;
	s14 =	sadd.s32 s7, s25  }
0x30f: {  	vm0 =	vne.s32 v11, $0x0;
	vm1 =	vlt.s32 v9, v8  }
0x310: {  	vm0 =	vmand vm1, vm0  }
0x311: {  	v9 =	vsel vm0, $0x1, v4  }
0x312: {  	(xrf0) =	vadd.scan.msk.s32 $0xffff, v9;
	_ =	sdelay $0x4  }
0x313: {  	v9 =	vsel vm0, $0xFFFFFFFF, v4  }
0x314: {  	v9 =	vadd.s32 s14, v9;
	v11, _, _ =	vpop (xrf0)  }
0x315: {  	v9 =	vadd.s32 v11, v9;
	(v2sf) =	vpush v11, $0xF  }
0x316: {  	v9 =	vnsel vm0, $0x4008, v9  }
0x317: {  	v11 =	vld [tilespmem:s9+$0x0];
	_ =	sdelay $0x2  }
0x318: {  	s15 =	simm.s32 $0x0  }
0x319: {  	s16 =	simm.s32 $0xC180;
	[tilespmem:v9+s15+$0x0] =	vst.idx.msk $0xffff, v10  }
0x31a: {  	s18 =	simm.s32 $0x4090;
	[tilespmem:v9+s16+$0x0] =	vst.idx.msk $0xffff, v11  }
0x31b: {  	v10 =	vld [tilespmem:s18+$0x0];
	_ =	sdelay $0x1  }
0x31c: {  	p2 =	sne.s32 s8, $0x1  }
.Ltmp44:
0x31d: {  	_ = 	snop;
	(pc) =	sbr.rel @!p2 .LBB2_72-.Ltmp44, $4  }
0x31e: {  	_ = 	snop  }
0x31f: {  	v9 =	vshrl.u32 v10, $0x7  }
0x320: {  	s19 =	sadd.s32 $0xFFFFFFFF, s8;
	s20 =	simm.s32 $0x10;
	p1 =	por $0x1, $0x1;
	v9 =	vsub.s32 v9, v3  }
0x321: {  	s17 =	smov.u32 s14;
	s25 =	simm.s32 $0x8100;
	v11 =	vand.u32 $0x40, v9;
	v9 =	vor.u32 s20, v0;
	s6 =	spop (v2sf)  }
.LBB2_73:
0x322: {  	p2 =	sne.s32 s19, $0x1;
	vm0 =	vne.s32 v11, $0x0;
	vm1 =	vlt.s32 v9, v8;
	s17 =	sadd.s32 s17, s6;
	s25 =	sadd.s32 $0x10, s25  }
0x323: {  	s19 =	sadd.s32 $0xFFFFFFFF, s19;
	vm0 =	vmand vm1, vm0  }
0x324: {  	v9 =	vsel vm0, $0xFFFFFFFF, v4;
	v11 =	vsel vm0, $0x1, v4  }
0x325: {  	(xrf0) =	vadd.scan.msk.s32 $0xffff, v11;
	_ =	sdelay $0x5  }
0x326: {  	v9 =	vadd.s32 s17, v9;
	v11, _, _ =	vpop (xrf0)  }
0x327: {  	v9 =	vadd.s32 v11, v9;
	(v2sf) =	vpush v11, $0xF  }
0x328: {  	v9 =	vnsel vm0, $0x4008, v9  }
0x329: {  	v11 =	vld [tilespmem:s25+$0x0];
	_ =	sdelay $0x3  }
0x32a: {  	[tilespmem:v9+s15+$0x0] =	vst.idx.msk $0xffff, v10  }
0x32b: {  	s18 =	sadd.s32 $0x10, s18;
	[tilespmem:v9+s16+$0x0] =	vst.idx.msk $0xffff, v11  }
0x32c: {  	v10 =	vld [tilespmem:s18+$0x0];
	_ =	sdelay $0x2  }
.Ltmp45:
0x32d: {  	(pc) =	sbr.rel @p2 .LBB2_73-.Ltmp45, $4  }
0x32e: {  	_ = 	snop  }
0x32f: {  	v9 =	vshrl.u32 v10, $0x7  }
0x330: {  	s20 =	sadd.s32 $0x10, s20;
	v9 =	vsub.s32 v9, v3  }
0x331: {  	v11 =	vand.u32 $0x40, v9;
	v9 =	vor.u32 s20, v0;
	s6 =	spop (v2sf)  }
.LBB2_74:
0x332: {  	vm0 =	vne.s32 v11, $0x0;
	vm1 =	vlt.s32 v9, v8  }
0x333: {  	vm0 =	vmand vm1, vm0  }
0x334: {  	v9 =	vsel vm0, $0x1, v4  }
0x335: {  	(xrf0) =	vadd.scan.msk.s32 $0xffff, v9;
	_ =	sdelay $0x3  }
0x336: {  	s6 =	sadd.s32 @p1 s17, s6  }
0x337: {  	s14 =	smov.u32 @p1 s6;
	v9 =	vsel vm0, $0xFFFFFFFF, v4  }
0x338: {  	v9 =	vadd.s32 s14, v9;
	v11, _, _ =	vpop (xrf0)  }
0x339: {  	s6 =	sadd.s32 @p1 $0x10, s25;
	v9 =	vadd.s32 v11, v9;
	(v2sf) =	vpush v11, $0xF  }
0x33a: {  	s9 =	smov.u32 @p1 s6;
	v9 =	vnsel vm0, $0x4008, v9  }
0x33b: {  	v11 =	vld [tilespmem:s9+$0x0];
	_ =	sdelay $0x2  }
0x33c: {  	s14 =	simm.s32 $0x0  }
0x33d: {  	s6 =	simm.s32 $0xC180;
	[tilespmem:v9+s14+$0x0] =	vst.idx.msk $0xffff, v10  }
0x33e: {  	[tilespmem:v9+s6+$0x0] =	vst.idx.msk $0xffff, v11  }
0x33f: {  	v10 =	vld [tilespmem:s14+$0x0];
	_ =	sdelay $0x2  }
.Ltmp46:
0x340: {  	_ = 	snop;
	(pc) =	sbr.rel @!p0 .LBB2_75-.Ltmp46, $4  }
0x341: {  	_ = 	snop  }
0x342: {  	v9 =	vshrl.u32 v10, $0x7  }
0x343: {  	v9 =	vsub.s32 v9, v3  }
0x344: {  	p1 =	por $0x0, $0x0;
	s7 =	spop (v2sf);
	v11 =	vand.u32 $0x80, v9;
	v9 =	vor.u32 s14, v0  }
0x345: {  	vm0 =	veq.s32 v11, $0x0;
	vm1 =	vlt.s32 v9, v8  }
0x346: {  	vm0 =	vmand vm1, vm0  }
0x347: {  	v11 =	vsel vm0, $0x1, v4  }
0x348: {  	(xrf0) =	vadd.scan.msk.s32 $0xffff, v11;
	_ =	sdelay $0x4  }
0x349: {  	v11 =	vsel vm0, $0xFFFFFFFF, v4  }
0x34a: {  	v11 =	vadd.s32 s14, v11;
	v12, _, _ =	vpop (xrf0)  }
0x34b: {  	(v2sf) =	vpush v12, $0xF;
	v11 =	vadd.s32 v12, v11  }
0x34c: {  	v11 =	vnsel vm0, $0x4008, v11  }
0x34d: {  	v12 =	vld [tilespmem:s6+$0x0];
	_ =	sdelay $0x3  }
0x34e: {  	[tilespmem:v11+s23+$0x0] =	vst.idx.msk $0xffff, v10  }
0x34f: {  	s16 =	simm.s32 $0x10;
	[tilespmem:v11+s24+$0x0] =	vst.idx.msk $0xffff, v12  }
0x350: {  	v10 =	vld [tilespmem:s16+$0x0];
	_ =	sdelay $0x1  }
0x351: {  	p3 =	sne.s32 s8, $0x1  }
.Ltmp47:
0x352: {  	_ = 	snop;
	(pc) =	sbr.rel @!p3 .LBB2_77-.Ltmp47, $4  }
0x353: {  	_ = 	snop  }
0x354: {  	v11 =	vshrl.u32 v10, $0x7  }
0x355: {  	s17 =	sadd.s32 $0xFFFFFFFF, s8;
	p2 =	por $0x1, $0x1;
	s25 =	simm.s32 $0x0;
	v11 =	vsub.s32 v11, v3  }
0x356: {  	s15 =	simm.s32 $0xC180;
	s18 =	simm.s32 $0x10;
	v12 =	vor.u32 s16, v0;
	s19 =	spop (v2sf);
	v11 =	vand.u32 $0x80, v11  }
.LBB2_78:
0x357: {  	p3 =	sne.s32 s17, $0x1;
	vm0 =	veq.s32 v11, $0x0;
	vm1 =	vlt.s32 v12, v8;
	s25 =	sadd.s32 s25, s19;
	s15 =	sadd.s32 $0x10, s15  }
0x358: {  	s17 =	sadd.s32 $0xFFFFFFFF, s17;
	vm0 =	vmand vm1, vm0  }
0x359: {  	v11 =	vsel vm0, $0xFFFFFFFF, v4;
	v12 =	vsel vm0, $0x1, v4  }
0x35a: {  	(xrf0) =	vadd.scan.msk.s32 $0xffff, v12;
	_ =	sdelay $0x5  }
0x35b: {  	v11 =	vadd.s32 s25, v11;
	v12, _, _ =	vpop (xrf0)  }
0x35c: {  	v11 =	vadd.s32 v12, v11;
	(v2sf) =	vpush v12, $0xF  }
0x35d: {  	v11 =	vnsel vm0, $0x4008, v11  }
0x35e: {  	v12 =	vld [tilespmem:s15+$0x0];
	_ =	sdelay $0x3  }
0x35f: {  	[tilespmem:v11+s23+$0x0] =	vst.idx.msk $0xffff, v10  }
0x360: {  	s16 =	sadd.s32 $0x10, s16;
	[tilespmem:v11+s24+$0x0] =	vst.idx.msk $0xffff, v12  }
0x361: {  	v10 =	vld [tilespmem:s16+$0x0];
	_ =	sdelay $0x2  }
.Ltmp48:
0x362: {  	(pc) =	sbr.rel @p3 .LBB2_78-.Ltmp48, $4  }
0x363: {  	_ = 	snop  }
0x364: {  	v11 =	vshrl.u32 v10, $0x7  }
0x365: {  	s18 =	sadd.s32 $0x10, s18;
	v11 =	vsub.s32 v11, v3  }
0x366: {  	v12 =	vor.u32 s18, v0;
	v11 =	vand.u32 $0x80, v11;
	s19 =	spop (v2sf)  }
.LBB2_79:
0x367: {  	vm0 =	veq.s32 v11, $0x0;
	vm1 =	vlt.s32 v12, v8  }
0x368: {  	vm0 =	vmand vm1, vm0  }
0x369: {  	v11 =	vsel vm0, $0x1, v4  }
0x36a: {  	(xrf0) =	vadd.scan.msk.s32 $0xffff, v11;
	_ =	sdelay $0x4  }
0x36b: {  	s7 =	sadd.s32 @p2 s25, s19;
	s16 =	simm.s32 $0x0  }
0x36c: {  	s16 =	smov.u32 @p2 s7;
	v11 =	vsel vm0, $0xFFFFFFFF, v4;
	v62, _, _ =	vpop (xrf0)  }
0x36d: {  	v11 =	vadd.s32 s16, v11;
	(v2sf) =	vpush v62, $0xF  }
0x36e: {  	s7 =	sadd.s32 @p2 $0x10, s15;
	s15 =	simm.s32 $0xC180;
	v11 =	vadd.s32 v62, v11  }
0x36f: {  	s15 =	smov.u32 @p2 s7;
	v11 =	vnsel vm0, $0x4008, v11  }
0x370: {  	v63 =	vld [tilespmem:s15+$0x0];
	_ =	sdelay $0x3  }
0x371: {  	[tilespmem:v11+s23+$0x0] =	vst.idx.msk $0xffff, v10  }
0x372: {  	[tilespmem:v11+s24+$0x0] =	vst.idx.msk $0xffff, v63  }
0x373: {  	v10 =	vld [tilespmem:s14+$0x0];
	_ =	sdelay $0x2  }
.Ltmp49:
0x374: {  	_ = 	snop;
	(pc) =	sbr.rel @!p0 .LBB2_80-.Ltmp49, $4  }
0x375: {  	_ = 	snop  }
0x376: {  	v11 =	vshrl.u32 v10, $0x7  }
0x377: {  	v11 =	vsub.s32 v11, v3;
	s25 =	spop (v2sf)  }
0x378: {  	v11 =	vand.u32 $0x80, v11;
	s14 =	sadd.s32 s16, s25  }
0x379: {  	vm0 =	vne.s32 v11, $0x0;
	vm1 =	vlt.s32 v9, v8  }
0x37a: {  	vm0 =	vmand vm1, vm0  }
0x37b: {  	v9 =	vsel vm0, $0x1, v4  }
0x37c: {  	(xrf0) =	vadd.scan.msk.s32 $0xffff, v9;
	_ =	sdelay $0x4  }
0x37d: {  	v9 =	vsel vm0, $0xFFFFFFFF, v4  }
0x37e: {  	v9 =	vadd.s32 s14, v9;
	v11, _, _ =	vpop (xrf0)  }
0x37f: {  	(v2sf) =	vpush v11, $0xF;
	v9 =	vadd.s32 v11, v9  }
0x380: {  	v9 =	vnsel vm0, $0x4008, v9  }
0x381: {  	v11 =	vld [tilespmem:s6+$0x0];
	_ =	sdelay $0x3  }
0x382: {  	[tilespmem:v9+s23+$0x0] =	vst.idx.msk $0xffff, v10  }
0x383: {  	s16 =	simm.s32 $0x10;
	[tilespmem:v9+s24+$0x0] =	vst.idx.msk $0xffff, v11  }
0x384: {  	v10 =	vld [tilespmem:s16+$0x0];
	_ =	sdelay $0x1  }
0x385: {  	p0 =	sne.s32 s8, $0x1  }
.Ltmp50:
0x386: {  	_ = 	snop;
	(pc) =	sbr.rel @!p0 .LBB2_82-.Ltmp50, $4  }
0x387: {  	_ = 	snop  }
0x388: {  	v9 =	vshrl.u32 v10, $0x7  }
0x389: {  	s17 =	sadd.s32 $0xFFFFFFFF, s8;
	p1 =	por $0x1, $0x1;
	s25 =	smov.u32 s14;
	v9 =	vsub.s32 v9, v3  }
0x38a: {  	s15 =	simm.s32 $0xC180;
	s18 =	simm.s32 $0x10;
	s19 =	spop (v2sf);
	v11 =	vand.u32 $0x80, v9;
	v9 =	vor.u32 s16, v0  }
.LBB2_83:
0x38b: {  	p0 =	sne.s32 s17, $0x1;
	vm0 =	vne.s32 v11, $0x0;
	vm1 =	vlt.s32 v9, v8;
	s25 =	sadd.s32 s25, s19;
	s15 =	sadd.s32 $0x10, s15  }
0x38c: {  	s17 =	sadd.s32 $0xFFFFFFFF, s17;
	vm0 =	vmand vm1, vm0  }
0x38d: {  	v9 =	vsel vm0, $0xFFFFFFFF, v4;
	v11 =	vsel vm0, $0x1, v4  }
0x38e: {  	(xrf0) =	vadd.scan.msk.s32 $0xffff, v11;
	_ =	sdelay $0x5  }
0x38f: {  	v9 =	vadd.s32 s25, v9;
	v11, _, _ =	vpop (xrf0)  }
0x390: {  	v9 =	vadd.s32 v11, v9;
	(v2sf) =	vpush v11, $0xF  }
0x391: {  	v9 =	vnsel vm0, $0x4008, v9  }
0x392: {  	v11 =	vld [tilespmem:s15+$0x0];
	_ =	sdelay $0x3  }
0x393: {  	[tilespmem:v9+s23+$0x0] =	vst.idx.msk $0xffff, v10  }
0x394: {  	s16 =	sadd.s32 $0x10, s16;
	[tilespmem:v9+s24+$0x0] =	vst.idx.msk $0xffff, v11  }
0x395: {  	v10 =	vld [tilespmem:s16+$0x0];
	_ =	sdelay $0x2  }
.Ltmp51:
0x396: {  	(pc) =	sbr.rel @p0 .LBB2_83-.Ltmp51, $4  }
0x397: {  	_ = 	snop  }
0x398: {  	v9 =	vshrl.u32 v10, $0x7  }
0x399: {  	s18 =	sadd.s32 $0x10, s18;
	v9 =	vsub.s32 v9, v3  }
0x39a: {  	v11 =	vand.u32 $0x80, v9;
	v9 =	vor.u32 s18, v0;
	s19 =	spop (v2sf)  }
.LBB2_84:
0x39b: {  	vm0 =	vne.s32 v11, $0x0;
	vm1 =	vlt.s32 v9, v8  }
0x39c: {  	vm0 =	vmand vm1, vm0  }
0x39d: {  	v8 =	vsel vm0, $0x1, v4  }
0x39e: {  	(xrf0) =	vadd.scan.msk.s32 $0xffff, v8;
	_ =	sdelay $0x5  }
0x39f: {  	v8, _, _ =	vpop (xrf0)  }
0x3a0: {  	(v2sf) =	vpush v8, $0xF;
	_ =	sdelay $0x4  }
0x3a1: {  	s7 =	sadd.s32 @p1 s25, s19  }
0x3a2: {  	s14 =	smov.u32 @p1 s7;
	v62 =	vsel vm0, $0xFFFFFFFF, v4  }
0x3a3: {  	v9 =	vadd.s32 s14, v62  }
0x3a4: {  	s7 =	sadd.s32 @p1 $0x10, s15;
	v8 =	vadd.s32 v8, v9  }
0x3a5: {  	s6 =	smov.u32 @p1 s7;
	v8 =	vnsel vm0, $0x4008, v8  }
0x3a6: {  	v63 =	vld [tilespmem:s6+$0x0];
	_ =	sdelay $0x3  }
0x3a7: {  	[tilespmem:v8+s23+$0x0] =	vst.idx.msk $0xffff, v10  }
0x3a8: {  	[tilespmem:v8+s24+$0x0] =	vst.idx.msk $0xffff, v63;
	s25 =	spop (v2sf)  }
.LBB2_85:
0x3a9: {  	s6 =	rddreg [dreg:$0x6];
	s7 =	simm.s32 $0x400;
	s8 =	simm.s32 $0x7A1400  }
0x3aa: {  	[tilespmem:s28], [sflag:$0x1] =	stream.strided.gather [hbm4b:s6+s7], $0x2000, s8, s7, $0x38;
	[tilespmem:$0x1EA00] =	vst v63  }
0x3ab: {  	s16 =	rddreg [dreg:$0x7]  }
0x3ac: {  	[tilespmem:s29], [sflag:$0x2] =	stream.strided.gather [hbm4b:s16+s7], $0x2000, s8, s7, $0x38;
	[tilespmem:$0x1EA00] =	vst v63  }
0x3ad: {  	s17 =	rddreg [dreg:$0x8]  }
0x3ae: {  	[tilespmem:s30], [sflag:$0x3] =	stream.strided.gather [hbm4b:s17+s7], $0x2000, s8, s7, $0x38;
	[tilespmem:$0x1EA00] =	vst v63  }
0x3af: {  	s18 =	rddreg [dreg:$0x9]  }
0x3b0: {  	[tilespmem:s31], [sflag:$0x4] =	stream.strided.gather [hbm4b:s18+s7], $0x2000, s8, s7, $0x38;
	[tilespmem:$0x1EA00] =	vst v63  }
0x3b1: {  	s19 =	rddreg [dreg:$0xa]  }
0x3b2: {  	[tilespmem:s0], [sflag:$0x5] =	stream.strided.gather [hbm4b:s19+s7], $0x2000, s8, s7, $0x38;
	[tilespmem:$0x1EA00] =	vst v63  }
.Ltmp52:
0x3b3: {  	s20 =	rddreg [dreg:$0xb];
	(pc) =	sbr.rel .LBB2_86-.Ltmp52, $4  }
0x3b4: {  	[tilespmem:s2], [sflag:$0x6] =	stream.strided.gather [hbm4b:s20+s7], $0x2000, s8, s7, $0x38;
	[tilespmem:$0x1EA00] =	vst v63  }
0x3b5: {  	s25 =	rddreg [dreg:$0xc]  }
0x3b6: {  	[tilespmem:s1], [sflag:$0x7] =	stream.strided.gather [hbm4b:s25+s7], $0x2000, s8, s7, $0x38;
	[tilespmem:$0x1EA00] =	vst v63  }
0x3b7: {  	s6 =	simm.s32 $0x0;
	s25 =	simm.s32 $0x0  }
.LBB2_117:
0x3b8: {  	s25 =	smov.u32 @p0 s25  }
.LBB2_121:
0x3b9: {  	p0 =	slt.u32 s14, $0x1E77;
	s7 =	rddreg [dreg:$0x13]  }
0x3ba: {  	s7 =	sadd.s32 @p0 s15, s7  }
0x3bb: {  	s8 =	simm.s32 @p0 $0x400;
	s9 =	simm.s32 @p0 $0x7A1400;
	s14 =	simm.s32 @p0 $0x1C200  }
0x3bc: {  	[tilespmem:s14], [sflag:$0x7] =	stream.strided.gather @p0 [hbm4b:s7+s8], $0x2000, s9, s8, $0x38;
	[tilespmem:$0x1EA00] =	vst v63  }
0x3bd: {  	s6 =	sadd.s32 $0x1, s6;
	s7 =	simm.s32 @!p0 $0x0;
	s8 =	simm.s32 @!p0 $0x1C200  }
0x3be: {  	[tilespmem:s8], [sflag:$0x7] =	stream.linear.gather @!p0 [hbm4b:s5+s7], $0x2000, $0x38;
	[tilespmem:$0x1EA00] =	vst v63  }
0x3bf: {  	p0 =	sne.s32 s6, $0x23  }
.Ltmp53:
0x3c0: {  	_ = 	snop;
	(pc) =	sbr.rel @!p0 .LBB2_122-.Ltmp53, $1  }
0x3c1: {  	_ =	sdelay $0x3  }
.LBB2_86:
0x3c2: {  	s7 =	simm.s32 $0x1  }
0x3c3: {  	_ =	swait.ge [sflag:s7], $0x2000  }
0x3c4: {  	[sflag:s7] =	ssyncset.done $0x0  }
0x3c5: {  	[sflag:s7] =	ssyncadd.s32 $0xFFFFE000  }
0x3c6: {  	v8 =	vld [tilespmem:s25+$0x4080];
	_ =	sdelay $0x4  }
0x3c7: {  	(v2sf) =	vpush v8, $0x0;
	_ =	sdelay $0xd  }
0x3c8: {  	s20 =	smul.u32 $0x7, s6  }
0x3c9: {  	s8 =	rddreg [dreg:$0x5];
	s19 =	spop (v2sf)  }
0x3ca: {  	p0 =	sge.s32 s25, s26;
	s14 =	sadd.s32 s8, s20;
	s7 =	sshrl.u32 s19, $0x7  }
0x3cb: {  	p1 =	sne.s32 @!p0 s7, s14  }
0x3cc: {  	p1 =	por p0, p1  }
.Ltmp54:
0x3cd: {  	_ = 	snop;
	(pc) =	sbr.rel @p1 .LBB2_87-.Ltmp54, $2  }
0x3ce: {  	_ =	sdelay $0x2  }
0x3cf: {  	s15 =	sshll.u32 s14, $0x7  }
0x3d0: {  	s7 =	sshll.u32 s25, $0x2  }
0x3d1: {  	s7 =	sshra.s32 s7, $0x2  }
0x3d2: {  	s17 =	sshll.u32 s25, $0x6;
	s16 =	sadd.s32 $0x4081, s7;
	s18 =	sadd.s32 $0x8100, s7  }
.LBB2_89:
0x3d3: {  	v8 =	vld [tilespmem:s18+$0x0];
	_ =	sdelay $0x4  }
0x3d4: {  	(v2sf) =	vpush v8, $0x0;
	_ =	sdelay $0xb  }
0x3d5: {  	s7 =	ssub.s32 s19, s15  }
0x3d6: {  	v8 =	vmov s7  }
0x3d7: {  	p0 =	slt.s32 s25, $0x20;
	v9 =	vadd.s32 v1, v8  }
0x3d8: {  	s19 =	simm.s32 @!p0 $0x8;
	s8 =	spop (v2sf)  }
0x3d9: {  	_ =	swait.ge @!p0 [sflag:s19], $0x40  }
0x3da: {  	[sflag:s19] =	ssyncset.done @!p0 $0x0  }
0x3db: {  	[sflag:s19] =	ssyncadd.s32 @!p0 $0xFFFFFFC0  }
0x3dc: {  	v9 =	vld.idx.msk [tilespmem:v9+s28+$0x0], $0xffff  }
0x3dd: {  	v10 =	vadd.s32 v5, v8;
	_ =	sdelay $0x2  }
0x3de: {  	s9 =	sand.u32 $0x7C0, s17  }
0x3df: {  	[tilespmem:s9+$0x1E200] =	vst v9  }
0x3e0: {  	v9 =	vld.idx.msk [tilespmem:v10+s28+$0x0], $0xffff  }
0x3e1: {  	v63 =	vadd.s32 v6, v8;
	_ =	sdelay $0x3  }
0x3e2: {  	[tilespmem:s9+$0x1E210] =	vst v9  }
0x3e3: {  	v9 =	vld.idx.msk [tilespmem:v63+s28+$0x0], $0xffff  }
0x3e4: {  	v8 =	vadd.s32 v7, v8;
	_ =	sdelay $0x3  }
0x3e5: {  	[tilespmem:s9+$0x1E220] =	vst v9  }
0x3e6: {  	v8 =	vld.idx.msk [tilespmem:v8+s28+$0x0], $0xffff;
	_ =	sdelay $0x2  }
0x3e7: {  	s7 =	sshll.u32 s8, $0x3  }
0x3e8: {  	s7 =	sand.u32 $0x1FFFFFF8, s7  }
0x3e9: {  	s20 =	sadd.s32 $0x1E200, s9;
	s7 =	sadd.s32 s3, s7;
	[tilespmem:s9+$0x1E230] =	vst v8  }
0x3ea: {  	[hbm4b:s7+s4] =	stream.linear.scatter [tilespmem:s20], [sflag:$0x8], $0x40, $0x38;
	[tilespmem:$0x1EA00] =	vst v63  }
0x3eb: {  	v8 =	vld [tilespmem:s16+$0x0];
	_ =	sdelay $0x4  }
0x3ec: {  	(v2sf) =	vpush v8, $0x0;
	_ =	sdelay $0xe  }
0x3ed: {  	s25 =	sadd.s32 $0x1, s25;
	s19 =	spop (v2sf)  }
0x3ee: {  	p0 =	sge.s32 s25, s26;
	s7 =	sshrl.u32 s19, $0x7  }
0x3ef: {  	p1 =	seq.s32 @!p0 s7, s14  }
0x3f0: {  	p1 =	por p0, !p1  }
.Ltmp55:
0x3f1: {  	_ = 	snop;
	(pc) =	sbr.rel @!p1 .LBB2_89-.Ltmp55, $2  }
0x3f2: {  	_ =	sdelay $0x2  }
0x3f3: {  	s17 =	sadd.s32 $0x40, s17;
	s18 =	sadd.s32 $0x1, s18;
	s16 =	sadd.s32 $0x1, s16  }
.Ltmp56:
0x3f4: {  	(pc) =	sbr.rel .LBB2_91-.Ltmp56, $2  }
0x3f5: {  	_ =	sdelay $0x2  }
0x3f6: {  	s25 =	smov.u32 @p0 s25  }
.LBB2_87:
0x3f7: {  	s25 =	smov.u32 @p0 s25  }
.LBB2_91:
0x3f8: {  	p0 =	slt.u32 s14, $0x1E7D;
	s7 =	rddreg [dreg:$0xd]  }
0x3f9: {  	s7 =	sadd.s32 @p0 s15, s7  }
0x3fa: {  	s16 =	simm.s32 @p0 $0x400;
	s17 =	simm.s32 @p0 $0x7A1400;
	s18 =	simm.s32 @p0 $0x10200  }
0x3fb: {  	[tilespmem:s18], [sflag:$0x1] =	stream.strided.gather @p0 [hbm4b:s7+s16], $0x2000, s17, s16, $0x38;
	[tilespmem:$0x1EA00] =	vst v63  }
0x3fc: {  	s20 =	simm.s32 $0x2;
	s7 =	simm.s32 @!p0 $0x0;
	s16 =	simm.s32 @!p0 $0x10200  }
0x3fd: {  	[tilespmem:s16], [sflag:$0x1] =	stream.linear.gather @!p0 [hbm4b:s5+s7], $0x2000, $0x38;
	[tilespmem:$0x1EA00] =	vst v63  }
0x3fe: {  	_ =	swait.ge [sflag:s20], $0x2000  }
0x3ff: {  	[sflag:s20] =	ssyncset.done $0x0  }
0x400: {  	[sflag:s20] =	ssyncadd.s32 $0xFFFFE000  }
0x401: {  	v8 =	vld [tilespmem:s25+$0x4080];
	_ =	sdelay $0x4  }
0x402: {  	(v2sf) =	vpush v8, $0x0;
	_ =	sdelay $0xe  }
0x403: {  	s7 =	spop (v2sf)  }
0x404: {  	s16 =	sadd.s32 $0x1, s14;
	p0 =	sge.s32 s25, s26;
	s17 =	sshrl.u32 s7, $0x7  }
0x405: {  	p1 =	sne.s32 @!p0 s17, s16  }
0x406: {  	p1 =	por p0, p1  }
.Ltmp57:
0x407: {  	_ = 	snop;
	(pc) =	sbr.rel @p1 .LBB2_92-.Ltmp57, $1  }
0x408: {  	_ =	sdelay $0x3  }
0x409: {  	s18 =	sshll.u32 s25, $0x2  }
0x40a: {  	s17 =	sshll.u32 s16, $0x7;
	s20 =	sshra.s32 s18, $0x2  }
0x40b: {  	s19 =	sshll.u32 s25, $0x6;
	s18 =	sadd.s32 $0x4081, s20;
	s20 =	sadd.s32 $0x8100, s20  }
.LBB2_94:
0x40c: {  	v8 =	vld [tilespmem:s20+$0x0];
	_ =	sdelay $0x4  }
0x40d: {  	(v2sf) =	vpush v8, $0x0;
	_ =	sdelay $0xb  }
0x40e: {  	s7 =	ssub.s32 s7, s17  }
0x40f: {  	v8 =	vmov s7  }
0x410: {  	p0 =	slt.s32 s25, $0x20;
	v9 =	vadd.s32 v1, v8  }
0x411: {  	s8 =	simm.s32 @!p0 $0x8;
	s9 =	spop (v2sf)  }
0x412: {  	_ =	swait.ge @!p0 [sflag:s8], $0x40  }
0x413: {  	[sflag:s8] =	ssyncset.done @!p0 $0x0  }
0x414: {  	[sflag:s8] =	ssyncadd.s32 @!p0 $0xFFFFFFC0  }
0x415: {  	v9 =	vld.idx.msk [tilespmem:v9+s29+$0x0], $0xffff  }
0x416: {  	v10 =	vadd.s32 v5, v8;
	_ =	sdelay $0x2  }
0x417: {  	s8 =	sand.u32 $0x7C0, s19  }
0x418: {  	[tilespmem:s8+$0x1E200] =	vst v9  }
0x419: {  	v9 =	vld.idx.msk [tilespmem:v10+s29+$0x0], $0xffff  }
0x41a: {  	v63 =	vadd.s32 v6, v8;
	_ =	sdelay $0x3  }
0x41b: {  	[tilespmem:s8+$0x1E210] =	vst v9  }
0x41c: {  	v9 =	vld.idx.msk [tilespmem:v63+s29+$0x0], $0xffff  }
0x41d: {  	v8 =	vadd.s32 v7, v8;
	_ =	sdelay $0x3  }
0x41e: {  	[tilespmem:s8+$0x1E220] =	vst v9  }
0x41f: {  	v8 =	vld.idx.msk [tilespmem:v8+s29+$0x0], $0xffff;
	_ =	sdelay $0x2  }
0x420: {  	s7 =	sshll.u32 s9, $0x3  }
0x421: {  	s7 =	sand.u32 $0x1FFFFFF8, s7  }
0x422: {  	s7 =	sadd.s32 s3, s7;
	s9 =	sadd.s32 $0x1E200, s8;
	[tilespmem:s8+$0x1E230] =	vst v8  }
0x423: {  	[hbm4b:s7+s4] =	stream.linear.scatter [tilespmem:s9], [sflag:$0x8], $0x40, $0x38;
	[tilespmem:$0x1EA00] =	vst v63  }
0x424: {  	v8 =	vld [tilespmem:s18+$0x0];
	_ =	sdelay $0x4  }
0x425: {  	(v2sf) =	vpush v8, $0x0;
	_ =	sdelay $0xe  }
0x426: {  	s25 =	sadd.s32 $0x1, s25;
	s7 =	spop (v2sf)  }
0x427: {  	p0 =	sge.s32 s25, s26;
	s8 =	sshrl.u32 s7, $0x7  }
0x428: {  	p1 =	seq.s32 @!p0 s8, s16  }
0x429: {  	p1 =	por p0, !p1  }
.Ltmp58:
0x42a: {  	_ = 	snop;
	(pc) =	sbr.rel @!p1 .LBB2_94-.Ltmp58, $2  }
0x42b: {  	_ =	sdelay $0x2  }
0x42c: {  	s20 =	sadd.s32 $0x1, s20;
	s19 =	sadd.s32 $0x40, s19;
	s18 =	sadd.s32 $0x1, s18  }
.Ltmp59:
0x42d: {  	(pc) =	sbr.rel .LBB2_96-.Ltmp59, $2  }
0x42e: {  	_ =	sdelay $0x2  }
0x42f: {  	s25 =	smov.u32 @p0 s25  }
.LBB2_92:
0x430: {  	s25 =	smov.u32 @p0 s25  }
.LBB2_96:
0x431: {  	p0 =	slt.u32 s14, $0x1E7C;
	s7 =	rddreg [dreg:$0xe]  }
0x432: {  	s7 =	sadd.s32 @p0 s15, s7  }
0x433: {  	s8 =	simm.s32 @p0 $0x400;
	s9 =	simm.s32 @p0 $0x7A1400;
	s16 =	simm.s32 @p0 $0x12200  }
0x434: {  	[tilespmem:s16], [sflag:$0x2] =	stream.strided.gather @p0 [hbm4b:s7+s8], $0x2000, s9, s8, $0x38;
	[tilespmem:$0x1EA00] =	vst v63  }
0x435: {  	s20 =	simm.s32 $0x3;
	s7 =	simm.s32 @!p0 $0x0;
	s8 =	simm.s32 @!p0 $0x12200  }
0x436: {  	[tilespmem:s8], [sflag:$0x2] =	stream.linear.gather @!p0 [hbm4b:s5+s7], $0x2000, $0x38;
	[tilespmem:$0x1EA00] =	vst v63  }
0x437: {  	_ =	swait.ge [sflag:s20], $0x2000  }
0x438: {  	[sflag:s20] =	ssyncset.done $0x0  }
0x439: {  	[sflag:s20] =	ssyncadd.s32 $0xFFFFE000  }
0x43a: {  	v8 =	vld [tilespmem:s25+$0x4080];
	_ =	sdelay $0x4  }
0x43b: {  	(v2sf) =	vpush v8, $0x0;
	_ =	sdelay $0xe  }
0x43c: {  	s7 =	spop (v2sf)  }
0x43d: {  	s16 =	sadd.s32 $0x2, s14;
	p0 =	sge.s32 s25, s26;
	s8 =	sshrl.u32 s7, $0x7  }
0x43e: {  	p1 =	sne.s32 @!p0 s8, s16  }
0x43f: {  	p1 =	por p0, p1  }
.Ltmp60:
0x440: {  	_ = 	snop;
	(pc) =	sbr.rel @p1 .LBB2_97-.Ltmp60, $1  }
0x441: {  	_ =	sdelay $0x3  }
0x442: {  	s8 =	sshll.u32 s25, $0x2  }
0x443: {  	s17 =	sshll.u32 s16, $0x7;
	s8 =	sshra.s32 s8, $0x2  }
0x444: {  	s19 =	sshll.u32 s25, $0x6;
	s18 =	sadd.s32 $0x4081, s8;
	s20 =	sadd.s32 $0x8100, s8  }
.LBB2_99:
0x445: {  	v8 =	vld [tilespmem:s20+$0x0];
	_ =	sdelay $0x4  }
0x446: {  	(v2sf) =	vpush v8, $0x0;
	_ =	sdelay $0xb  }
0x447: {  	s7 =	ssub.s32 s7, s17  }
0x448: {  	v8 =	vmov s7  }
0x449: {  	p0 =	slt.s32 s25, $0x20;
	v9 =	vadd.s32 v1, v8  }
0x44a: {  	s8 =	simm.s32 @!p0 $0x8;
	s9 =	spop (v2sf)  }
0x44b: {  	_ =	swait.ge @!p0 [sflag:s8], $0x40  }
0x44c: {  	[sflag:s8] =	ssyncset.done @!p0 $0x0  }
0x44d: {  	[sflag:s8] =	ssyncadd.s32 @!p0 $0xFFFFFFC0  }
0x44e: {  	v9 =	vld.idx.msk [tilespmem:v9+s30+$0x0], $0xffff  }
0x44f: {  	v10 =	vadd.s32 v5, v8;
	_ =	sdelay $0x2  }
0x450: {  	s8 =	sand.u32 $0x7C0, s19  }
0x451: {  	[tilespmem:s8+$0x1E200] =	vst v9  }
0x452: {  	v9 =	vld.idx.msk [tilespmem:v10+s30+$0x0], $0xffff  }
0x453: {  	v63 =	vadd.s32 v6, v8;
	_ =	sdelay $0x3  }
0x454: {  	[tilespmem:s8+$0x1E210] =	vst v9  }
0x455: {  	v9 =	vld.idx.msk [tilespmem:v63+s30+$0x0], $0xffff  }
0x456: {  	v8 =	vadd.s32 v7, v8;
	_ =	sdelay $0x3  }
0x457: {  	[tilespmem:s8+$0x1E220] =	vst v9  }
0x458: {  	v8 =	vld.idx.msk [tilespmem:v8+s30+$0x0], $0xffff;
	_ =	sdelay $0x2  }
0x459: {  	s7 =	sshll.u32 s9, $0x3  }
0x45a: {  	s7 =	sand.u32 $0x1FFFFFF8, s7  }
0x45b: {  	s7 =	sadd.s32 s3, s7;
	s9 =	sadd.s32 $0x1E200, s8;
	[tilespmem:s8+$0x1E230] =	vst v8  }
0x45c: {  	[hbm4b:s7+s4] =	stream.linear.scatter [tilespmem:s9], [sflag:$0x8], $0x40, $0x38;
	[tilespmem:$0x1EA00] =	vst v63  }
0x45d: {  	v8 =	vld [tilespmem:s18+$0x0];
	_ =	sdelay $0x4  }
0x45e: {  	(v2sf) =	vpush v8, $0x0;
	_ =	sdelay $0xe  }
0x45f: {  	s25 =	sadd.s32 $0x1, s25;
	s7 =	spop (v2sf)  }
0x460: {  	p0 =	sge.s32 s25, s26;
	s8 =	sshrl.u32 s7, $0x7  }
0x461: {  	p1 =	seq.s32 @!p0 s8, s16  }
0x462: {  	p1 =	por p0, !p1  }
.Ltmp61:
0x463: {  	_ = 	snop;
	(pc) =	sbr.rel @!p1 .LBB2_99-.Ltmp61, $2  }
0x464: {  	_ =	sdelay $0x2  }
0x465: {  	s20 =	sadd.s32 $0x1, s20;
	s19 =	sadd.s32 $0x40, s19;
	s18 =	sadd.s32 $0x1, s18  }
.Ltmp62:
0x466: {  	(pc) =	sbr.rel .LBB2_101-.Ltmp62, $2  }
0x467: {  	_ =	sdelay $0x2  }
0x468: {  	s25 =	smov.u32 @p0 s25  }
.LBB2_97:
0x469: {  	s25 =	smov.u32 @p0 s25  }
.LBB2_101:
0x46a: {  	p0 =	slt.u32 s14, $0x1E7B;
	s7 =	rddreg [dreg:$0xf]  }
0x46b: {  	s7 =	sadd.s32 @p0 s15, s7  }
0x46c: {  	s8 =	simm.s32 @p0 $0x400;
	s9 =	simm.s32 @p0 $0x7A1400;
	s16 =	simm.s32 @p0 $0x14200  }
0x46d: {  	[tilespmem:s16], [sflag:$0x3] =	stream.strided.gather @p0 [hbm4b:s7+s8], $0x2000, s9, s8, $0x38;
	[tilespmem:$0x1EA00] =	vst v63  }
0x46e: {  	s7 =	simm.s32 @!p0 $0x0;
	s8 =	simm.s32 @!p0 $0x14200  }
0x46f: {  	[tilespmem:s8], [sflag:$0x3] =	stream.linear.gather @!p0 [hbm4b:s5+s7], $0x2000, $0x38;
	[tilespmem:$0x1EA00] =	vst v63  }
0x470: {  	_ =	swait.ge [sflag:s10], $0x2000  }
0x471: {  	[sflag:s10] =	ssyncset.done $0x0  }
0x472: {  	[sflag:s10] =	ssyncadd.s32 $0xFFFFE000  }
0x473: {  	v8 =	vld [tilespmem:s25+$0x4080];
	_ =	sdelay $0x4  }
0x474: {  	(v2sf) =	vpush v8, $0x0;
	_ =	sdelay $0xe  }
0x475: {  	s7 =	spop (v2sf)  }
0x476: {  	s16 =	sadd.s32 $0x3, s14;
	p0 =	sge.s32 s25, s26;
	s8 =	sshrl.u32 s7, $0x7  }
0x477: {  	p1 =	sne.s32 @!p0 s8, s16  }
0x478: {  	p1 =	por p0, p1  }
.Ltmp63:
0x479: {  	_ = 	snop;
	(pc) =	sbr.rel @p1 .LBB2_102-.Ltmp63, $1  }
0x47a: {  	_ =	sdelay $0x3  }
0x47b: {  	s8 =	sshll.u32 s25, $0x2  }
0x47c: {  	s17 =	sshll.u32 s16, $0x7;
	s8 =	sshra.s32 s8, $0x2  }
0x47d: {  	s19 =	sshll.u32 s25, $0x6;
	s18 =	sadd.s32 $0x4081, s8;
	s20 =	sadd.s32 $0x8100, s8  }
.LBB2_104:
0x47e: {  	v8 =	vld [tilespmem:s20+$0x0];
	_ =	sdelay $0x4  }
0x47f: {  	(v2sf) =	vpush v8, $0x0;
	_ =	sdelay $0xb  }
0x480: {  	s7 =	ssub.s32 s7, s17  }
0x481: {  	v8 =	vmov s7  }
0x482: {  	p0 =	slt.s32 s25, $0x20;
	v9 =	vadd.s32 v1, v8  }
0x483: {  	s8 =	simm.s32 @!p0 $0x8;
	s9 =	spop (v2sf)  }
0x484: {  	_ =	swait.ge @!p0 [sflag:s8], $0x40  }
0x485: {  	[sflag:s8] =	ssyncset.done @!p0 $0x0  }
0x486: {  	[sflag:s8] =	ssyncadd.s32 @!p0 $0xFFFFFFC0  }
0x487: {  	v9 =	vld.idx.msk [tilespmem:v9+s31+$0x0], $0xffff  }
0x488: {  	v10 =	vadd.s32 v5, v8;
	_ =	sdelay $0x2  }
0x489: {  	s8 =	sand.u32 $0x7C0, s19  }
0x48a: {  	[tilespmem:s8+$0x1E200] =	vst v9  }
0x48b: {  	v9 =	vld.idx.msk [tilespmem:v10+s31+$0x0], $0xffff  }
0x48c: {  	v63 =	vadd.s32 v6, v8;
	_ =	sdelay $0x3  }
0x48d: {  	[tilespmem:s8+$0x1E210] =	vst v9  }
0x48e: {  	v9 =	vld.idx.msk [tilespmem:v63+s31+$0x0], $0xffff  }
0x48f: {  	v8 =	vadd.s32 v7, v8;
	_ =	sdelay $0x3  }
0x490: {  	[tilespmem:s8+$0x1E220] =	vst v9  }
0x491: {  	v8 =	vld.idx.msk [tilespmem:v8+s31+$0x0], $0xffff;
	_ =	sdelay $0x2  }
0x492: {  	s7 =	sshll.u32 s9, $0x3  }
0x493: {  	s7 =	sand.u32 $0x1FFFFFF8, s7  }
0x494: {  	s7 =	sadd.s32 s3, s7;
	s9 =	sadd.s32 $0x1E200, s8;
	[tilespmem:s8+$0x1E230] =	vst v8  }
0x495: {  	[hbm4b:s7+s4] =	stream.linear.scatter [tilespmem:s9], [sflag:$0x8], $0x40, $0x38;
	[tilespmem:$0x1EA00] =	vst v63  }
0x496: {  	v8 =	vld [tilespmem:s18+$0x0];
	_ =	sdelay $0x4  }
0x497: {  	(v2sf) =	vpush v8, $0x0;
	_ =	sdelay $0xe  }
0x498: {  	s25 =	sadd.s32 $0x1, s25;
	s7 =	spop (v2sf)  }
0x499: {  	p0 =	sge.s32 s25, s26;
	s8 =	sshrl.u32 s7, $0x7  }
0x49a: {  	p1 =	seq.s32 @!p0 s8, s16  }
0x49b: {  	p1 =	por p0, !p1  }
.Ltmp64:
0x49c: {  	_ = 	snop;
	(pc) =	sbr.rel @!p1 .LBB2_104-.Ltmp64, $2  }
0x49d: {  	_ =	sdelay $0x2  }
0x49e: {  	s20 =	sadd.s32 $0x1, s20;
	s19 =	sadd.s32 $0x40, s19;
	s18 =	sadd.s32 $0x1, s18  }
.Ltmp65:
0x49f: {  	(pc) =	sbr.rel .LBB2_106-.Ltmp65, $2  }
0x4a0: {  	_ =	sdelay $0x2  }
0x4a1: {  	s25 =	smov.u32 @p0 s25  }
.LBB2_102:
0x4a2: {  	s25 =	smov.u32 @p0 s25  }
.LBB2_106:
0x4a3: {  	p0 =	slt.u32 s14, $0x1E7A;
	s7 =	rddreg [dreg:$0x10]  }
0x4a4: {  	s7 =	sadd.s32 @p0 s15, s7  }
0x4a5: {  	s8 =	simm.s32 @p0 $0x400;
	s9 =	simm.s32 @p0 $0x7A1400;
	s16 =	simm.s32 @p0 $0x16200  }
0x4a6: {  	[tilespmem:s16], [sflag:$0x4] =	stream.strided.gather @p0 [hbm4b:s7+s8], $0x2000, s9, s8, $0x38;
	[tilespmem:$0x1EA00] =	vst v63  }
0x4a7: {  	s7 =	simm.s32 @!p0 $0x0;
	s8 =	simm.s32 @!p0 $0x16200  }
0x4a8: {  	[tilespmem:s8], [sflag:$0x4] =	stream.linear.gather @!p0 [hbm4b:s5+s7], $0x2000, $0x38;
	[tilespmem:$0x1EA00] =	vst v63  }
0x4a9: {  	_ =	swait.ge [sflag:s11], $0x2000  }
0x4aa: {  	[sflag:s11] =	ssyncset.done $0x0  }
0x4ab: {  	[sflag:s11] =	ssyncadd.s32 $0xFFFFE000  }
0x4ac: {  	v8 =	vld [tilespmem:s25+$0x4080];
	_ =	sdelay $0x4  }
0x4ad: {  	(v2sf) =	vpush v8, $0x0;
	_ =	sdelay $0xe  }
0x4ae: {  	s7 =	spop (v2sf)  }
0x4af: {  	s16 =	sadd.s32 $0x4, s14;
	p0 =	sge.s32 s25, s26;
	s8 =	sshrl.u32 s7, $0x7  }
0x4b0: {  	p1 =	sne.s32 @!p0 s8, s16  }
0x4b1: {  	p1 =	por p0, p1  }
.Ltmp66:
0x4b2: {  	_ = 	snop;
	(pc) =	sbr.rel @p1 .LBB2_107-.Ltmp66, $1  }
0x4b3: {  	_ =	sdelay $0x3  }
0x4b4: {  	s8 =	sshll.u32 s25, $0x2  }
0x4b5: {  	s17 =	sshll.u32 s16, $0x7;
	s8 =	sshra.s32 s8, $0x2  }
0x4b6: {  	s19 =	sshll.u32 s25, $0x6;
	s18 =	sadd.s32 $0x4081, s8;
	s20 =	sadd.s32 $0x8100, s8  }
.LBB2_109:
0x4b7: {  	v8 =	vld [tilespmem:s20+$0x0];
	_ =	sdelay $0x4  }
0x4b8: {  	(v2sf) =	vpush v8, $0x0;
	_ =	sdelay $0xb  }
0x4b9: {  	s7 =	ssub.s32 s7, s17  }
0x4ba: {  	v8 =	vmov s7  }
0x4bb: {  	p0 =	slt.s32 s25, $0x20;
	v9 =	vadd.s32 v1, v8  }
0x4bc: {  	s8 =	simm.s32 @!p0 $0x8;
	s9 =	spop (v2sf)  }
0x4bd: {  	_ =	swait.ge @!p0 [sflag:s8], $0x40  }
0x4be: {  	[sflag:s8] =	ssyncset.done @!p0 $0x0  }
0x4bf: {  	[sflag:s8] =	ssyncadd.s32 @!p0 $0xFFFFFFC0  }
0x4c0: {  	v9 =	vld.idx.msk [tilespmem:v9+s0+$0x0], $0xffff  }
0x4c1: {  	v10 =	vadd.s32 v5, v8;
	_ =	sdelay $0x2  }
0x4c2: {  	s8 =	sand.u32 $0x7C0, s19  }
0x4c3: {  	[tilespmem:s8+$0x1E200] =	vst v9  }
0x4c4: {  	v9 =	vld.idx.msk [tilespmem:v10+s0+$0x0], $0xffff  }
0x4c5: {  	v63 =	vadd.s32 v6, v8;
	_ =	sdelay $0x3  }
0x4c6: {  	[tilespmem:s8+$0x1E210] =	vst v9  }
0x4c7: {  	v9 =	vld.idx.msk [tilespmem:v63+s0+$0x0], $0xffff  }
0x4c8: {  	v8 =	vadd.s32 v7, v8;
	_ =	sdelay $0x3  }
0x4c9: {  	[tilespmem:s8+$0x1E220] =	vst v9  }
0x4ca: {  	v8 =	vld.idx.msk [tilespmem:v8+s0+$0x0], $0xffff;
	_ =	sdelay $0x2  }
0x4cb: {  	s7 =	sshll.u32 s9, $0x3  }
0x4cc: {  	s7 =	sand.u32 $0x1FFFFFF8, s7  }
0x4cd: {  	s7 =	sadd.s32 s3, s7;
	s9 =	sadd.s32 $0x1E200, s8;
	[tilespmem:s8+$0x1E230] =	vst v8  }
0x4ce: {  	[hbm4b:s7+s4] =	stream.linear.scatter [tilespmem:s9], [sflag:$0x8], $0x40, $0x38;
	[tilespmem:$0x1EA00] =	vst v63  }
0x4cf: {  	v8 =	vld [tilespmem:s18+$0x0];
	_ =	sdelay $0x4  }
0x4d0: {  	(v2sf) =	vpush v8, $0x0;
	_ =	sdelay $0xe  }
0x4d1: {  	s25 =	sadd.s32 $0x1, s25;
	s7 =	spop (v2sf)  }
0x4d2: {  	p0 =	sge.s32 s25, s26;
	s8 =	sshrl.u32 s7, $0x7  }
0x4d3: {  	p1 =	seq.s32 @!p0 s8, s16  }
0x4d4: {  	p1 =	por p0, !p1  }
.Ltmp67:
0x4d5: {  	_ = 	snop;
	(pc) =	sbr.rel @!p1 .LBB2_109-.Ltmp67, $2  }
0x4d6: {  	_ =	sdelay $0x2  }
0x4d7: {  	s20 =	sadd.s32 $0x1, s20;
	s19 =	sadd.s32 $0x40, s19;
	s18 =	sadd.s32 $0x1, s18  }
.Ltmp68:
0x4d8: {  	(pc) =	sbr.rel .LBB2_111-.Ltmp68, $2  }
0x4d9: {  	_ =	sdelay $0x2  }
0x4da: {  	s25 =	smov.u32 @p0 s25  }
.LBB2_107:
0x4db: {  	s25 =	smov.u32 @p0 s25  }
.LBB2_111:
0x4dc: {  	p0 =	slt.u32 s14, $0x1E79;
	s7 =	rddreg [dreg:$0x11]  }
0x4dd: {  	s7 =	sadd.s32 @p0 s15, s7  }
0x4de: {  	s8 =	simm.s32 @p0 $0x400;
	s9 =	simm.s32 @p0 $0x7A1400;
	s16 =	simm.s32 @p0 $0x18200  }
0x4df: {  	[tilespmem:s16], [sflag:$0x5] =	stream.strided.gather @p0 [hbm4b:s7+s8], $0x2000, s9, s8, $0x38;
	[tilespmem:$0x1EA00] =	vst v63  }
0x4e0: {  	s7 =	simm.s32 @!p0 $0x0;
	s8 =	simm.s32 @!p0 $0x18200  }
0x4e1: {  	[tilespmem:s8], [sflag:$0x5] =	stream.linear.gather @!p0 [hbm4b:s5+s7], $0x2000, $0x38;
	[tilespmem:$0x1EA00] =	vst v63  }
0x4e2: {  	_ =	swait.ge [sflag:s12], $0x2000  }
0x4e3: {  	[sflag:s12] =	ssyncset.done $0x0  }
0x4e4: {  	[sflag:s12] =	ssyncadd.s32 $0xFFFFE000  }
0x4e5: {  	v8 =	vld [tilespmem:s25+$0x4080];
	_ =	sdelay $0x4  }
0x4e6: {  	(v2sf) =	vpush v8, $0x0;
	_ =	sdelay $0xe  }
0x4e7: {  	s7 =	spop (v2sf)  }
0x4e8: {  	s16 =	sadd.s32 $0x5, s14;
	p0 =	sge.s32 s25, s26;
	s8 =	sshrl.u32 s7, $0x7  }
0x4e9: {  	p1 =	sne.s32 @!p0 s8, s16  }
0x4ea: {  	p1 =	por p0, p1  }
.Ltmp69:
0x4eb: {  	_ = 	snop;
	(pc) =	sbr.rel @p1 .LBB2_112-.Ltmp69, $1  }
0x4ec: {  	_ =	sdelay $0x3  }
0x4ed: {  	s8 =	sshll.u32 s25, $0x2  }
0x4ee: {  	s17 =	sshll.u32 s16, $0x7;
	s8 =	sshra.s32 s8, $0x2  }
0x4ef: {  	s19 =	sshll.u32 s25, $0x6;
	s18 =	sadd.s32 $0x4081, s8;
	s20 =	sadd.s32 $0x8100, s8  }
.LBB2_114:
0x4f0: {  	v8 =	vld [tilespmem:s20+$0x0];
	_ =	sdelay $0x4  }
0x4f1: {  	(v2sf) =	vpush v8, $0x0;
	_ =	sdelay $0xb  }
0x4f2: {  	s7 =	ssub.s32 s7, s17  }
0x4f3: {  	v8 =	vmov s7  }
0x4f4: {  	p0 =	slt.s32 s25, $0x20;
	v9 =	vadd.s32 v1, v8  }
0x4f5: {  	s8 =	simm.s32 @!p0 $0x8;
	s9 =	spop (v2sf)  }
0x4f6: {  	_ =	swait.ge @!p0 [sflag:s8], $0x40  }
0x4f7: {  	[sflag:s8] =	ssyncset.done @!p0 $0x0  }
0x4f8: {  	[sflag:s8] =	ssyncadd.s32 @!p0 $0xFFFFFFC0  }
0x4f9: {  	v9 =	vld.idx.msk [tilespmem:v9+s2+$0x0], $0xffff  }
0x4fa: {  	v10 =	vadd.s32 v5, v8;
	_ =	sdelay $0x2  }
0x4fb: {  	s8 =	sand.u32 $0x7C0, s19  }
0x4fc: {  	[tilespmem:s8+$0x1E200] =	vst v9  }
0x4fd: {  	v9 =	vld.idx.msk [tilespmem:v10+s2+$0x0], $0xffff  }
0x4fe: {  	v63 =	vadd.s32 v6, v8;
	_ =	sdelay $0x3  }
0x4ff: {  	[tilespmem:s8+$0x1E210] =	vst v9  }
0x500: {  	v9 =	vld.idx.msk [tilespmem:v63+s2+$0x0], $0xffff  }
0x501: {  	v8 =	vadd.s32 v7, v8;
	_ =	sdelay $0x3  }
0x502: {  	[tilespmem:s8+$0x1E220] =	vst v9  }
0x503: {  	v8 =	vld.idx.msk [tilespmem:v8+s2+$0x0], $0xffff;
	_ =	sdelay $0x2  }
0x504: {  	s7 =	sshll.u32 s9, $0x3  }
0x505: {  	s7 =	sand.u32 $0x1FFFFFF8, s7  }
0x506: {  	s7 =	sadd.s32 s3, s7;
	s9 =	sadd.s32 $0x1E200, s8;
	[tilespmem:s8+$0x1E230] =	vst v8  }
0x507: {  	[hbm4b:s7+s4] =	stream.linear.scatter [tilespmem:s9], [sflag:$0x8], $0x40, $0x38;
	[tilespmem:$0x1EA00] =	vst v63  }
0x508: {  	v8 =	vld [tilespmem:s18+$0x0];
	_ =	sdelay $0x4  }
0x509: {  	(v2sf) =	vpush v8, $0x0;
	_ =	sdelay $0xe  }
0x50a: {  	s25 =	sadd.s32 $0x1, s25;
	s7 =	spop (v2sf)  }
0x50b: {  	p0 =	sge.s32 s25, s26;
	s8 =	sshrl.u32 s7, $0x7  }
0x50c: {  	p1 =	seq.s32 @!p0 s8, s16  }
0x50d: {  	p1 =	por p0, !p1  }
.Ltmp70:
0x50e: {  	_ = 	snop;
	(pc) =	sbr.rel @!p1 .LBB2_114-.Ltmp70, $2  }
0x50f: {  	_ =	sdelay $0x2  }
0x510: {  	s20 =	sadd.s32 $0x1, s20;
	s19 =	sadd.s32 $0x40, s19;
	s18 =	sadd.s32 $0x1, s18  }
.Ltmp71:
0x511: {  	(pc) =	sbr.rel .LBB2_116-.Ltmp71, $2  }
0x512: {  	_ =	sdelay $0x2  }
0x513: {  	s25 =	smov.u32 @p0 s25  }
.LBB2_112:
0x514: {  	s25 =	smov.u32 @p0 s25  }
.LBB2_116:
0x515: {  	p0 =	slt.u32 s14, $0x1E78;
	s7 =	rddreg [dreg:$0x12]  }
0x516: {  	s7 =	sadd.s32 @p0 s15, s7  }
0x517: {  	s8 =	simm.s32 @p0 $0x400;
	s9 =	simm.s32 @p0 $0x7A1400;
	s16 =	simm.s32 @p0 $0x1A200  }
0x518: {  	[tilespmem:s16], [sflag:$0x6] =	stream.strided.gather @p0 [hbm4b:s7+s8], $0x2000, s9, s8, $0x38;
	[tilespmem:$0x1EA00] =	vst v63  }
0x519: {  	s7 =	simm.s32 @!p0 $0x0;
	s8 =	simm.s32 @!p0 $0x1A200  }
0x51a: {  	[tilespmem:s8], [sflag:$0x6] =	stream.linear.gather @!p0 [hbm4b:s5+s7], $0x2000, $0x38;
	[tilespmem:$0x1EA00] =	vst v63  }
0x51b: {  	_ =	swait.ge [sflag:s13], $0x2000  }
0x51c: {  	[sflag:s13] =	ssyncset.done $0x0  }
0x51d: {  	[sflag:s13] =	ssyncadd.s32 $0xFFFFE000  }
0x51e: {  	v8 =	vld [tilespmem:s25+$0x4080];
	_ =	sdelay $0x4  }
0x51f: {  	(v2sf) =	vpush v8, $0x0;
	_ =	sdelay $0xe  }
0x520: {  	s7 =	spop (v2sf)  }
0x521: {  	s16 =	sadd.s32 $0x6, s14;
	p0 =	sge.s32 s25, s26;
	s8 =	sshrl.u32 s7, $0x7  }
0x522: {  	p1 =	sne.s32 @!p0 s8, s16  }
0x523: {  	p1 =	por p0, p1  }
.Ltmp72:
0x524: {  	_ = 	snop;
	(pc) =	sbr.rel @p1 .LBB2_117-.Ltmp72, $1  }
0x525: {  	_ =	sdelay $0x3  }
0x526: {  	s8 =	sshll.u32 s25, $0x2  }
0x527: {  	s17 =	sshll.u32 s16, $0x7;
	s8 =	sshra.s32 s8, $0x2  }
0x528: {  	s19 =	sshll.u32 s25, $0x6;
	s18 =	sadd.s32 $0x4081, s8;
	s20 =	sadd.s32 $0x8100, s8  }
.LBB2_119:
0x529: {  	v8 =	vld [tilespmem:s20+$0x0];
	_ =	sdelay $0x4  }
0x52a: {  	(v2sf) =	vpush v8, $0x0;
	_ =	sdelay $0xb  }
0x52b: {  	s7 =	ssub.s32 s7, s17  }
0x52c: {  	v8 =	vmov s7  }
0x52d: {  	p0 =	slt.s32 s25, $0x20;
	v9 =	vadd.s32 v1, v8  }
0x52e: {  	s8 =	simm.s32 @!p0 $0x8;
	s9 =	spop (v2sf)  }
0x52f: {  	_ =	swait.ge @!p0 [sflag:s8], $0x40  }
0x530: {  	[sflag:s8] =	ssyncset.done @!p0 $0x0  }
0x531: {  	[sflag:s8] =	ssyncadd.s32 @!p0 $0xFFFFFFC0  }
0x532: {  	v9 =	vld.idx.msk [tilespmem:v9+s1+$0x0], $0xffff  }
0x533: {  	v10 =	vadd.s32 v5, v8;
	_ =	sdelay $0x2  }
0x534: {  	s8 =	sand.u32 $0x7C0, s19  }
0x535: {  	[tilespmem:s8+$0x1E200] =	vst v9  }
0x536: {  	v9 =	vld.idx.msk [tilespmem:v10+s1+$0x0], $0xffff  }
0x537: {  	v63 =	vadd.s32 v6, v8;
	_ =	sdelay $0x3  }
0x538: {  	[tilespmem:s8+$0x1E210] =	vst v9  }
0x539: {  	v9 =	vld.idx.msk [tilespmem:v63+s1+$0x0], $0xffff  }
0x53a: {  	v8 =	vadd.s32 v7, v8;
	_ =	sdelay $0x3  }
0x53b: {  	[tilespmem:s8+$0x1E220] =	vst v9  }
0x53c: {  	v8 =	vld.idx.msk [tilespmem:v8+s1+$0x0], $0xffff;
	_ =	sdelay $0x2  }
0x53d: {  	s7 =	sshll.u32 s9, $0x3  }
0x53e: {  	s7 =	sand.u32 $0x1FFFFFF8, s7  }
0x53f: {  	s7 =	sadd.s32 s3, s7;
	s9 =	sadd.s32 $0x1E200, s8;
	[tilespmem:s8+$0x1E230] =	vst v8  }
0x540: {  	[hbm4b:s7+s4] =	stream.linear.scatter [tilespmem:s9], [sflag:$0x8], $0x40, $0x38;
	[tilespmem:$0x1EA00] =	vst v63  }
0x541: {  	v8 =	vld [tilespmem:s18+$0x0];
	_ =	sdelay $0x4  }
0x542: {  	(v2sf) =	vpush v8, $0x0;
	_ =	sdelay $0xe  }
0x543: {  	s25 =	sadd.s32 $0x1, s25;
	s7 =	spop (v2sf)  }
0x544: {  	p0 =	sge.s32 s25, s26;
	s8 =	sshrl.u32 s7, $0x7  }
0x545: {  	p1 =	seq.s32 @!p0 s8, s16  }
0x546: {  	p1 =	por p0, !p1  }
.Ltmp73:
0x547: {  	_ = 	snop;
	(pc) =	sbr.rel @!p1 .LBB2_119-.Ltmp73, $2  }
0x548: {  	_ =	sdelay $0x2  }
0x549: {  	s20 =	sadd.s32 $0x1, s20;
	s19 =	sadd.s32 $0x40, s19;
	s18 =	sadd.s32 $0x1, s18  }
.Ltmp74:
0x54a: {  	(pc) =	sbr.rel .LBB2_121-.Ltmp74, $2  }
0x54b: {  	_ =	sdelay $0x2  }
0x54c: {  	s25 =	smov.u32 @p0 s25  }
.LBB2_122:
0x54d: {  	s6 =	simm.s32 $0x1  }
0x54e: {  	_ =	swait.ge [sflag:s6], $0x2000  }
0x54f: {  	[sflag:s6] =	ssyncset.done $0x0  }
0x550: {  	s20 =	simm.s32 $0x2;
	[sflag:s6] =	ssyncadd.s32 $0xFFFFE000  }
0x551: {  	_ =	swait.ge [sflag:s20], $0x2000  }
0x552: {  	[sflag:s20] =	ssyncset.done $0x0  }
0x553: {  	s26 =	simm.s32 $0x3;
	[sflag:s20] =	ssyncadd.s32 $0xFFFFE000  }
0x554: {  	_ =	swait.ge [sflag:s26], $0x2000  }
0x555: {  	[sflag:s26] =	ssyncset.done $0x0  }
0x556: {  	[sflag:s26] =	ssyncadd.s32 $0xFFFFE000  }
0x557: {  	_ =	swait.ge [sflag:s10], $0x2000  }
0x558: {  	[sflag:s10] =	ssyncset.done $0x0  }
0x559: {  	[sflag:s10] =	ssyncadd.s32 $0xFFFFE000  }
0x55a: {  	_ =	swait.ge [sflag:s11], $0x2000  }
0x55b: {  	[sflag:s11] =	ssyncset.done $0x0  }
0x55c: {  	[sflag:s11] =	ssyncadd.s32 $0xFFFFE000  }
0x55d: {  	p0 =	slt.s32 s25, $0x1;
	_ =	swait.ge [sflag:s12], $0x2000  }
.Ltmp75:
0x55e: {  	[sflag:s12] =	ssyncset.done $0x0;
	(pc) =	sbr.rel @p0 .LBB2_126-.Ltmp75, $4  }
0x55f: {  	[sflag:s12] =	ssyncadd.s32 $0xFFFFE000  }
0x560: {  	_ =	swait.ge [sflag:s13], $0x2000  }
0x561: {  	[sflag:s13] =	ssyncset.done $0x0  }
0x562: {  	s7 =	rddreg [dreg:$0x15];
	[sflag:s13] =	ssyncadd.s32 $0xFFFFE000  }
0x563: {  	p0 =	slt.s32 s25, $0x20  }
0x564: {  	s25 =	simm.s32 @!p0 $0x20  }
0x565: {  	p0 =	sne.s32 s25, $0x1  }
.Ltmp76:
0x566: {  	_ = 	snop;
	(pc) =	sbr.rel @!p0 .LBB2_125-.Ltmp76, $3  }
0x567: {  	_ =	sdelay $0x1  }
0x568: {  	_ =	swait.ge [sflag:s21], $0x40  }
0x569: {  	[sflag:s21] =	ssyncset.done $0x0;
	s6 =	sadd.s32 $0xFFFFFFFF, s25  }
.LBB2_124:
0x56a: {  	p0 =	sne.s32 s6, $0x1;
	s6 =	sadd.s32 $0xFFFFFFFF, s6;
	[sflag:s21] =	ssyncadd.s32 $0xFFFFFFC0  }
.Ltmp77:
0x56b: {  	(pc) =	sbr.rel @p0 .LBB2_124-.Ltmp77, $3  }
0x56c: {  	_ =	sdelay $0x1  }
0x56d: {  	_ =	swait.ge [sflag:s21], $0x40  }
0x56e: {  	[sflag:s21] =	ssyncset.done $0x0  }
.Ltmp78:
0x56f: {  	_ = 	snop;
	(pc) =	sbr.rel .LBB2_125-.Ltmp78, $1  }
0x570: {  	_ =	sdelay $0x3  }
.LBB2_5:
.Ltmp79:
0x571: {  	(pc) =	sbr.rel .LBB2_9-.Ltmp79, $2  }
0x572: {  	_ =	sdelay $0x2  }
0x573: {  	v12 =	vmov v9;
	s25 =	simm.s32 $0x0;
	s14 =	simm.s32 $0x8100;
	p2 =	por $0x0, $0x0  }
.LBB2_10:
.Ltmp80:
0x574: {  	(pc) =	sbr.rel .LBB2_14-.Ltmp80, $2  }
0x575: {  	_ =	sdelay $0x2  }
0x576: {  	s17 =	smov.u32 s14;
	s25 =	simm.s32 $0x8100  }
.LBB2_15:
.Ltmp81:
0x577: {  	(pc) =	sbr.rel .LBB2_19-.Ltmp81, $2  }
0x578: {  	_ =	sdelay $0x2  }
0x579: {  	v12 =	vmov v9;
	s25 =	simm.s32 $0x0;
	s15 =	simm.s32 $0xC180;
	p2 =	por $0x0, $0x0  }
.LBB2_20:
.Ltmp82:
0x57a: {  	(pc) =	sbr.rel .LBB2_24-.Ltmp82, $2  }
0x57b: {  	_ =	sdelay $0x2  }
0x57c: {  	s14 =	smov.u32 s16;
	s15 =	simm.s32 $0xC180  }
.LBB2_25:
.Ltmp83:
0x57d: {  	(pc) =	sbr.rel .LBB2_29-.Ltmp83, $2  }
0x57e: {  	_ =	sdelay $0x2  }
0x57f: {  	v12 =	vmov v9;
	s16 =	simm.s32 $0x0;
	s14 =	simm.s32 $0x8100;
	p2 =	por $0x0, $0x0  }
.LBB2_30:
.Ltmp84:
0x580: {  	(pc) =	sbr.rel .LBB2_34-.Ltmp84, $2  }
0x581: {  	_ =	sdelay $0x2  }
0x582: {  	s17 =	smov.u32 s14;
	s25 =	simm.s32 $0x8100  }
.LBB2_35:
.Ltmp85:
0x583: {  	(pc) =	sbr.rel .LBB2_39-.Ltmp85, $2  }
0x584: {  	_ =	sdelay $0x2  }
0x585: {  	v12 =	vmov v9;
	s25 =	simm.s32 $0x0;
	s15 =	simm.s32 $0xC180;
	p2 =	por $0x0, $0x0  }
.LBB2_40:
.Ltmp86:
0x586: {  	(pc) =	sbr.rel .LBB2_44-.Ltmp86, $2  }
0x587: {  	_ =	sdelay $0x2  }
0x588: {  	s16 =	smov.u32 s14;
	s15 =	simm.s32 $0xC180  }
.LBB2_45:
.Ltmp87:
0x589: {  	(pc) =	sbr.rel .LBB2_49-.Ltmp87, $2  }
0x58a: {  	_ =	sdelay $0x2  }
0x58b: {  	v12 =	vmov v9;
	s16 =	simm.s32 $0x0;
	s14 =	simm.s32 $0x8100;
	p2 =	por $0x0, $0x0  }
.LBB2_50:
.Ltmp88:
0x58c: {  	(pc) =	sbr.rel .LBB2_54-.Ltmp88, $2  }
0x58d: {  	_ =	sdelay $0x2  }
0x58e: {  	s17 =	smov.u32 s14;
	s25 =	simm.s32 $0x8100  }
.LBB2_55:
.Ltmp89:
0x58f: {  	(pc) =	sbr.rel .LBB2_59-.Ltmp89, $2  }
0x590: {  	_ =	sdelay $0x2  }
0x591: {  	v12 =	vmov v9;
	s25 =	simm.s32 $0x0;
	s15 =	simm.s32 $0xC180;
	p2 =	por $0x0, $0x0  }
.LBB2_60:
.Ltmp90:
0x592: {  	(pc) =	sbr.rel .LBB2_64-.Ltmp90, $2  }
0x593: {  	_ =	sdelay $0x2  }
0x594: {  	s16 =	smov.u32 s14;
	s15 =	simm.s32 $0xC180  }
.LBB2_65:
.Ltmp91:
0x595: {  	(pc) =	sbr.rel .LBB2_69-.Ltmp91, $2  }
0x596: {  	_ =	sdelay $0x2  }
0x597: {  	v12 =	vmov v9;
	s16 =	simm.s32 $0x0;
	s14 =	simm.s32 $0x8100;
	p2 =	por $0x0, $0x0  }
.LBB2_70:
.Ltmp92:
0x598: {  	(pc) =	sbr.rel .LBB2_74-.Ltmp92, $2  }
0x599: {  	_ =	sdelay $0x2  }
0x59a: {  	s17 =	smov.u32 s14;
	s25 =	simm.s32 $0x8100  }
.LBB2_75:
.Ltmp93:
0x59b: {  	(pc) =	sbr.rel .LBB2_79-.Ltmp93, $2  }
0x59c: {  	_ =	sdelay $0x2  }
0x59d: {  	v12 =	vmov v9;
	s25 =	simm.s32 $0x0;
	s15 =	simm.s32 $0xC180;
	p2 =	por $0x0, $0x0  }
.LBB2_80:
.Ltmp94:
0x59e: {  	(pc) =	sbr.rel .LBB2_84-.Ltmp94, $2  }
0x59f: {  	_ =	sdelay $0x2  }
0x5a0: {  	s25 =	smov.u32 s14;
	s15 =	simm.s32 $0xC180  }
.LBB2_7:
.Ltmp95:
0x5a1: {  	(pc) =	sbr.rel .LBB2_9-.Ltmp95, $2  }
0x5a2: {  	_ =	sdelay $0x2  }
0x5a3: {  	s25 =	simm.s32 $0x0;
	s14 =	simm.s32 $0x8100  }
.LBB2_12:
.Ltmp96:
0x5a4: {  	(pc) =	sbr.rel .LBB2_14-.Ltmp96, $2  }
0x5a5: {  	_ =	sdelay $0x2  }
0x5a6: {  	s17 =	smov.u32 s14;
	s25 =	simm.s32 $0x8100  }
.LBB2_17:
.Ltmp97:
0x5a7: {  	(pc) =	sbr.rel .LBB2_19-.Ltmp97, $2  }
0x5a8: {  	_ =	sdelay $0x2  }
0x5a9: {  	s25 =	simm.s32 $0x0;
	s15 =	simm.s32 $0xC180  }
.LBB2_22:
.Ltmp98:
0x5aa: {  	(pc) =	sbr.rel .LBB2_24-.Ltmp98, $2  }
0x5ab: {  	_ =	sdelay $0x2  }
0x5ac: {  	s14 =	smov.u32 s16;
	s15 =	simm.s32 $0xC180  }
.LBB2_27:
.Ltmp99:
0x5ad: {  	(pc) =	sbr.rel .LBB2_29-.Ltmp99, $2  }
0x5ae: {  	_ =	sdelay $0x2  }
0x5af: {  	s16 =	simm.s32 $0x0;
	s14 =	simm.s32 $0x8100  }
.LBB2_32:
.Ltmp100:
0x5b0: {  	(pc) =	sbr.rel .LBB2_34-.Ltmp100, $2  }
0x5b1: {  	_ =	sdelay $0x2  }
0x5b2: {  	s17 =	smov.u32 s14;
	s25 =	simm.s32 $0x8100  }
.LBB2_37:
.Ltmp101:
0x5b3: {  	(pc) =	sbr.rel .LBB2_39-.Ltmp101, $2  }
0x5b4: {  	_ =	sdelay $0x2  }
0x5b5: {  	s25 =	simm.s32 $0x0;
	s15 =	simm.s32 $0xC180  }
.LBB2_42:
.Ltmp102:
0x5b6: {  	(pc) =	sbr.rel .LBB2_44-.Ltmp102, $2  }
0x5b7: {  	_ =	sdelay $0x2  }
0x5b8: {  	s16 =	smov.u32 s14;
	s15 =	simm.s32 $0xC180  }
.LBB2_47:
.Ltmp103:
0x5b9: {  	(pc) =	sbr.rel .LBB2_49-.Ltmp103, $2  }
0x5ba: {  	_ =	sdelay $0x2  }
0x5bb: {  	s16 =	simm.s32 $0x0;
	s14 =	simm.s32 $0x8100  }
.LBB2_52:
.Ltmp104:
0x5bc: {  	(pc) =	sbr.rel .LBB2_54-.Ltmp104, $2  }
0x5bd: {  	_ =	sdelay $0x2  }
0x5be: {  	s17 =	smov.u32 s14;
	s25 =	simm.s32 $0x8100  }
.LBB2_57:
.Ltmp105:
0x5bf: {  	(pc) =	sbr.rel .LBB2_59-.Ltmp105, $2  }
0x5c0: {  	_ =	sdelay $0x2  }
0x5c1: {  	s25 =	simm.s32 $0x0;
	s15 =	simm.s32 $0xC180  }
.LBB2_62:
.Ltmp106:
0x5c2: {  	(pc) =	sbr.rel .LBB2_64-.Ltmp106, $2  }
0x5c3: {  	_ =	sdelay $0x2  }
0x5c4: {  	s16 =	smov.u32 s14;
	s15 =	simm.s32 $0xC180  }
.LBB2_67:
.Ltmp107:
0x5c5: {  	(pc) =	sbr.rel .LBB2_69-.Ltmp107, $2  }
0x5c6: {  	_ =	sdelay $0x2  }
0x5c7: {  	s16 =	simm.s32 $0x0;
	s14 =	simm.s32 $0x8100  }
.LBB2_72:
.Ltmp108:
0x5c8: {  	(pc) =	sbr.rel .LBB2_74-.Ltmp108, $2  }
0x5c9: {  	_ =	sdelay $0x2  }
0x5ca: {  	s17 =	smov.u32 s14;
	s25 =	simm.s32 $0x8100  }
.LBB2_77:
.Ltmp109:
0x5cb: {  	(pc) =	sbr.rel .LBB2_79-.Ltmp109, $2  }
0x5cc: {  	_ =	sdelay $0x2  }
0x5cd: {  	s25 =	simm.s32 $0x0;
	s15 =	simm.s32 $0xC180  }
.LBB2_82:
.Ltmp110:
0x5ce: {  	(pc) =	sbr.rel .LBB2_84-.Ltmp110, $2  }
0x5cf: {  	_ =	sdelay $0x2  }
0x5d0: {  	s25 =	smov.u32 s14;
	s15 =	simm.s32 $0xC180  }
.LBB2_127:
0x5d1: {  	_ =	sfence.sel $0x180000  }
0x5d2: {  	[bflag:$0x0] =	sbarrier.arrive $0xFFFF  }
0x5d3: {  	_ =	strace $0x90000047  }
0x5d4: {  	s0 =	stileid.u32;
	[bflag:$0x2] =	sbarrier.arrive $0xFFFF  }
0x5d5: {  	p0 =	sne.s32 s0, $0x0;
	s0 =	rddreg [dreg:$0x4]  }
0x5d6: {  	s0 =	sadd.s32 @!p0 $0x100000, s0  }
0x5d7: {  	[sflag:s0] =	ssyncadd.tile.s32 @!p0 $0x1;
	_ =	shalt  }
.Lfunc_end2:
_tile_overlayer_lowered:
.L_overlay_start_2:
0x5d8: {  	(tag) =	ssettag $0x2  }
0x5d9: {  	s0 =	rddreg [dreg:$0x0];
	s2 =	stileid.u32  }
0x5da: {  	s1 =	rddreg [dreg:$0x1];
	p0 =	sne.s32 s2, $0x0  }
0x5db: {  	s3 =	rddreg [dreg:$0x2];
	[bflag:$0x3] =	sbarrier.arrive $0xFFFF;
	s2 =	simm.s32 @!p0 $0x1C09  }
0x5dc: {  	[timem:s3], [sflag:s2] =	dma.local @!p0 [hbm:s0], s1  }
0x5dd: {  	s0 =	simm.s32 @!p0 $0x9  }
0x5de: {  	_ =	swait.ge @!p0 [sflag:s0], s1  }
0x5df: {  	s1 =	ssub.s32 @!p0 $0x0, s1;
	[sflag:s0] =	ssyncset.done @!p0 $0x0  }
0x5e0: {  	[sflag:s0] =	ssyncadd.s32 @!p0 s1  }
0x5e1: {  	[bflag:$0x3] =	sbarrier.arrive $0xFFFF  }
0x5e2: {  	_ =	shalt  }

</sc_bundles>
